<compile_context>
chip_gen: v7x
topology: tpu7x:2x2x1
jax: 0.10.2.dev20260603
libtpu: 0.0.44.dev20260713+nightly
codegen_flags: <defaults>
</compile_context>

<pallas_src>
import functools

import jax
import jax.numpy as jnp
from jax import lax
from jax.experimental import pallas as pl
from jax.experimental.pallas import tpu as pltpu
from jax.experimental.pallas import tpu_sc as plsc

_NC = 2
_NS = 16
_L = 16
_C = 80
_BLK = 1000


def _sc_deg_body(col_hbm, ew_hbm, z_hbm, out_hbm, col_v, ew_v, acc_sh, sem):
    cid = lax.axis_index("c")
    sid = lax.axis_index("s")
    wid = cid * _NS + sid
    nch = col_v.shape[0]
    n = acc_sh.shape[0]

    pltpu.sync_copy(col_hbm.at[wid], col_v)
    pltpu.sync_copy(ew_hbm.at[wid], ew_v)

    @pl.when(sid == 0)
    def _():
        pltpu.sync_copy(z_hbm, acc_sh)
    plsc.subcore_barrier()

    def _fire(i, _):
        pltpu.async_copy(ew_v.at[i], acc_sh.at[col_v.at[i]], sem, add=True)
        return 0
    lax.fori_loop(0, nch, _fire, 0)

    def _drain(i, _):
        pltpu.make_async_copy(ew_v.at[0], acc_sh.at[col_v.at[0]], sem).wait()
        return 0
    lax.fori_loop(0, nch, _drain, 0)
    plsc.subcore_barrier()

    @pl.when(sid == 0)
    def _():
        pltpu.sync_copy(acc_sh, out_hbm.at[cid])


def _sc_deg(col3, ew3, zeros1, n):
    nch, c = col3.shape[1], col3.shape[2]
    mesh = plsc.VectorSubcoreMesh(core_axis_name="c", subcore_axis_name="s",
                                  num_cores=_NC, num_subcores=_NS)
    f = pl.kernel(
        _sc_deg_body,
        out_type=jax.ShapeDtypeStruct((_NC, n), jnp.float32),
        mesh=mesh,
        scratch_types=[
            pltpu.VMEM((nch, c), jnp.int32),
            pltpu.VMEM((nch, c), jnp.float32),
            pltpu.VMEM_SHARED((n,), jnp.float32),
            pltpu.SemaphoreType.DMA,
        ],
    )
    return f(col3, ew3, zeros1)


_BCH = 8


def _sc_agg_body(row_hbm, col_hbm, ew_hbm, y_hbm, z_hbm, out_hbm,
                 row0, row1, ew0, ew1, c0, c1, rows0, rows1,
                 acc_sh, gsem, ssem, isem, *, nch, c):
    cid = lax.axis_index("c")
    sid = lax.axis_index("s")
    wid = cid * _NS + sid
    n, fdim = y_hbm.shape
    nf = fdim // _L
    nwt = 10
    rpt = n // nwt
    rowv = (row0, row1)
    ewv = (ew0, ew1)
    colv = (c0, c1)
    rows = (rows0, rows1)
    base = wid * (nch * c)

    def _load_idx(i, b):
        off = base + i * c
        pltpu.async_copy(row_hbm.at[pl.ds(off, c)], rowv[b], isem)
        pltpu.async_copy(ew_hbm.at[pl.ds(off, c)], ewv[b], isem)
        pltpu.async_copy(col_hbm.at[pl.ds(off, c)], colv[b], isem)
        pltpu.make_async_copy(row_hbm.at[pl.ds(0, c)], rowv[b], isem).wait()
        pltpu.make_async_copy(ew_hbm.at[pl.ds(0, c)], ewv[b], isem).wait()
        pltpu.make_async_copy(col_hbm.at[pl.ds(0, c)], colv[b], isem).wait()

    @pl.when(sid < nwt)
    def _():
        pltpu.sync_copy(z_hbm.at[pl.ds(sid * rpt, rpt)],
                        acc_sh.at[pl.ds(sid * rpt, rpt)])
    plsc.subcore_barrier()

    def _outer(i, _):
        b = 0
        _load_idx(i, b)
        pltpu.async_copy(y_hbm.at[rowv[b]], rows[b], gsem).wait()

        rb = rows[b]
        ewb = ewv[b]
        if True:

            def _scale(k, _):
                ewl = ewb[pl.ds(k * _L, _L)]
                for j in range(_L):
                    s = lax.gather(
                        ewl, jnp.full((_L, 1), j, jnp.int32),
                        dimension_numbers=lax.GatherDimensionNumbers(
                            offset_dims=(), collapsed_slice_dims=(0,),
                            start_index_map=(0,)),
                        slice_sizes=(1,),
                        mode=lax.GatherScatterMode.PROMISE_IN_BOUNDS)
                    e = k * _L + j
                    for f in range(nf):
                        rb[e, pl.ds(f * _L, _L)] = (
                            rb[e, pl.ds(f * _L, _L)] * s)
                return 0
            lax.fori_loop(0, c // _L, _scale, 0)

            pltpu.async_copy(rows[b], acc_sh.at[colv[b]], ssem,
                             add=True).wait()
        return 0
    lax.fori_loop(0, nch, _outer, 0)
    plsc.subcore_barrier()

    @pl.when(sid < nwt)
    def _():
        pltpu.sync_copy(acc_sh.at[pl.ds(sid * rpt, rpt)],
                        out_hbm.at[cid, pl.ds(sid * rpt, rpt)])


def _sc_agg(row3, col3, ew3, y, zeros2):
    n, fdim = y.shape
    c = row3.shape[2]
    row1 = row3.reshape(-1)
    col1 = col3.reshape(-1)
    ew1 = ew3.reshape(-1)
    mesh = plsc.VectorSubcoreMesh(core_axis_name="c", subcore_axis_name="s",
                                  num_cores=_NC, num_subcores=_NS)
    f = pl.kernel(
        functools.partial(_sc_agg_body, nch=row3.shape[1], c=c),
        out_type=jax.ShapeDtypeStruct((_NC, n, fdim), jnp.float32),
        mesh=mesh,
        scratch_types=[
            pltpu.VMEM((c,), jnp.int32),
            pltpu.VMEM((c,), jnp.int32),
            pltpu.VMEM((c,), jnp.float32),
            pltpu.VMEM((c,), jnp.float32),
            pltpu.VMEM((c,), jnp.int32),
            pltpu.VMEM((c,), jnp.int32),
            pltpu.VMEM((c, fdim), jnp.float32),
            pltpu.VMEM((c, fdim), jnp.float32),
            pltpu.VMEM_SHARED((n, fdim), jnp.float32),
            pltpu.SemaphoreType.DMA,
            pltpu.SemaphoreType.DMA,
            pltpu.SemaphoreType.DMA,
        ],
    )
    return f(row1, col1, ew1, y, zeros2)


def _dinv_of(dp):
    return lax.rsqrt(1.0 + dp[0] + dp[1])


def _tc_mm1_body(dp_ref, x_ref, w_ref, y_ref):
    dinv = _dinv_of(dp_ref[...])
    y_ref[...] = dinv * jnp.dot(x_ref[...], w_ref[...],
                                preferred_element_type=jnp.float32)


def _tc_mm1(dp3, x, w):
    n, fdim = x.shape
    grid = (n // _BLK,)
    return pl.pallas_call(
        _tc_mm1_body,
        grid=grid,
        in_specs=[
            pl.BlockSpec((_NC, _BLK, 1), lambda i: (0, i, 0)),
            pl.BlockSpec((_BLK, fdim), lambda i: (i, 0)),
            pl.BlockSpec((fdim, w.shape[1]), lambda i: (0, 0)),
        ],
        out_specs=pl.BlockSpec((_BLK, w.shape[1]), lambda i: (i, 0)),
        out_shape=jax.ShapeDtypeStruct((n, w.shape[1]), jnp.float32),
    )(dp3, x, w)


def _tc_post_body(dp_ref, p_ref, y_ref, b_ref, v_ref, st_ref):
    i = pl.program_id(0)
    dinv = _dinv_of(dp_ref[...])
    p = p_ref[...]
    v = dinv * (p[0] + p[1] + y_ref[...]) + b_ref[...][None, :]
    v_ref[...] = v

    @pl.when(i == 0)
    def _():
        st_ref[...] = jnp.zeros_like(st_ref)
    st_ref[0:1, :] += jnp.sum(v, axis=0, keepdims=True)
    st_ref[1:2, :] += jnp.sum(v * v, axis=0, keepdims=True)


def _tc_post(dp3, parts, y, b):
    n, fdim = y.shape
    grid = (n // _BLK,)
    return pl.pallas_call(
        _tc_post_body,
        grid=grid,
        in_specs=[
            pl.BlockSpec((_NC, _BLK, 1), lambda i: (0, i, 0)),
            pl.BlockSpec((_NC, _BLK, fdim), lambda i: (0, i, 0)),
            pl.BlockSpec((_BLK, fdim), lambda i: (i, 0)),
            pl.BlockSpec((fdim,), lambda i: (0,)),
        ],
        out_specs=[
            pl.BlockSpec((_BLK, fdim), lambda i: (i, 0)),
            pl.BlockSpec((8, fdim), lambda i: (0, 0)),
        ],
        out_shape=[
            jax.ShapeDtypeStruct((n, fdim), jnp.float32),
            jax.ShapeDtypeStruct((8, fdim), jnp.float32),
        ],
    )(dp3, parts, y, b)


def _bn_apply(v, st, g_row, b_row, n_nodes):
    mean = st[0:1, :] * (1.0 / n_nodes)
    var = st[1:2, :] * (1.0 / n_nodes) - mean * mean
    return g_row[None, :] * ((v - mean) * lax.rsqrt(var + 1e-5)) + b_row[None, :]


def _tc_mm2_body(dp_ref, v_ref, st_ref, g_ref, be_ref, w_ref, y2_ref, *, n_nodes):
    z = _bn_apply(v_ref[...], st_ref[...], g_ref[...], be_ref[...], n_nodes)
    h = jnp.where(z >= 0, z, 0.01 * z)
    dinv = _dinv_of(dp_ref[...])
    y2_ref[...] = dinv * jnp.dot(h, w_ref[...],
                                 preferred_element_type=jnp.float32)


def _tc_mm2(dp3, v, st, g, be, w):
    n, fdim = v.shape
    grid = (n // _BLK,)
    return pl.pallas_call(
        functools.partial(_tc_mm2_body, n_nodes=float(n)),
        grid=grid,
        in_specs=[
            pl.BlockSpec((_NC, _BLK, 1), lambda i: (0, i, 0)),
            pl.BlockSpec((_BLK, fdim), lambda i: (i, 0)),
            pl.BlockSpec((8, fdim), lambda i: (0, 0)),
            pl.BlockSpec((fdim,), lambda i: (0,)),
            pl.BlockSpec((fdim,), lambda i: (0,)),
            pl.BlockSpec((fdim, w.shape[1]), lambda i: (0, 0)),
        ],
        out_specs=pl.BlockSpec((_BLK, w.shape[1]), lambda i: (i, 0)),
        out_shape=jax.ShapeDtypeStruct((n, w.shape[1]), jnp.float32),
    )(dp3, v, st, g, be, w)


def _tc_final_body(v_ref, st_ref, g_ref, be_ref, o_ref, *, n_nodes):
    o_ref[...] = _bn_apply(v_ref[...], st_ref[...], g_ref[...], be_ref[...],
                           n_nodes)


def _tc_final(v, st, g, be):
    n, fdim = v.shape
    grid = (n // _BLK,)
    return pl.pallas_call(
        functools.partial(_tc_final_body, n_nodes=float(n)),
        grid=grid,
        in_specs=[
            pl.BlockSpec((_BLK, fdim), lambda i: (i, 0)),
            pl.BlockSpec((8, fdim), lambda i: (0, 0)),
            pl.BlockSpec((fdim,), lambda i: (0,)),
            pl.BlockSpec((fdim,), lambda i: (0,)),
        ],
        out_specs=pl.BlockSpec((_BLK, fdim), lambda i: (i, 0)),
        out_shape=jax.ShapeDtypeStruct((n, fdim), jnp.float32),
    )(v, st, g, be)


def kernel(ATC_adj, ATC_weight, drug_smiles_fea, W1, b1, gamma1, beta1,
           W2, b2, gamma2, beta2):
    x = drug_smiles_fea
    n, fdim = x.shape
    e_total = ATC_weight.shape[0]
    ntiles = _NC * _NS
    epw = e_total // ntiles
    epw_p = ((epw + fdim - 1) // fdim) * fdim

    def _plane(a, dtype):
        a = a.astype(dtype).reshape(ntiles, epw)
        a = jnp.pad(a, ((0, 0), (0, epw_p - epw)))
        return a.reshape(ntiles, epw_p // fdim, fdim)

    row3 = _plane(ATC_adj[0], jnp.int32)
    col3 = _plane(ATC_adj[1], jnp.int32)
    ew3 = _plane(ATC_weight, jnp.float32)
    zeros1 = jnp.zeros((n,), jnp.float32)
    zeros2 = jnp.zeros((n, fdim), jnp.float32)

    dparts = _sc_deg(col3, ew3, zeros1, n)
    dp3 = dparts.reshape(_NC, n, 1)

    y1 = _tc_mm1(dp3, x, W1)
    parts1 = _sc_agg(row3, col3, ew3, y1, zeros2)
    v1, st1 = _tc_post(dp3, parts1, y1, b1)

    y2 = _tc_mm2(dp3, v1, st1, gamma1, beta1, W2)
    parts2 = _sc_agg(row3, col3, ew3, y2, zeros2)
    v2, st2 = _tc_post(dp3, parts2, y2, b2)

    return _tc_final(v2, st2, gamma2, beta2)

# --- scband reference (transcript-rebuilt; emitter-appended) ---
"""Pipeline reference for scband-atc-network-9440338117059 (READ-ONLY COPY).

The authoritative reference and input builder live on the scoring server;
editing this copy changes nothing except your own understanding.
"""

import jax, jax.numpy as jnp
import numpy as np

N, E, F, H, O = 10000, 320000, 128, 128, 128


def setup_inputs(seed: int = 0) -> dict:
    key = jax.random.key(seed)
    ks = jax.random.split(key, 8)
    ATC_adj = jax.random.randint(ks[0], (2, E), 0, N, dtype=jnp.int64 if jax.config.jax_enable_x64 else jnp.int32)
    ATC_weight = jax.random.uniform(ks[1], (E,), dtype=jnp.float32)
    drug_smiles_fea = jax.random.normal(ks[2], (N, F), dtype=jnp.float32)
    W1 = jax.random.normal(ks[3], (F, H), dtype=jnp.float32) * (1.0 / np.sqrt(F))
    b1 = jnp.zeros((H,), dtype=jnp.float32)
    gamma1 = jnp.ones((H,), dtype=jnp.float32)
    beta1 = jnp.zeros((H,), dtype=jnp.float32)
    W2 = jax.random.normal(ks[4], (H, O), dtype=jnp.float32) * (1.0 / np.sqrt(H))
    b2 = jnp.zeros((O,), dtype=jnp.float32)
    gamma2 = jnp.ones((O,), dtype=jnp.float32)
    beta2 = jnp.zeros((O,), dtype=jnp.float32)
    return {"ATC_adj": ATC_adj, "ATC_weight": ATC_weight, "drug_smiles_fea": drug_smiles_fea,
            "W1": W1, "b1": b1, "gamma1": gamma1, "beta1": beta1,
            "W2": W2, "b2": b2, "gamma2": gamma2, "beta2": beta2}


def gcn_conv(x, edge_index, edge_weight, W, b, num_nodes):
    # x @ W then symmetric-normalized weighted aggregation with self-loops (PyG GCNConv semantics)
    x = x @ W
    row, col = edge_index[0], edge_index[1]
    loop = jnp.arange(num_nodes, dtype=row.dtype)
    row = jnp.concatenate([row, loop])
    col = jnp.concatenate([col, loop])
    ew = jnp.concatenate([edge_weight, jnp.ones((num_nodes,), dtype=edge_weight.dtype)])
    deg = jnp.zeros((num_nodes,), dtype=x.dtype).at[col].add(ew)
    dinv = jnp.where(deg > 0, 1.0 / jnp.sqrt(deg), 0.0)
    norm = dinv[row] * ew * dinv[col]
    msgs = norm[:, None] * jnp.take(x, row, axis=0)
    out = jnp.zeros((num_nodes, x.shape[1]), dtype=x.dtype).at[col].add(msgs)
    return out + b


def batchnorm1d(x, gamma, beta, eps=1e-5):
    mean = jnp.mean(x, axis=0)
    var = jnp.var(x, axis=0)
    return gamma * (x - mean) / jnp.sqrt(var + eps) + beta


def leaky_relu(x, slope=0.01):
    return jnp.where(x >= 0, x, slope * x)


def reference(ATC_adj, ATC_weight, drug_smiles_fea, W1, b1, gamma1, beta1, W2, b2, gamma2, beta2):
    num_nodes = drug_smiles_fea.shape[0]
    x = gcn_conv(drug_smiles_fea, ATC_adj, ATC_weight, W1, b1, num_nodes)
    x = batchnorm1d(x, gamma1, beta1)
    x = leaky_relu(x)
    # dropout is identity in eval mode
    x = gcn_conv(x, ATC_adj, ATC_weight, W2, b2, num_nodes)
    x = batchnorm1d(x, gamma2, beta2)
    return x

if __name__ == "__main__":
    import jax
    _d = setup_inputs()
    print(jax.jit(kernel)(*tuple(_d.values())))

</pallas_src>

<mosaic_0001>
#map = affine_map<(d0, d1) -> (0, 0, 0)>
#map1 = affine_map<(d0, d1) -> (0)>
#map2 = affine_map<(d0, d1) -> (0, 0)>
module attributes {stable_mosaic.version = 14 : i64} {
  func.func @_sc_deg_body(%arg0: i32, %arg1: i32, %arg2: memref<32x79x128xi32, #tpu.memory_space<hbm>>, %arg3: memref<32x79x128xf32, #tpu.memory_space<hbm>>, %arg4: memref<10000xf32, #tpu.memory_space<hbm>>, %arg5: memref<2x10000xf32, #tpu.memory_space<hbm>>, %arg6: memref<79x128xi32, #tpu.memory_space<vmem>>, %arg7: memref<79x128xf32, #tpu.memory_space<vmem>>, %arg8: memref<10000xf32, #tpu.memory_space<vmem_shared>>, %arg9: memref<!tpu.dma_semaphore, #tpu.memory_space<semaphore_mem>>) attributes {dimension_semantics = [#tpu.dimension_semantics<core_parallel>, #tpu.dimension_semantics<subcore_parallel>], iteration_bounds = array<i64: 2, 16>, scalar_prefetch = 0 : i64, scratch_operands = 4 : i64, tpu.core_type = #tpu.core_type<sc_vector_subcore>, window_params = [{transform_indices = #map}, {transform_indices = #map}, {transform_indices = #map1}, {transform_indices = #map2}]} {
    %mul3A = arith.constant 16 : i32
    %mul3A_0 = arith.muli %arg0, %mul3A : i32
    %add3A = arith.addi %mul3A_0, %arg1 : i32
    "tpu.region"() ({
      %run_scoped3A = tpu.sem_alloc : memref<!tpu.dma_semaphore, #tpu.memory_space<semaphore_mem>>
      %dma_start3A = arith.constant 0 : i32
      %dma_start3A_22 = arith.constant 0 : i32
      %dma_start3A_23 = tpu.memref_slice %arg2[%add3A, %dma_start3A, %dma_start3A_22] : memref<32x79x128xi32, #tpu.memory_space<hbm>> -> memref<1x79x128xi32, #tpu.memory_space<hbm>>
      %dma_start3A_24 = tpu.memref_squeeze %dma_start3A_23 : memref<1x79x128xi32, #tpu.memory_space<hbm>> -> memref<79x128xi32, #tpu.memory_space<hbm>>
      %dma_start3A_25 = arith.constant 0 : i32
      %dma_start3A_26 = arith.constant 0 : i32
      %dma_start3A_27 = tpu.memref_slice %arg2[%add3A, %dma_start3A_25, %dma_start3A_26] : memref<32x79x128xi32, #tpu.memory_space<hbm>> -> memref<1x79x128xi32, #tpu.memory_space<hbm>>
      %dma_start3A_28 = tpu.memref_squeeze %dma_start3A_27 : memref<1x79x128xi32, #tpu.memory_space<hbm>> -> memref<79x128xi32, #tpu.memory_space<hbm>>
      tpu.enqueue_dma source(%dma_start3A_28 : memref<79x128xi32, #tpu.memory_space<hbm>>) target(%arg6 : memref<79x128xi32, #tpu.memory_space<vmem>>) target_semaphore(%run_scoped3A : memref<!tpu.dma_semaphore, #tpu.memory_space<semaphore_mem>>)
      %dma_wait3A = arith.constant 0 : i32
      %dma_wait3A_29 = arith.constant 0 : i32
      %dma_wait3A_30 = tpu.memref_slice %arg2[%add3A, %dma_wait3A, %dma_wait3A_29] : memref<32x79x128xi32, #tpu.memory_space<hbm>> -> memref<1x79x128xi32, #tpu.memory_space<hbm>>
      %dma_wait3A_31 = tpu.memref_squeeze %dma_wait3A_30 : memref<1x79x128xi32, #tpu.memory_space<hbm>> -> memref<79x128xi32, #tpu.memory_space<hbm>>
      %dma_wait3A_32 = arith.constant 0 : i32
      %dma_wait3A_33 = arith.constant 0 : i32
      %dma_wait3A_34 = tpu.memref_slice %arg2[%add3A, %dma_wait3A_32, %dma_wait3A_33] : memref<32x79x128xi32, #tpu.memory_space<hbm>> -> memref<1x79x128xi32, #tpu.memory_space<hbm>>
      %dma_wait3A_35 = tpu.memref_squeeze %dma_wait3A_34 : memref<1x79x128xi32, #tpu.memory_space<hbm>> -> memref<79x128xi32, #tpu.memory_space<hbm>>
      tpu.wait_dma2 semaphore(%run_scoped3A : memref<!tpu.dma_semaphore, #tpu.memory_space<semaphore_mem>>) src(%dma_wait3A_35 : memref<79x128xi32, #tpu.memory_space<hbm>>) dst(%arg6 : memref<79x128xi32, #tpu.memory_space<vmem>>)
      tpu.yield
    }) : () -> ()
    "tpu.region"() ({
      %run_scoped3A = tpu.sem_alloc : memref<!tpu.dma_semaphore, #tpu.memory_space<semaphore_mem>>
      %dma_start3A = arith.constant 0 : i32
      %dma_start3A_22 = arith.constant 0 : i32
      %dma_start3A_23 = tpu.memref_slice %arg3[%add3A, %dma_start3A, %dma_start3A_22] : memref<32x79x128xf32, #tpu.memory_space<hbm>> -> memref<1x79x128xf32, #tpu.memory_space<hbm>>
      %dma_start3A_24 = tpu.memref_squeeze %dma_start3A_23 : memref<1x79x128xf32, #tpu.memory_space<hbm>> -> memref<79x128xf32, #tpu.memory_space<hbm>>
      %dma_start3A_25 = arith.constant 0 : i32
      %dma_start3A_26 = arith.constant 0 : i32
      %dma_start3A_27 = tpu.memref_slice %arg3[%add3A, %dma_start3A_25, %dma_start3A_26] : memref<32x79x128xf32, #tpu.memory_space<hbm>> -> memref<1x79x128xf32, #tpu.memory_space<hbm>>
      %dma_start3A_28 = tpu.memref_squeeze %dma_start3A_27 : memref<1x79x128xf32, #tpu.memory_space<hbm>> -> memref<79x128xf32, #tpu.memory_space<hbm>>
      tpu.enqueue_dma source(%dma_start3A_28 : memref<79x128xf32, #tpu.memory_space<hbm>>) target(%arg7 : memref<79x128xf32, #tpu.memory_space<vmem>>) target_semaphore(%run_scoped3A : memref<!tpu.dma_semaphore, #tpu.memory_space<semaphore_mem>>)
      %dma_wait3A = arith.constant 0 : i32
      %dma_wait3A_29 = arith.constant 0 : i32
      %dma_wait3A_30 = tpu.memref_slice %arg3[%add3A, %dma_wait3A, %dma_wait3A_29] : memref<32x79x128xf32, #tpu.memory_space<hbm>> -> memref<1x79x128xf32, #tpu.memory_space<hbm>>
      %dma_wait3A_31 = tpu.memref_squeeze %dma_wait3A_30 : memref<1x79x128xf32, #tpu.memory_space<hbm>> -> memref<79x128xf32, #tpu.memory_space<hbm>>
      %dma_wait3A_32 = arith.constant 0 : i32
      %dma_wait3A_33 = arith.constant 0 : i32
      %dma_wait3A_34 = tpu.memref_slice %arg3[%add3A, %dma_wait3A_32, %dma_wait3A_33] : memref<32x79x128xf32, #tpu.memory_space<hbm>> -> memref<1x79x128xf32, #tpu.memory_space<hbm>>
      %dma_wait3A_35 = tpu.memref_squeeze %dma_wait3A_34 : memref<1x79x128xf32, #tpu.memory_space<hbm>> -> memref<79x128xf32, #tpu.memory_space<hbm>>
      tpu.wait_dma2 semaphore(%run_scoped3A : memref<!tpu.dma_semaphore, #tpu.memory_space<semaphore_mem>>) src(%dma_wait3A_35 : memref<79x128xf32, #tpu.memory_space<hbm>>) dst(%arg7 : memref<79x128xf32, #tpu.memory_space<vmem>>)
      tpu.yield
    }) : () -> ()
    %eq3A = arith.constant 0 : i32
    %eq3A_1 = arith.cmpi eq, %arg1, %eq3A : i32
    %convert_element_type3A = arith.extui %eq3A_1 : i1 to i32
    %cond3A = arith.constant 0 : i32
    %cond3A_2 = arith.cmpi ne, %convert_element_type3A, %cond3A : i32
    scf.if %cond3A_2 {
      "tpu.region"() ({
        %run_scoped3A = tpu.sem_alloc : memref<!tpu.dma_semaphore, #tpu.memory_space<semaphore_mem>>
        tpu.enqueue_dma source(%arg4 : memref<10000xf32, #tpu.memory_space<hbm>>) target(%arg8 : memref<10000xf32, #tpu.memory_space<vmem_shared>>) target_semaphore(%run_scoped3A : memref<!tpu.dma_semaphore, #tpu.memory_space<semaphore_mem>>)
        tpu.wait_dma2 semaphore(%run_scoped3A : memref<!tpu.dma_semaphore, #tpu.memory_space<semaphore_mem>>) src(%arg4 : memref<10000xf32, #tpu.memory_space<hbm>>) dst(%arg8 : memref<10000xf32, #tpu.memory_space<vmem_shared>>)
        tpu.yield
      }) : () -> ()
    } else {
    }
    %barrier3A = arith.constant 0 : index
    tpu.barrier barrier_id(%barrier3A)
    %scan3A = arith.constant 0 : i32
    %scan3A_3 = arith.constant 0 : i32
    %scan3A_4 = arith.constant 79 : i32
    %scan3A_5 = arith.addi %scan3A_3, %scan3A_4 : i32
    %scan3A_6 = arith.constant 1 : i32
    %scan3A_7 = scf.for %scan3A_22 = %scan3A_3 to %scan3A_5 step %scan3A_6 iter_args(%scan3A_23 = %scan3A) -> (i32)  : i32 {
      %dma_start3A = arith.constant 0 : i32
      %dma_start3A_24 = tpu.memref_slice %arg7[%scan3A_22, %dma_start3A] : memref<79x128xf32, #tpu.memory_space<vmem>> -> memref<1x128xf32, #tpu.memory_space<vmem>>
      %dma_start3A_25 = tpu.memref_squeeze %dma_start3A_24 : memref<1x128xf32, #tpu.memory_space<vmem>> -> memref<128xf32, #tpu.memory_space<vmem>>
      %dma_start3A_26 = arith.constant 0 : i32
      %dma_start3A_27 = tpu.memref_slice %arg6[%scan3A_22, %dma_start3A_26] : memref<79x128xi32, #tpu.memory_space<vmem>> -> memref<1x128xi32, #tpu.memory_space<vmem>>
      %dma_start3A_28 = tpu.memref_squeeze %dma_start3A_27 : memref<1x128xi32, #tpu.memory_space<vmem>> -> memref<128xi32, #tpu.memory_space<vmem>>
      %dma_start3A_29 = arith.constant 0 : i32
      %dma_start3A_30 = tpu.memref_slice %arg8[%dma_start3A_29] : memref<10000xf32, #tpu.memory_space<vmem_shared>> -> memref<10000xf32, #tpu.memory_space<vmem_shared>>
      tpu.enqueue_indirect_dma source(%dma_start3A_25 : memref<128xf32, #tpu.memory_space<vmem>>) target(%dma_start3A_30 : memref<10000xf32, #tpu.memory_space<vmem_shared>>) offsets(%dma_start3A_28 : memref<128xi32, #tpu.memory_space<vmem>>) semaphore(%arg9 : memref<!tpu.dma_semaphore, #tpu.memory_space<semaphore_mem>>) {add = true}
      %scan3A_31 = arith.constant 0 : i32
      scf.yield %scan3A_31 : i32
    }
    %scan3A_8 = arith.constant 79 : i32
    %scan3A_9 = arith.constant 0 : i32
    %scan3A_10 = arith.constant 0 : i32
    %scan3A_11 = arith.constant 79 : i32
    %scan3A_12 = arith.addi %scan3A_10, %scan3A_11 : i32
    %scan3A_13 = arith.constant 1 : i32
    %scan3A_14 = scf.for %scan3A_22 = %scan3A_10 to %scan3A_12 step %scan3A_13 iter_args(%scan3A_23 = %scan3A_9) -> (i32)  : i32 {
      %dma_wait3A = arith.constant 0 : i32
      %dma_wait3A_24 = arith.constant 0 : i32
      %dma_wait3A_25 = arith.constant 0 : i32
      %dma_wait3A_26 = tpu.memref_slice %arg7[%dma_wait3A, %dma_wait3A_25] : memref<79x128xf32, #tpu.memory_space<vmem>> -> memref<1x128xf32, #tpu.memory_space<vmem>>
      %dma_wait3A_27 = tpu.memref_squeeze %dma_wait3A_26 : memref<1x128xf32, #tpu.memory_space<vmem>> -> memref<128xf32, #tpu.memory_space<vmem>>
      %dma_wait3A_28 = arith.constant 0 : i32
      %dma_wait3A_29 = tpu.memref_slice %arg6[%dma_wait3A_24, %dma_wait3A_28] : memref<79x128xi32, #tpu.memory_space<vmem>> -> memref<1x128xi32, #tpu.memory_space<vmem>>
      %dma_wait3A_30 = tpu.memref_squeeze %dma_wait3A_29 : memref<1x128xi32, #tpu.memory_space<vmem>> -> memref<128xi32, #tpu.memory_space<vmem>>
      %dma_wait3A_31 = arith.constant 0 : i32
      %dma_wait3A_32 = tpu.memref_slice %arg8[%dma_wait3A_31] : memref<10000xf32, #tpu.memory_space<vmem_shared>> -> memref<10000xf32, #tpu.memory_space<vmem_shared>>
      tpu.wait_indirect_dma semaphore(%arg9 : memref<!tpu.dma_semaphore, #tpu.memory_space<semaphore_mem>>) src(%dma_wait3A_27 : memref<128xf32, #tpu.memory_space<vmem>>) dst(%dma_wait3A_32 : memref<10000xf32, #tpu.memory_space<vmem_shared>>)
      %scan3A_33 = arith.constant 0 : i32
      scf.yield %scan3A_33 : i32
    }
    %scan3A_15 = arith.constant 79 : i32
    %barrier3A_16 = arith.constant 0 : index
    tpu.barrier barrier_id(%barrier3A_16)
    %eq3A_17 = arith.constant 0 : i32
    %eq3A_18 = arith.cmpi eq, %arg1, %eq3A_17 : i32
    %convert_element_type3A_19 = arith.extui %eq3A_18 : i1 to i32
    %cond3A_20 = arith.constant 0 : i32
    %cond3A_21 = arith.cmpi ne, %convert_element_type3A_19, %cond3A_20 : i32
    scf.if %cond3A_21 {
      "tpu.region"() ({
        %run_scoped3A = tpu.sem_alloc : memref<!tpu.dma_semaphore, #tpu.memory_space<semaphore_mem>>
        %dma_start3A = arith.constant 0 : i32
        %dma_start3A_22 = tpu.memref_slice %arg5[%arg0, %dma_start3A] : memref<2x10000xf32, #tpu.memory_space<hbm>> -> memref<1x10000xf32, #tpu.memory_space<hbm>>
        %dma_start3A_23 = tpu.memref_squeeze %dma_start3A_22 : memref<1x10000xf32, #tpu.memory_space<hbm>> -> memref<10000xf32, #tpu.memory_space<hbm>>
        tpu.enqueue_dma source(%arg8 : memref<10000xf32, #tpu.memory_space<vmem_shared>>) target(%dma_start3A_23 : memref<10000xf32, #tpu.memory_space<hbm>>) target_semaphore(%run_scoped3A : memref<!tpu.dma_semaphore, #tpu.memory_space<semaphore_mem>>)
        %dma_wait3A = arith.constant 0 : i32
        %dma_wait3A_24 = tpu.memref_slice %arg5[%arg0, %dma_wait3A] : memref<2x10000xf32, #tpu.memory_space<hbm>> -> memref<1x10000xf32, #tpu.memory_space<hbm>>
        %dma_wait3A_25 = tpu.memref_squeeze %dma_wait3A_24 : memref<1x10000xf32, #tpu.memory_space<hbm>> -> memref<10000xf32, #tpu.memory_space<hbm>>
        tpu.wait_dma2 semaphore(%run_scoped3A : memref<!tpu.dma_semaphore, #tpu.memory_space<semaphore_mem>>) src(%arg8 : memref<10000xf32, #tpu.memory_space<vmem_shared>>) dst(%dma_wait3A_25 : memref<10000xf32, #tpu.memory_space<hbm>>)
        tpu.yield
      }) : () -> ()
    } else {
    }
    return
  }
}

#map = affine_map<(d0, d1) -> (0)>
#map1 = affine_map<(d0, d1) -> (0, 0)>
#map2 = affine_map<(d0, d1) -> (0, 0, 0)>
module attributes {stable_mosaic.version = 14 : i64} {
  func.func @_sc_agg_body(%arg0: i32, %arg1: i32, %arg2: memref<323584xi32, #tpu.memory_space<hbm>>, %arg3: memref<323584xi32, #tpu.memory_space<hbm>>, %arg4: memref<323584xf32, #tpu.memory_space<hbm>>, %arg5: memref<10000x128xf32, #tpu.memory_space<hbm>>, %arg6: memref<10000x128xf32, #tpu.memory_space<hbm>>, %arg7: memref<2x10000x128xf32, #tpu.memory_space<hbm>>, %arg8: memref<128xi32, #tpu.memory_space<vmem>>, %arg9: memref<128xi32, #tpu.memory_space<vmem>>, %arg10: memref<128xf32, #tpu.memory_space<vmem>>, %arg11: memref<128xf32, #tpu.memory_space<vmem>>, %arg12: memref<128xi32, #tpu.memory_space<vmem>>, %arg13: memref<128xi32, #tpu.memory_space<vmem>>, %arg14: memref<128x128xf32, #tpu.memory_space<vmem>>, %arg15: memref<128x128xf32, #tpu.memory_space<vmem>>, %arg16: memref<10000x128xf32, #tpu.memory_space<vmem_shared>>, %arg17: memref<!tpu.dma_semaphore, #tpu.memory_space<semaphore_mem>>, %arg18: memref<!tpu.dma_semaphore, #tpu.memory_space<semaphore_mem>>, %arg19: memref<!tpu.dma_semaphore, #tpu.memory_space<semaphore_mem>>) attributes {dimension_semantics = [#tpu.dimension_semantics<core_parallel>, #tpu.dimension_semantics<subcore_parallel>], iteration_bounds = array<i64: 2, 16>, scalar_prefetch = 0 : i64, scratch_operands = 12 : i64, tpu.core_type = #tpu.core_type<sc_vector_subcore>, window_params = [{transform_indices = #map}, {transform_indices = #map}, {transform_indices = #map}, {transform_indices = #map1}, {transform_indices = #map1}, {transform_indices = #map2}]} {
    %mul3A = arith.constant 16 : i32
    %mul3A_0 = arith.muli %arg0, %mul3A : i32
    %add3A = arith.addi %mul3A_0, %arg1 : i32
    %mul3A_1 = arith.constant 10112 : i32
    %mul3A_2 = arith.muli %add3A, %mul3A_1 : i32
    %lt3A = arith.constant 10 : i32
    %lt3A_3 = arith.cmpi slt, %arg1, %lt3A : i32
    %convert_element_type3A = arith.extui %lt3A_3 : i1 to i32
    %cond3A = arith.constant 0 : i32
    %cond3A_4 = arith.cmpi ne, %convert_element_type3A, %cond3A : i32
    scf.if %cond3A_4 {
      %mul3A_17 = arith.constant 1000 : i32
      %mul3A_18 = arith.muli %arg1, %mul3A_17 : i32
      %mul3A_19 = arith.constant 1000 : i32
      %mul3A_20 = arith.muli %arg1, %mul3A_19 : i32
      "tpu.region"() ({
        %run_scoped3A = tpu.sem_alloc : memref<!tpu.dma_semaphore, #tpu.memory_space<semaphore_mem>>
        %dma_start3A = arith.constant 0 : i32
        %dma_start3A_21 = tpu.memref_slice %arg16[%mul3A_20, %dma_start3A] : memref<10000x128xf32, #tpu.memory_space<vmem_shared>> -> memref<1000x128xf32, #tpu.memory_space<vmem_shared>>
        %dma_start3A_22 = arith.constant 0 : i32
        %dma_start3A_23 = tpu.memref_slice %arg6[%mul3A_18, %dma_start3A_22] : memref<10000x128xf32, #tpu.memory_space<hbm>> -> memref<1000x128xf32, #tpu.memory_space<hbm>>
        tpu.enqueue_dma source(%dma_start3A_23 : memref<1000x128xf32, #tpu.memory_space<hbm>>) target(%dma_start3A_21 : memref<1000x128xf32, #tpu.memory_space<vmem_shared>>) target_semaphore(%run_scoped3A : memref<!tpu.dma_semaphore, #tpu.memory_space<semaphore_mem>>)
        %dma_wait3A = arith.constant 0 : i32
        %dma_wait3A_24 = tpu.memref_slice %arg16[%mul3A_20, %dma_wait3A] : memref<10000x128xf32, #tpu.memory_space<vmem_shared>> -> memref<1000x128xf32, #tpu.memory_space<vmem_shared>>
        %dma_wait3A_25 = arith.constant 0 : i32
        %dma_wait3A_26 = tpu.memref_slice %arg6[%mul3A_18, %dma_wait3A_25] : memref<10000x128xf32, #tpu.memory_space<hbm>> -> memref<1000x128xf32, #tpu.memory_space<hbm>>
        tpu.wait_dma2 semaphore(%run_scoped3A : memref<!tpu.dma_semaphore, #tpu.memory_space<semaphore_mem>>) src(%dma_wait3A_26 : memref<1000x128xf32, #tpu.memory_space<hbm>>) dst(%dma_wait3A_24 : memref<1000x128xf32, #tpu.memory_space<vmem_shared>>)
        tpu.yield
      }) : () -> ()
    } else {
    }
    %barrier3A = arith.constant 0 : index
    tpu.barrier barrier_id(%barrier3A)
    %scan3A = arith.constant 0 : i32
    %scan3A_5 = arith.constant 0 : i32
    %scan3A_6 = arith.constant 79 : i32
    %scan3A_7 = arith.addi %scan3A_5, %scan3A_6 : i32
    %scan3A_8 = arith.constant 1 : i32
    %scan3A_9 = scf.for %scan3A_17 = %scan3A_5 to %scan3A_7 step %scan3A_8 iter_args(%scan3A_18 = %scan3A) -> (i32)  : i32 {
      %mul3A_19 = arith.constant 128 : i32
      %mul3A_20 = arith.muli %scan3A_17, %mul3A_19 : i32
      %add3A_21 = arith.addi %mul3A_2, %mul3A_20 : i32
      %dma_start3A = tpu.memref_slice %arg2[%add3A_21] : memref<323584xi32, #tpu.memory_space<hbm>> -> memref<128xi32, #tpu.memory_space<hbm>>
      %dma_start3A_22 = tpu.memref_slice %arg2[%add3A_21] : memref<323584xi32, #tpu.memory_space<hbm>> -> memref<128xi32, #tpu.memory_space<hbm>>
      tpu.enqueue_dma source(%dma_start3A_22 : memref<128xi32, #tpu.memory_space<hbm>>) target(%arg8 : memref<128xi32, #tpu.memory_space<vmem>>) target_semaphore(%arg19 : memref<!tpu.dma_semaphore, #tpu.memory_space<semaphore_mem>>)
      %dma_start3A_23 = tpu.memref_slice %arg4[%add3A_21] : memref<323584xf32, #tpu.memory_space<hbm>> -> memref<128xf32, #tpu.memory_space<hbm>>
      %dma_start3A_24 = tpu.memref_slice %arg4[%add3A_21] : memref<323584xf32, #tpu.memory_space<hbm>> -> memref<128xf32, #tpu.memory_space<hbm>>
      tpu.enqueue_dma source(%dma_start3A_24 : memref<128xf32, #tpu.memory_space<hbm>>) target(%arg10 : memref<128xf32, #tpu.memory_space<vmem>>) target_semaphore(%arg19 : memref<!tpu.dma_semaphore, #tpu.memory_space<semaphore_mem>>)
      %dma_start3A_25 = tpu.memref_slice %arg3[%add3A_21] : memref<323584xi32, #tpu.memory_space<hbm>> -> memref<128xi32, #tpu.memory_space<hbm>>
      %dma_start3A_26 = tpu.memref_slice %arg3[%add3A_21] : memref<323584xi32, #tpu.memory_space<hbm>> -> memref<128xi32, #tpu.memory_space<hbm>>
      tpu.enqueue_dma source(%dma_start3A_26 : memref<128xi32, #tpu.memory_space<hbm>>) target(%arg12 : memref<128xi32, #tpu.memory_space<vmem>>) target_semaphore(%arg19 : memref<!tpu.dma_semaphore, #tpu.memory_space<semaphore_mem>>)
      %dma_wait3A = arith.constant 0 : i32
      %dma_wait3A_27 = tpu.memref_slice %arg2[%dma_wait3A] : memref<323584xi32, #tpu.memory_space<hbm>> -> memref<128xi32, #tpu.memory_space<hbm>>
      %dma_wait3A_28 = arith.constant 0 : i32
      %dma_wait3A_29 = tpu.memref_slice %arg2[%dma_wait3A_28] : memref<323584xi32, #tpu.memory_space<hbm>> -> memref<128xi32, #tpu.memory_space<hbm>>
      tpu.wait_dma2 semaphore(%arg19 : memref<!tpu.dma_semaphore, #tpu.memory_space<semaphore_mem>>) src(%dma_wait3A_29 : memref<128xi32, #tpu.memory_space<hbm>>) dst(%arg8 : memref<128xi32, #tpu.memory_space<vmem>>)
      %dma_wait3A_30 = arith.constant 0 : i32
      %dma_wait3A_31 = tpu.memref_slice %arg4[%dma_wait3A_30] : memref<323584xf32, #tpu.memory_space<hbm>> -> memref<128xf32, #tpu.memory_space<hbm>>
      %dma_wait3A_32 = arith.constant 0 : i32
      %dma_wait3A_33 = tpu.memref_slice %arg4[%dma_wait3A_32] : memref<323584xf32, #tpu.memory_space<hbm>> -> memref<128xf32, #tpu.memory_space<hbm>>
      tpu.wait_dma2 semaphore(%arg19 : memref<!tpu.dma_semaphore, #tpu.memory_space<semaphore_mem>>) src(%dma_wait3A_33 : memref<128xf32, #tpu.memory_space<hbm>>) dst(%arg10 : memref<128xf32, #tpu.memory_space<vmem>>)
      %dma_wait3A_34 = arith.constant 0 : i32
      %dma_wait3A_35 = tpu.memref_slice %arg3[%dma_wait3A_34] : memref<323584xi32, #tpu.memory_space<hbm>> -> memref<128xi32, #tpu.memory_space<hbm>>
      %dma_wait3A_36 = arith.constant 0 : i32
      %dma_wait3A_37 = tpu.memref_slice %arg3[%dma_wait3A_36] : memref<323584xi32, #tpu.memory_space<hbm>> -> memref<128xi32, #tpu.memory_space<hbm>>
      tpu.wait_dma2 semaphore(%arg19 : memref<!tpu.dma_semaphore, #tpu.memory_space<semaphore_mem>>) src(%dma_wait3A_37 : memref<128xi32, #tpu.memory_space<hbm>>) dst(%arg12 : memref<128xi32, #tpu.memory_space<vmem>>)
      %dma_start3A_38 = arith.constant 0 : i32
      %dma_start3A_39 = arith.constant 0 : i32
      %dma_start3A_40 = tpu.memref_slice %arg5[%dma_start3A_38, %dma_start3A_39] : memref<10000x128xf32, #tpu.memory_space<hbm>> -> memref<10000x128xf32, #tpu.memory_space<hbm>>
      tpu.enqueue_indirect_dma source(%dma_start3A_40 : memref<10000x128xf32, #tpu.memory_space<hbm>>) target(%arg14 : memref<128x128xf32, #tpu.memory_space<vmem>>) offsets(%arg8 : memref<128xi32, #tpu.memory_space<vmem>>) semaphore(%arg17 : memref<!tpu.dma_semaphore, #tpu.memory_space<semaphore_mem>>)
      %dma_wait3A_41 = arith.constant 0 : i32
      %dma_wait3A_42 = arith.constant 0 : i32
      %dma_wait3A_43 = tpu.memref_slice %arg5[%dma_wait3A_41, %dma_wait3A_42] : memref<10000x128xf32, #tpu.memory_space<hbm>> -> memref<10000x128xf32, #tpu.memory_space<hbm>>
      tpu.wait_indirect_dma semaphore(%arg17 : memref<!tpu.dma_semaphore, #tpu.memory_space<semaphore_mem>>) src(%dma_wait3A_43 : memref<10000x128xf32, #tpu.memory_space<hbm>>) dst(%arg14 : memref<128x128xf32, #tpu.memory_space<vmem>>)
      %scan3A_44 = arith.constant 0 : i32
      %scan3A_45 = arith.constant 0 : i32
      %scan3A_46 = arith.constant 8 : i32
      %scan3A_47 = arith.addi %scan3A_45, %scan3A_46 : i32
      %scan3A_48 = arith.constant 1 : i32
      %scan3A_49 = scf.for %scan3A_58 = %scan3A_45 to %scan3A_47 step %scan3A_48 iter_args(%scan3A_59 = %scan3A_44) -> (i32)  : i32 {
        %mul3A_60 = arith.constant 16 : i32
        %mul3A_61 = arith.muli %scan3A_58, %mul3A_60 : i32
        %get3A = arith.index_cast %mul3A_61 : i32 to index
        %get3A_62 = tpu.vector_load %arg10[%get3A] {strides = array<i32>} : memref<128xf32, #tpu.memory_space<vmem>>, vector<16xf32>,
        %get3A_63 = vector.shape_cast %get3A_62 : vector<16xf32> to vector<16xf32>
        %broadcast_in_dim3A = arith.constant 0 : i32
        %broadcast_in_dim3A_64 = vector.broadcast %broadcast_in_dim3A : i32 to vector<16x1xi32>
        %gather3A = vector.shape_cast %broadcast_in_dim3A_64 : vector<16x1xi32> to vector<16xi32>
        %gather3A_65 = tpu.dynamic_gather %get3A_63[%gather3A] in [0] : vector<16xf32>, vector<16xi32> -> vector<16xf32>
        %mul3A_66 = arith.constant 16 : i32
        %mul3A_67 = arith.muli %scan3A_58, %mul3A_66 : i32
        %add3A_68 = arith.constant 0 : i32
        %add3A_69 = arith.addi %mul3A_67, %add3A_68 : i32
        %get3A_70 = arith.index_cast %add3A_69 : i32 to index
        %get3A_71 = arith.constant 0 : index
        %get3A_72 = tpu.vector_load %arg14[%get3A_70, %get3A_71] {strides = array<i32>} : memref<128x128xf32, #tpu.memory_space<vmem>>, vector<1x16xf32>,
        %get3A_73 = vector.shape_cast %get3A_72 : vector<1x16xf32> to vector<16xf32>
        %mul3A_74 = arith.mulf %get3A_73, %gather3A_65 : vector<16xf32>
        %swap3A = arith.index_cast %add3A_69 : i32 to index
        %swap3A_75 = arith.constant 0 : index
        %swap3A_76 = tpu.vector_load %arg14[%swap3A, %swap3A_75] {strides = array<i32>} : memref<128x128xf32, #tpu.memory_space<vmem>>, vector<1x16xf32>,
        %swap3A_77 = vector.shape_cast %swap3A_76 : vector<1x16xf32> to vector<16xf32>
        %swap3A_78 = vector.shape_cast %mul3A_74 : vector<16xf32> to vector<1x16xf32>
        tpu.vector_store %arg14[%swap3A, %swap3A_75], %swap3A_78 {strides = array<i32>} : memref<128x128xf32, #tpu.memory_space<vmem>>, vector<1x16xf32>,
        %get3A_79 = arith.index_cast %add3A_69 : i32 to index
        %get3A_80 = arith.constant 16 : index
        %get3A_81 = tpu.vector_load %arg14[%get3A_79, %get3A_80] {strides = array<i32>} : memref<128x128xf32, #tpu.memory_space<vmem>>, vector<1x16xf32>,
        %get3A_82 = vector.shape_cast %get3A_81 : vector<1x16xf32> to vector<16xf32>
        %mul3A_83 = arith.mulf %get3A_82, %gather3A_65 : vector<16xf32>
        %swap3A_84 = arith.index_cast %add3A_69 : i32 to index
        %swap3A_85 = arith.constant 16 : index
        %swap3A_86 = tpu.vector_load %arg14[%swap3A_84, %swap3A_85] {strides = array<i32>} : memref<128x128xf32, #tpu.memory_space<vmem>>, vector<1x16xf32>,
        %swap3A_87 = vector.shape_cast %swap3A_86 : vector<1x16xf32> to vector<16xf32>
        %swap3A_88 = vector.shape_cast %mul3A_83 : vector<16xf32> to vector<1x16xf32>
        tpu.vector_store %arg14[%swap3A_84, %swap3A_85], %swap3A_88 {strides = array<i32>} : memref<128x128xf32, #tpu.memory_space<vmem>>, vector<1x16xf32>,
        %get3A_89 = arith.index_cast %add3A_69 : i32 to index
        %get3A_90 = arith.constant 32 : index
        %get3A_91 = tpu.vector_load %arg14[%get3A_89, %get3A_90] {strides = array<i32>} : memref<128x128xf32, #tpu.memory_space<vmem>>, vector<1x16xf32>,
        %get3A_92 = vector.shape_cast %get3A_91 : vector<1x16xf32> to vector<16xf32>
        %mul3A_93 = arith.mulf %get3A_92, %gather3A_65 : vector<16xf32>
        %swap3A_94 = arith.index_cast %add3A_69 : i32 to index
        %swap3A_95 = arith.constant 32 : index
        %swap3A_96 = tpu.vector_load %arg14[%swap3A_94, %swap3A_95] {strides = array<i32>} : memref<128x128xf32, #tpu.memory_space<vmem>>, vector<1x16xf32>,
        %swap3A_97 = vector.shape_cast %swap3A_96 : vector<1x16xf32> to vector<16xf32>
        %swap3A_98 = vector.shape_cast %mul3A_93 : vector<16xf32> to vector<1x16xf32>
        tpu.vector_store %arg14[%swap3A_94, %swap3A_95], %swap3A_98 {strides = array<i32>} : memref<128x128xf32, #tpu.memory_space<vmem>>, vector<1x16xf32>,
        %get3A_99 = arith.index_cast %add3A_69 : i32 to index
        %get3A_100 = arith.constant 48 : index
        %get3A_101 = tpu.vector_load %arg14[%get3A_99, %get3A_100] {strides = array<i32>} : memref<128x128xf32, #tpu.memory_space<vmem>>, vector<1x16xf32>,
        %get3A_102 = vector.shape_cast %get3A_101 : vector<1x16xf32> to vector<16xf32>
        %mul3A_103 = arith.mulf %get3A_102, %gather3A_65 : vector<16xf32>
        %swap3A_104 = arith.index_cast %add3A_69 : i32 to index
        %swap3A_105 = arith.constant 48 : index
        %swap3A_106 = tpu.vector_load %arg14[%swap3A_104, %swap3A_105] {strides = array<i32>} : memref<128x128xf32, #tpu.memory_space<vmem>>, vector<1x16xf32>,
        %swap3A_107 = vector.shape_cast %swap3A_106 : vector<1x16xf32> to vector<16xf32>
        %swap3A_108 = vector.shape_cast %mul3A_103 : vector<16xf32> to vector<1x16xf32>
        tpu.vector_store %arg14[%swap3A_104, %swap3A_105], %swap3A_108 {strides = array<i32>} : memref<128x128xf32, #tpu.memory_space<vmem>>, vector<1x16xf32>,
        %get3A_109 = arith.index_cast %add3A_69 : i32 to index
        %get3A_110 = arith.constant 64 : index
        %get3A_111 = tpu.vector_load %arg14[%get3A_109, %get3A_110] {strides = array<i32>} : memref<128x128xf32, #tpu.memory_space<vmem>>, vector<1x16xf32>,
        %get3A_112 = vector.shape_cast %get3A_111 : vector<1x16xf32> to vector<16xf32>
        %mul3A_113 = arith.mulf %get3A_112, %gather3A_65 : vector<16xf32>
        %swap3A_114 = arith.index_cast %add3A_69 : i32 to index
        %swap3A_115 = arith.constant 64 : index
        %swap3A_116 = tpu.vector_load %arg14[%swap3A_114, %swap3A_115] {strides = array<i32>} : memref<128x128xf32, #tpu.memory_space<vmem>>, vector<1x16xf32>,
        %swap3A_117 = vector.shape_cast %swap3A_116 : vector<1x16xf32> to vector<16xf32>
        %swap3A_118 = vector.shape_cast %mul3A_113 : vector<16xf32> to vector<1x16xf32>
        tpu.vector_store %arg14[%swap3A_114, %swap3A_115], %swap3A_118 {strides = array<i32>} : memref<128x128xf32, #tpu.memory_space<vmem>>, vector<1x16xf32>,
        %get3A_119 = arith.index_cast %add3A_69 : i32 to index
        %get3A_120 = arith.constant 80 : index
        %get3A_121 = tpu.vector_load %arg14[%get3A_119, %get3A_120] {strides = array<i32>} : memref<128x128xf32, #tpu.memory_space<vmem>>, vector<1x16xf32>,
        %get3A_122 = vector.shape_cast %get3A_121 : vector<1x16xf32> to vector<16xf32>
        %mul3A_123 = arith.mulf %get3A_122, %gather3A_65 : vector<16xf32>
        %swap3A_124 = arith.index_cast %add3A_69 : i32 to index
        %swap3A_125 = arith.constant 80 : index
        %swap3A_126 = tpu.vector_load %arg14[%swap3A_124, %swap3A_125] {strides = array<i32>} : memref<128x128xf32, #tpu.memory_space<vmem>>, vector<1x16xf32>,
        %swap3A_127 = vector.shape_cast %swap3A_126 : vector<1x16xf32> to vector<16xf32>
        %swap3A_128 = vector.shape_cast %mul3A_123 : vector<16xf32> to vector<1x16xf32>
        tpu.vector_store %arg14[%swap3A_124, %swap3A_125], %swap3A_128 {strides = array<i32>} : memref<128x128xf32, #tpu.memory_space<vmem>>, vector<1x16xf32>,
        %get3A_129 = arith.index_cast %add3A_69 : i32 to index
        %get3A_130 = arith.constant 96 : index
        %get3A_131 = tpu.vector_load %arg14[%get3A_129, %get3A_130] {strides = array<i32>} : memref<128x128xf32, #tpu.memory_space<vmem>>, vector<1x16xf32>,
        %get3A_132 = vector.shape_cast %get3A_131 : vector<1x16xf32> to vector<16xf32>
        %mul3A_133 = arith.mulf %get3A_132, %gather3A_65 : vector<16xf32>
        %swap3A_134 = arith.index_cast %add3A_69 : i32 to index
        %swap3A_135 = arith.constant 96 : index
        %swap3A_136 = tpu.vector_load %arg14[%swap3A_134, %swap3A_135] {strides = array<i32>} : memref<128x128xf32, #tpu.memory_space<vmem>>, vector<1x16xf32>,
        %swap3A_137 = vector.shape_cast %swap3A_136 : vector<1x16xf32> to vector<16xf32>
        %swap3A_138 = vector.shape_cast %mul3A_133 : vector<16xf32> to vector<1x16xf32>
        tpu.vector_store %arg14[%swap3A_134, %swap3A_135], %swap3A_138 {strides = array<i32>} : memref<128x128xf32, #tpu.memory_space<vmem>>, vector<1x16xf32>,
        %get3A_139 = arith.index_cast %add3A_69 : i32 to index
        %get3A_140 = arith.constant 112 : index
        %get3A_141 = tpu.vector_load %arg14[%get3A_139, %get3A_140] {strides = array<i32>} : memref<128x128xf32, #tpu.memory_space<vmem>>, vector<1x16xf32>,
        %get3A_142 = vector.shape_cast %get3A_141 : vector<1x16xf32> to vector<16xf32>
        %mul3A_143 = arith.mulf %get3A_142, %gather3A_65 : vector<16xf32>
        %swap3A_144 = arith.index_cast %add3A_69 : i32 to index
        %swap3A_145 = arith.constant 112 : index
        %swap3A_146 = tpu.vector_load %arg14[%swap3A_144, %swap3A_145] {strides = array<i32>} : memref<128x128xf32, #tpu.memory_space<vmem>>, vector<1x16xf32>,
        %swap3A_147 = vector.shape_cast %swap3A_146 : vector<1x16xf32> to vector<16xf32>
        %swap3A_148 = vector.shape_cast %mul3A_143 : vector<16xf32> to vector<1x16xf32>
        tpu.vector_store %arg14[%swap3A_144, %swap3A_145], %swap3A_148 {strides = array<i32>} : memref<128x128xf32, #tpu.memory_space<vmem>>, vector<1x16xf32>,
        %broadcast_in_dim3A_149 = arith.constant 1 : i32
        %broadcast_in_dim3A_150 = vector.broadcast %broadcast_in_dim3A_149 : i32 to vector<16x1xi32>
        %gather3A_151 = vector.shape_cast %broadcast_in_dim3A_150 : vector<16x1xi32> to vector<16xi32>
        %gather3A_152 = tpu.dynamic_gather %get3A_63[%gather3A_151] in [0] : vector<16xf32>, vector<16xi32> -> vector<16xf32>
        %mul3A_153 = arith.constant 16 : i32
        %mul3A_154 = arith.muli %scan3A_58, %mul3A_153 : i32
        %add3A_155 = arith.constant 1 : i32
        %add3A_156 = arith.addi %mul3A_154, %add3A_155 : i32
        %get3A_157 = arith.index_cast %add3A_156 : i32 to index
        %get3A_158 = arith.constant 0 : index
        %get3A_159 = tpu.vector_load %arg14[%get3A_157, %get3A_158] {strides = array<i32>} : memref<128x128xf32, #tpu.memory_space<vmem>>, vector<1x16xf32>,
        %get3A_160 = vector.shape_cast %get3A_159 : vector<1x16xf32> to vector<16xf32>
        %mul3A_161 = arith.mulf %get3A_160, %gather3A_152 : vector<16xf32>
        %swap3A_162 = arith.index_cast %add3A_156 : i32 to index
        %swap3A_163 = arith.constant 0 : index
        %swap3A_164 = tpu.vector_load %arg14[%swap3A_162, %swap3A_163] {strides = array<i32>} : memref<128x128xf32, #tpu.memory_space<vmem>>, vector<1x16xf32>,
        %swap3A_165 = vector.shape_cast %swap3A_164 : vector<1x16xf32> to vector<16xf32>
        %swap3A_166 = vector.shape_cast %mul3A_161 : vector<16xf32> to vector<1x16xf32>
        tpu.vector_store %arg14[%swap3A_162, %swap3A_163], %swap3A_166 {strides = array<i32>} : memref<128x128xf32, #tpu.memory_space<vmem>>, vector<1x16xf32>,
        %get3A_167 = arith.index_cast %add3A_156 : i32 to index
        %get3A_168 = arith.constant 16 : index
        %get3A_169 = tpu.vector_load %arg14[%get3A_167, %get3A_168] {strides = array<i32>} : memref<128x128xf32, #tpu.memory_space<vmem>>, vector<1x16xf32>,
        %get3A_170 = vector.shape_cast %get3A_169 : vector<1x16xf32> to vector<16xf32>
        %mul3A_171 = arith.mulf %get3A_170, %gather3A_152 : vector<16xf32>
        %swap3A_172 = arith.index_cast %add3A_156 : i32 to index
        %swap3A_173 = arith.constant 16 : index
        %swap3A_174 = tpu.vector_load %arg14[%swap3A_172, %swap3A_173] {strides = array<i32>} : memref<128x128xf32, #tpu.memory_space<vmem>>, vector<1x16xf32>,
        %swap3A_175 = vector.shape_cast %swap3A_174 : vector<1x16xf32> to vector<16xf32>
        %swap3A_176 = vector.shape_cast %mul3A_171 : vector<16xf32> to vector<1x16xf32>
        tpu.vector_store %arg14[%swap3A_172, %swap3A_173], %swap3A_176 {strides = array<i32>} : memref<128x128xf32, #tpu.memory_space<vmem>>, vector<1x16xf32>,
        %get3A_177 = arith.index_cast %add3A_156 : i32 to index
        %get3A_178 = arith.constant 32 : index
        %get3A_179 = tpu.vector_load %arg14[%get3A_177, %get3A_178] {strides = array<i32>} : memref<128x128xf32, #tpu.memory_space<vmem>>, vector<1x16xf32>,
        %get3A_180 = vector.shape_cast %get3A_179 : vector<1x16xf32> to vector<16xf32>
        %mul3A_181 = arith.mulf %get3A_180, %gather3A_152 : vector<16xf32>
        %swap3A_182 = arith.index_cast %add3A_156 : i32 to index
        %swap3A_183 = arith.constant 32 : index
        %swap3A_184 = tpu.vector_load %arg14[%swap3A_182, %swap3A_183] {strides = array<i32>} : memref<128x128xf32, #tpu.memory_space<vmem>>, vector<1x16xf32>,
        %swap3A_185 = vector.shape_cast %swap3A_184 : vector<1x16xf32> to vector<16xf32>
        %swap3A_186 = vector.shape_cast %mul3A_181 : vector<16xf32> to vector<1x16xf32>
        tpu.vector_store %arg14[%swap3A_182, %swap3A_183], %swap3A_186 {strides = array<i32>} : memref<128x128xf32, #tpu.memory_space<vmem>>, vector<1x16xf32>,
        %get3A_187 = arith.index_cast %add3A_156 : i32 to index
        %get3A_188 = arith.constant 48 : index
        %get3A_189 = tpu.vector_load %arg14[%get3A_187, %get3A_188] {strides = array<i32>} : memref<128x128xf32, #tpu.memory_space<vmem>>, vector<1x16xf32>,
        %get3A_190 = vector.shape_cast %get3A_189 : vector<1x16xf32> to vector<16xf32>
        %mul3A_191 = arith.mulf %get3A_190, %gather3A_152 : vector<16xf32>
        %swap3A_192 = arith.index_cast %add3A_156 : i32 to index
        %swap3A_193 = arith.constant 48 : index
        %swap3A_194 = tpu.vector_load %arg14[%swap3A_192, %swap3A_193] {strides = array<i32>} : memref<128x128xf32, #tpu.memory_space<vmem>>, vector<1x16xf32>,
        %swap3A_195 = vector.shape_cast %swap3A_194 : vector<1x16xf32> to vector<16xf32>
        %swap3A_196 = vector.shape_cast %mul3A_191 : vector<16xf32> to vector<1x16xf32>
        tpu.vector_store %arg14[%swap3A_192, %swap3A_193], %swap3A_196 {strides = array<i32>} : memref<128x128xf32, #tpu.memory_space<vmem>>, vector<1x16xf32>,
        %get3A_197 = arith.index_cast %add3A_156 : i32 to index
        %get3A_198 = arith.constant 64 : index
        %get3A_199 = tpu.vector_load %arg14[%get3A_197, %get3A_198] {strides = array<i32>} : memref<128x128xf32, #tpu.memory_space<vmem>>, vector<1x16xf32>,
        %get3A_200 = vector.shape_cast %get3A_199 : vector<1x16xf32> to vector<16xf32>
        %mul3A_201 = arith.mulf %get3A_200, %gather3A_152 : vector<16xf32>
        %swap3A_202 = arith.index_cast %add3A_156 : i32 to index
        %swap3A_203 = arith.constant 64 : index
        %swap3A_204 = tpu.vector_load %arg14[%swap3A_202, %swap3A_203] {strides = array<i32>} : memref<128x128xf32, #tpu.memory_space<vmem>>, vector<1x16xf32>,
        %swap3A_205 = vector.shape_cast %swap3A_204 : vector<1x16xf32> to vector<16xf32>
        %swap3A_206 = vector.shape_cast %mul3A_201 : vector<16xf32> to vector<1x16xf32>
        tpu.vector_store %arg14[%swap3A_202, %swap3A_203], %swap3A_206 {strides = array<i32>} : memref<128x128xf32, #tpu.memory_space<vmem>>, vector<1x16xf32>,
        %get3A_207 = arith.index_cast %add3A_156 : i32 to index
        %get3A_208 = arith.constant 80 : index
        %get3A_209 = tpu.vector_load %arg14[%get3A_207, %get3A_208] {strides = array<i32>} : memref<128x128xf32, #tpu.memory_space<vmem>>, vector<1x16xf32>,
        %get3A_210 = vector.shape_cast %get3A_209 : vector<1x16xf32> to vector<16xf32>
        %mul3A_211 = arith.mulf %get3A_210, %gather3A_152 : vector<16xf32>
        %swap3A_212 = arith.index_cast %add3A_156 : i32 to index
        %swap3A_213 = arith.constant 80 : index
        %swap3A_214 = tpu.vector_load %arg14[%swap3A_212, %swap3A_213] {strides = array<i32>} : memref<128x128xf32, #tpu.memory_space<vmem>>, vector<1x16xf32>,
        %swap3A_215 = vector.shape_cast %swap3A_214 : vector<1x16xf32> to vector<16xf32>
        %swap3A_216 = vector.shape_cast %mul3A_211 : vector<16xf32> to vector<1x16xf32>
        tpu.vector_store %arg14[%swap3A_212, %swap3A_213], %swap3A_216 {strides = array<i32>} : memref<128x128xf32, #tpu.memory_space<vmem>>, vector<1x16xf32>,
        %get3A_217 = arith.index_cast %add3A_156 : i32 to index
        %get3A_218 = arith.constant 96 : index
        %get3A_219 = tpu.vector_load %arg14[%get3A_217, %get3A_218] {strides = array<i32>} : memref<128x128xf32, #tpu.memory_space<vmem>>, vector<1x16xf32>,
        %get3A_220 = vector.shape_cast %get3A_219 : vector<1x16xf32> to vector<16xf32>
        %mul3A_221 = arith.mulf %get3A_220, %gather3A_152 : vector<16xf32>
        %swap3A_222 = arith.index_cast %add3A_156 : i32 to index
        %swap3A_223 = arith.constant 96 : index
        %swap3A_224 = tpu.vector_load %arg14[%swap3A_222, %swap3A_223] {strides = array<i32>} : memref<128x128xf32, #tpu.memory_space<vmem>>, vector<1x16xf32>,
        %swap3A_225 = vector.shape_cast %swap3A_224 : vector<1x16xf32> to vector<16xf32>
        %swap3A_226 = vector.shape_cast %mul3A_221 : vector<16xf32> to vector<1x16xf32>
        tpu.vector_store %arg14[%swap3A_222, %swap3A_223], %swap3A_226 {strides = array<i32>} : memref<128x128xf32, #tpu.memory_space<vmem>>, vector<1x16xf32>,
        %get3A_227 = arith.index_cast %add3A_156 : i32 to index
        %get3A_228 = arith.constant 112 : index
        %get3A_229 = tpu.vector_load %arg14[%get3A_227, %get3A_228] {strides = array<i32>} : memref<128x128xf32, #tpu.memory_space<vmem>>, vector<1x16xf32>,
        %get3A_230 = vector.shape_cast %get3A_229 : vector<1x16xf32> to vector<16xf32>
        %mul3A_231 = arith.mulf %get3A_230, %gather3A_152 : vector<16xf32>
        %swap3A_232 = arith.index_cast %add3A_156 : i32 to index
        %swap3A_233 = arith.constant 112 : index
        %swap3A_234 = tpu.vector_load %arg14[%swap3A_232, %swap3A_233] {strides = array<i32>} : memref<128x128xf32, #tpu.memory_space<vmem>>, vector<1x16xf32>,
        %swap3A_235 = vector.shape_cast %swap3A_234 : vector<1x16xf32> to vector<16xf32>
        %swap3A_236 = vector.shape_cast %mul3A_231 : vector<16xf32> to vector<1x16xf32>
        tpu.vector_store %arg14[%swap3A_232, %swap3A_233], %swap3A_236 {strides = array<i32>} : memref<128x128xf32, #tpu.memory_space<vmem>>, vector<1x16xf32>,
        %broadcast_in_dim3A_237 = arith.constant 2 : i32
        %broadcast_in_dim3A_238 = vector.broadcast %broadcast_in_dim3A_237 : i32 to vector<16x1xi32>
        %gather3A_239 = vector.shape_cast %broadcast_in_dim3A_238 : vector<16x1xi32> to vector<16xi32>
        %gather3A_240 = tpu.dynamic_gather %get3A_63[%gather3A_239] in [0] : vector<16xf32>, vector<16xi32> -> vector<16xf32>
        %mul3A_241 = arith.constant 16 : i32
        %mul3A_242 = arith.muli %scan3A_58, %mul3A_241 : i32
        %add3A_243 = arith.constant 2 : i32
        %add3A_244 = arith.addi %mul3A_242, %add3A_243 : i32
        %get3A_245 = arith.index_cast %add3A_244 : i32 to index
        %get3A_246 = arith.constant 0 : index
        %get3A_247 = tpu.vector_load %arg14[%get3A_245, %get3A_246] {strides = array<i32>} : memref<128x128xf32, #tpu.memory_space<vmem>>, vector<1x16xf32>,
        %get3A_248 = vector.shape_cast %get3A_247 : vector<1x16xf32> to vector<16xf32>
        %mul3A_249 = arith.mulf %get3A_248, %gather3A_240 : vector<16xf32>
        %swap3A_250 = arith.index_cast %add3A_244 : i32 to index
        %swap3A_251 = arith.constant 0 : index
        %swap3A_252 = tpu.vector_load %arg14[%swap3A_250, %swap3A_251] {strides = array<i32>} : memref<128x128xf32, #tpu.memory_space<vmem>>, vector<1x16xf32>,
        %swap3A_253 = vector.shape_cast %swap3A_252 : vector<1x16xf32> to vector<16xf32>
        %swap3A_254 = vector.shape_cast %mul3A_249 : vector<16xf32> to vector<1x16xf32>
        tpu.vector_store %arg14[%swap3A_250, %swap3A_251], %swap3A_254 {strides = array<i32>} : memref<128x128xf32, #tpu.memory_space<vmem>>, vector<1x16xf32>,
        %get3A_255 = arith.index_cast %add3A_244 : i32 to index
        %get3A_256 = arith.constant 16 : index
        %get3A_257 = tpu.vector_load %arg14[%get3A_255, %get3A_256] {strides = array<i32>} : memref<128x128xf32, #tpu.memory_space<vmem>>, vector<1x16xf32>,
        %get3A_258 = vector.shape_cast %get3A_257 : vector<1x16xf32> to vector<16xf32>
        %mul3A_259 = arith.mulf %get3A_258, %gather3A_240 : vector<16xf32>
        %swap3A_260 = arith.index_cast %add3A_244 : i32 to index
        %swap3A_261 = arith.constant 16 : index
        %swap3A_262 = tpu.vector_load %arg14[%swap3A_260, %swap3A_261] {strides = array<i32>} : memref<128x128xf32, #tpu.memory_space<vmem>>, vector<1x16xf32>,
        %swap3A_263 = vector.shape_cast %swap3A_262 : vector<1x16xf32> to vector<16xf32>
        %swap3A_264 = vector.shape_cast %mul3A_259 : vector<16xf32> to vector<1x16xf32>
        tpu.vector_store %arg14[%swap3A_260, %swap3A_261], %swap3A_264 {strides = array<i32>} : memref<128x128xf32, #tpu.memory_space<vmem>>, vector<1x16xf32>,
        %get3A_265 = arith.index_cast %add3A_244 : i32 to index
        %get3A_266 = arith.constant 32 : index
        %get3A_267 = tpu.vector_load %arg14[%get3A_265, %get3A_266] {strides = array<i32>} : memref<128x128xf32, #tpu.memory_space<vmem>>, vector<1x16xf32>,
        %get3A_268 = vector.shape_cast %get3A_267 : vector<1x16xf32> to vector<16xf32>
        %mul3A_269 = arith.mulf %get3A_268, %gather3A_240 : vector<16xf32>
        %swap3A_270 = arith.index_cast %add3A_244 : i32 to index
        %swap3A_271 = arith.constant 32 : index
        %swap3A_272 = tpu.vector_load %arg14[%swap3A_270, %swap3A_271] {strides = array<i32>} : memref<128x128xf32, #tpu.memory_space<vmem>>, vector<1x16xf32>,
        %swap3A_273 = vector.shape_cast %swap3A_272 : vector<1x16xf32> to vector<16xf32>
        %swap3A_274 = vector.shape_cast %mul3A_269 : vector<16xf32> to vector<1x16xf32>
        tpu.vector_store %arg14[%swap3A_270, %swap3A_271], %swap3A_274 {strides = array<i32>} : memref<128x128xf32, #tpu.memory_space<vmem>>, vector<1x16xf32>,
        %get3A_275 = arith.index_cast %add3A_244 : i32 to index
        %get3A_276 = arith.constant 48 : index
        %get3A_277 = tpu.vector_load %arg14[%get3A_275, %get3A_276] {strides = array<i32>} : memref<128x128xf32, #tpu.memory_space<vmem>>, vector<1x16xf32>,
        %get3A_278 = vector.shape_cast %get3A_277 : vector<1x16xf32> to vector<16xf32>
        %mul3A_279 = arith.mulf %get3A_278, %gather3A_240 : vector<16xf32>
        %swap3A_280 = arith.index_cast %add3A_244 : i32 to index
        %swap3A_281 = arith.constant 48 : index
        %swap3A_282 = tpu.vector_load %arg14[%swap3A_280, %swap3A_281] {strides = array<i32>} : memref<128x128xf32, #tpu.memory_space<vmem>>, vector<1x16xf32>,
        %swap3A_283 = vector.shape_cast %swap3A_282 : vector<1x16xf32> to vector<16xf32>
        %swap3A_284 = vector.shape_cast %mul3A_279 : vector<16xf32> to vector<1x16xf32>
        tpu.vector_store %arg14[%swap3A_280, %swap3A_281], %swap3A_284 {strides = array<i32>} : memref<128x128xf32, #tpu.memory_space<vmem>>, vector<1x16xf32>,
        %get3A_285 = arith.index_cast %add3A_244 : i32 to index
        %get3A_286 = arith.constant 64 : index
        %get3A_287 = tpu.vector_load %arg14[%get3A_285, %get3A_286] {strides = array<i32>} : memref<128x128xf32, #tpu.memory_space<vmem>>, vector<1x16xf32>,
        %get3A_288 = vector.shape_cast %get3A_287 : vector<1x16xf32> to vector<16xf32>
        %mul3A_289 = arith.mulf %get3A_288, %gather3A_240 : vector<16xf32>
        %swap3A_290 = arith.index_cast %add3A_244 : i32 to index
        %swap3A_291 = arith.constant 64 : index
        %swap3A_292 = tpu.vector_load %arg14[%swap3A_290, %swap3A_291] {strides = array<i32>} : memref<128x128xf32, #tpu.memory_space<vmem>>, vector<1x16xf32>,
        %swap3A_293 = vector.shape_cast %swap3A_292 : vector<1x16xf32> to vector<16xf32>
        %swap3A_294 = vector.shape_cast %mul3A_289 : vector<16xf32> to vector<1x16xf32>
        tpu.vector_store %arg14[%swap3A_290, %swap3A_291], %swap3A_294 {strides = array<i32>} : memref<128x128xf32, #tpu.memory_space<vmem>>, vector<1x16xf32>,
        %get3A_295 = arith.index_cast %add3A_244 : i32 to index
        %get3A_296 = arith.constant 80 : index
        %get3A_297 = tpu.vector_load %arg14[%get3A_295, %get3A_296] {strides = array<i32>} : memref<128x128xf32, #tpu.memory_space<vmem>>, vector<1x16xf32>,
        %get3A_298 = vector.shape_cast %get3A_297 : vector<1x16xf32> to vector<16xf32>
        %mul3A_299 = arith.mulf %get3A_298, %gather3A_240 : vector<16xf32>
        %swap3A_300 = arith.index_cast %add3A_244 : i32 to index
        %swap3A_301 = arith.constant 80 : index
        %swap3A_302 = tpu.vector_load %arg14[%swap3A_300, %swap3A_301] {strides = array<i32>} : memref<128x128xf32, #tpu.memory_space<vmem>>, vector<1x16xf32>,
        %swap3A_303 = vector.shape_cast %swap3A_302 : vector<1x16xf32> to vector<16xf32>
        %swap3A_304 = vector.shape_cast %mul3A_299 : vector<16xf32> to vector<1x16xf32>
        tpu.vector_store %arg14[%swap3A_300, %swap3A_301], %swap3A_304 {strides = array<i32>} : memref<128x128xf32, #tpu.memory_space<vmem>>, vector<1x16xf32>,
        %get3A_305 = arith.index_cast %add3A_244 : i32 to index
        %get3A_306 = arith.constant 96 : index
        %get3A_307 = tpu.vector_load %arg14[%get3A_305, %get3A_306] {strides = array<i32>} : memref<128x128xf32, #tpu.memory_space<vmem>>, vector<1x16xf32>,
        %get3A_308 = vector.shape_cast %get3A_307 : vector<1x16xf32> to vector<16xf32>
        %mul3A_309 = arith.mulf %get3A_308, %gather3A_240 : vector<16xf32>
        %swap3A_310 = arith.index_cast %add3A_244 : i32 to index
        %swap3A_311 = arith.constant 96 : index
        %swap3A_312 = tpu.vector_load %arg14[%swap3A_310, %swap3A_311] {strides = array<i32>} : memref<128x128xf32, #tpu.memory_space<vmem>>, vector<1x16xf32>,
        %swap3A_313 = vector.shape_cast %swap3A_312 : vector<1x16xf32> to vector<16xf32>
        %swap3A_314 = vector.shape_cast %mul3A_309 : vector<16xf32> to vector<1x16xf32>
        tpu.vector_store %arg14[%swap3A_310, %swap3A_311], %swap3A_314 {strides = array<i32>} : memref<128x128xf32, #tpu.memory_space<vmem>>, vector<1x16xf32>,
        %get3A_315 = arith.index_cast %add3A_244 : i32 to index
        %get3A_316 = arith.constant 112 : index
        %get3A_317 = tpu.vector_load %arg14[%get3A_315, %get3A_316] {strides = array<i32>} : memref<128x128xf32, #tpu.memory_space<vmem>>, vector<1x16xf32>,
        %get3A_318 = vector.shape_cast %get3A_317 : vector<1x16xf32> to vector<16xf32>
        %mul3A_319 = arith.mulf %get3A_318, %gather3A_240 : vector<16xf32>
        %swap3A_320 = arith.index_cast %add3A_244 : i32 to index
        %swap3A_321 = arith.constant 112 : index
        %swap3A_322 = tpu.vector_load %arg14[%swap3A_320, %swap3A_321] {strides = array<i32>} : memref<128x128xf32, #tpu.memory_space<vmem>>, vector<1x16xf32>,
        %swap3A_323 = vector.shape_cast %swap3A_322 : vector<1x16xf32> to vector<16xf32>
        %swap3A_324 = vector.shape_cast %mul3A_319 : vector<16xf32> to vector<1x16xf32>
        tpu.vector_store %arg14[%swap3A_320, %swap3A_321], %swap3A_324 {strides = array<i32>} : memref<128x128xf32, #tpu.memory_space<vmem>>, vector<1x16xf32>,
        %broadcast_in_dim3A_325 = arith.constant 3 : i32
        %broadcast_in_dim3A_326 = vector.broadcast %broadcast_in_dim3A_325 : i32 to vector<16x1xi32>
        %gather3A_327 = vector.shape_cast %broadcast_in_dim3A_326 : vector<16x1xi32> to vector<16xi32>
        %gather3A_328 = tpu.dynamic_gather %get3A_63[%gather3A_327] in [0] : vector<16xf32>, vector<16xi32> -> vector<16xf32>
        %mul3A_329 = arith.constant 16 : i32
        %mul3A_330 = arith.muli %scan3A_58, %mul3A_329 : i32
        %add3A_331 = arith.constant 3 : i32
        %add3A_332 = arith.addi %mul3A_330, %add3A_331 : i32
        %get3A_333 = arith.index_cast %add3A_332 : i32 to index
        %get3A_334 = arith.constant 0 : index
        %get3A_335 = tpu.vector_load %arg14[%get3A_333, %get3A_334] {strides = array<i32>} : memref<128x128xf32, #tpu.memory_space<vmem>>, vector<1x16xf32>,
        %get3A_336 = vector.shape_cast %get3A_335 : vector<1x16xf32> to vector<16xf32>
        %mul3A_337 = arith.mulf %get3A_336, %gather3A_328 : vector<16xf32>
        %swap3A_338 = arith.index_cast %add3A_332 : i32 to index
        %swap3A_339 = arith.constant 0 : index
        %swap3A_340 = tpu.vector_load %arg14[%swap3A_338, %swap3A_339] {strides = array<i32>} : memref<128x128xf32, #tpu.memory_space<vmem>>, vector<1x16xf32>,
        %swap3A_341 = vector.shape_cast %swap3A_340 : vector<1x16xf32> to vector<16xf32>
        %swap3A_342 = vector.shape_cast %mul3A_337 : vector<16xf32> to vector<1x16xf32>
        tpu.vector_store %arg14[%swap3A_338, %swap3A_339], %swap3A_342 {strides = array<i32>} : memref<128x128xf32, #tpu.memory_space<vmem>>, vector<1x16xf32>,
        %get3A_343 = arith.index_cast %add3A_332 : i32 to index
        %get3A_344 = arith.constant 16 : index
        %get3A_345 = tpu.vector_load %arg14[%get3A_343, %get3A_344] {strides = array<i32>} : memref<128x128xf32, #tpu.memory_space<vmem>>, vector<1x16xf32>,
        %get3A_346 = vector.shape_cast %get3A_345 : vector<1x16xf32> to vector<16xf32>
        %mul3A_347 = arith.mulf %get3A_346, %gather3A_328 : vector<16xf32>
        %swap3A_348 = arith.index_cast %add3A_332 : i32 to index
        %swap3A_349 = arith.constant 16 : index
        %swap3A_350 = tpu.vector_load %arg14[%swap3A_348, %swap3A_349] {strides = array<i32>} : memref<128x128xf32, #tpu.memory_space<vmem>>, vector<1x16xf32>,
        %swap3A_351 = vector.shape_cast %swap3A_350 : vector<1x16xf32> to vector<16xf32>
        %swap3A_352 = vector.shape_cast %mul3A_347 : vector<16xf32> to vector<1x16xf32>
        tpu.vector_store %arg14[%swap3A_348, %swap3A_349], %swap3A_352 {strides = array<i32>} : memref<128x128xf32, #tpu.memory_space<vmem>>, vector<1x16xf32>,
        %get3A_353 = arith.index_cast %add3A_332 : i32 to index
        %get3A_354 = arith.constant 32 : index
        %get3A_355 = tpu.vector_load %arg14[%get3A_353, %get3A_354] {strides = array<i32>} : memref<128x128xf32, #tpu.memory_space<vmem>>, vector<1x16xf32>,
        %get3A_356 = vector.shape_cast %get3A_355 : vector<1x16xf32> to vector<16xf32>
        %mul3A_357 = arith.mulf %get3A_356, %gather3A_328 : vector<16xf32>
        %swap3A_358 = arith.index_cast %add3A_332 : i32 to index
        %swap3A_359 = arith.constant 32 : index
        %swap3A_360 = tpu.vector_load %arg14[%swap3A_358, %swap3A_359] {strides = array<i32>} : memref<128x128xf32, #tpu.memory_space<vmem>>, vector<1x16xf32>,
        %swap3A_361 = vector.shape_cast %swap3A_360 : vector<1x16xf32> to vector<16xf32>
        %swap3A_362 = vector.shape_cast %mul3A_357 : vector<16xf32> to vector<1x16xf32>
        tpu.vector_store %arg14[%swap3A_358, %swap3A_359], %swap3A_362 {strides = array<i32>} : memref<128x128xf32, #tpu.memory_space<vmem>>, vector<1x16xf32>,
        %get3A_363 = arith.index_cast %add3A_332 : i32 to index
        %get3A_364 = arith.constant 48 : index
        %get3A_365 = tpu.vector_load %arg14[%get3A_363, %get3A_364] {strides = array<i32>} : memref<128x128xf32, #tpu.memory_space<vmem>>, vector<1x16xf32>,
        %get3A_366 = vector.shape_cast %get3A_365 : vector<1x16xf32> to vector<16xf32>
        %mul3A_367 = arith.mulf %get3A_366, %gather3A_328 : vector<16xf32>
        %swap3A_368 = arith.index_cast %add3A_332 : i32 to index
        %swap3A_369 = arith.constant 48 : index
        %swap3A_370 = tpu.vector_load %arg14[%swap3A_368, %swap3A_369] {strides = array<i32>} : memref<128x128xf32, #tpu.memory_space<vmem>>, vector<1x16xf32>,
        %swap3A_371 = vector.shape_cast %swap3A_370 : vector<1x16xf32> to vector<16xf32>
        %swap3A_372 = vector.shape_cast %mul3A_367 : vector<16xf32> to vector<1x16xf32>
        tpu.vector_store %arg14[%swap3A_368, %swap3A_369], %swap3A_372 {strides = array<i32>} : memref<128x128xf32, #tpu.memory_space<vmem>>, vector<1x16xf32>,
        %get3A_373 = arith.index_cast %add3A_332 : i32 to index
        %get3A_374 = arith.constant 64 : index
        %get3A_375 = tpu.vector_load %arg14[%get3A_373, %get3A_374] {strides = array<i32>} : memref<128x128xf32, #tpu.memory_space<vmem>>, vector<1x16xf32>,
        %get3A_376 = vector.shape_cast %get3A_375 : vector<1x16xf32> to vector<16xf32>
        %mul3A_377 = arith.mulf %get3A_376, %gather3A_328 : vector<16xf32>
        %swap3A_378 = arith.index_cast %add3A_332 : i32 to index
        %swap3A_379 = arith.constant 64 : index
        %swap3A_380 = tpu.vector_load %arg14[%swap3A_378, %swap3A_379] {strides = array<i32>} : memref<128x128xf32, #tpu.memory_space<vmem>>, vector<1x16xf32>,
        %swap3A_381 = vector.shape_cast %swap3A_380 : vector<1x16xf32> to vector<16xf32>
        %swap3A_382 = vector.shape_cast %mul3A_377 : vector<16xf32> to vector<1x16xf32>
        tpu.vector_store %arg14[%swap3A_378, %swap3A_379], %swap3A_382 {strides = array<i32>} : memref<128x128xf32, #tpu.memory_space<vmem>>, vector<1x16xf32>,
        %get3A_383 = arith.index_cast %add3A_332 : i32 to index
        %get3A_384 = arith.constant 80 : index
        %get3A_385 = tpu.vector_load %arg14[%get3A_383, %get3A_384] {strides = array<i32>} : memref<128x128xf32, #tpu.memory_space<vmem>>, vector<1x16xf32>,
        %get3A_386 = vector.shape_cast %get3A_385 : vector<1x16xf32> to vector<16xf32>
        %mul3A_387 = arith.mulf %get3A_386, %gather3A_328 : vector<16xf32>
        %swap3A_388 = arith.index_cast %add3A_332 : i32 to index
        %swap3A_389 = arith.constant 80 : index
        %swap3A_390 = tpu.vector_load %arg14[%swap3A_388, %swap3A_389] {strides = array<i32>} : memref<128x128xf32, #tpu.memory_space<vmem>>, vector<1x16xf32>,
        %swap3A_391 = vector.shape_cast %swap3A_390 : vector<1x16xf32> to vector<16xf32>
        %swap3A_392 = vector.shape_cast %mul3A_387 : vector<16xf32> to vector<1x16xf32>
        tpu.vector_store %arg14[%swap3A_388, %swap3A_389], %swap3A_392 {strides = array<i32>} : memref<128x128xf32, #tpu.memory_space<vmem>>, vector<1x16xf32>,
        %get3A_393 = arith.index_cast %add3A_332 : i32 to index
        %get3A_394 = arith.constant 96 : index
        %get3A_395 = tpu.vector_load %arg14[%get3A_393, %get3A_394] {strides = array<i32>} : memref<128x128xf32, #tpu.memory_space<vmem>>, vector<1x16xf32>,
        %get3A_396 = vector.shape_cast %get3A_395 : vector<1x16xf32> to vector<16xf32>
        %mul3A_397 = arith.mulf %get3A_396, %gather3A_328 : vector<16xf32>
        %swap3A_398 = arith.index_cast %add3A_332 : i32 to index
        %swap3A_399 = arith.constant 96 : index
        %swap3A_400 = tpu.vector_load %arg14[%swap3A_398, %swap3A_399] {strides = array<i32>} : memref<128x128xf32, #tpu.memory_space<vmem>>, vector<1x16xf32>,
        %swap3A_401 = vector.shape_cast %swap3A_400 : vector<1x16xf32> to vector<16xf32>
        %swap3A_402 = vector.shape_cast %mul3A_397 : vector<16xf32> to vector<1x16xf32>
        tpu.vector_store %arg14[%swap3A_398, %swap3A_399], %swap3A_402 {strides = array<i32>} : memref<128x128xf32, #tpu.memory_space<vmem>>, vector<1x16xf32>,
        %get3A_403 = arith.index_cast %add3A_332 : i32 to index
        %get3A_404 = arith.constant 112 : index
        %get3A_405 = tpu.vector_load %arg14[%get3A_403, %get3A_404] {strides = array<i32>} : memref<128x128xf32, #tpu.memory_space<vmem>>, vector<1x16xf32>,
        %get3A_406 = vector.shape_cast %get3A_405 : vector<1x16xf32> to vector<16xf32>
        %mul3A_407 = arith.mulf %get3A_406, %gather3A_328 : vector<16xf32>
        %swap3A_408 = arith.index_cast %add3A_332 : i32 to index
        %swap3A_409 = arith.constant 112 : index
        %swap3A_410 = tpu.vector_load %arg14[%swap3A_408, %swap3A_409] {strides = array<i32>} : memref<128x128xf32, #tpu.memory_space<vmem>>, vector<1x16xf32>,
        %swap3A_411 = vector.shape_cast %swap3A_410 : vector<1x16xf32> to vector<16xf32>
        %swap3A_412 = vector.shape_cast %mul3A_407 : vector<16xf32> to vector<1x16xf32>
        tpu.vector_store %arg14[%swap3A_408, %swap3A_409], %swap3A_412 {strides = array<i32>} : memref<128x128xf32, #tpu.memory_space<vmem>>, vector<1x16xf32>,
        %broadcast_in_dim3A_413 = arith.constant 4 : i32
        %broadcast_in_dim3A_414 = vector.broadcast %broadcast_in_dim3A_413 : i32 to vector<16x1xi32>
        %gather3A_415 = vector.shape_cast %broadcast_in_dim3A_414 : vector<16x1xi32> to vector<16xi32>
        %gather3A_416 = tpu.dynamic_gather %get3A_63[%gather3A_415] in [0] : vector<16xf32>, vector<16xi32> -> vector<16xf32>
        %mul3A_417 = arith.constant 16 : i32
        %mul3A_418 = arith.muli %scan3A_58, %mul3A_417 : i32
        %add3A_419 = arith.constant 4 : i32
        %add3A_420 = arith.addi %mul3A_418, %add3A_419 : i32
        %get3A_421 = arith.index_cast %add3A_420 : i32 to index
        %get3A_422 = arith.constant 0 : index
        %get3A_423 = tpu.vector_load %arg14[%get3A_421, %get3A_422] {strides = array<i32>} : memref<128x128xf32, #tpu.memory_space<vmem>>, vector<1x16xf32>,
        %get3A_424 = vector.shape_cast %get3A_423 : vector<1x16xf32> to vector<16xf32>
        %mul3A_425 = arith.mulf %get3A_424, %gather3A_416 : vector<16xf32>
        %swap3A_426 = arith.index_cast %add3A_420 : i32 to index
        %swap3A_427 = arith.constant 0 : index
        %swap3A_428 = tpu.vector_load %arg14[%swap3A_426, %swap3A_427] {strides = array<i32>} : memref<128x128xf32, #tpu.memory_space<vmem>>, vector<1x16xf32>,
        %swap3A_429 = vector.shape_cast %swap3A_428 : vector<1x16xf32> to vector<16xf32>
        %swap3A_430 = vector.shape_cast %mul3A_425 : vector<16xf32> to vector<1x16xf32>
        tpu.vector_store %arg14[%swap3A_426, %swap3A_427], %swap3A_430 {strides = array<i32>} : memref<128x128xf32, #tpu.memory_space<vmem>>, vector<1x16xf32>,
        %get3A_431 = arith.index_cast %add3A_420 : i32 to index
        %get3A_432 = arith.constant 16 : index
        %get3A_433 = tpu.vector_load %arg14[%get3A_431, %get3A_432] {strides = array<i32>} : memref<128x128xf32, #tpu.memory_space<vmem>>, vector<1x16xf32>,
        %get3A_434 = vector.shape_cast %get3A_433 : vector<1x16xf32> to vector<16xf32>
        %mul3A_435 = arith.mulf %get3A_434, %gather3A_416 : vector<16xf32>
        %swap3A_436 = arith.index_cast %add3A_420 : i32 to index
        %swap3A_437 = arith.constant 16 : index
        %swap3A_438 = tpu.vector_load %arg14[%swap3A_436, %swap3A_437] {strides = array<i32>} : memref<128x128xf32, #tpu.memory_space<vmem>>, vector<1x16xf32>,
        %swap3A_439 = vector.shape_cast %swap3A_438 : vector<1x16xf32> to vector<16xf32>
        %swap3A_440 = vector.shape_cast %mul3A_435 : vector<16xf32> to vector<1x16xf32>
        tpu.vector_store %arg14[%swap3A_436, %swap3A_437], %swap3A_440 {strides = array<i32>} : memref<128x128xf32, #tpu.memory_space<vmem>>, vector<1x16xf32>,
        %get3A_441 = arith.index_cast %add3A_420 : i32 to index
        %get3A_442 = arith.constant 32 : index
        %get3A_443 = tpu.vector_load %arg14[%get3A_441, %get3A_442] {strides = array<i32>} : memref<128x128xf32, #tpu.memory_space<vmem>>, vector<1x16xf32>,
        %get3A_444 = vector.shape_cast %get3A_443 : vector<1x16xf32> to vector<16xf32>
        %mul3A_445 = arith.mulf %get3A_444, %gather3A_416 : vector<16xf32>
        %swap3A_446 = arith.index_cast %add3A_420 : i32 to index
        %swap3A_447 = arith.constant 32 : index
        %swap3A_448 = tpu.vector_load %arg14[%swap3A_446, %swap3A_447] {strides = array<i32>} : memref<128x128xf32, #tpu.memory_space<vmem>>, vector<1x16xf32>,
        %swap3A_449 = vector.shape_cast %swap3A_448 : vector<1x16xf32> to vector<16xf32>
        %swap3A_450 = vector.shape_cast %mul3A_445 : vector<16xf32> to vector<1x16xf32>
        tpu.vector_store %arg14[%swap3A_446, %swap3A_447], %swap3A_450 {strides = array<i32>} : memref<128x128xf32, #tpu.memory_space<vmem>>, vector<1x16xf32>,
        %get3A_451 = arith.index_cast %add3A_420 : i32 to index
        %get3A_452 = arith.constant 48 : index
        %get3A_453 = tpu.vector_load %arg14[%get3A_451, %get3A_452] {strides = array<i32>} : memref<128x128xf32, #tpu.memory_space<vmem>>, vector<1x16xf32>,
        %get3A_454 = vector.shape_cast %get3A_453 : vector<1x16xf32> to vector<16xf32>
        %mul3A_455 = arith.mulf %get3A_454, %gather3A_416 : vector<16xf32>
        %swap3A_456 = arith.index_cast %add3A_420 : i32 to index
        %swap3A_457 = arith.constant 48 : index
        %swap3A_458 = tpu.vector_load %arg14[%swap3A_456, %swap3A_457] {strides = array<i32>} : memref<128x128xf32, #tpu.memory_space<vmem>>, vector<1x16xf32>,
        %swap3A_459 = vector.shape_cast %swap3A_458 : vector<1x16xf32> to vector<16xf32>
        %swap3A_460 = vector.shape_cast %mul3A_455 : vector<16xf32> to vector<1x16xf32>
        tpu.vector_store %arg14[%swap3A_456, %swap3A_457], %swap3A_460 {strides = array<i32>} : memref<128x128xf32, #tpu.memory_space<vmem>>, vector<1x16xf32>,
        %get3A_461 = arith.index_cast %add3A_420 : i32 to index
        %get3A_462 = arith.constant 64 : index
        %get3A_463 = tpu.vector_load %arg14[%get3A_461, %get3A_462] {strides = array<i32>} : memref<128x128xf32, #tpu.memory_space<vmem>>, vector<1x16xf32>,
        %get3A_464 = vector.shape_cast %get3A_463 : vector<1x16xf32> to vector<16xf32>
        %mul3A_465 = arith.mulf %get3A_464, %gather3A_416 : vector<16xf32>
        %swap3A_466 = arith.index_cast %add3A_420 : i32 to index
        %swap3A_467 = arith.constant 64 : index
        %swap3A_468 = tpu.vector_load %arg14[%swap3A_466, %swap3A_467] {strides = array<i32>} : memref<128x128xf32, #tpu.memory_space<vmem>>, vector<1x16xf32>,
        %swap3A_469 = vector.shape_cast %swap3A_468 : vector<1x16xf32> to vector<16xf32>
        %swap3A_470 = vector.shape_cast %mul3A_465 : vector<16xf32> to vector<1x16xf32>
        tpu.vector_store %arg14[%swap3A_466, %swap3A_467], %swap3A_470 {strides = array<i32>} : memref<128x128xf32, #tpu.memory_space<vmem>>, vector<1x16xf32>,
        %get3A_471 = arith.index_cast %add3A_420 : i32 to index
        %get3A_472 = arith.constant 80 : index
        %get3A_473 = tpu.vector_load %arg14[%get3A_471, %get3A_472] {strides = array<i32>} : memref<128x128xf32, #tpu.memory_space<vmem>>, vector<1x16xf32>,
        %get3A_474 = vector.shape_cast %get3A_473 : vector<1x16xf32> to vector<16xf32>
        %mul3A_475 = arith.mulf %get3A_474, %gather3A_416 : vector<16xf32>
        %swap3A_476 = arith.index_cast %add3A_420 : i32 to index
        %swap3A_477 = arith.constant 80 : index
        %swap3A_478 = tpu.vector_load %arg14[%swap3A_476, %swap3A_477] {strides = array<i32>} : memref<128x128xf32, #tpu.memory_space<vmem>>, vector<1x16xf32>,
        %swap3A_479 = vector.shape_cast %swap3A_478 : vector<1x16xf32> to vector<16xf32>
        %swap3A_480 = vector.shape_cast %mul3A_475 : vector<16xf32> to vector<1x16xf32>
        tpu.vector_store %arg14[%swap3A_476, %swap3A_477], %swap3A_480 {strides = array<i32>} : memref<128x128xf32, #tpu.memory_space<vmem>>, vector<1x16xf32>,
        %get3A_481 = arith.index_cast %add3A_420 : i32 to index
        %get3A_482 = arith.constant 96 : index
        %get3A_483 = tpu.vector_load %arg14[%get3A_481, %get3A_482] {strides = array<i32>} : memref<128x128xf32, #tpu.memory_space<vmem>>, vector<1x16xf32>,
        %get3A_484 = vector.shape_cast %get3A_483 : vector<1x16xf32> to vector<16xf32>
        %mul3A_485 = arith.mulf %get3A_484, %gather3A_416 : vector<16xf32>
        %swap3A_486 = arith.index_cast %add3A_420 : i32 to index
        %swap3A_487 = arith.constant 96 : index
        %swap3A_488 = tpu.vector_load %arg14[%swap3A_486, %swap3A_487] {strides = array<i32>} : memref<128x128xf32, #tpu.memory_space<vmem>>, vector<1x16xf32>,
        %swap3A_489 = vector.shape_cast %swap3A_488 : vector<1x16xf32> to vector<16xf32>
        %swap3A_490 = vector.shape_cast %mul3A_485 : vector<16xf32> to vector<1x16xf32>
        tpu.vector_store %arg14[%swap3A_486, %swap3A_487], %swap3A_490 {strides = array<i32>} : memref<128x128xf32, #tpu.memory_space<vmem>>, vector<1x16xf32>,
        %get3A_491 = arith.index_cast %add3A_420 : i32 to index
        %get3A_492 = arith.constant 112 : index
        %get3A_493 = tpu.vector_load %arg14[%get3A_491, %get3A_492] {strides = array<i32>} : memref<128x128xf32, #tpu.memory_space<vmem>>, vector<1x16xf32>,
        %get3A_494 = vector.shape_cast %get3A_493 : vector<1x16xf32> to vector<16xf32>
        %mul3A_495 = arith.mulf %get3A_494, %gather3A_416 : vector<16xf32>
        %swap3A_496 = arith.index_cast %add3A_420 : i32 to index
        %swap3A_497 = arith.constant 112 : index
        %swap3A_498 = tpu.vector_load %arg14[%swap3A_496, %swap3A_497] {strides = array<i32>} : memref<128x128xf32, #tpu.memory_space<vmem>>, vector<1x16xf32>,
        %swap3A_499 = vector.shape_cast %swap3A_498 : vector<1x16xf32> to vector<16xf32>
        %swap3A_500 = vector.shape_cast %mul3A_495 : vector<16xf32> to vector<1x16xf32>
        tpu.vector_store %arg14[%swap3A_496, %swap3A_497], %swap3A_500 {strides = array<i32>} : memref<128x128xf32, #tpu.memory_space<vmem>>, vector<1x16xf32>,
        %broadcast_in_dim3A_501 = arith.constant 5 : i32
        %broadcast_in_dim3A_502 = vector.broadcast %broadcast_in_dim3A_501 : i32 to vector<16x1xi32>
        %gather3A_503 = vector.shape_cast %broadcast_in_dim3A_502 : vector<16x1xi32> to vector<16xi32>
        %gather3A_504 = tpu.dynamic_gather %get3A_63[%gather3A_503] in [0] : vector<16xf32>, vector<16xi32> -> vector<16xf32>
        %mul3A_505 = arith.constant 16 : i32
        %mul3A_506 = arith.muli %scan3A_58, %mul3A_505 : i32
        %add3A_507 = arith.constant 5 : i32
        %add3A_508 = arith.addi %mul3A_506, %add3A_507 : i32
        %get3A_509 = arith.index_cast %add3A_508 : i32 to index
        %get3A_510 = arith.constant 0 : index
        %get3A_511 = tpu.vector_load %arg14[%get3A_509, %get3A_510] {strides = array<i32>} : memref<128x128xf32, #tpu.memory_space<vmem>>, vector<1x16xf32>,
        %get3A_512 = vector.shape_cast %get3A_511 : vector<1x16xf32> to vector<16xf32>
        %mul3A_513 = arith.mulf %get3A_512, %gather3A_504 : vector<16xf32>
        %swap3A_514 = arith.index_cast %add3A_508 : i32 to index
        %swap3A_515 = arith.constant 0 : index
        %swap3A_516 = tpu.vector_load %arg14[%swap3A_514, %swap3A_515] {strides = array<i32>} : memref<128x128xf32, #tpu.memory_space<vmem>>, vector<1x16xf32>,
        %swap3A_517 = vector.shape_cast %swap3A_516 : vector<1x16xf32> to vector<16xf32>
        %swap3A_518 = vector.shape_cast %mul3A_513 : vector<16xf32> to vector<1x16xf32>
        tpu.vector_store %arg14[%swap3A_514, %swap3A_515], %swap3A_518 {strides = array<i32>} : memref<128x128xf32, #tpu.memory_space<vmem>>, vector<1x16xf32>,
        %get3A_519 = arith.index_cast %add3A_508 : i32 to index
        %get3A_520 = arith.constant 16 : index
        %get3A_521 = tpu.vector_load %arg14[%get3A_519, %get3A_520] {strides = array<i32>} : memref<128x128xf32, #tpu.memory_space<vmem>>, vector<1x16xf32>,
        %get3A_522 = vector.shape_cast %get3A_521 : vector<1x16xf32> to vector<16xf32>
        %mul3A_523 = arith.mulf %get3A_522, %gather3A_504 : vector<16xf32>
        %swap3A_524 = arith.index_cast %add3A_508 : i32 to index
        %swap3A_525 = arith.constant 16 : index
        %swap3A_526 = tpu.vector_load %arg14[%swap3A_524, %swap3A_525] {strides = array<i32>} : memref<128x128xf32, #tpu.memory_space<vmem>>, vector<1x16xf32>,
        %swap3A_527 = vector.shape_cast %swap3A_526 : vector<1x16xf32> to vector<16xf32>
        %swap3A_528 = vector.shape_cast %mul3A_523 : vector<16xf32> to vector<1x16xf32>
        tpu.vector_store %arg14[%swap3A_524, %swap3A_525], %swap3A_528 {strides = array<i32>} : memref<128x128xf32, #tpu.memory_space<vmem>>, vector<1x16xf32>,
        %get3A_529 = arith.index_cast %add3A_508 : i32 to index
        %get3A_530 = arith.constant 32 : index
        %get3A_531 = tpu.vector_load %arg14[%get3A_529, %get3A_530] {strides = array<i32>} : memref<128x128xf32, #tpu.memory_space<vmem>>, vector<1x16xf32>,
        %get3A_532 = vector.shape_cast %get3A_531 : vector<1x16xf32> to vector<16xf32>
        %mul3A_533 = arith.mulf %get3A_532, %gather3A_504 : vector<16xf32>
        %swap3A_534 = arith.index_cast %add3A_508 : i32 to index
        %swap3A_535 = arith.constant 32 : index
        %swap3A_536 = tpu.vector_load %arg14[%swap3A_534, %swap3A_535] {strides = array<i32>} : memref<128x128xf32, #tpu.memory_space<vmem>>, vector<1x16xf32>,
        %swap3A_537 = vector.shape_cast %swap3A_536 : vector<1x16xf32> to vector<16xf32>
        %swap3A_538 = vector.shape_cast %mul3A_533 : vector<16xf32> to vector<1x16xf32>
        tpu.vector_store %arg14[%swap3A_534, %swap3A_535], %swap3A_538 {strides = array<i32>} : memref<128x128xf32, #tpu.memory_space<vmem>>, vector<1x16xf32>,
        %get3A_539 = arith.index_cast %add3A_508 : i32 to index
        %get3A_540 = arith.constant 48 : index
        %get3A_541 = tpu.vector_load %arg14[%get3A_539, %get3A_540] {strides = array<i32>} : memref<128x128xf32, #tpu.memory_space<vmem>>, vector<1x16xf32>,
        %get3A_542 = vector.shape_cast %get3A_541 : vector<1x16xf32> to vector<16xf32>
        %mul3A_543 = arith.mulf %get3A_542, %gather3A_504 : vector<16xf32>
        %swap3A_544 = arith.index_cast %add3A_508 : i32 to index
        %swap3A_545 = arith.constant 48 : index
        %swap3A_546 = tpu.vector_load %arg14[%swap3A_544, %swap3A_545] {strides = array<i32>} : memref<128x128xf32, #tpu.memory_space<vmem>>, vector<1x16xf32>,
        %swap3A_547 = vector.shape_cast %swap3A_546 : vector<1x16xf32> to vector<16xf32>
        %swap3A_548 = vector.shape_cast %mul3A_543 : vector<16xf32> to vector<1x16xf32>
        tpu.vector_store %arg14[%swap3A_544, %swap3A_545], %swap3A_548 {strides = array<i32>} : memref<128x128xf32, #tpu.memory_space<vmem>>, vector<1x16xf32>,
        %get3A_549 = arith.index_cast %add3A_508 : i32 to index
        %get3A_550 = arith.constant 64 : index
        %get3A_551 = tpu.vector_load %arg14[%get3A_549, %get3A_550] {strides = array<i32>} : memref<128x128xf32, #tpu.memory_space<vmem>>, vector<1x16xf32>,
        %get3A_552 = vector.shape_cast %get3A_551 : vector<1x16xf32> to vector<16xf32>
        %mul3A_553 = arith.mulf %get3A_552, %gather3A_504 : vector<16xf32>
        %swap3A_554 = arith.index_cast %add3A_508 : i32 to index
        %swap3A_555 = arith.constant 64 : index
        %swap3A_556 = tpu.vector_load %arg14[%swap3A_554, %swap3A_555] {strides = array<i32>} : memref<128x128xf32, #tpu.memory_space<vmem>>, vector<1x16xf32>,
        %swap3A_557 = vector.shape_cast %swap3A_556 : vector<1x16xf32> to vector<16xf32>
        %swap3A_558 = vector.shape_cast %mul3A_553 : vector<16xf32> to vector<1x16xf32>
        tpu.vector_store %arg14[%swap3A_554, %swap3A_555], %swap3A_558 {strides = array<i32>} : memref<128x128xf32, #tpu.memory_space<vmem>>, vector<1x16xf32>,
        %get3A_559 = arith.index_cast %add3A_508 : i32 to index
        %get3A_560 = arith.constant 80 : index
        %get3A_561 = tpu.vector_load %arg14[%get3A_559, %get3A_560] {strides = array<i32>} : memref<128x128xf32, #tpu.memory_space<vmem>>, vector<1x16xf32>,
        %get3A_562 = vector.shape_cast %get3A_561 : vector<1x16xf32> to vector<16xf32>
        %mul3A_563 = arith.mulf %get3A_562, %gather3A_504 : vector<16xf32>
        %swap3A_564 = arith.index_cast %add3A_508 : i32 to index
        %swap3A_565 = arith.constant 80 : index
        %swap3A_566 = tpu.vector_load %arg14[%swap3A_564, %swap3A_565] {strides = array<i32>} : memref<128x128xf32, #tpu.memory_space<vmem>>, vector<1x16xf32>,
        %swap3A_567 = vector.shape_cast %swap3A_566 : vector<1x16xf32> to vector<16xf32>
        %swap3A_568 = vector.shape_cast %mul3A_563 : vector<16xf32> to vector<1x16xf32>
        tpu.vector_store %arg14[%swap3A_564, %swap3A_565], %swap3A_568 {strides = array<i32>} : memref<128x128xf32, #tpu.memory_space<vmem>>, vector<1x16xf32>,
        %get3A_569 = arith.index_cast %add3A_508 : i32 to index
        %get3A_570 = arith.constant 96 : index
        %get3A_571 = tpu.vector_load %arg14[%get3A_569, %get3A_570] {strides = array<i32>} : memref<128x128xf32, #tpu.memory_space<vmem>>, vector<1x16xf32>,
        %get3A_572 = vector.shape_cast %get3A_571 : vector<1x16xf32> to vector<16xf32>
        %mul3A_573 = arith.mulf %get3A_572, %gather3A_504 : vector<16xf32>
        %swap3A_574 = arith.index_cast %add3A_508 : i32 to index
        %swap3A_575 = arith.constant 96 : index
        %swap3A_576 = tpu.vector_load %arg14[%swap3A_574, %swap3A_575] {strides = array<i32>} : memref<128x128xf32, #tpu.memory_space<vmem>>, vector<1x16xf32>,
        %swap3A_577 = vector.shape_cast %swap3A_576 : vector<1x16xf32> to vector<16xf32>
        %swap3A_578 = vector.shape_cast %mul3A_573 : vector<16xf32> to vector<1x16xf32>
        tpu.vector_store %arg14[%swap3A_574, %swap3A_575], %swap3A_578 {strides = array<i32>} : memref<128x128xf32, #tpu.memory_space<vmem>>, vector<1x16xf32>,
        %get3A_579 = arith.index_cast %add3A_508 : i32 to index
        %get3A_580 = arith.constant 112 : index
        %get3A_581 = tpu.vector_load %arg14[%get3A_579, %get3A_580] {strides = array<i32>} : memref<128x128xf32, #tpu.memory_space<vmem>>, vector<1x16xf32>,
        %get3A_582 = vector.shape_cast %get3A_581 : vector<1x16xf32> to vector<16xf32>
        %mul3A_583 = arith.mulf %get3A_582, %gather3A_504 : vector<16xf32>
        %swap3A_584 = arith.index_cast %add3A_508 : i32 to index
        %swap3A_585 = arith.constant 112 : index
        %swap3A_586 = tpu.vector_load %arg14[%swap3A_584, %swap3A_585] {strides = array<i32>} : memref<128x128xf32, #tpu.memory_space<vmem>>, vector<1x16xf32>,
        %swap3A_587 = vector.shape_cast %swap3A_586 : vector<1x16xf32> to vector<16xf32>
        %swap3A_588 = vector.shape_cast %mul3A_583 : vector<16xf32> to vector<1x16xf32>
        tpu.vector_store %arg14[%swap3A_584, %swap3A_585], %swap3A_588 {strides = array<i32>} : memref<128x128xf32, #tpu.memory_space<vmem>>, vector<1x16xf32>,
        %broadcast_in_dim3A_589 = arith.constant 6 : i32
        %broadcast_in_dim3A_590 = vector.broadcast %broadcast_in_dim3A_589 : i32 to vector<16x1xi32>
        %gather3A_591 = vector.shape_cast %broadcast_in_dim3A_590 : vector<16x1xi32> to vector<16xi32>
        %gather3A_592 = tpu.dynamic_gather %get3A_63[%gather3A_591] in [0] : vector<16xf32>, vector<16xi32> -> vector<16xf32>
        %mul3A_593 = arith.constant 16 : i32
        %mul3A_594 = arith.muli %scan3A_58, %mul3A_593 : i32
        %add3A_595 = arith.constant 6 : i32
        %add3A_596 = arith.addi %mul3A_594, %add3A_595 : i32
        %get3A_597 = arith.index_cast %add3A_596 : i32 to index
        %get3A_598 = arith.constant 0 : index
        %get3A_599 = tpu.vector_load %arg14[%get3A_597, %get3A_598] {strides = array<i32>} : memref<128x128xf32, #tpu.memory_space<vmem>>, vector<1x16xf32>,
        %get3A_600 = vector.shape_cast %get3A_599 : vector<1x16xf32> to vector<16xf32>
        %mul3A_601 = arith.mulf %get3A_600, %gather3A_592 : vector<16xf32>
        %swap3A_602 = arith.index_cast %add3A_596 : i32 to index
        %swap3A_603 = arith.constant 0 : index
        %swap3A_604 = tpu.vector_load %arg14[%swap3A_602, %swap3A_603] {strides = array<i32>} : memref<128x128xf32, #tpu.memory_space<vmem>>, vector<1x16xf32>,
        %swap3A_605 = vector.shape_cast %swap3A_604 : vector<1x16xf32> to vector<16xf32>
        %swap3A_606 = vector.shape_cast %mul3A_601 : vector<16xf32> to vector<1x16xf32>
        tpu.vector_store %arg14[%swap3A_602, %swap3A_603], %swap3A_606 {strides = array<i32>} : memref<128x128xf32, #tpu.memory_space<vmem>>, vector<1x16xf32>,
        %get3A_607 = arith.index_cast %add3A_596 : i32 to index
        %get3A_608 = arith.constant 16 : index
        %get3A_609 = tpu.vector_load %arg14[%get3A_607, %get3A_608] {strides = array<i32>} : memref<128x128xf32, #tpu.memory_space<vmem>>, vector<1x16xf32>,
        %get3A_610 = vector.shape_cast %get3A_609 : vector<1x16xf32> to vector<16xf32>
        %mul3A_611 = arith.mulf %get3A_610, %gather3A_592 : vector<16xf32>
        %swap3A_612 = arith.index_cast %add3A_596 : i32 to index
        %swap3A_613 = arith.constant 16 : index
        %swap3A_614 = tpu.vector_load %arg14[%swap3A_612, %swap3A_613] {strides = array<i32>} : memref<128x128xf32, #tpu.memory_space<vmem>>, vector<1x16xf32>,
        %swap3A_615 = vector.shape_cast %swap3A_614 : vector<1x16xf32> to vector<16xf32>
        %swap3A_616 = vector.shape_cast %mul3A_611 : vector<16xf32> to vector<1x16xf32>
        tpu.vector_store %arg14[%swap3A_612, %swap3A_613], %swap3A_616 {strides = array<i32>} : memref<128x128xf32, #tpu.memory_space<vmem>>, vector<1x16xf32>,
        %get3A_617 = arith.index_cast %add3A_596 : i32 to index
        %get3A_618 = arith.constant 32 : index
        %get3A_619 = tpu.vector_load %arg14[%get3A_617, %get3A_618] {strides = array<i32>} : memref<128x128xf32, #tpu.memory_space<vmem>>, vector<1x16xf32>,
        %get3A_620 = vector.shape_cast %get3A_619 : vector<1x16xf32> to vector<16xf32>
        %mul3A_621 = arith.mulf %get3A_620, %gather3A_592 : vector<16xf32>
        %swap3A_622 = arith.index_cast %add3A_596 : i32 to index
        %swap3A_623 = arith.constant 32 : index
        %swap3A_624 = tpu.vector_load %arg14[%swap3A_622, %swap3A_623] {strides = array<i32>} : memref<128x128xf32, #tpu.memory_space<vmem>>, vector<1x16xf32>,
        %swap3A_625 = vector.shape_cast %swap3A_624 : vector<1x16xf32> to vector<16xf32>
        %swap3A_626 = vector.shape_cast %mul3A_621 : vector<16xf32> to vector<1x16xf32>
        tpu.vector_store %arg14[%swap3A_622, %swap3A_623], %swap3A_626 {strides = array<i32>} : memref<128x128xf32, #tpu.memory_space<vmem>>, vector<1x16xf32>,
        %get3A_627 = arith.index_cast %add3A_596 : i32 to index
        %get3A_628 = arith.constant 48 : index
        %get3A_629 = tpu.vector_load %arg14[%get3A_627, %get3A_628] {strides = array<i32>} : memref<128x128xf32, #tpu.memory_space<vmem>>, vector<1x16xf32>,
        %get3A_630 = vector.shape_cast %get3A_629 : vector<1x16xf32> to vector<16xf32>
        %mul3A_631 = arith.mulf %get3A_630, %gather3A_592 : vector<16xf32>
        %swap3A_632 = arith.index_cast %add3A_596 : i32 to index
        %swap3A_633 = arith.constant 48 : index
        %swap3A_634 = tpu.vector_load %arg14[%swap3A_632, %swap3A_633] {strides = array<i32>} : memref<128x128xf32, #tpu.memory_space<vmem>>, vector<1x16xf32>,
        %swap3A_635 = vector.shape_cast %swap3A_634 : vector<1x16xf32> to vector<16xf32>
        %swap3A_636 = vector.shape_cast %mul3A_631 : vector<16xf32> to vector<1x16xf32>
        tpu.vector_store %arg14[%swap3A_632, %swap3A_633], %swap3A_636 {strides = array<i32>} : memref<128x128xf32, #tpu.memory_space<vmem>>, vector<1x16xf32>,
        %get3A_637 = arith.index_cast %add3A_596 : i32 to index
        %get3A_638 = arith.constant 64 : index
        %get3A_639 = tpu.vector_load %arg14[%get3A_637, %get3A_638] {strides = array<i32>} : memref<128x128xf32, #tpu.memory_space<vmem>>, vector<1x16xf32>,
        %get3A_640 = vector.shape_cast %get3A_639 : vector<1x16xf32> to vector<16xf32>
        %mul3A_641 = arith.mulf %get3A_640, %gather3A_592 : vector<16xf32>
        %swap3A_642 = arith.index_cast %add3A_596 : i32 to index
        %swap3A_643 = arith.constant 64 : index
        %swap3A_644 = tpu.vector_load %arg14[%swap3A_642, %swap3A_643] {strides = array<i32>} : memref<128x128xf32, #tpu.memory_space<vmem>>, vector<1x16xf32>,
        %swap3A_645 = vector.shape_cast %swap3A_644 : vector<1x16xf32> to vector<16xf32>
        %swap3A_646 = vector.shape_cast %mul3A_641 : vector<16xf32> to vector<1x16xf32>
        tpu.vector_store %arg14[%swap3A_642, %swap3A_643], %swap3A_646 {strides = array<i32>} : memref<128x128xf32, #tpu.memory_space<vmem>>, vector<1x16xf32>,
        %get3A_647 = arith.index_cast %add3A_596 : i32 to index
        %get3A_648 = arith.constant 80 : index
        %get3A_649 = tpu.vector_load %arg14[%get3A_647, %get3A_648] {strides = array<i32>} : memref<128x128xf32, #tpu.memory_space<vmem>>, vector<1x16xf32>,
        %get3A_650 = vector.shape_cast %get3A_649 : vector<1x16xf32> to vector<16xf32>
        %mul3A_651 = arith.mulf %get3A_650, %gather3A_592 : vector<16xf32>
        %swap3A_652 = arith.index_cast %add3A_596 : i32 to index
        %swap3A_653 = arith.constant 80 : index
        %swap3A_654 = tpu.vector_load %arg14[%swap3A_652, %swap3A_653] {strides = array<i32>} : memref<128x128xf32, #tpu.memory_space<vmem>>, vector<1x16xf32>,
        %swap3A_655 = vector.shape_cast %swap3A_654 : vector<1x16xf32> to vector<16xf32>
        %swap3A_656 = vector.shape_cast %mul3A_651 : vector<16xf32> to vector<1x16xf32>
        tpu.vector_store %arg14[%swap3A_652, %swap3A_653], %swap3A_656 {strides = array<i32>} : memref<128x128xf32, #tpu.memory_space<vmem>>, vector<1x16xf32>,
        %get3A_657 = arith.index_cast %add3A_596 : i32 to index
        %get3A_658 = arith.constant 96 : index
        %get3A_659 = tpu.vector_load %arg14[%get3A_657, %get3A_658] {strides = array<i32>} : memref<128x128xf32, #tpu.memory_space<vmem>>, vector<1x16xf32>,
        %get3A_660 = vector.shape_cast %get3A_659 : vector<1x16xf32> to vector<16xf32>
        %mul3A_661 = arith.mulf %get3A_660, %gather3A_592 : vector<16xf32>
        %swap3A_662 = arith.index_cast %add3A_596 : i32 to index
        %swap3A_663 = arith.constant 96 : index
        %swap3A_664 = tpu.vector_load %arg14[%swap3A_662, %swap3A_663] {strides = array<i32>} : memref<128x128xf32, #tpu.memory_space<vmem>>, vector<1x16xf32>,
        %swap3A_665 = vector.shape_cast %swap3A_664 : vector<1x16xf32> to vector<16xf32>
        %swap3A_666 = vector.shape_cast %mul3A_661 : vector<16xf32> to vector<1x16xf32>
        tpu.vector_store %arg14[%swap3A_662, %swap3A_663], %swap3A_666 {strides = array<i32>} : memref<128x128xf32, #tpu.memory_space<vmem>>, vector<1x16xf32>,
        %get3A_667 = arith.index_cast %add3A_596 : i32 to index
        %get3A_668 = arith.constant 112 : index
        %get3A_669 = tpu.vector_load %arg14[%get3A_667, %get3A_668] {strides = array<i32>} : memref<128x128xf32, #tpu.memory_space<vmem>>, vector<1x16xf32>,
        %get3A_670 = vector.shape_cast %get3A_669 : vector<1x16xf32> to vector<16xf32>
        %mul3A_671 = arith.mulf %get3A_670, %gather3A_592 : vector<16xf32>
        %swap3A_672 = arith.index_cast %add3A_596 : i32 to index
        %swap3A_673 = arith.constant 112 : index
        %swap3A_674 = tpu.vector_load %arg14[%swap3A_672, %swap3A_673] {strides = array<i32>} : memref<128x128xf32, #tpu.memory_space<vmem>>, vector<1x16xf32>,
        %swap3A_675 = vector.shape_cast %swap3A_674 : vector<1x16xf32> to vector<16xf32>
        %swap3A_676 = vector.shape_cast %mul3A_671 : vector<16xf32> to vector<1x16xf32>
        tpu.vector_store %arg14[%swap3A_672, %swap3A_673], %swap3A_676 {strides = array<i32>} : memref<128x128xf32, #tpu.memory_space<vmem>>, vector<1x16xf32>,
        %broadcast_in_dim3A_677 = arith.constant 7 : i32
        %broadcast_in_dim3A_678 = vector.broadcast %broadcast_in_dim3A_677 : i32 to vector<16x1xi32>
        %gather3A_679 = vector.shape_cast %broadcast_in_dim3A_678 : vector<16x1xi32> to vector<16xi32>
        %gather3A_680 = tpu.dynamic_gather %get3A_63[%gather3A_679] in [0] : vector<16xf32>, vector<16xi32> -> vector<16xf32>
        %mul3A_681 = arith.constant 16 : i32
        %mul3A_682 = arith.muli %scan3A_58, %mul3A_681 : i32
        %add3A_683 = arith.constant 7 : i32
        %add3A_684 = arith.addi %mul3A_682, %add3A_683 : i32
        %get3A_685 = arith.index_cast %add3A_684 : i32 to index
        %get3A_686 = arith.constant 0 : index
        %get3A_687 = tpu.vector_load %arg14[%get3A_685, %get3A_686] {strides = array<i32>} : memref<128x128xf32, #tpu.memory_space<vmem>>, vector<1x16xf32>,
        %get3A_688 = vector.shape_cast %get3A_687 : vector<1x16xf32> to vector<16xf32>
        %mul3A_689 = arith.mulf %get3A_688, %gather3A_680 : vector<16xf32>
        %swap3A_690 = arith.index_cast %add3A_684 : i32 to index
        %swap3A_691 = arith.constant 0 : index
        %swap3A_692 = tpu.vector_load %arg14[%swap3A_690, %swap3A_691] {strides = array<i32>} : memref<128x128xf32, #tpu.memory_space<vmem>>, vector<1x16xf32>,
        %swap3A_693 = vector.shape_cast %swap3A_692 : vector<1x16xf32> to vector<16xf32>
        %swap3A_694 = vector.shape_cast %mul3A_689 : vector<16xf32> to vector<1x16xf32>
        tpu.vector_store %arg14[%swap3A_690, %swap3A_691], %swap3A_694 {strides = array<i32>} : memref<128x128xf32, #tpu.memory_space<vmem>>, vector<1x16xf32>,
        %get3A_695 = arith.index_cast %add3A_684 : i32 to index
        %get3A_696 = arith.constant 16 : index
        %get3A_697 = tpu.vector_load %arg14[%get3A_695, %get3A_696] {strides = array<i32>} : memref<128x128xf32, #tpu.memory_space<vmem>>, vector<1x16xf32>,
        %get3A_698 = vector.shape_cast %get3A_697 : vector<1x16xf32> to vector<16xf32>
        %mul3A_699 = arith.mulf %get3A_698, %gather3A_680 : vector<16xf32>
        %swap3A_700 = arith.index_cast %add3A_684 : i32 to index
        %swap3A_701 = arith.constant 16 : index
        %swap3A_702 = tpu.vector_load %arg14[%swap3A_700, %swap3A_701] {strides = array<i32>} : memref<128x128xf32, #tpu.memory_space<vmem>>, vector<1x16xf32>,
        %swap3A_703 = vector.shape_cast %swap3A_702 : vector<1x16xf32> to vector<16xf32>
        %swap3A_704 = vector.shape_cast %mul3A_699 : vector<16xf32> to vector<1x16xf32>
        tpu.vector_store %arg14[%swap3A_700, %swap3A_701], %swap3A_704 {strides = array<i32>} : memref<128x128xf32, #tpu.memory_space<vmem>>, vector<1x16xf32>,
        %get3A_705 = arith.index_cast %add3A_684 : i32 to index
        %get3A_706 = arith.constant 32 : index
        %get3A_707 = tpu.vector_load %arg14[%get3A_705, %get3A_706] {strides = array<i32>} : memref<128x128xf32, #tpu.memory_space<vmem>>, vector<1x16xf32>,
        %get3A_708 = vector.shape_cast %get3A_707 : vector<1x16xf32> to vector<16xf32>
        %mul3A_709 = arith.mulf %get3A_708, %gather3A_680 : vector<16xf32>
        %swap3A_710 = arith.index_cast %add3A_684 : i32 to index
        %swap3A_711 = arith.constant 32 : index
        %swap3A_712 = tpu.vector_load %arg14[%swap3A_710, %swap3A_711] {strides = array<i32>} : memref<128x128xf32, #tpu.memory_space<vmem>>, vector<1x16xf32>,
        %swap3A_713 = vector.shape_cast %swap3A_712 : vector<1x16xf32> to vector<16xf32>
        %swap3A_714 = vector.shape_cast %mul3A_709 : vector<16xf32> to vector<1x16xf32>
        tpu.vector_store %arg14[%swap3A_710, %swap3A_711], %swap3A_714 {strides = array<i32>} : memref<128x128xf32, #tpu.memory_space<vmem>>, vector<1x16xf32>,
        %get3A_715 = arith.index_cast %add3A_684 : i32 to index
        %get3A_716 = arith.constant 48 : index
        %get3A_717 = tpu.vector_load %arg14[%get3A_715, %get3A_716] {strides = array<i32>} : memref<128x128xf32, #tpu.memory_space<vmem>>, vector<1x16xf32>,
        %get3A_718 = vector.shape_cast %get3A_717 : vector<1x16xf32> to vector<16xf32>
        %mul3A_719 = arith.mulf %get3A_718, %gather3A_680 : vector<16xf32>
        %swap3A_720 = arith.index_cast %add3A_684 : i32 to index
        %swap3A_721 = arith.constant 48 : index
        %swap3A_722 = tpu.vector_load %arg14[%swap3A_720, %swap3A_721] {strides = array<i32>} : memref<128x128xf32, #tpu.memory_space<vmem>>, vector<1x16xf32>,
        %swap3A_723 = vector.shape_cast %swap3A_722 : vector<1x16xf32> to vector<16xf32>
        %swap3A_724 = vector.shape_cast %mul3A_719 : vector<16xf32> to vector<1x16xf32>
        tpu.vector_store %arg14[%swap3A_720, %swap3A_721], %swap3A_724 {strides = array<i32>} : memref<128x128xf32, #tpu.memory_space<vmem>>, vector<1x16xf32>,
        %get3A_725 = arith.index_cast %add3A_684 : i32 to index
        %get3A_726 = arith.constant 64 : index
        %get3A_727 = tpu.vector_load %arg14[%get3A_725, %get3A_726] {strides = array<i32>} : memref<128x128xf32, #tpu.memory_space<vmem>>, vector<1x16xf32>,
        %get3A_728 = vector.shape_cast %get3A_727 : vector<1x16xf32> to vector<16xf32>
        %mul3A_729 = arith.mulf %get3A_728, %gather3A_680 : vector<16xf32>
        %swap3A_730 = arith.index_cast %add3A_684 : i32 to index
        %swap3A_731 = arith.constant 64 : index
        %swap3A_732 = tpu.vector_load %arg14[%swap3A_730, %swap3A_731] {strides = array<i32>} : memref<128x128xf32, #tpu.memory_space<vmem>>, vector<1x16xf32>,
        %swap3A_733 = vector.shape_cast %swap3A_732 : vector<1x16xf32> to vector<16xf32>
        %swap3A_734 = vector.shape_cast %mul3A_729 : vector<16xf32> to vector<1x16xf32>
        tpu.vector_store %arg14[%swap3A_730, %swap3A_731], %swap3A_734 {strides = array<i32>} : memref<128x128xf32, #tpu.memory_space<vmem>>, vector<1x16xf32>,
        %get3A_735 = arith.index_cast %add3A_684 : i32 to index
        %get3A_736 = arith.constant 80 : index
        %get3A_737 = tpu.vector_load %arg14[%get3A_735, %get3A_736] {strides = array<i32>} : memref<128x128xf32, #tpu.memory_space<vmem>>, vector<1x16xf32>,
        %get3A_738 = vector.shape_cast %get3A_737 : vector<1x16xf32> to vector<16xf32>
        %mul3A_739 = arith.mulf %get3A_738, %gather3A_680 : vector<16xf32>
        %swap3A_740 = arith.index_cast %add3A_684 : i32 to index
        %swap3A_741 = arith.constant 80 : index
        %swap3A_742 = tpu.vector_load %arg14[%swap3A_740, %swap3A_741] {strides = array<i32>} : memref<128x128xf32, #tpu.memory_space<vmem>>, vector<1x16xf32>,
        %swap3A_743 = vector.shape_cast %swap3A_742 : vector<1x16xf32> to vector<16xf32>
        %swap3A_744 = vector.shape_cast %mul3A_739 : vector<16xf32> to vector<1x16xf32>
        tpu.vector_store %arg14[%swap3A_740, %swap3A_741], %swap3A_744 {strides = array<i32>} : memref<128x128xf32, #tpu.memory_space<vmem>>, vector<1x16xf32>,
        %get3A_745 = arith.index_cast %add3A_684 : i32 to index
        %get3A_746 = arith.constant 96 : index
        %get3A_747 = tpu.vector_load %arg14[%get3A_745, %get3A_746] {strides = array<i32>} : memref<128x128xf32, #tpu.memory_space<vmem>>, vector<1x16xf32>,
        %get3A_748 = vector.shape_cast %get3A_747 : vector<1x16xf32> to vector<16xf32>
        %mul3A_749 = arith.mulf %get3A_748, %gather3A_680 : vector<16xf32>
        %swap3A_750 = arith.index_cast %add3A_684 : i32 to index
        %swap3A_751 = arith.constant 96 : index
        %swap3A_752 = tpu.vector_load %arg14[%swap3A_750, %swap3A_751] {strides = array<i32>} : memref<128x128xf32, #tpu.memory_space<vmem>>, vector<1x16xf32>,
        %swap3A_753 = vector.shape_cast %swap3A_752 : vector<1x16xf32> to vector<16xf32>
        %swap3A_754 = vector.shape_cast %mul3A_749 : vector<16xf32> to vector<1x16xf32>
        tpu.vector_store %arg14[%swap3A_750, %swap3A_751], %swap3A_754 {strides = array<i32>} : memref<128x128xf32, #tpu.memory_space<vmem>>, vector<1x16xf32>,
        %get3A_755 = arith.index_cast %add3A_684 : i32 to index
        %get3A_756 = arith.constant 112 : index
        %get3A_757 = tpu.vector_load %arg14[%get3A_755, %get3A_756] {strides = array<i32>} : memref<128x128xf32, #tpu.memory_space<vmem>>, vector<1x16xf32>,
        %get3A_758 = vector.shape_cast %get3A_757 : vector<1x16xf32> to vector<16xf32>
        %mul3A_759 = arith.mulf %get3A_758, %gather3A_680 : vector<16xf32>
        %swap3A_760 = arith.index_cast %add3A_684 : i32 to index
        %swap3A_761 = arith.constant 112 : index
        %swap3A_762 = tpu.vector_load %arg14[%swap3A_760, %swap3A_761] {strides = array<i32>} : memref<128x128xf32, #tpu.memory_space<vmem>>, vector<1x16xf32>,
        %swap3A_763 = vector.shape_cast %swap3A_762 : vector<1x16xf32> to vector<16xf32>
        %swap3A_764 = vector.shape_cast %mul3A_759 : vector<16xf32> to vector<1x16xf32>
        tpu.vector_store %arg14[%swap3A_760, %swap3A_761], %swap3A_764 {strides = array<i32>} : memref<128x128xf32, #tpu.memory_space<vmem>>, vector<1x16xf32>,
        %broadcast_in_dim3A_765 = arith.constant 8 : i32
        %broadcast_in_dim3A_766 = vector.broadcast %broadcast_in_dim3A_765 : i32 to vector<16x1xi32>
        %gather3A_767 = vector.shape_cast %broadcast_in_dim3A_766 : vector<16x1xi32> to vector<16xi32>
        %gather3A_768 = tpu.dynamic_gather %get3A_63[%gather3A_767] in [0] : vector<16xf32>, vector<16xi32> -> vector<16xf32>
        %mul3A_769 = arith.constant 16 : i32
        %mul3A_770 = arith.muli %scan3A_58, %mul3A_769 : i32
        %add3A_771 = arith.constant 8 : i32
        %add3A_772 = arith.addi %mul3A_770, %add3A_771 : i32
        %get3A_773 = arith.index_cast %add3A_772 : i32 to index
        %get3A_774 = arith.constant 0 : index
        %get3A_775 = tpu.vector_load %arg14[%get3A_773, %get3A_774] {strides = array<i32>} : memref<128x128xf32, #tpu.memory_space<vmem>>, vector<1x16xf32>,
        %get3A_776 = vector.shape_cast %get3A_775 : vector<1x16xf32> to vector<16xf32>
        %mul3A_777 = arith.mulf %get3A_776, %gather3A_768 : vector<16xf32>
        %swap3A_778 = arith.index_cast %add3A_772 : i32 to index
        %swap3A_779 = arith.constant 0 : index
        %swap3A_780 = tpu.vector_load %arg14[%swap3A_778, %swap3A_779] {strides = array<i32>} : memref<128x128xf32, #tpu.memory_space<vmem>>, vector<1x16xf32>,
        %swap3A_781 = vector.shape_cast %swap3A_780 : vector<1x16xf32> to vector<16xf32>
        %swap3A_782 = vector.shape_cast %mul3A_777 : vector<16xf32> to vector<1x16xf32>
        tpu.vector_store %arg14[%swap3A_778, %swap3A_779], %swap3A_782 {strides = array<i32>} : memref<128x128xf32, #tpu.memory_space<vmem>>, vector<1x16xf32>,
        %get3A_783 = arith.index_cast %add3A_772 : i32 to index
        %get3A_784 = arith.constant 16 : index
        %get3A_785 = tpu.vector_load %arg14[%get3A_783, %get3A_784] {strides = array<i32>} : memref<128x128xf32, #tpu.memory_space<vmem>>, vector<1x16xf32>,
        %get3A_786 = vector.shape_cast %get3A_785 : vector<1x16xf32> to vector<16xf32>
        %mul3A_787 = arith.mulf %get3A_786, %gather3A_768 : vector<16xf32>
        %swap3A_788 = arith.index_cast %add3A_772 : i32 to index
        %swap3A_789 = arith.constant 16 : index
        %swap3A_790 = tpu.vector_load %arg14[%swap3A_788, %swap3A_789] {strides = array<i32>} : memref<128x128xf32, #tpu.memory_space<vmem>>, vector<1x16xf32>,
        %swap3A_791 = vector.shape_cast %swap3A_790 : vector<1x16xf32> to vector<16xf32>
        %swap3A_792 = vector.shape_cast %mul3A_787 : vector<16xf32> to vector<1x16xf32>
        tpu.vector_store %arg14[%swap3A_788, %swap3A_789], %swap3A_792 {strides = array<i32>} : memref<128x128xf32, #tpu.memory_space<vmem>>, vector<1x16xf32>,
        %get3A_793 = arith.index_cast %add3A_772 : i32 to index
        %get3A_794 = arith.constant 32 : index
        %get3A_795 = tpu.vector_load %arg14[%get3A_793, %get3A_794] {strides = array<i32>} : memref<128x128xf32, #tpu.memory_space<vmem>>, vector<1x16xf32>,
        %get3A_796 = vector.shape_cast %get3A_795 : vector<1x16xf32> to vector<16xf32>
        %mul3A_797 = arith.mulf %get3A_796, %gather3A_768 : vector<16xf32>
        %swap3A_798 = arith.index_cast %add3A_772 : i32 to index
        %swap3A_799 = arith.constant 32 : index
        %swap3A_800 = tpu.vector_load %arg14[%swap3A_798, %swap3A_799] {strides = array<i32>} : memref<128x128xf32, #tpu.memory_space<vmem>>, vector<1x16xf32>,
        %swap3A_801 = vector.shape_cast %swap3A_800 : vector<1x16xf32> to vector<16xf32>
        %swap3A_802 = vector.shape_cast %mul3A_797 : vector<16xf32> to vector<1x16xf32>
        tpu.vector_store %arg14[%swap3A_798, %swap3A_799], %swap3A_802 {strides = array<i32>} : memref<128x128xf32, #tpu.memory_space<vmem>>, vector<1x16xf32>,
        %get3A_803 = arith.index_cast %add3A_772 : i32 to index
        %get3A_804 = arith.constant 48 : index
        %get3A_805 = tpu.vector_load %arg14[%get3A_803, %get3A_804] {strides = array<i32>} : memref<128x128xf32, #tpu.memory_space<vmem>>, vector<1x16xf32>,
        %get3A_806 = vector.shape_cast %get3A_805 : vector<1x16xf32> to vector<16xf32>
        %mul3A_807 = arith.mulf %get3A_806, %gather3A_768 : vector<16xf32>
        %swap3A_808 = arith.index_cast %add3A_772 : i32 to index
        %swap3A_809 = arith.constant 48 : index
        %swap3A_810 = tpu.vector_load %arg14[%swap3A_808, %swap3A_809] {strides = array<i32>} : memref<128x128xf32, #tpu.memory_space<vmem>>, vector<1x16xf32>,
        %swap3A_811 = vector.shape_cast %swap3A_810 : vector<1x16xf32> to vector<16xf32>
        %swap3A_812 = vector.shape_cast %mul3A_807 : vector<16xf32> to vector<1x16xf32>
        tpu.vector_store %arg14[%swap3A_808, %swap3A_809], %swap3A_812 {strides = array<i32>} : memref<128x128xf32, #tpu.memory_space<vmem>>, vector<1x16xf32>,
        %get3A_813 = arith.index_cast %add3A_772 : i32 to index
        %get3A_814 = arith.constant 64 : index
        %get3A_815 = tpu.vector_load %arg14[%get3A_813, %get3A_814] {strides = array<i32>} : memref<128x128xf32, #tpu.memory_space<vmem>>, vector<1x16xf32>,
        %get3A_816 = vector.shape_cast %get3A_815 : vector<1x16xf32> to vector<16xf32>
        %mul3A_817 = arith.mulf %get3A_816, %gather3A_768 : vector<16xf32>
        %swap3A_818 = arith.index_cast %add3A_772 : i32 to index
        %swap3A_819 = arith.constant 64 : index
        %swap3A_820 = tpu.vector_load %arg14[%swap3A_818, %swap3A_819] {strides = array<i32>} : memref<128x128xf32, #tpu.memory_space<vmem>>, vector<1x16xf32>,
        %swap3A_821 = vector.shape_cast %swap3A_820 : vector<1x16xf32> to vector<16xf32>
        %swap3A_822 = vector.shape_cast %mul3A_817 : vector<16xf32> to vector<1x16xf32>
        tpu.vector_store %arg14[%swap3A_818, %swap3A_819], %swap3A_822 {strides = array<i32>} : memref<128x128xf32, #tpu.memory_space<vmem>>, vector<1x16xf32>,
        %get3A_823 = arith.index_cast %add3A_772 : i32 to index
        %get3A_824 = arith.constant 80 : index
        %get3A_825 = tpu.vector_load %arg14[%get3A_823, %get3A_824] {strides = array<i32>} : memref<128x128xf32, #tpu.memory_space<vmem>>, vector<1x16xf32>,
        %get3A_826 = vector.shape_cast %get3A_825 : vector<1x16xf32> to vector<16xf32>
        %mul3A_827 = arith.mulf %get3A_826, %gather3A_768 : vector<16xf32>
        %swap3A_828 = arith.index_cast %add3A_772 : i32 to index
        %swap3A_829 = arith.constant 80 : index
        %swap3A_830 = tpu.vector_load %arg14[%swap3A_828, %swap3A_829] {strides = array<i32>} : memref<128x128xf32, #tpu.memory_space<vmem>>, vector<1x16xf32>,
        %swap3A_831 = vector.shape_cast %swap3A_830 : vector<1x16xf32> to vector<16xf32>
        %swap3A_832 = vector.shape_cast %mul3A_827 : vector<16xf32> to vector<1x16xf32>
        tpu.vector_store %arg14[%swap3A_828, %swap3A_829], %swap3A_832 {strides = array<i32>} : memref<128x128xf32, #tpu.memory_space<vmem>>, vector<1x16xf32>,
        %get3A_833 = arith.index_cast %add3A_772 : i32 to index
        %get3A_834 = arith.constant 96 : index
        %get3A_835 = tpu.vector_load %arg14[%get3A_833, %get3A_834] {strides = array<i32>} : memref<128x128xf32, #tpu.memory_space<vmem>>, vector<1x16xf32>,
        %get3A_836 = vector.shape_cast %get3A_835 : vector<1x16xf32> to vector<16xf32>
        %mul3A_837 = arith.mulf %get3A_836, %gather3A_768 : vector<16xf32>
        %swap3A_838 = arith.index_cast %add3A_772 : i32 to index
        %swap3A_839 = arith.constant 96 : index
        %swap3A_840 = tpu.vector_load %arg14[%swap3A_838, %swap3A_839] {strides = array<i32>} : memref<128x128xf32, #tpu.memory_space<vmem>>, vector<1x16xf32>,
        %swap3A_841 = vector.shape_cast %swap3A_840 : vector<1x16xf32> to vector<16xf32>
        %swap3A_842 = vector.shape_cast %mul3A_837 : vector<16xf32> to vector<1x16xf32>
        tpu.vector_store %arg14[%swap3A_838, %swap3A_839], %swap3A_842 {strides = array<i32>} : memref<128x128xf32, #tpu.memory_space<vmem>>, vector<1x16xf32>,
        %get3A_843 = arith.index_cast %add3A_772 : i32 to index
        %get3A_844 = arith.constant 112 : index
        %get3A_845 = tpu.vector_load %arg14[%get3A_843, %get3A_844] {strides = array<i32>} : memref<128x128xf32, #tpu.memory_space<vmem>>, vector<1x16xf32>,
        %get3A_846 = vector.shape_cast %get3A_845 : vector<1x16xf32> to vector<16xf32>
        %mul3A_847 = arith.mulf %get3A_846, %gather3A_768 : vector<16xf32>
        %swap3A_848 = arith.index_cast %add3A_772 : i32 to index
        %swap3A_849 = arith.constant 112 : index
        %swap3A_850 = tpu.vector_load %arg14[%swap3A_848, %swap3A_849] {strides = array<i32>} : memref<128x128xf32, #tpu.memory_space<vmem>>, vector<1x16xf32>,
        %swap3A_851 = vector.shape_cast %swap3A_850 : vector<1x16xf32> to vector<16xf32>
        %swap3A_852 = vector.shape_cast %mul3A_847 : vector<16xf32> to vector<1x16xf32>
        tpu.vector_store %arg14[%swap3A_848, %swap3A_849], %swap3A_852 {strides = array<i32>} : memref<128x128xf32, #tpu.memory_space<vmem>>, vector<1x16xf32>,
        %broadcast_in_dim3A_853 = arith.constant 9 : i32
        %broadcast_in_dim3A_854 = vector.broadcast %broadcast_in_dim3A_853 : i32 to vector<16x1xi32>
        %gather3A_855 = vector.shape_cast %broadcast_in_dim3A_854 : vector<16x1xi32> to vector<16xi32>
        %gather3A_856 = tpu.dynamic_gather %get3A_63[%gather3A_855] in [0] : vector<16xf32>, vector<16xi32> -> vector<16xf32>
        %mul3A_857 = arith.constant 16 : i32
        %mul3A_858 = arith.muli %scan3A_58, %mul3A_857 : i32
        %add3A_859 = arith.constant 9 : i32
        %add3A_860 = arith.addi %mul3A_858, %add3A_859 : i32
        %get3A_861 = arith.index_cast %add3A_860 : i32 to index
        %get3A_862 = arith.constant 0 : index
        %get3A_863 = tpu.vector_load %arg14[%get3A_861, %get3A_862] {strides = array<i32>} : memref<128x128xf32, #tpu.memory_space<vmem>>, vector<1x16xf32>,
        %get3A_864 = vector.shape_cast %get3A_863 : vector<1x16xf32> to vector<16xf32>
        %mul3A_865 = arith.mulf %get3A_864, %gather3A_856 : vector<16xf32>
        %swap3A_866 = arith.index_cast %add3A_860 : i32 to index
        %swap3A_867 = arith.constant 0 : index
        %swap3A_868 = tpu.vector_load %arg14[%swap3A_866, %swap3A_867] {strides = array<i32>} : memref<128x128xf32, #tpu.memory_space<vmem>>, vector<1x16xf32>,
        %swap3A_869 = vector.shape_cast %swap3A_868 : vector<1x16xf32> to vector<16xf32>
        %swap3A_870 = vector.shape_cast %mul3A_865 : vector<16xf32> to vector<1x16xf32>
        tpu.vector_store %arg14[%swap3A_866, %swap3A_867], %swap3A_870 {strides = array<i32>} : memref<128x128xf32, #tpu.memory_space<vmem>>, vector<1x16xf32>,
        %get3A_871 = arith.index_cast %add3A_860 : i32 to index
        %get3A_872 = arith.constant 16 : index
        %get3A_873 = tpu.vector_load %arg14[%get3A_871, %get3A_872] {strides = array<i32>} : memref<128x128xf32, #tpu.memory_space<vmem>>, vector<1x16xf32>,
        %get3A_874 = vector.shape_cast %get3A_873 : vector<1x16xf32> to vector<16xf32>
        %mul3A_875 = arith.mulf %get3A_874, %gather3A_856 : vector<16xf32>
        %swap3A_876 = arith.index_cast %add3A_860 : i32 to index
        %swap3A_877 = arith.constant 16 : index
        %swap3A_878 = tpu.vector_load %arg14[%swap3A_876, %swap3A_877] {strides = array<i32>} : memref<128x128xf32, #tpu.memory_space<vmem>>, vector<1x16xf32>,
        %swap3A_879 = vector.shape_cast %swap3A_878 : vector<1x16xf32> to vector<16xf32>
        %swap3A_880 = vector.shape_cast %mul3A_875 : vector<16xf32> to vector<1x16xf32>
        tpu.vector_store %arg14[%swap3A_876, %swap3A_877], %swap3A_880 {strides = array<i32>} : memref<128x128xf32, #tpu.memory_space<vmem>>, vector<1x16xf32>,
        %get3A_881 = arith.index_cast %add3A_860 : i32 to index
        %get3A_882 = arith.constant 32 : index
        %get3A_883 = tpu.vector_load %arg14[%get3A_881, %get3A_882] {strides = array<i32>} : memref<128x128xf32, #tpu.memory_space<vmem>>, vector<1x16xf32>,
        %get3A_884 = vector.shape_cast %get3A_883 : vector<1x16xf32> to vector<16xf32>
        %mul3A_885 = arith.mulf %get3A_884, %gather3A_856 : vector<16xf32>
        %swap3A_886 = arith.index_cast %add3A_860 : i32 to index
        %swap3A_887 = arith.constant 32 : index
        %swap3A_888 = tpu.vector_load %arg14[%swap3A_886, %swap3A_887] {strides = array<i32>} : memref<128x128xf32, #tpu.memory_space<vmem>>, vector<1x16xf32>,
        %swap3A_889 = vector.shape_cast %swap3A_888 : vector<1x16xf32> to vector<16xf32>
        %swap3A_890 = vector.shape_cast %mul3A_885 : vector<16xf32> to vector<1x16xf32>
        tpu.vector_store %arg14[%swap3A_886, %swap3A_887], %swap3A_890 {strides = array<i32>} : memref<128x128xf32, #tpu.memory_space<vmem>>, vector<1x16xf32>,
        %get3A_891 = arith.index_cast %add3A_860 : i32 to index
        %get3A_892 = arith.constant 48 : index
        %get3A_893 = tpu.vector_load %arg14[%get3A_891, %get3A_892] {strides = array<i32>} : memref<128x128xf32, #tpu.memory_space<vmem>>, vector<1x16xf32>,
        %get3A_894 = vector.shape_cast %get3A_893 : vector<1x16xf32> to vector<16xf32>
        %mul3A_895 = arith.mulf %get3A_894, %gather3A_856 : vector<16xf32>
        %swap3A_896 = arith.index_cast %add3A_860 : i32 to index
        %swap3A_897 = arith.constant 48 : index
        %swap3A_898 = tpu.vector_load %arg14[%swap3A_896, %swap3A_897] {strides = array<i32>} : memref<128x128xf32, #tpu.memory_space<vmem>>, vector<1x16xf32>,
        %swap3A_899 = vector.shape_cast %swap3A_898 : vector<1x16xf32> to vector<16xf32>
        %swap3A_900 = vector.shape_cast %mul3A_895 : vector<16xf32> to vector<1x16xf32>
        tpu.vector_store %arg14[%swap3A_896, %swap3A_897], %swap3A_900 {strides = array<i32>} : memref<128x128xf32, #tpu.memory_space<vmem>>, vector<1x16xf32>,
        %get3A_901 = arith.index_cast %add3A_860 : i32 to index
        %get3A_902 = arith.constant 64 : index
        %get3A_903 = tpu.vector_load %arg14[%get3A_901, %get3A_902] {strides = array<i32>} : memref<128x128xf32, #tpu.memory_space<vmem>>, vector<1x16xf32>,
        %get3A_904 = vector.shape_cast %get3A_903 : vector<1x16xf32> to vector<16xf32>
        %mul3A_905 = arith.mulf %get3A_904, %gather3A_856 : vector<16xf32>
        %swap3A_906 = arith.index_cast %add3A_860 : i32 to index
        %swap3A_907 = arith.constant 64 : index
        %swap3A_908 = tpu.vector_load %arg14[%swap3A_906, %swap3A_907] {strides = array<i32>} : memref<128x128xf32, #tpu.memory_space<vmem>>, vector<1x16xf32>,
        %swap3A_909 = vector.shape_cast %swap3A_908 : vector<1x16xf32> to vector<16xf32>
        %swap3A_910 = vector.shape_cast %mul3A_905 : vector<16xf32> to vector<1x16xf32>
        tpu.vector_store %arg14[%swap3A_906, %swap3A_907], %swap3A_910 {strides = array<i32>} : memref<128x128xf32, #tpu.memory_space<vmem>>, vector<1x16xf32>,
        %get3A_911 = arith.index_cast %add3A_860 : i32 to index
        %get3A_912 = arith.constant 80 : index
        %get3A_913 = tpu.vector_load %arg14[%get3A_911, %get3A_912] {strides = array<i32>} : memref<128x128xf32, #tpu.memory_space<vmem>>, vector<1x16xf32>,
        %get3A_914 = vector.shape_cast %get3A_913 : vector<1x16xf32> to vector<16xf32>
        %mul3A_915 = arith.mulf %get3A_914, %gather3A_856 : vector<16xf32>
        %swap3A_916 = arith.index_cast %add3A_860 : i32 to index
        %swap3A_917 = arith.constant 80 : index
        %swap3A_918 = tpu.vector_load %arg14[%swap3A_916, %swap3A_917] {strides = array<i32>} : memref<128x128xf32, #tpu.memory_space<vmem>>, vector<1x16xf32>,
        %swap3A_919 = vector.shape_cast %swap3A_918 : vector<1x16xf32> to vector<16xf32>
        %swap3A_920 = vector.shape_cast %mul3A_915 : vector<16xf32> to vector<1x16xf32>
        tpu.vector_store %arg14[%swap3A_916, %swap3A_917], %swap3A_920 {strides = array<i32>} : memref<128x128xf32, #tpu.memory_space<vmem>>, vector<1x16xf32>,
        %get3A_921 = arith.index_cast %add3A_860 : i32 to index
        %get3A_922 = arith.constant 96 : index
        %get3A_923 = tpu.vector_load %arg14[%get3A_921, %get3A_922] {strides = array<i32>} : memref<128x128xf32, #tpu.memory_space<vmem>>, vector<1x16xf32>,
        %get3A_924 = vector.shape_cast %get3A_923 : vector<1x16xf32> to vector<16xf32>
        %mul3A_925 = arith.mulf %get3A_924, %gather3A_856 : vector<16xf32>
        %swap3A_926 = arith.index_cast %add3A_860 : i32 to index
        %swap3A_927 = arith.constant 96 : index
        %swap3A_928 = tpu.vector_load %arg14[%swap3A_926, %swap3A_927] {strides = array<i32>} : memref<128x128xf32, #tpu.memory_space<vmem>>, vector<1x16xf32>,
        %swap3A_929 = vector.shape_cast %swap3A_928 : vector<1x16xf32> to vector<16xf32>
        %swap3A_930 = vector.shape_cast %mul3A_925 : vector<16xf32> to vector<1x16xf32>
        tpu.vector_store %arg14[%swap3A_926, %swap3A_927], %swap3A_930 {strides = array<i32>} : memref<128x128xf32, #tpu.memory_space<vmem>>, vector<1x16xf32>,
        %get3A_931 = arith.index_cast %add3A_860 : i32 to index
        %get3A_932 = arith.constant 112 : index
        %get3A_933 = tpu.vector_load %arg14[%get3A_931, %get3A_932] {strides = array<i32>} : memref<128x128xf32, #tpu.memory_space<vmem>>, vector<1x16xf32>,
        %get3A_934 = vector.shape_cast %get3A_933 : vector<1x16xf32> to vector<16xf32>
        %mul3A_935 = arith.mulf %get3A_934, %gather3A_856 : vector<16xf32>
        %swap3A_936 = arith.index_cast %add3A_860 : i32 to index
        %swap3A_937 = arith.constant 112 : index
        %swap3A_938 = tpu.vector_load %arg14[%swap3A_936, %swap3A_937] {strides = array<i32>} : memref<128x128xf32, #tpu.memory_space<vmem>>, vector<1x16xf32>,
        %swap3A_939 = vector.shape_cast %swap3A_938 : vector<1x16xf32> to vector<16xf32>
        %swap3A_940 = vector.shape_cast %mul3A_935 : vector<16xf32> to vector<1x16xf32>
        tpu.vector_store %arg14[%swap3A_936, %swap3A_937], %swap3A_940 {strides = array<i32>} : memref<128x128xf32, #tpu.memory_space<vmem>>, vector<1x16xf32>,
        %broadcast_in_dim3A_941 = arith.constant 10 : i32
        %broadcast_in_dim3A_942 = vector.broadcast %broadcast_in_dim3A_941 : i32 to vector<16x1xi32>
        %gather3A_943 = vector.shape_cast %broadcast_in_dim3A_942 : vector<16x1xi32> to vector<16xi32>
        %gather3A_944 = tpu.dynamic_gather %get3A_63[%gather3A_943] in [0] : vector<16xf32>, vector<16xi32> -> vector<16xf32>
        %mul3A_945 = arith.constant 16 : i32
        %mul3A_946 = arith.muli %scan3A_58, %mul3A_945 : i32
        %add3A_947 = arith.constant 10 : i32
        %add3A_948 = arith.addi %mul3A_946, %add3A_947 : i32
        %get3A_949 = arith.index_cast %add3A_948 : i32 to index
        %get3A_950 = arith.constant 0 : index
        %get3A_951 = tpu.vector_load %arg14[%get3A_949, %get3A_950] {strides = array<i32>} : memref<128x128xf32, #tpu.memory_space<vmem>>, vector<1x16xf32>,
        %get3A_952 = vector.shape_cast %get3A_951 : vector<1x16xf32> to vector<16xf32>
        %mul3A_953 = arith.mulf %get3A_952, %gather3A_944 : vector<16xf32>
        %swap3A_954 = arith.index_cast %add3A_948 : i32 to index
        %swap3A_955 = arith.constant 0 : index
        %swap3A_956 = tpu.vector_load %arg14[%swap3A_954, %swap3A_955] {strides = array<i32>} : memref<128x128xf32, #tpu.memory_space<vmem>>, vector<1x16xf32>,
        %swap3A_957 = vector.shape_cast %swap3A_956 : vector<1x16xf32> to vector<16xf32>
        %swap3A_958 = vector.shape_cast %mul3A_953 : vector<16xf32> to vector<1x16xf32>
        tpu.vector_store %arg14[%swap3A_954, %swap3A_955], %swap3A_958 {strides = array<i32>} : memref<128x128xf32, #tpu.memory_space<vmem>>, vector<1x16xf32>,
        %get3A_959 = arith.index_cast %add3A_948 : i32 to index
        %get3A_960 = arith.constant 16 : index
        %get3A_961 = tpu.vector_load %arg14[%get3A_959, %get3A_960] {strides = array<i32>} : memref<128x128xf32, #tpu.memory_space<vmem>>, vector<1x16xf32>,
        %get3A_962 = vector.shape_cast %get3A_961 : vector<1x16xf32> to vector<16xf32>
        %mul3A_963 = arith.mulf %get3A_962, %gather3A_944 : vector<16xf32>
        %swap3A_964 = arith.index_cast %add3A_948 : i32 to index
        %swap3A_965 = arith.constant 16 : index
        %swap3A_966 = tpu.vector_load %arg14[%swap3A_964, %swap3A_965] {strides = array<i32>} : memref<128x128xf32, #tpu.memory_space<vmem>>, vector<1x16xf32>,
        %swap3A_967 = vector.shape_cast %swap3A_966 : vector<1x16xf32> to vector<16xf32>
        %swap3A_968 = vector.shape_cast %mul3A_963 : vector<16xf32> to vector<1x16xf32>
        tpu.vector_store %arg14[%swap3A_964, %swap3A_965], %swap3A_968 {strides = array<i32>} : memref<128x128xf32, #tpu.memory_space<vmem>>, vector<1x16xf32>,
        %get3A_969 = arith.index_cast %add3A_948 : i32 to index
        %get3A_970 = arith.constant 32 : index
        %get3A_971 = tpu.vector_load %arg14[%get3A_969, %get3A_970] {strides = array<i32>} : memref<128x128xf32, #tpu.memory_space<vmem>>, vector<1x16xf32>,
        %get3A_972 = vector.shape_cast %get3A_971 : vector<1x16xf32> to vector<16xf32>
        %mul3A_973 = arith.mulf %get3A_972, %gather3A_944 : vector<16xf32>
        %swap3A_974 = arith.index_cast %add3A_948 : i32 to index
        %swap3A_975 = arith.constant 32 : index
        %swap3A_976 = tpu.vector_load %arg14[%swap3A_974, %swap3A_975] {strides = array<i32>} : memref<128x128xf32, #tpu.memory_space<vmem>>, vector<1x16xf32>,
        %swap3A_977 = vector.shape_cast %swap3A_976 : vector<1x16xf32> to vector<16xf32>
        %swap3A_978 = vector.shape_cast %mul3A_973 : vector<16xf32> to vector<1x16xf32>
        tpu.vector_store %arg14[%swap3A_974, %swap3A_975], %swap3A_978 {strides = array<i32>} : memref<128x128xf32, #tpu.memory_space<vmem>>, vector<1x16xf32>,
        %get3A_979 = arith.index_cast %add3A_948 : i32 to index
        %get3A_980 = arith.constant 48 : index
        %get3A_981 = tpu.vector_load %arg14[%get3A_979, %get3A_980] {strides = array<i32>} : memref<128x128xf32, #tpu.memory_space<vmem>>, vector<1x16xf32>,
        %get3A_982 = vector.shape_cast %get3A_981 : vector<1x16xf32> to vector<16xf32>
        %mul3A_983 = arith.mulf %get3A_982, %gather3A_944 : vector<16xf32>
        %swap3A_984 = arith.index_cast %add3A_948 : i32 to index
        %swap3A_985 = arith.constant 48 : index
        %swap3A_986 = tpu.vector_load %arg14[%swap3A_984, %swap3A_985] {strides = array<i32>} : memref<128x128xf32, #tpu.memory_space<vmem>>, vector<1x16xf32>,
        %swap3A_987 = vector.shape_cast %swap3A_986 : vector<1x16xf32> to vector<16xf32>
        %swap3A_988 = vector.shape_cast %mul3A_983 : vector<16xf32> to vector<1x16xf32>
        tpu.vector_store %arg14[%swap3A_984, %swap3A_985], %swap3A_988 {strides = array<i32>} : memref<128x128xf32, #tpu.memory_space<vmem>>, vector<1x16xf32>,
        %get3A_989 = arith.index_cast %add3A_948 : i32 to index
        %get3A_990 = arith.constant 64 : index
        %get3A_991 = tpu.vector_load %arg14[%get3A_989, %get3A_990] {strides = array<i32>} : memref<128x128xf32, #tpu.memory_space<vmem>>, vector<1x16xf32>,
        %get3A_992 = vector.shape_cast %get3A_991 : vector<1x16xf32> to vector<16xf32>
        %mul3A_993 = arith.mulf %get3A_992, %gather3A_944 : vector<16xf32>
        %swap3A_994 = arith.index_cast %add3A_948 : i32 to index
        %swap3A_995 = arith.constant 64 : index
        %swap3A_996 = tpu.vector_load %arg14[%swap3A_994, %swap3A_995] {strides = array<i32>} : memref<128x128xf32, #tpu.memory_space<vmem>>, vector<1x16xf32>,
        %swap3A_997 = vector.shape_cast %swap3A_996 : vector<1x16xf32> to vector<16xf32>
        %swap3A_998 = vector.shape_cast %mul3A_993 : vector<16xf32> to vector<1x16xf32>
        tpu.vector_store %arg14[%swap3A_994, %swap3A_995], %swap3A_998 {strides = array<i32>} : memref<128x128xf32, #tpu.memory_space<vmem>>, vector<1x16xf32>,
        %get3A_999 = arith.index_cast %add3A_948 : i32 to index
        %get3A_1000 = arith.constant 80 : index
        %get3A_1001 = tpu.vector_load %arg14[%get3A_999, %get3A_1000] {strides = array<i32>} : memref<128x128xf32, #tpu.memory_space<vmem>>, vector<1x16xf32>,
        %get3A_1002 = vector.shape_cast %get3A_1001 : vector<1x16xf32> to vector<16xf32>
        %mul3A_1003 = arith.mulf %get3A_1002, %gather3A_944 : vector<16xf32>
        %swap3A_1004 = arith.index_cast %add3A_948 : i32 to index
        %swap3A_1005 = arith.constant 80 : index
        %swap3A_1006 = tpu.vector_load %arg14[%swap3A_1004, %swap3A_1005] {strides = array<i32>} : memref<128x128xf32, #tpu.memory_space<vmem>>, vector<1x16xf32>,
        %swap3A_1007 = vector.shape_cast %swap3A_1006 : vector<1x16xf32> to vector<16xf32>
        %swap3A_1008 = vector.shape_cast %mul3A_1003 : vector<16xf32> to vector<1x16xf32>
        tpu.vector_store %arg14[%swap3A_1004, %swap3A_1005], %swap3A_1008 {strides = array<i32>} : memref<128x128xf32, #tpu.memory_space<vmem>>, vector<1x16xf32>,
        %get3A_1009 = arith.index_cast %add3A_948 : i32 to index
        %get3A_1010 = arith.constant 96 : index
        %get3A_1011 = tpu.vector_load %arg14[%get3A_1009, %get3A_1010] {strides = array<i32>} : memref<128x128xf32, #tpu.memory_space<vmem>>, vector<1x16xf32>,
        %get3A_1012 = vector.shape_cast %get3A_1011 : vector<1x16xf32> to vector<16xf32>
        %mul3A_1013 = arith.mulf %get3A_1012, %gather3A_944 : vector<16xf32>
        %swap3A_1014 = arith.index_cast %add3A_948 : i32 to index
        %swap3A_1015 = arith.constant 96 : index
        %swap3A_1016 = tpu.vector_load %arg14[%swap3A_1014, %swap3A_1015] {strides = array<i32>} : memref<128x128xf32, #tpu.memory_space<vmem>>, vector<1x16xf32>,
        %swap3A_1017 = vector.shape_cast %swap3A_1016 : vector<1x16xf32> to vector<16xf32>
        %swap3A_1018 = vector.shape_cast %mul3A_1013 : vector<16xf32> to vector<1x16xf32>
        tpu.vector_store %arg14[%swap3A_1014, %swap3A_1015], %swap3A_1018 {strides = array<i32>} : memref<128x128xf32, #tpu.memory_space<vmem>>, vector<1x16xf32>,
        %get3A_1019 = arith.index_cast %add3A_948 : i32 to index
        %get3A_1020 = arith.constant 112 : index
        %get3A_1021 = tpu.vector_load %arg14[%get3A_1019, %get3A_1020] {strides = array<i32>} : memref<128x128xf32, #tpu.memory_space<vmem>>, vector<1x16xf32>,
        %get3A_1022 = vector.shape_cast %get3A_1021 : vector<1x16xf32> to vector<16xf32>
        %mul3A_1023 = arith.mulf %get3A_1022, %gather3A_944 : vector<16xf32>
        %swap3A_1024 = arith.index_cast %add3A_948 : i32 to index
        %swap3A_1025 = arith.constant 112 : index
        %swap3A_1026 = tpu.vector_load %arg14[%swap3A_1024, %swap3A_1025] {strides = array<i32>} : memref<128x128xf32, #tpu.memory_space<vmem>>, vector<1x16xf32>,
        %swap3A_1027 = vector.shape_cast %swap3A_1026 : vector<1x16xf32> to vector<16xf32>
        %swap3A_1028 = vector.shape_cast %mul3A_1023 : vector<16xf32> to vector<1x16xf32>
        tpu.vector_store %arg14[%swap3A_1024, %swap3A_1025], %swap3A_1028 {strides = array<i32>} : memref<128x128xf32, #tpu.memory_space<vmem>>, vector<1x16xf32>,
        %broadcast_in_dim3A_1029 = arith.constant 11 : i32
        %broadcast_in_dim3A_1030 = vector.broadcast %broadcast_in_dim3A_1029 : i32 to vector<16x1xi32>
        %gather3A_1031 = vector.shape_cast %broadcast_in_dim3A_1030 : vector<16x1xi32> to vector<16xi32>
        %gather3A_1032 = tpu.dynamic_gather %get3A_63[%gather3A_1031] in [0] : vector<16xf32>, vector<16xi32> -> vector<16xf32>
        %mul3A_1033 = arith.constant 16 : i32
        %mul3A_1034 = arith.muli %scan3A_58, %mul3A_1033 : i32
        %add3A_1035 = arith.constant 11 : i32
        %add3A_1036 = arith.addi %mul3A_1034, %add3A_1035 : i32
        %get3A_1037 = arith.index_cast %add3A_1036 : i32 to index
        %get3A_1038 = arith.constant 0 : index
        %get3A_1039 = tpu.vector_load %arg14[%get3A_1037, %get3A_1038] {strides = array<i32>} : memref<128x128xf32, #tpu.memory_space<vmem>>, vector<1x16xf32>,
        %get3A_1040 = vector.shape_cast %get3A_1039 : vector<1x16xf32> to vector<16xf32>
        %mul3A_1041 = arith.mulf %get3A_1040, %gather3A_1032 : vector<16xf32>
        %swap3A_1042 = arith.index_cast %add3A_1036 : i32 to index
        %swap3A_1043 = arith.constant 0 : index
        %swap3A_1044 = tpu.vector_load %arg14[%swap3A_1042, %swap3A_1043] {strides = array<i32>} : memref<128x128xf32, #tpu.memory_space<vmem>>, vector<1x16xf32>,
        %swap3A_1045 = vector.shape_cast %swap3A_1044 : vector<1x16xf32> to vector<16xf32>
        %swap3A_1046 = vector.shape_cast %mul3A_1041 : vector<16xf32> to vector<1x16xf32>
        tpu.vector_store %arg14[%swap3A_1042, %swap3A_1043], %swap3A_1046 {strides = array<i32>} : memref<128x128xf32, #tpu.memory_space<vmem>>, vector<1x16xf32>,
        %get3A_1047 = arith.index_cast %add3A_1036 : i32 to index
        %get3A_1048 = arith.constant 16 : index
        %get3A_1049 = tpu.vector_load %arg14[%get3A_1047, %get3A_1048] {strides = array<i32>} : memref<128x128xf32, #tpu.memory_space<vmem>>, vector<1x16xf32>,
        %get3A_1050 = vector.shape_cast %get3A_1049 : vector<1x16xf32> to vector<16xf32>
        %mul3A_1051 = arith.mulf %get3A_1050, %gather3A_1032 : vector<16xf32>
        %swap3A_1052 = arith.index_cast %add3A_1036 : i32 to index
        %swap3A_1053 = arith.constant 16 : index
        %swap3A_1054 = tpu.vector_load %arg14[%swap3A_1052, %swap3A_1053] {strides = array<i32>} : memref<128x128xf32, #tpu.memory_space<vmem>>, vector<1x16xf32>,
        %swap3A_1055 = vector.shape_cast %swap3A_1054 : vector<1x16xf32> to vector<16xf32>
        %swap3A_1056 = vector.shape_cast %mul3A_1051 : vector<16xf32> to vector<1x16xf32>
        tpu.vector_store %arg14[%swap3A_1052, %swap3A_1053], %swap3A_1056 {strides = array<i32>} : memref<128x128xf32, #tpu.memory_space<vmem>>, vector<1x16xf32>,
        %get3A_1057 = arith.index_cast %add3A_1036 : i32 to index
        %get3A_1058 = arith.constant 32 : index
        %get3A_1059 = tpu.vector_load %arg14[%get3A_1057, %get3A_1058] {strides = array<i32>} : memref<128x128xf32, #tpu.memory_space<vmem>>, vector<1x16xf32>,
        %get3A_1060 = vector.shape_cast %get3A_1059 : vector<1x16xf32> to vector<16xf32>
        %mul3A_1061 = arith.mulf %get3A_1060, %gather3A_1032 : vector<16xf32>
        %swap3A_1062 = arith.index_cast %add3A_1036 : i32 to index
        %swap3A_1063 = arith.constant 32 : index
        %swap3A_1064 = tpu.vector_load %arg14[%swap3A_1062, %swap3A_1063] {strides = array<i32>} : memref<128x128xf32, #tpu.memory_space<vmem>>, vector<1x16xf32>,
        %swap3A_1065 = vector.shape_cast %swap3A_1064 : vector<1x16xf32> to vector<16xf32>
        %swap3A_1066 = vector.shape_cast %mul3A_1061 : vector<16xf32> to vector<1x16xf32>
        tpu.vector_store %arg14[%swap3A_1062, %swap3A_1063], %swap3A_1066 {strides = array<i32>} : memref<128x128xf32, #tpu.memory_space<vmem>>, vector<1x16xf32>,
        %get3A_1067 = arith.index_cast %add3A_1036 : i32 to index
        %get3A_1068 = arith.constant 48 : index
        %get3A_1069 = tpu.vector_load %arg14[%get3A_1067, %get3A_1068] {strides = array<i32>} : memref<128x128xf32, #tpu.memory_space<vmem>>, vector<1x16xf32>,
        %get3A_1070 = vector.shape_cast %get3A_1069 : vector<1x16xf32> to vector<16xf32>
        %mul3A_1071 = arith.mulf %get3A_1070, %gather3A_1032 : vector<16xf32>
        %swap3A_1072 = arith.index_cast %add3A_1036 : i32 to index
        %swap3A_1073 = arith.constant 48 : index
        %swap3A_1074 = tpu.vector_load %arg14[%swap3A_1072, %swap3A_1073] {strides = array<i32>} : memref<128x128xf32, #tpu.memory_space<vmem>>, vector<1x16xf32>,
        %swap3A_1075 = vector.shape_cast %swap3A_1074 : vector<1x16xf32> to vector<16xf32>
        %swap3A_1076 = vector.shape_cast %mul3A_1071 : vector<16xf32> to vector<1x16xf32>
        tpu.vector_store %arg14[%swap3A_1072, %swap3A_1073], %swap3A_1076 {strides = array<i32>} : memref<128x128xf32, #tpu.memory_space<vmem>>, vector<1x16xf32>,
        %get3A_1077 = arith.index_cast %add3A_1036 : i32 to index
        %get3A_1078 = arith.constant 64 : index
        %get3A_1079 = tpu.vector_load %arg14[%get3A_1077, %get3A_1078] {strides = array<i32>} : memref<128x128xf32, #tpu.memory_space<vmem>>, vector<1x16xf32>,
        %get3A_1080 = vector.shape_cast %get3A_1079 : vector<1x16xf32> to vector<16xf32>
        %mul3A_1081 = arith.mulf %get3A_1080, %gather3A_1032 : vector<16xf32>
        %swap3A_1082 = arith.index_cast %add3A_1036 : i32 to index
        %swap3A_1083 = arith.constant 64 : index
        %swap3A_1084 = tpu.vector_load %arg14[%swap3A_1082, %swap3A_1083] {strides = array<i32>} : memref<128x128xf32, #tpu.memory_space<vmem>>, vector<1x16xf32>,
        %swap3A_1085 = vector.shape_cast %swap3A_1084 : vector<1x16xf32> to vector<16xf32>
        %swap3A_1086 = vector.shape_cast %mul3A_1081 : vector<16xf32> to vector<1x16xf32>
        tpu.vector_store %arg14[%swap3A_1082, %swap3A_1083], %swap3A_1086 {strides = array<i32>} : memref<128x128xf32, #tpu.memory_space<vmem>>, vector<1x16xf32>,
        %get3A_1087 = arith.index_cast %add3A_1036 : i32 to index
        %get3A_1088 = arith.constant 80 : index
        %get3A_1089 = tpu.vector_load %arg14[%get3A_1087, %get3A_1088] {strides = array<i32>} : memref<128x128xf32, #tpu.memory_space<vmem>>, vector<1x16xf32>,
        %get3A_1090 = vector.shape_cast %get3A_1089 : vector<1x16xf32> to vector<16xf32>
        %mul3A_1091 = arith.mulf %get3A_1090, %gather3A_1032 : vector<16xf32>
        %swap3A_1092 = arith.index_cast %add3A_1036 : i32 to index
        %swap3A_1093 = arith.constant 80 : index
        %swap3A_1094 = tpu.vector_load %arg14[%swap3A_1092, %swap3A_1093] {strides = array<i32>} : memref<128x128xf32, #tpu.memory_space<vmem>>, vector<1x16xf32>,
        %swap3A_1095 = vector.shape_cast %swap3A_1094 : vector<1x16xf32> to vector<16xf32>
        %swap3A_1096 = vector.shape_cast %mul3A_1091 : vector<16xf32> to vector<1x16xf32>
        tpu.vector_store %arg14[%swap3A_1092, %swap3A_1093], %swap3A_1096 {strides = array<i32>} : memref<128x128xf32, #tpu.memory_space<vmem>>, vector<1x16xf32>,
        %get3A_1097 = arith.index_cast %add3A_1036 : i32 to index
        %get3A_1098 = arith.constant 96 : index
        %get3A_1099 = tpu.vector_load %arg14[%get3A_1097, %get3A_1098] {strides = array<i32>} : memref<128x128xf32, #tpu.memory_space<vmem>>, vector<1x16xf32>,
        %get3A_1100 = vector.shape_cast %get3A_1099 : vector<1x16xf32> to vector<16xf32>
        %mul3A_1101 = arith.mulf %get3A_1100, %gather3A_1032 : vector<16xf32>
        %swap3A_1102 = arith.index_cast %add3A_1036 : i32 to index
        %swap3A_1103 = arith.constant 96 : index
        %swap3A_1104 = tpu.vector_load %arg14[%swap3A_1102, %swap3A_1103] {strides = array<i32>} : memref<128x128xf32, #tpu.memory_space<vmem>>, vector<1x16xf32>,
        %swap3A_1105 = vector.shape_cast %swap3A_1104 : vector<1x16xf32> to vector<16xf32>
        %swap3A_1106 = vector.shape_cast %mul3A_1101 : vector<16xf32> to vector<1x16xf32>
        tpu.vector_store %arg14[%swap3A_1102, %swap3A_1103], %swap3A_1106 {strides = array<i32>} : memref<128x128xf32, #tpu.memory_space<vmem>>, vector<1x16xf32>,
        %get3A_1107 = arith.index_cast %add3A_1036 : i32 to index
        %get3A_1108 = arith.constant 112 : index
        %get3A_1109 = tpu.vector_load %arg14[%get3A_1107, %get3A_1108] {strides = array<i32>} : memref<128x128xf32, #tpu.memory_space<vmem>>, vector<1x16xf32>,
        %get3A_1110 = vector.shape_cast %get3A_1109 : vector<1x16xf32> to vector<16xf32>
        %mul3A_1111 = arith.mulf %get3A_1110, %gather3A_1032 : vector<16xf32>
        %swap3A_1112 = arith.index_cast %add3A_1036 : i32 to index
        %swap3A_1113 = arith.constant 112 : index
        %swap3A_1114 = tpu.vector_load %arg14[%swap3A_1112, %swap3A_1113] {strides = array<i32>} : memref<128x128xf32, #tpu.memory_space<vmem>>, vector<1x16xf32>,
        %swap3A_1115 = vector.shape_cast %swap3A_1114 : vector<1x16xf32> to vector<16xf32>
        %swap3A_1116 = vector.shape_cast %mul3A_1111 : vector<16xf32> to vector<1x16xf32>
        tpu.vector_store %arg14[%swap3A_1112, %swap3A_1113], %swap3A_1116 {strides = array<i32>} : memref<128x128xf32, #tpu.memory_space<vmem>>, vector<1x16xf32>,
        %broadcast_in_dim3A_1117 = arith.constant 12 : i32
        %broadcast_in_dim3A_1118 = vector.broadcast %broadcast_in_dim3A_1117 : i32 to vector<16x1xi32>
        %gather3A_1119 = vector.shape_cast %broadcast_in_dim3A_1118 : vector<16x1xi32> to vector<16xi32>
        %gather3A_1120 = tpu.dynamic_gather %get3A_63[%gather3A_1119] in [0] : vector<16xf32>, vector<16xi32> -> vector<16xf32>
        %mul3A_1121 = arith.constant 16 : i32
        %mul3A_1122 = arith.muli %scan3A_58, %mul3A_1121 : i32
        %add3A_1123 = arith.constant 12 : i32
        %add3A_1124 = arith.addi %mul3A_1122, %add3A_1123 : i32
        %get3A_1125 = arith.index_cast %add3A_1124 : i32 to index
        %get3A_1126 = arith.constant 0 : index
        %get3A_1127 = tpu.vector_load %arg14[%get3A_1125, %get3A_1126] {strides = array<i32>} : memref<128x128xf32, #tpu.memory_space<vmem>>, vector<1x16xf32>,
        %get3A_1128 = vector.shape_cast %get3A_1127 : vector<1x16xf32> to vector<16xf32>
        %mul3A_1129 = arith.mulf %get3A_1128, %gather3A_1120 : vector<16xf32>
        %swap3A_1130 = arith.index_cast %add3A_1124 : i32 to index
        %swap3A_1131 = arith.constant 0 : index
        %swap3A_1132 = tpu.vector_load %arg14[%swap3A_1130, %swap3A_1131] {strides = array<i32>} : memref<128x128xf32, #tpu.memory_space<vmem>>, vector<1x16xf32>,
        %swap3A_1133 = vector.shape_cast %swap3A_1132 : vector<1x16xf32> to vector<16xf32>
        %swap3A_1134 = vector.shape_cast %mul3A_1129 : vector<16xf32> to vector<1x16xf32>
        tpu.vector_store %arg14[%swap3A_1130, %swap3A_1131], %swap3A_1134 {strides = array<i32>} : memref<128x128xf32, #tpu.memory_space<vmem>>, vector<1x16xf32>,
        %get3A_1135 = arith.index_cast %add3A_1124 : i32 to index
        %get3A_1136 = arith.constant 16 : index
        %get3A_1137 = tpu.vector_load %arg14[%get3A_1135, %get3A_1136] {strides = array<i32>} : memref<128x128xf32, #tpu.memory_space<vmem>>, vector<1x16xf32>,
        %get3A_1138 = vector.shape_cast %get3A_1137 : vector<1x16xf32> to vector<16xf32>
        %mul3A_1139 = arith.mulf %get3A_1138, %gather3A_1120 : vector<16xf32>
        %swap3A_1140 = arith.index_cast %add3A_1124 : i32 to index
        %swap3A_1141 = arith.constant 16 : index
        %swap3A_1142 = tpu.vector_load %arg14[%swap3A_1140, %swap3A_1141] {strides = array<i32>} : memref<128x128xf32, #tpu.memory_space<vmem>>, vector<1x16xf32>,
        %swap3A_1143 = vector.shape_cast %swap3A_1142 : vector<1x16xf32> to vector<16xf32>
        %swap3A_1144 = vector.shape_cast %mul3A_1139 : vector<16xf32> to vector<1x16xf32>
        tpu.vector_store %arg14[%swap3A_1140, %swap3A_1141], %swap3A_1144 {strides = array<i32>} : memref<128x128xf32, #tpu.memory_space<vmem>>, vector<1x16xf32>,
        %get3A_1145 = arith.index_cast %add3A_1124 : i32 to index
        %get3A_1146 = arith.constant 32 : index
        %get3A_1147 = tpu.vector_load %arg14[%get3A_1145, %get3A_1146] {strides = array<i32>} : memref<128x128xf32, #tpu.memory_space<vmem>>, vector<1x16xf32>,
        %get3A_1148 = vector.shape_cast %get3A_1147 : vector<1x16xf32> to vector<16xf32>
        %mul3A_1149 = arith.mulf %get3A_1148, %gather3A_1120 : vector<16xf32>
        %swap3A_1150 = arith.index_cast %add3A_1124 : i32 to index
        %swap3A_1151 = arith.constant 32 : index
        %swap3A_1152 = tpu.vector_load %arg14[%swap3A_1150, %swap3A_1151] {strides = array<i32>} : memref<128x128xf32, #tpu.memory_space<vmem>>, vector<1x16xf32>,
        %swap3A_1153 = vector.shape_cast %swap3A_1152 : vector<1x16xf32> to vector<16xf32>
        %swap3A_1154 = vector.shape_cast %mul3A_1149 : vector<16xf32> to vector<1x16xf32>
        tpu.vector_store %arg14[%swap3A_1150, %swap3A_1151], %swap3A_1154 {strides = array<i32>} : memref<128x128xf32, #tpu.memory_space<vmem>>, vector<1x16xf32>,
        %get3A_1155 = arith.index_cast %add3A_1124 : i32 to index
        %get3A_1156 = arith.constant 48 : index
        %get3A_1157 = tpu.vector_load %arg14[%get3A_1155, %get3A_1156] {strides = array<i32>} : memref<128x128xf32, #tpu.memory_space<vmem>>, vector<1x16xf32>,
        %get3A_1158 = vector.shape_cast %get3A_1157 : vector<1x16xf32> to vector<16xf32>
        %mul3A_1159 = arith.mulf %get3A_1158, %gather3A_1120 : vector<16xf32>
        %swap3A_1160 = arith.index_cast %add3A_1124 : i32 to index
        %swap3A_1161 = arith.constant 48 : index
        %swap3A_1162 = tpu.vector_load %arg14[%swap3A_1160, %swap3A_1161] {strides = array<i32>} : memref<128x128xf32, #tpu.memory_space<vmem>>, vector<1x16xf32>,
        %swap3A_1163 = vector.shape_cast %swap3A_1162 : vector<1x16xf32> to vector<16xf32>
        %swap3A_1164 = vector.shape_cast %mul3A_1159 : vector<16xf32> to vector<1x16xf32>
        tpu.vector_store %arg14[%swap3A_1160, %swap3A_1161], %swap3A_1164 {strides = array<i32>} : memref<128x128xf32, #tpu.memory_space<vmem>>, vector<1x16xf32>,
        %get3A_1165 = arith.index_cast %add3A_1124 : i32 to index
        %get3A_1166 = arith.constant 64 : index
        %get3A_1167 = tpu.vector_load %arg14[%get3A_1165, %get3A_1166] {strides = array<i32>} : memref<128x128xf32, #tpu.memory_space<vmem>>, vector<1x16xf32>,
        %get3A_1168 = vector.shape_cast %get3A_1167 : vector<1x16xf32> to vector<16xf32>
        %mul3A_1169 = arith.mulf %get3A_1168, %gather3A_1120 : vector<16xf32>
        %swap3A_1170 = arith.index_cast %add3A_1124 : i32 to index
        %swap3A_1171 = arith.constant 64 : index
        %swap3A_1172 = tpu.vector_load %arg14[%swap3A_1170, %swap3A_1171] {strides = array<i32>} : memref<128x128xf32, #tpu.memory_space<vmem>>, vector<1x16xf32>,
        %swap3A_1173 = vector.shape_cast %swap3A_1172 : vector<1x16xf32> to vector<16xf32>
        %swap3A_1174 = vector.shape_cast %mul3A_1169 : vector<16xf32> to vector<1x16xf32>
        tpu.vector_store %arg14[%swap3A_1170, %swap3A_1171], %swap3A_1174 {strides = array<i32>} : memref<128x128xf32, #tpu.memory_space<vmem>>, vector<1x16xf32>,
        %get3A_1175 = arith.index_cast %add3A_1124 : i32 to index
        %get3A_1176 = arith.constant 80 : index
        %get3A_1177 = tpu.vector_load %arg14[%get3A_1175, %get3A_1176] {strides = array<i32>} : memref<128x128xf32, #tpu.memory_space<vmem>>, vector<1x16xf32>,
        %get3A_1178 = vector.shape_cast %get3A_1177 : vector<1x16xf32> to vector<16xf32>
        %mul3A_1179 = arith.mulf %get3A_1178, %gather3A_1120 : vector<16xf32>
        %swap3A_1180 = arith.index_cast %add3A_1124 : i32 to index
        %swap3A_1181 = arith.constant 80 : index
        %swap3A_1182 = tpu.vector_load %arg14[%swap3A_1180, %swap3A_1181] {strides = array<i32>} : memref<128x128xf32, #tpu.memory_space<vmem>>, vector<1x16xf32>,
        %swap3A_1183 = vector.shape_cast %swap3A_1182 : vector<1x16xf32> to vector<16xf32>
        %swap3A_1184 = vector.shape_cast %mul3A_1179 : vector<16xf32> to vector<1x16xf32>
        tpu.vector_store %arg14[%swap3A_1180, %swap3A_1181], %swap3A_1184 {strides = array<i32>} : memref<128x128xf32, #tpu.memory_space<vmem>>, vector<1x16xf32>,
        %get3A_1185 = arith.index_cast %add3A_1124 : i32 to index
        %get3A_1186 = arith.constant 96 : index
        %get3A_1187 = tpu.vector_load %arg14[%get3A_1185, %get3A_1186] {strides = array<i32>} : memref<128x128xf32, #tpu.memory_space<vmem>>, vector<1x16xf32>,
        %get3A_1188 = vector.shape_cast %get3A_1187 : vector<1x16xf32> to vector<16xf32>
        %mul3A_1189 = arith.mulf %get3A_1188, %gather3A_1120 : vector<16xf32>
        %swap3A_1190 = arith.index_cast %add3A_1124 : i32 to index
        %swap3A_1191 = arith.constant 96 : index
        %swap3A_1192 = tpu.vector_load %arg14[%swap3A_1190, %swap3A_1191] {strides = array<i32>} : memref<128x128xf32, #tpu.memory_space<vmem>>, vector<1x16xf32>,
        %swap3A_1193 = vector.shape_cast %swap3A_1192 : vector<1x16xf32> to vector<16xf32>
        %swap3A_1194 = vector.shape_cast %mul3A_1189 : vector<16xf32> to vector<1x16xf32>
        tpu.vector_store %arg14[%swap3A_1190, %swap3A_1191], %swap3A_1194 {strides = array<i32>} : memref<128x128xf32, #tpu.memory_space<vmem>>, vector<1x16xf32>,
        %get3A_1195 = arith.index_cast %add3A_1124 : i32 to index
        %get3A_1196 = arith.constant 112 : index
        %get3A_1197 = tpu.vector_load %arg14[%get3A_1195, %get3A_1196] {strides = array<i32>} : memref<128x128xf32, #tpu.memory_space<vmem>>, vector<1x16xf32>,
        %get3A_1198 = vector.shape_cast %get3A_1197 : vector<1x16xf32> to vector<16xf32>
        %mul3A_1199 = arith.mulf %get3A_1198, %gather3A_1120 : vector<16xf32>
        %swap3A_1200 = arith.index_cast %add3A_1124 : i32 to index
        %swap3A_1201 = arith.constant 112 : index
        %swap3A_1202 = tpu.vector_load %arg14[%swap3A_1200, %swap3A_1201] {strides = array<i32>} : memref<128x128xf32, #tpu.memory_space<vmem>>, vector<1x16xf32>,
        %swap3A_1203 = vector.shape_cast %swap3A_1202 : vector<1x16xf32> to vector<16xf32>
        %swap3A_1204 = vector.shape_cast %mul3A_1199 : vector<16xf32> to vector<1x16xf32>
        tpu.vector_store %arg14[%swap3A_1200, %swap3A_1201], %swap3A_1204 {strides = array<i32>} : memref<128x128xf32, #tpu.memory_space<vmem>>, vector<1x16xf32>,
        %broadcast_in_dim3A_1205 = arith.constant 13 : i32
        %broadcast_in_dim3A_1206 = vector.broadcast %broadcast_in_dim3A_1205 : i32 to vector<16x1xi32>
        %gather3A_1207 = vector.shape_cast %broadcast_in_dim3A_1206 : vector<16x1xi32> to vector<16xi32>
        %gather3A_1208 = tpu.dynamic_gather %get3A_63[%gather3A_1207] in [0] : vector<16xf32>, vector<16xi32> -> vector<16xf32>
        %mul3A_1209 = arith.constant 16 : i32
        %mul3A_1210 = arith.muli %scan3A_58, %mul3A_1209 : i32
        %add3A_1211 = arith.constant 13 : i32
        %add3A_1212 = arith.addi %mul3A_1210, %add3A_1211 : i32
        %get3A_1213 = arith.index_cast %add3A_1212 : i32 to index
        %get3A_1214 = arith.constant 0 : index
        %get3A_1215 = tpu.vector_load %arg14[%get3A_1213, %get3A_1214] {strides = array<i32>} : memref<128x128xf32, #tpu.memory_space<vmem>>, vector<1x16xf32>,
        %get3A_1216 = vector.shape_cast %get3A_1215 : vector<1x16xf32> to vector<16xf32>
        %mul3A_1217 = arith.mulf %get3A_1216, %gather3A_1208 : vector<16xf32>
        %swap3A_1218 = arith.index_cast %add3A_1212 : i32 to index
        %swap3A_1219 = arith.constant 0 : index
        %swap3A_1220 = tpu.vector_load %arg14[%swap3A_1218, %swap3A_1219] {strides = array<i32>} : memref<128x128xf32, #tpu.memory_space<vmem>>, vector<1x16xf32>,
        %swap3A_1221 = vector.shape_cast %swap3A_1220 : vector<1x16xf32> to vector<16xf32>
        %swap3A_1222 = vector.shape_cast %mul3A_1217 : vector<16xf32> to vector<1x16xf32>
        tpu.vector_store %arg14[%swap3A_1218, %swap3A_1219], %swap3A_1222 {strides = array<i32>} : memref<128x128xf32, #tpu.memory_space<vmem>>, vector<1x16xf32>,
        %get3A_1223 = arith.index_cast %add3A_1212 : i32 to index
        %get3A_1224 = arith.constant 16 : index
        %get3A_1225 = tpu.vector_load %arg14[%get3A_1223, %get3A_1224] {strides = array<i32>} : memref<128x128xf32, #tpu.memory_space<vmem>>, vector<1x16xf32>,
        %get3A_1226 = vector.shape_cast %get3A_1225 : vector<1x16xf32> to vector<16xf32>
        %mul3A_1227 = arith.mulf %get3A_1226, %gather3A_1208 : vector<16xf32>
        %swap3A_1228 = arith.index_cast %add3A_1212 : i32 to index
        %swap3A_1229 = arith.constant 16 : index
        %swap3A_1230 = tpu.vector_load %arg14[%swap3A_1228, %swap3A_1229] {strides = array<i32>} : memref<128x128xf32, #tpu.memory_space<vmem>>, vector<1x16xf32>,
        %swap3A_1231 = vector.shape_cast %swap3A_1230 : vector<1x16xf32> to vector<16xf32>
        %swap3A_1232 = vector.shape_cast %mul3A_1227 : vector<16xf32> to vector<1x16xf32>
        tpu.vector_store %arg14[%swap3A_1228, %swap3A_1229], %swap3A_1232 {strides = array<i32>} : memref<128x128xf32, #tpu.memory_space<vmem>>, vector<1x16xf32>,
        %get3A_1233 = arith.index_cast %add3A_1212 : i32 to index
        %get3A_1234 = arith.constant 32 : index
        %get3A_1235 = tpu.vector_load %arg14[%get3A_1233, %get3A_1234] {strides = array<i32>} : memref<128x128xf32, #tpu.memory_space<vmem>>, vector<1x16xf32>,
        %get3A_1236 = vector.shape_cast %get3A_1235 : vector<1x16xf32> to vector<16xf32>
        %mul3A_1237 = arith.mulf %get3A_1236, %gather3A_1208 : vector<16xf32>
        %swap3A_1238 = arith.index_cast %add3A_1212 : i32 to index
        %swap3A_1239 = arith.constant 32 : index
        %swap3A_1240 = tpu.vector_load %arg14[%swap3A_1238, %swap3A_1239] {strides = array<i32>} : memref<128x128xf32, #tpu.memory_space<vmem>>, vector<1x16xf32>,
        %swap3A_1241 = vector.shape_cast %swap3A_1240 : vector<1x16xf32> to vector<16xf32>
        %swap3A_1242 = vector.shape_cast %mul3A_1237 : vector<16xf32> to vector<1x16xf32>
        tpu.vector_store %arg14[%swap3A_1238, %swap3A_1239], %swap3A_1242 {strides = array<i32>} : memref<128x128xf32, #tpu.memory_space<vmem>>, vector<1x16xf32>,
        %get3A_1243 = arith.index_cast %add3A_1212 : i32 to index
        %get3A_1244 = arith.constant 48 : index
        %get3A_1245 = tpu.vector_load %arg14[%get3A_1243, %get3A_1244] {strides = array<i32>} : memref<128x128xf32, #tpu.memory_space<vmem>>, vector<1x16xf32>,
        %get3A_1246 = vector.shape_cast %get3A_1245 : vector<1x16xf32> to vector<16xf32>
        %mul3A_1247 = arith.mulf %get3A_1246, %gather3A_1208 : vector<16xf32>
        %swap3A_1248 = arith.index_cast %add3A_1212 : i32 to index
        %swap3A_1249 = arith.constant 48 : index
        %swap3A_1250 = tpu.vector_load %arg14[%swap3A_1248, %swap3A_1249] {strides = array<i32>} : memref<128x128xf32, #tpu.memory_space<vmem>>, vector<1x16xf32>,
        %swap3A_1251 = vector.shape_cast %swap3A_1250 : vector<1x16xf32> to vector<16xf32>
        %swap3A_1252 = vector.shape_cast %mul3A_1247 : vector<16xf32> to vector<1x16xf32>
        tpu.vector_store %arg14[%swap3A_1248, %swap3A_1249], %swap3A_1252 {strides = array<i32>} : memref<128x128xf32, #tpu.memory_space<vmem>>, vector<1x16xf32>,
        %get3A_1253 = arith.index_cast %add3A_1212 : i32 to index
        %get3A_1254 = arith.constant 64 : index
        %get3A_1255 = tpu.vector_load %arg14[%get3A_1253, %get3A_1254] {strides = array<i32>} : memref<128x128xf32, #tpu.memory_space<vmem>>, vector<1x16xf32>,
        %get3A_1256 = vector.shape_cast %get3A_1255 : vector<1x16xf32> to vector<16xf32>
        %mul3A_1257 = arith.mulf %get3A_1256, %gather3A_1208 : vector<16xf32>
        %swap3A_1258 = arith.index_cast %add3A_1212 : i32 to index
        %swap3A_1259 = arith.constant 64 : index
        %swap3A_1260 = tpu.vector_load %arg14[%swap3A_1258, %swap3A_1259] {strides = array<i32>} : memref<128x128xf32, #tpu.memory_space<vmem>>, vector<1x16xf32>,
        %swap3A_1261 = vector.shape_cast %swap3A_1260 : vector<1x16xf32> to vector<16xf32>
        %swap3A_1262 = vector.shape_cast %mul3A_1257 : vector<16xf32> to vector<1x16xf32>
        tpu.vector_store %arg14[%swap3A_1258, %swap3A_1259], %swap3A_1262 {strides = array<i32>} : memref<128x128xf32, #tpu.memory_space<vmem>>, vector<1x16xf32>,
        %get3A_1263 = arith.index_cast %add3A_1212 : i32 to index
        %get3A_1264 = arith.constant 80 : index
        %get3A_1265 = tpu.vector_load %arg14[%get3A_1263, %get3A_1264] {strides = array<i32>} : memref<128x128xf32, #tpu.memory_space<vmem>>, vector<1x16xf32>,
        %get3A_1266 = vector.shape_cast %get3A_1265 : vector<1x16xf32> to vector<16xf32>
        %mul3A_1267 = arith.mulf %get3A_1266, %gather3A_1208 : vector<16xf32>
        %swap3A_1268 = arith.index_cast %add3A_1212 : i32 to index
        %swap3A_1269 = arith.constant 80 : index
        %swap3A_1270 = tpu.vector_load %arg14[%swap3A_1268, %swap3A_1269] {strides = array<i32>} : memref<128x128xf32, #tpu.memory_space<vmem>>, vector<1x16xf32>,
        %swap3A_1271 = vector.shape_cast %swap3A_1270 : vector<1x16xf32> to vector<16xf32>
        %swap3A_1272 = vector.shape_cast %mul3A_1267 : vector<16xf32> to vector<1x16xf32>
        tpu.vector_store %arg14[%swap3A_1268, %swap3A_1269], %swap3A_1272 {strides = array<i32>} : memref<128x128xf32, #tpu.memory_space<vmem>>, vector<1x16xf32>,
        %get3A_1273 = arith.index_cast %add3A_1212 : i32 to index
        %get3A_1274 = arith.constant 96 : index
        %get3A_1275 = tpu.vector_load %arg14[%get3A_1273, %get3A_1274] {strides = array<i32>} : memref<128x128xf32, #tpu.memory_space<vmem>>, vector<1x16xf32>,
        %get3A_1276 = vector.shape_cast %get3A_1275 : vector<1x16xf32> to vector<16xf32>
        %mul3A_1277 = arith.mulf %get3A_1276, %gather3A_1208 : vector<16xf32>
        %swap3A_1278 = arith.index_cast %add3A_1212 : i32 to index
        %swap3A_1279 = arith.constant 96 : index
        %swap3A_1280 = tpu.vector_load %arg14[%swap3A_1278, %swap3A_1279] {strides = array<i32>} : memref<128x128xf32, #tpu.memory_space<vmem>>, vector<1x16xf32>,
        %swap3A_1281 = vector.shape_cast %swap3A_1280 : vector<1x16xf32> to vector<16xf32>
        %swap3A_1282 = vector.shape_cast %mul3A_1277 : vector<16xf32> to vector<1x16xf32>
        tpu.vector_store %arg14[%swap3A_1278, %swap3A_1279], %swap3A_1282 {strides = array<i32>} : memref<128x128xf32, #tpu.memory_space<vmem>>, vector<1x16xf32>,
        %get3A_1283 = arith.index_cast %add3A_1212 : i32 to index
        %get3A_1284 = arith.constant 112 : index
        %get3A_1285 = tpu.vector_load %arg14[%get3A_1283, %get3A_1284] {strides = array<i32>} : memref<128x128xf32, #tpu.memory_space<vmem>>, vector<1x16xf32>,
        %get3A_1286 = vector.shape_cast %get3A_1285 : vector<1x16xf32> to vector<16xf32>
        %mul3A_1287 = arith.mulf %get3A_1286, %gather3A_1208 : vector<16xf32>
        %swap3A_1288 = arith.index_cast %add3A_1212 : i32 to index
        %swap3A_1289 = arith.constant 112 : index
        %swap3A_1290 = tpu.vector_load %arg14[%swap3A_1288, %swap3A_1289] {strides = array<i32>} : memref<128x128xf32, #tpu.memory_space<vmem>>, vector<1x16xf32>,
        %swap3A_1291 = vector.shape_cast %swap3A_1290 : vector<1x16xf32> to vector<16xf32>
        %swap3A_1292 = vector.shape_cast %mul3A_1287 : vector<16xf32> to vector<1x16xf32>
        tpu.vector_store %arg14[%swap3A_1288, %swap3A_1289], %swap3A_1292 {strides = array<i32>} : memref<128x128xf32, #tpu.memory_space<vmem>>, vector<1x16xf32>,
        %broadcast_in_dim3A_1293 = arith.constant 14 : i32
        %broadcast_in_dim3A_1294 = vector.broadcast %broadcast_in_dim3A_1293 : i32 to vector<16x1xi32>
        %gather3A_1295 = vector.shape_cast %broadcast_in_dim3A_1294 : vector<16x1xi32> to vector<16xi32>
        %gather3A_1296 = tpu.dynamic_gather %get3A_63[%gather3A_1295] in [0] : vector<16xf32>, vector<16xi32> -> vector<16xf32>
        %mul3A_1297 = arith.constant 16 : i32
        %mul3A_1298 = arith.muli %scan3A_58, %mul3A_1297 : i32
        %add3A_1299 = arith.constant 14 : i32
        %add3A_1300 = arith.addi %mul3A_1298, %add3A_1299 : i32
        %get3A_1301 = arith.index_cast %add3A_1300 : i32 to index
        %get3A_1302 = arith.constant 0 : index
        %get3A_1303 = tpu.vector_load %arg14[%get3A_1301, %get3A_1302] {strides = array<i32>} : memref<128x128xf32, #tpu.memory_space<vmem>>, vector<1x16xf32>,
        %get3A_1304 = vector.shape_cast %get3A_1303 : vector<1x16xf32> to vector<16xf32>
        %mul3A_1305 = arith.mulf %get3A_1304, %gather3A_1296 : vector<16xf32>
        %swap3A_1306 = arith.index_cast %add3A_1300 : i32 to index
        %swap3A_1307 = arith.constant 0 : index
        %swap3A_1308 = tpu.vector_load %arg14[%swap3A_1306, %swap3A_1307] {strides = array<i32>} : memref<128x128xf32, #tpu.memory_space<vmem>>, vector<1x16xf32>,
        %swap3A_1309 = vector.shape_cast %swap3A_1308 : vector<1x16xf32> to vector<16xf32>
        %swap3A_1310 = vector.shape_cast %mul3A_1305 : vector<16xf32> to vector<1x16xf32>
        tpu.vector_store %arg14[%swap3A_1306, %swap3A_1307], %swap3A_1310 {strides = array<i32>} : memref<128x128xf32, #tpu.memory_space<vmem>>, vector<1x16xf32>,
        %get3A_1311 = arith.index_cast %add3A_1300 : i32 to index
        %get3A_1312 = arith.constant 16 : index
        %get3A_1313 = tpu.vector_load %arg14[%get3A_1311, %get3A_1312] {strides = array<i32>} : memref<128x128xf32, #tpu.memory_space<vmem>>, vector<1x16xf32>,
        %get3A_1314 = vector.shape_cast %get3A_1313 : vector<1x16xf32> to vector<16xf32>
        %mul3A_1315 = arith.mulf %get3A_1314, %gather3A_1296 : vector<16xf32>
        %swap3A_1316 = arith.index_cast %add3A_1300 : i32 to index
        %swap3A_1317 = arith.constant 16 : index
        %swap3A_1318 = tpu.vector_load %arg14[%swap3A_1316, %swap3A_1317] {strides = array<i32>} : memref<128x128xf32, #tpu.memory_space<vmem>>, vector<1x16xf32>,
        %swap3A_1319 = vector.shape_cast %swap3A_1318 : vector<1x16xf32> to vector<16xf32>
        %swap3A_1320 = vector.shape_cast %mul3A_1315 : vector<16xf32> to vector<1x16xf32>
        tpu.vector_store %arg14[%swap3A_1316, %swap3A_1317], %swap3A_1320 {strides = array<i32>} : memref<128x128xf32, #tpu.memory_space<vmem>>, vector<1x16xf32>,
        %get3A_1321 = arith.index_cast %add3A_1300 : i32 to index
        %get3A_1322 = arith.constant 32 : index
        %get3A_1323 = tpu.vector_load %arg14[%get3A_1321, %get3A_1322] {strides = array<i32>} : memref<128x128xf32, #tpu.memory_space<vmem>>, vector<1x16xf32>,
        %get3A_1324 = vector.shape_cast %get3A_1323 : vector<1x16xf32> to vector<16xf32>
        %mul3A_1325 = arith.mulf %get3A_1324, %gather3A_1296 : vector<16xf32>
        %swap3A_1326 = arith.index_cast %add3A_1300 : i32 to index
        %swap3A_1327 = arith.constant 32 : index
        %swap3A_1328 = tpu.vector_load %arg14[%swap3A_1326, %swap3A_1327] {strides = array<i32>} : memref<128x128xf32, #tpu.memory_space<vmem>>, vector<1x16xf32>,
        %swap3A_1329 = vector.shape_cast %swap3A_1328 : vector<1x16xf32> to vector<16xf32>
        %swap3A_1330 = vector.shape_cast %mul3A_1325 : vector<16xf32> to vector<1x16xf32>
        tpu.vector_store %arg14[%swap3A_1326, %swap3A_1327], %swap3A_1330 {strides = array<i32>} : memref<128x128xf32, #tpu.memory_space<vmem>>, vector<1x16xf32>,
        %get3A_1331 = arith.index_cast %add3A_1300 : i32 to index
        %get3A_1332 = arith.constant 48 : index
        %get3A_1333 = tpu.vector_load %arg14[%get3A_1331, %get3A_1332] {strides = array<i32>} : memref<128x128xf32, #tpu.memory_space<vmem>>, vector<1x16xf32>,
        %get3A_1334 = vector.shape_cast %get3A_1333 : vector<1x16xf32> to vector<16xf32>
        %mul3A_1335 = arith.mulf %get3A_1334, %gather3A_1296 : vector<16xf32>
        %swap3A_1336 = arith.index_cast %add3A_1300 : i32 to index
        %swap3A_1337 = arith.constant 48 : index
        %swap3A_1338 = tpu.vector_load %arg14[%swap3A_1336, %swap3A_1337] {strides = array<i32>} : memref<128x128xf32, #tpu.memory_space<vmem>>, vector<1x16xf32>,
        %swap3A_1339 = vector.shape_cast %swap3A_1338 : vector<1x16xf32> to vector<16xf32>
        %swap3A_1340 = vector.shape_cast %mul3A_1335 : vector<16xf32> to vector<1x16xf32>
        tpu.vector_store %arg14[%swap3A_1336, %swap3A_1337], %swap3A_1340 {strides = array<i32>} : memref<128x128xf32, #tpu.memory_space<vmem>>, vector<1x16xf32>,
        %get3A_1341 = arith.index_cast %add3A_1300 : i32 to index
        %get3A_1342 = arith.constant 64 : index
        %get3A_1343 = tpu.vector_load %arg14[%get3A_1341, %get3A_1342] {strides = array<i32>} : memref<128x128xf32, #tpu.memory_space<vmem>>, vector<1x16xf32>,
        %get3A_1344 = vector.shape_cast %get3A_1343 : vector<1x16xf32> to vector<16xf32>
        %mul3A_1345 = arith.mulf %get3A_1344, %gather3A_1296 : vector<16xf32>
        %swap3A_1346 = arith.index_cast %add3A_1300 : i32 to index
        %swap3A_1347 = arith.constant 64 : index
        %swap3A_1348 = tpu.vector_load %arg14[%swap3A_1346, %swap3A_1347] {strides = array<i32>} : memref<128x128xf32, #tpu.memory_space<vmem>>, vector<1x16xf32>,
        %swap3A_1349 = vector.shape_cast %swap3A_1348 : vector<1x16xf32> to vector<16xf32>
        %swap3A_1350 = vector.shape_cast %mul3A_1345 : vector<16xf32> to vector<1x16xf32>
        tpu.vector_store %arg14[%swap3A_1346, %swap3A_1347], %swap3A_1350 {strides = array<i32>} : memref<128x128xf32, #tpu.memory_space<vmem>>, vector<1x16xf32>,
        %get3A_1351 = arith.index_cast %add3A_1300 : i32 to index
        %get3A_1352 = arith.constant 80 : index
        %get3A_1353 = tpu.vector_load %arg14[%get3A_1351, %get3A_1352] {strides = array<i32>} : memref<128x128xf32, #tpu.memory_space<vmem>>, vector<1x16xf32>,
        %get3A_1354 = vector.shape_cast %get3A_1353 : vector<1x16xf32> to vector<16xf32>
        %mul3A_1355 = arith.mulf %get3A_1354, %gather3A_1296 : vector<16xf32>
        %swap3A_1356 = arith.index_cast %add3A_1300 : i32 to index
        %swap3A_1357 = arith.constant 80 : index
        %swap3A_1358 = tpu.vector_load %arg14[%swap3A_1356, %swap3A_1357] {strides = array<i32>} : memref<128x128xf32, #tpu.memory_space<vmem>>, vector<1x16xf32>,
        %swap3A_1359 = vector.shape_cast %swap3A_1358 : vector<1x16xf32> to vector<16xf32>
        %swap3A_1360 = vector.shape_cast %mul3A_1355 : vector<16xf32> to vector<1x16xf32>
        tpu.vector_store %arg14[%swap3A_1356, %swap3A_1357], %swap3A_1360 {strides = array<i32>} : memref<128x128xf32, #tpu.memory_space<vmem>>, vector<1x16xf32>,
        %get3A_1361 = arith.index_cast %add3A_1300 : i32 to index
        %get3A_1362 = arith.constant 96 : index
        %get3A_1363 = tpu.vector_load %arg14[%get3A_1361, %get3A_1362] {strides = array<i32>} : memref<128x128xf32, #tpu.memory_space<vmem>>, vector<1x16xf32>,
        %get3A_1364 = vector.shape_cast %get3A_1363 : vector<1x16xf32> to vector<16xf32>
        %mul3A_1365 = arith.mulf %get3A_1364, %gather3A_1296 : vector<16xf32>
        %swap3A_1366 = arith.index_cast %add3A_1300 : i32 to index
        %swap3A_1367 = arith.constant 96 : index
        %swap3A_1368 = tpu.vector_load %arg14[%swap3A_1366, %swap3A_1367] {strides = array<i32>} : memref<128x128xf32, #tpu.memory_space<vmem>>, vector<1x16xf32>,
        %swap3A_1369 = vector.shape_cast %swap3A_1368 : vector<1x16xf32> to vector<16xf32>
        %swap3A_1370 = vector.shape_cast %mul3A_1365 : vector<16xf32> to vector<1x16xf32>
        tpu.vector_store %arg14[%swap3A_1366, %swap3A_1367], %swap3A_1370 {strides = array<i32>} : memref<128x128xf32, #tpu.memory_space<vmem>>, vector<1x16xf32>,
        %get3A_1371 = arith.index_cast %add3A_1300 : i32 to index
        %get3A_1372 = arith.constant 112 : index
        %get3A_1373 = tpu.vector_load %arg14[%get3A_1371, %get3A_1372] {strides = array<i32>} : memref<128x128xf32, #tpu.memory_space<vmem>>, vector<1x16xf32>,
        %get3A_1374 = vector.shape_cast %get3A_1373 : vector<1x16xf32> to vector<16xf32>
        %mul3A_1375 = arith.mulf %get3A_1374, %gather3A_1296 : vector<16xf32>
        %swap3A_1376 = arith.index_cast %add3A_1300 : i32 to index
        %swap3A_1377 = arith.constant 112 : index
        %swap3A_1378 = tpu.vector_load %arg14[%swap3A_1376, %swap3A_1377] {strides = array<i32>} : memref<128x128xf32, #tpu.memory_space<vmem>>, vector<1x16xf32>,
        %swap3A_1379 = vector.shape_cast %swap3A_1378 : vector<1x16xf32> to vector<16xf32>
        %swap3A_1380 = vector.shape_cast %mul3A_1375 : vector<16xf32> to vector<1x16xf32>
        tpu.vector_store %arg14[%swap3A_1376, %swap3A_1377], %swap3A_1380 {strides = array<i32>} : memref<128x128xf32, #tpu.memory_space<vmem>>, vector<1x16xf32>,
        %broadcast_in_dim3A_1381 = arith.constant 15 : i32
        %broadcast_in_dim3A_1382 = vector.broadcast %broadcast_in_dim3A_1381 : i32 to vector<16x1xi32>
        %gather3A_1383 = vector.shape_cast %broadcast_in_dim3A_1382 : vector<16x1xi32> to vector<16xi32>
        %gather3A_1384 = tpu.dynamic_gather %get3A_63[%gather3A_1383] in [0] : vector<16xf32>, vector<16xi32> -> vector<16xf32>
        %mul3A_1385 = arith.constant 16 : i32
        %mul3A_1386 = arith.muli %scan3A_58, %mul3A_1385 : i32
        %add3A_1387 = arith.constant 15 : i32
        %add3A_1388 = arith.addi %mul3A_1386, %add3A_1387 : i32
        %get3A_1389 = arith.index_cast %add3A_1388 : i32 to index
        %get3A_1390 = arith.constant 0 : index
        %get3A_1391 = tpu.vector_load %arg14[%get3A_1389, %get3A_1390] {strides = array<i32>} : memref<128x128xf32, #tpu.memory_space<vmem>>, vector<1x16xf32>,
        %get3A_1392 = vector.shape_cast %get3A_1391 : vector<1x16xf32> to vector<16xf32>
        %mul3A_1393 = arith.mulf %get3A_1392, %gather3A_1384 : vector<16xf32>
        %swap3A_1394 = arith.index_cast %add3A_1388 : i32 to index
        %swap3A_1395 = arith.constant 0 : index
        %swap3A_1396 = tpu.vector_load %arg14[%swap3A_1394, %swap3A_1395] {strides = array<i32>} : memref<128x128xf32, #tpu.memory_space<vmem>>, vector<1x16xf32>,
        %swap3A_1397 = vector.shape_cast %swap3A_1396 : vector<1x16xf32> to vector<16xf32>
        %swap3A_1398 = vector.shape_cast %mul3A_1393 : vector<16xf32> to vector<1x16xf32>
        tpu.vector_store %arg14[%swap3A_1394, %swap3A_1395], %swap3A_1398 {strides = array<i32>} : memref<128x128xf32, #tpu.memory_space<vmem>>, vector<1x16xf32>,
        %get3A_1399 = arith.index_cast %add3A_1388 : i32 to index
        %get3A_1400 = arith.constant 16 : index
        %get3A_1401 = tpu.vector_load %arg14[%get3A_1399, %get3A_1400] {strides = array<i32>} : memref<128x128xf32, #tpu.memory_space<vmem>>, vector<1x16xf32>,
        %get3A_1402 = vector.shape_cast %get3A_1401 : vector<1x16xf32> to vector<16xf32>
        %mul3A_1403 = arith.mulf %get3A_1402, %gather3A_1384 : vector<16xf32>
        %swap3A_1404 = arith.index_cast %add3A_1388 : i32 to index
        %swap3A_1405 = arith.constant 16 : index
        %swap3A_1406 = tpu.vector_load %arg14[%swap3A_1404, %swap3A_1405] {strides = array<i32>} : memref<128x128xf32, #tpu.memory_space<vmem>>, vector<1x16xf32>,
        %swap3A_1407 = vector.shape_cast %swap3A_1406 : vector<1x16xf32> to vector<16xf32>
        %swap3A_1408 = vector.shape_cast %mul3A_1403 : vector<16xf32> to vector<1x16xf32>
        tpu.vector_store %arg14[%swap3A_1404, %swap3A_1405], %swap3A_1408 {strides = array<i32>} : memref<128x128xf32, #tpu.memory_space<vmem>>, vector<1x16xf32>,
        %get3A_1409 = arith.index_cast %add3A_1388 : i32 to index
        %get3A_1410 = arith.constant 32 : index
        %get3A_1411 = tpu.vector_load %arg14[%get3A_1409, %get3A_1410] {strides = array<i32>} : memref<128x128xf32, #tpu.memory_space<vmem>>, vector<1x16xf32>,
        %get3A_1412 = vector.shape_cast %get3A_1411 : vector<1x16xf32> to vector<16xf32>
        %mul3A_1413 = arith.mulf %get3A_1412, %gather3A_1384 : vector<16xf32>
        %swap3A_1414 = arith.index_cast %add3A_1388 : i32 to index
        %swap3A_1415 = arith.constant 32 : index
        %swap3A_1416 = tpu.vector_load %arg14[%swap3A_1414, %swap3A_1415] {strides = array<i32>} : memref<128x128xf32, #tpu.memory_space<vmem>>, vector<1x16xf32>,
        %swap3A_1417 = vector.shape_cast %swap3A_1416 : vector<1x16xf32> to vector<16xf32>
        %swap3A_1418 = vector.shape_cast %mul3A_1413 : vector<16xf32> to vector<1x16xf32>
        tpu.vector_store %arg14[%swap3A_1414, %swap3A_1415], %swap3A_1418 {strides = array<i32>} : memref<128x128xf32, #tpu.memory_space<vmem>>, vector<1x16xf32>,
        %get3A_1419 = arith.index_cast %add3A_1388 : i32 to index
        %get3A_1420 = arith.constant 48 : index
        %get3A_1421 = tpu.vector_load %arg14[%get3A_1419, %get3A_1420] {strides = array<i32>} : memref<128x128xf32, #tpu.memory_space<vmem>>, vector<1x16xf32>,
        %get3A_1422 = vector.shape_cast %get3A_1421 : vector<1x16xf32> to vector<16xf32>
        %mul3A_1423 = arith.mulf %get3A_1422, %gather3A_1384 : vector<16xf32>
        %swap3A_1424 = arith.index_cast %add3A_1388 : i32 to index
        %swap3A_1425 = arith.constant 48 : index
        %swap3A_1426 = tpu.vector_load %arg14[%swap3A_1424, %swap3A_1425] {strides = array<i32>} : memref<128x128xf32, #tpu.memory_space<vmem>>, vector<1x16xf32>,
        %swap3A_1427 = vector.shape_cast %swap3A_1426 : vector<1x16xf32> to vector<16xf32>
        %swap3A_1428 = vector.shape_cast %mul3A_1423 : vector<16xf32> to vector<1x16xf32>
        tpu.vector_store %arg14[%swap3A_1424, %swap3A_1425], %swap3A_1428 {strides = array<i32>} : memref<128x128xf32, #tpu.memory_space<vmem>>, vector<1x16xf32>,
        %get3A_1429 = arith.index_cast %add3A_1388 : i32 to index
        %get3A_1430 = arith.constant 64 : index
        %get3A_1431 = tpu.vector_load %arg14[%get3A_1429, %get3A_1430] {strides = array<i32>} : memref<128x128xf32, #tpu.memory_space<vmem>>, vector<1x16xf32>,
        %get3A_1432 = vector.shape_cast %get3A_1431 : vector<1x16xf32> to vector<16xf32>
        %mul3A_1433 = arith.mulf %get3A_1432, %gather3A_1384 : vector<16xf32>
        %swap3A_1434 = arith.index_cast %add3A_1388 : i32 to index
        %swap3A_1435 = arith.constant 64 : index
        %swap3A_1436 = tpu.vector_load %arg14[%swap3A_1434, %swap3A_1435] {strides = array<i32>} : memref<128x128xf32, #tpu.memory_space<vmem>>, vector<1x16xf32>,
        %swap3A_1437 = vector.shape_cast %swap3A_1436 : vector<1x16xf32> to vector<16xf32>
        %swap3A_1438 = vector.shape_cast %mul3A_1433 : vector<16xf32> to vector<1x16xf32>
        tpu.vector_store %arg14[%swap3A_1434, %swap3A_1435], %swap3A_1438 {strides = array<i32>} : memref<128x128xf32, #tpu.memory_space<vmem>>, vector<1x16xf32>,
        %get3A_1439 = arith.index_cast %add3A_1388 : i32 to index
        %get3A_1440 = arith.constant 80 : index
        %get3A_1441 = tpu.vector_load %arg14[%get3A_1439, %get3A_1440] {strides = array<i32>} : memref<128x128xf32, #tpu.memory_space<vmem>>, vector<1x16xf32>,
        %get3A_1442 = vector.shape_cast %get3A_1441 : vector<1x16xf32> to vector<16xf32>
        %mul3A_1443 = arith.mulf %get3A_1442, %gather3A_1384 : vector<16xf32>
        %swap3A_1444 = arith.index_cast %add3A_1388 : i32 to index
        %swap3A_1445 = arith.constant 80 : index
        %swap3A_1446 = tpu.vector_load %arg14[%swap3A_1444, %swap3A_1445] {strides = array<i32>} : memref<128x128xf32, #tpu.memory_space<vmem>>, vector<1x16xf32>,
        %swap3A_1447 = vector.shape_cast %swap3A_1446 : vector<1x16xf32> to vector<16xf32>
        %swap3A_1448 = vector.shape_cast %mul3A_1443 : vector<16xf32> to vector<1x16xf32>
        tpu.vector_store %arg14[%swap3A_1444, %swap3A_1445], %swap3A_1448 {strides = array<i32>} : memref<128x128xf32, #tpu.memory_space<vmem>>, vector<1x16xf32>,
        %get3A_1449 = arith.index_cast %add3A_1388 : i32 to index
        %get3A_1450 = arith.constant 96 : index
        %get3A_1451 = tpu.vector_load %arg14[%get3A_1449, %get3A_1450] {strides = array<i32>} : memref<128x128xf32, #tpu.memory_space<vmem>>, vector<1x16xf32>,
        %get3A_1452 = vector.shape_cast %get3A_1451 : vector<1x16xf32> to vector<16xf32>
        %mul3A_1453 = arith.mulf %get3A_1452, %gather3A_1384 : vector<16xf32>
        %swap3A_1454 = arith.index_cast %add3A_1388 : i32 to index
        %swap3A_1455 = arith.constant 96 : index
        %swap3A_1456 = tpu.vector_load %arg14[%swap3A_1454, %swap3A_1455] {strides = array<i32>} : memref<128x128xf32, #tpu.memory_space<vmem>>, vector<1x16xf32>,
        %swap3A_1457 = vector.shape_cast %swap3A_1456 : vector<1x16xf32> to vector<16xf32>
        %swap3A_1458 = vector.shape_cast %mul3A_1453 : vector<16xf32> to vector<1x16xf32>
        tpu.vector_store %arg14[%swap3A_1454, %swap3A_1455], %swap3A_1458 {strides = array<i32>} : memref<128x128xf32, #tpu.memory_space<vmem>>, vector<1x16xf32>,
        %get3A_1459 = arith.index_cast %add3A_1388 : i32 to index
        %get3A_1460 = arith.constant 112 : index
        %get3A_1461 = tpu.vector_load %arg14[%get3A_1459, %get3A_1460] {strides = array<i32>} : memref<128x128xf32, #tpu.memory_space<vmem>>, vector<1x16xf32>,
        %get3A_1462 = vector.shape_cast %get3A_1461 : vector<1x16xf32> to vector<16xf32>
        %mul3A_1463 = arith.mulf %get3A_1462, %gather3A_1384 : vector<16xf32>
        %swap3A_1464 = arith.index_cast %add3A_1388 : i32 to index
        %swap3A_1465 = arith.constant 112 : index
        %swap3A_1466 = tpu.vector_load %arg14[%swap3A_1464, %swap3A_1465] {strides = array<i32>} : memref<128x128xf32, #tpu.memory_space<vmem>>, vector<1x16xf32>,
        %swap3A_1467 = vector.shape_cast %swap3A_1466 : vector<1x16xf32> to vector<16xf32>
        %swap3A_1468 = vector.shape_cast %mul3A_1463 : vector<16xf32> to vector<1x16xf32>
        tpu.vector_store %arg14[%swap3A_1464, %swap3A_1465], %swap3A_1468 {strides = array<i32>} : memref<128x128xf32, #tpu.memory_space<vmem>>, vector<1x16xf32>,
        %scan3A_1469 = arith.constant 0 : i32
        scf.yield %scan3A_1469 : i32
      }
      %scan3A_50 = arith.constant 8 : i32
      %dma_start3A_51 = arith.constant 0 : i32
      %dma_start3A_52 = arith.constant 0 : i32
      %dma_start3A_53 = tpu.memref_slice %arg16[%dma_start3A_51, %dma_start3A_52] : memref<10000x128xf32, #tpu.memory_space<vmem_shared>> -> memref<10000x128xf32, #tpu.memory_space<vmem_shared>>
      tpu.enqueue_indirect_dma source(%arg14 : memref<128x128xf32, #tpu.memory_space<vmem>>) target(%dma_start3A_53 : memref<10000x128xf32, #tpu.memory_space<vmem_shared>>) offsets(%arg12 : memref<128xi32, #tpu.memory_space<vmem>>) semaphore(%arg18 : memref<!tpu.dma_semaphore, #tpu.memory_space<semaphore_mem>>) {add = true}
      %dma_wait3A_54 = arith.constant 0 : i32
      %dma_wait3A_55 = arith.constant 0 : i32
      %dma_wait3A_56 = tpu.memref_slice %arg16[%dma_wait3A_54, %dma_wait3A_55] : memref<10000x128xf32, #tpu.memory_space<vmem_shared>> -> memref<10000x128xf32, #tpu.memory_space<vmem_shared>>
      tpu.wait_indirect_dma semaphore(%arg18 : memref<!tpu.dma_semaphore, #tpu.memory_space<semaphore_mem>>) src(%arg14 : memref<128x128xf32, #tpu.memory_space<vmem>>) dst(%dma_wait3A_56 : memref<10000x128xf32, #tpu.memory_space<vmem_shared>>)
      %scan3A_57 = arith.constant 0 : i32
      scf.yield %scan3A_57 : i32
    }
    %scan3A_10 = arith.constant 79 : i32
    %barrier3A_11 = arith.constant 0 : index
    tpu.barrier barrier_id(%barrier3A_11)
    %lt3A_12 = arith.constant 10 : i32
    %lt3A_13 = arith.cmpi slt, %arg1, %lt3A_12 : i32
    %convert_element_type3A_14 = arith.extui %lt3A_13 : i1 to i32
    %cond3A_15 = arith.constant 0 : i32
    %cond3A_16 = arith.cmpi ne, %convert_element_type3A_14, %cond3A_15 : i32
    scf.if %cond3A_16 {
      %mul3A_17 = arith.constant 1000 : i32
      %mul3A_18 = arith.muli %arg1, %mul3A_17 : i32
      %mul3A_19 = arith.constant 1000 : i32
      %mul3A_20 = arith.muli %arg1, %mul3A_19 : i32
      "tpu.region"() ({
        %run_scoped3A = tpu.sem_alloc : memref<!tpu.dma_semaphore, #tpu.memory_space<semaphore_mem>>
        %dma_start3A = arith.constant 0 : i32
        %dma_start3A_21 = tpu.memref_slice %arg7[%arg0, %mul3A_20, %dma_start3A] : memref<2x10000x128xf32, #tpu.memory_space<hbm>> -> memref<1x1000x128xf32, #tpu.memory_space<hbm>>
        %dma_start3A_22 = tpu.memref_squeeze %dma_start3A_21 : memref<1x1000x128xf32, #tpu.memory_space<hbm>> -> memref<1000x128xf32, #tpu.memory_space<hbm>>
        %dma_start3A_23 = arith.constant 0 : i32
        %dma_start3A_24 = tpu.memref_slice %arg16[%mul3A_18, %dma_start3A_23] : memref<10000x128xf32, #tpu.memory_space<vmem_shared>> -> memref<1000x128xf32, #tpu.memory_space<vmem_shared>>
        tpu.enqueue_dma source(%dma_start3A_24 : memref<1000x128xf32, #tpu.memory_space<vmem_shared>>) target(%dma_start3A_22 : memref<1000x128xf32, #tpu.memory_space<hbm>>) target_semaphore(%run_scoped3A : memref<!tpu.dma_semaphore, #tpu.memory_space<semaphore_mem>>)
        %dma_wait3A = arith.constant 0 : i32
        %dma_wait3A_25 = tpu.memref_slice %arg7[%arg0, %mul3A_20, %dma_wait3A] : memref<2x10000x128xf32, #tpu.memory_space<hbm>> -> memref<1x1000x128xf32, #tpu.memory_space<hbm>>
        %dma_wait3A_26 = tpu.memref_squeeze %dma_wait3A_25 : memref<1x1000x128xf32, #tpu.memory_space<hbm>> -> memref<1000x128xf32, #tpu.memory_space<hbm>>
        %dma_wait3A_27 = arith.constant 0 : i32
        %dma_wait3A_28 = tpu.memref_slice %arg16[%mul3A_18, %dma_wait3A_27] : memref<10000x128xf32, #tpu.memory_space<vmem_shared>> -> memref<1000x128xf32, #tpu.memory_space<vmem_shared>>
        tpu.wait_dma2 semaphore(%run_scoped3A : memref<!tpu.dma_semaphore, #tpu.memory_space<semaphore_mem>>) src(%dma_wait3A_28 : memref<1000x128xf32, #tpu.memory_space<vmem_shared>>) dst(%dma_wait3A_26 : memref<1000x128xf32, #tpu.memory_space<hbm>>)
        tpu.yield
      }) : () -> ()
    } else {
    }
    return
  }
}

#map = affine_map<(d0, d1) -> (0)>
#map1 = affine_map<(d0, d1) -> (0, 0)>
#map2 = affine_map<(d0, d1) -> (0, 0, 0)>
module attributes {stable_mosaic.version = 14 : i64} {
  func.func @_sc_agg_body(%arg0: i32, %arg1: i32, %arg2: memref<323584xi32, #tpu.memory_space<hbm>>, %arg3: memref<323584xi32, #tpu.memory_space<hbm>>, %arg4: memref<323584xf32, #tpu.memory_space<hbm>>, %arg5: memref<10000x128xf32, #tpu.memory_space<hbm>>, %arg6: memref<10000x128xf32, #tpu.memory_space<hbm>>, %arg7: memref<2x10000x128xf32, #tpu.memory_space<hbm>>, %arg8: memref<128xi32, #tpu.memory_space<vmem>>, %arg9: memref<128xi32, #tpu.memory_space<vmem>>, %arg10: memref<128xf32, #tpu.memory_space<vmem>>, %arg11: memref<128xf32, #tpu.memory_space<vmem>>, %arg12: memref<128xi32, #tpu.memory_space<vmem>>, %arg13: memref<128xi32, #tpu.memory_space<vmem>>, %arg14: memref<128x128xf32, #tpu.memory_space<vmem>>, %arg15: memref<128x128xf32, #tpu.memory_space<vmem>>, %arg16: memref<10000x128xf32, #tpu.memory_space<vmem_shared>>, %arg17: memref<!tpu.dma_semaphore, #tpu.memory_space<semaphore_mem>>, %arg18: memref<!tpu.dma_semaphore, #tpu.memory_space<semaphore_mem>>, %arg19: memref<!tpu.dma_semaphore, #tpu.memory_space<semaphore_mem>>) attributes {dimension_semantics = [#tpu.dimension_semantics<core_parallel>, #tpu.dimension_semantics<subcore_parallel>], iteration_bounds = array<i64: 2, 16>, scalar_prefetch = 0 : i64, scratch_operands = 12 : i64, tpu.core_type = #tpu.core_type<sc_vector_subcore>, window_params = [{transform_indices = #map}, {transform_indices = #map}, {transform_indices = #map}, {transform_indices = #map1}, {transform_indices = #map1}, {transform_indices = #map2}]} {
    %mul3A = arith.constant 16 : i32
    %mul3A_0 = arith.muli %arg0, %mul3A : i32
    %add3A = arith.addi %mul3A_0, %arg1 : i32
    %mul3A_1 = arith.constant 10112 : i32
    %mul3A_2 = arith.muli %add3A, %mul3A_1 : i32
    %lt3A = arith.constant 10 : i32
    %lt3A_3 = arith.cmpi slt, %arg1, %lt3A : i32
    %convert_element_type3A = arith.extui %lt3A_3 : i1 to i32
    %cond3A = arith.constant 0 : i32
    %cond3A_4 = arith.cmpi ne, %convert_element_type3A, %cond3A : i32
    scf.if %cond3A_4 {
      %mul3A_17 = arith.constant 1000 : i32
      %mul3A_18 = arith.muli %arg1, %mul3A_17 : i32
      %mul3A_19 = arith.constant 1000 : i32
      %mul3A_20 = arith.muli %arg1, %mul3A_19 : i32
      "tpu.region"() ({
        %run_scoped3A = tpu.sem_alloc : memref<!tpu.dma_semaphore, #tpu.memory_space<semaphore_mem>>
        %dma_start3A = arith.constant 0 : i32
        %dma_start3A_21 = tpu.memref_slice %arg16[%mul3A_20, %dma_start3A] : memref<10000x128xf32, #tpu.memory_space<vmem_shared>> -> memref<1000x128xf32, #tpu.memory_space<vmem_shared>>
        %dma_start3A_22 = arith.constant 0 : i32
        %dma_start3A_23 = tpu.memref_slice %arg6[%mul3A_18, %dma_start3A_22] : memref<10000x128xf32, #tpu.memory_space<hbm>> -> memref<1000x128xf32, #tpu.memory_space<hbm>>
        tpu.enqueue_dma source(%dma_start3A_23 : memref<1000x128xf32, #tpu.memory_space<hbm>>) target(%dma_start3A_21 : memref<1000x128xf32, #tpu.memory_space<vmem_shared>>) target_semaphore(%run_scoped3A : memref<!tpu.dma_semaphore, #tpu.memory_space<semaphore_mem>>)
        %dma_wait3A = arith.constant 0 : i32
        %dma_wait3A_24 = tpu.memref_slice %arg16[%mul3A_20, %dma_wait3A] : memref<10000x128xf32, #tpu.memory_space<vmem_shared>> -> memref<1000x128xf32, #tpu.memory_space<vmem_shared>>
        %dma_wait3A_25 = arith.constant 0 : i32
        %dma_wait3A_26 = tpu.memref_slice %arg6[%mul3A_18, %dma_wait3A_25] : memref<10000x128xf32, #tpu.memory_space<hbm>> -> memref<1000x128xf32, #tpu.memory_space<hbm>>
        tpu.wait_dma2 semaphore(%run_scoped3A : memref<!tpu.dma_semaphore, #tpu.memory_space<semaphore_mem>>) src(%dma_wait3A_26 : memref<1000x128xf32, #tpu.memory_space<hbm>>) dst(%dma_wait3A_24 : memref<1000x128xf32, #tpu.memory_space<vmem_shared>>)
        tpu.yield
      }) : () -> ()
    } else {
    }
    %barrier3A = arith.constant 0 : index
    tpu.barrier barrier_id(%barrier3A)
    %scan3A = arith.constant 0 : i32
    %scan3A_5 = arith.constant 0 : i32
    %scan3A_6 = arith.constant 79 : i32
    %scan3A_7 = arith.addi %scan3A_5, %scan3A_6 : i32
    %scan3A_8 = arith.constant 1 : i32
    %scan3A_9 = scf.for %scan3A_17 = %scan3A_5 to %scan3A_7 step %scan3A_8 iter_args(%scan3A_18 = %scan3A) -> (i32)  : i32 {
      %mul3A_19 = arith.constant 128 : i32
      %mul3A_20 = arith.muli %scan3A_17, %mul3A_19 : i32
      %add3A_21 = arith.addi %mul3A_2, %mul3A_20 : i32
      %dma_start3A = tpu.memref_slice %arg2[%add3A_21] : memref<323584xi32, #tpu.memory_space<hbm>> -> memref<128xi32, #tpu.memory_space<hbm>>
      %dma_start3A_22 = tpu.memref_slice %arg2[%add3A_21] : memref<323584xi32, #tpu.memory_space<hbm>> -> memref<128xi32, #tpu.memory_space<hbm>>
      tpu.enqueue_dma source(%dma_start3A_22 : memref<128xi32, #tpu.memory_space<hbm>>) target(%arg8 : memref<128xi32, #tpu.memory_space<vmem>>) target_semaphore(%arg19 : memref<!tpu.dma_semaphore, #tpu.memory_space<semaphore_mem>>)
      %dma_start3A_23 = tpu.memref_slice %arg4[%add3A_21] : memref<323584xf32, #tpu.memory_space<hbm>> -> memref<128xf32, #tpu.memory_space<hbm>>
      %dma_start3A_24 = tpu.memref_slice %arg4[%add3A_21] : memref<323584xf32, #tpu.memory_space<hbm>> -> memref<128xf32, #tpu.memory_space<hbm>>
      tpu.enqueue_dma source(%dma_start3A_24 : memref<128xf32, #tpu.memory_space<hbm>>) target(%arg10 : memref<128xf32, #tpu.memory_space<vmem>>) target_semaphore(%arg19 : memref<!tpu.dma_semaphore, #tpu.memory_space<semaphore_mem>>)
      %dma_start3A_25 = tpu.memref_slice %arg3[%add3A_21] : memref<323584xi32, #tpu.memory_space<hbm>> -> memref<128xi32, #tpu.memory_space<hbm>>
      %dma_start3A_26 = tpu.memref_slice %arg3[%add3A_21] : memref<323584xi32, #tpu.memory_space<hbm>> -> memref<128xi32, #tpu.memory_space<hbm>>
      tpu.enqueue_dma source(%dma_start3A_26 : memref<128xi32, #tpu.memory_space<hbm>>) target(%arg12 : memref<128xi32, #tpu.memory_space<vmem>>) target_semaphore(%arg19 : memref<!tpu.dma_semaphore, #tpu.memory_space<semaphore_mem>>)
      %dma_wait3A = arith.constant 0 : i32
      %dma_wait3A_27 = tpu.memref_slice %arg2[%dma_wait3A] : memref<323584xi32, #tpu.memory_space<hbm>> -> memref<128xi32, #tpu.memory_space<hbm>>
      %dma_wait3A_28 = arith.constant 0 : i32
      %dma_wait3A_29 = tpu.memref_slice %arg2[%dma_wait3A_28] : memref<323584xi32, #tpu.memory_space<hbm>> -> memref<128xi32, #tpu.memory_space<hbm>>
      tpu.wait_dma2 semaphore(%arg19 : memref<!tpu.dma_semaphore, #tpu.memory_space<semaphore_mem>>) src(%dma_wait3A_29 : memref<128xi32, #tpu.memory_space<hbm>>) dst(%arg8 : memref<128xi32, #tpu.memory_space<vmem>>)
      %dma_wait3A_30 = arith.constant 0 : i32
      %dma_wait3A_31 = tpu.memref_slice %arg4[%dma_wait3A_30] : memref<323584xf32, #tpu.memory_space<hbm>> -> memref<128xf32, #tpu.memory_space<hbm>>
      %dma_wait3A_32 = arith.constant 0 : i32
      %dma_wait3A_33 = tpu.memref_slice %arg4[%dma_wait3A_32] : memref<323584xf32, #tpu.memory_space<hbm>> -> memref<128xf32, #tpu.memory_space<hbm>>
      tpu.wait_dma2 semaphore(%arg19 : memref<!tpu.dma_semaphore, #tpu.memory_space<semaphore_mem>>) src(%dma_wait3A_33 : memref<128xf32, #tpu.memory_space<hbm>>) dst(%arg10 : memref<128xf32, #tpu.memory_space<vmem>>)
      %dma_wait3A_34 = arith.constant 0 : i32
      %dma_wait3A_35 = tpu.memref_slice %arg3[%dma_wait3A_34] : memref<323584xi32, #tpu.memory_space<hbm>> -> memref<128xi32, #tpu.memory_space<hbm>>
      %dma_wait3A_36 = arith.constant 0 : i32
      %dma_wait3A_37 = tpu.memref_slice %arg3[%dma_wait3A_36] : memref<323584xi32, #tpu.memory_space<hbm>> -> memref<128xi32, #tpu.memory_space<hbm>>
      tpu.wait_dma2 semaphore(%arg19 : memref<!tpu.dma_semaphore, #tpu.memory_space<semaphore_mem>>) src(%dma_wait3A_37 : memref<128xi32, #tpu.memory_space<hbm>>) dst(%arg12 : memref<128xi32, #tpu.memory_space<vmem>>)
      %dma_start3A_38 = arith.constant 0 : i32
      %dma_start3A_39 = arith.constant 0 : i32
      %dma_start3A_40 = tpu.memref_slice %arg5[%dma_start3A_38, %dma_start3A_39] : memref<10000x128xf32, #tpu.memory_space<hbm>> -> memref<10000x128xf32, #tpu.memory_space<hbm>>
      tpu.enqueue_indirect_dma source(%dma_start3A_40 : memref<10000x128xf32, #tpu.memory_space<hbm>>) target(%arg14 : memref<128x128xf32, #tpu.memory_space<vmem>>) offsets(%arg8 : memref<128xi32, #tpu.memory_space<vmem>>) semaphore(%arg17 : memref<!tpu.dma_semaphore, #tpu.memory_space<semaphore_mem>>)
      %dma_wait3A_41 = arith.constant 0 : i32
      %dma_wait3A_42 = arith.constant 0 : i32
      %dma_wait3A_43 = tpu.memref_slice %arg5[%dma_wait3A_41, %dma_wait3A_42] : memref<10000x128xf32, #tpu.memory_space<hbm>> -> memref<10000x128xf32, #tpu.memory_space<hbm>>
      tpu.wait_indirect_dma semaphore(%arg17 : memref<!tpu.dma_semaphore, #tpu.memory_space<semaphore_mem>>) src(%dma_wait3A_43 : memref<10000x128xf32, #tpu.memory_space<hbm>>) dst(%arg14 : memref<128x128xf32, #tpu.memory_space<vmem>>)
      %scan3A_44 = arith.constant 0 : i32
      %scan3A_45 = arith.constant 0 : i32
      %scan3A_46 = arith.constant 8 : i32
      %scan3A_47 = arith.addi %scan3A_45, %scan3A_46 : i32
      %scan3A_48 = arith.constant 1 : i32
      %scan3A_49 = scf.for %scan3A_58 = %scan3A_45 to %scan3A_47 step %scan3A_48 iter_args(%scan3A_59 = %scan3A_44) -> (i32)  : i32 {
        %mul3A_60 = arith.constant 16 : i32
        %mul3A_61 = arith.muli %scan3A_58, %mul3A_60 : i32
        %get3A = arith.index_cast %mul3A_61 : i32 to index
        %get3A_62 = tpu.vector_load %arg10[%get3A] {strides = array<i32>} : memref<128xf32, #tpu.memory_space<vmem>>, vector<16xf32>,
        %get3A_63 = vector.shape_cast %get3A_62 : vector<16xf32> to vector<16xf32>
        %broadcast_in_dim3A = arith.constant 0 : i32
        %broadcast_in_dim3A_64 = vector.broadcast %broadcast_in_dim3A : i32 to vector<16x1xi32>
        %gather3A = vector.shape_cast %broadcast_in_dim3A_64 : vector<16x1xi32> to vector<16xi32>
        %gather3A_65 = tpu.dynamic_gather %get3A_63[%gather3A] in [0] : vector<16xf32>, vector<16xi32> -> vector<16xf32>
        %mul3A_66 = arith.constant 16 : i32
        %mul3A_67 = arith.muli %scan3A_58, %mul3A_66 : i32
        %add3A_68 = arith.constant 0 : i32
        %add3A_69 = arith.addi %mul3A_67, %add3A_68 : i32
        %get3A_70 = arith.index_cast %add3A_69 : i32 to index
        %get3A_71 = arith.constant 0 : index
        %get3A_72 = tpu.vector_load %arg14[%get3A_70, %get3A_71] {strides = array<i32>} : memref<128x128xf32, #tpu.memory_space<vmem>>, vector<1x16xf32>,
        %get3A_73 = vector.shape_cast %get3A_72 : vector<1x16xf32> to vector<16xf32>
        %mul3A_74 = arith.mulf %get3A_73, %gather3A_65 : vector<16xf32>
        %swap3A = arith.index_cast %add3A_69 : i32 to index
        %swap3A_75 = arith.constant 0 : index
        %swap3A_76 = tpu.vector_load %arg14[%swap3A, %swap3A_75] {strides = array<i32>} : memref<128x128xf32, #tpu.memory_space<vmem>>, vector<1x16xf32>,
        %swap3A_77 = vector.shape_cast %swap3A_76 : vector<1x16xf32> to vector<16xf32>
        %swap3A_78 = vector.shape_cast %mul3A_74 : vector<16xf32> to vector<1x16xf32>
        tpu.vector_store %arg14[%swap3A, %swap3A_75], %swap3A_78 {strides = array<i32>} : memref<128x128xf32, #tpu.memory_space<vmem>>, vector<1x16xf32>,
        %get3A_79 = arith.index_cast %add3A_69 : i32 to index
        %get3A_80 = arith.constant 16 : index
        %get3A_81 = tpu.vector_load %arg14[%get3A_79, %get3A_80] {strides = array<i32>} : memref<128x128xf32, #tpu.memory_space<vmem>>, vector<1x16xf32>,
        %get3A_82 = vector.shape_cast %get3A_81 : vector<1x16xf32> to vector<16xf32>
        %mul3A_83 = arith.mulf %get3A_82, %gather3A_65 : vector<16xf32>
        %swap3A_84 = arith.index_cast %add3A_69 : i32 to index
        %swap3A_85 = arith.constant 16 : index
        %swap3A_86 = tpu.vector_load %arg14[%swap3A_84, %swap3A_85] {strides = array<i32>} : memref<128x128xf32, #tpu.memory_space<vmem>>, vector<1x16xf32>,
        %swap3A_87 = vector.shape_cast %swap3A_86 : vector<1x16xf32> to vector<16xf32>
        %swap3A_88 = vector.shape_cast %mul3A_83 : vector<16xf32> to vector<1x16xf32>
        tpu.vector_store %arg14[%swap3A_84, %swap3A_85], %swap3A_88 {strides = array<i32>} : memref<128x128xf32, #tpu.memory_space<vmem>>, vector<1x16xf32>,
        %get3A_89 = arith.index_cast %add3A_69 : i32 to index
        %get3A_90 = arith.constant 32 : index
        %get3A_91 = tpu.vector_load %arg14[%get3A_89, %get3A_90] {strides = array<i32>} : memref<128x128xf32, #tpu.memory_space<vmem>>, vector<1x16xf32>,
        %get3A_92 = vector.shape_cast %get3A_91 : vector<1x16xf32> to vector<16xf32>
        %mul3A_93 = arith.mulf %get3A_92, %gather3A_65 : vector<16xf32>
        %swap3A_94 = arith.index_cast %add3A_69 : i32 to index
        %swap3A_95 = arith.constant 32 : index
        %swap3A_96 = tpu.vector_load %arg14[%swap3A_94, %swap3A_95] {strides = array<i32>} : memref<128x128xf32, #tpu.memory_space<vmem>>, vector<1x16xf32>,
        %swap3A_97 = vector.shape_cast %swap3A_96 : vector<1x16xf32> to vector<16xf32>
        %swap3A_98 = vector.shape_cast %mul3A_93 : vector<16xf32> to vector<1x16xf32>
        tpu.vector_store %arg14[%swap3A_94, %swap3A_95], %swap3A_98 {strides = array<i32>} : memref<128x128xf32, #tpu.memory_space<vmem>>, vector<1x16xf32>,
        %get3A_99 = arith.index_cast %add3A_69 : i32 to index
        %get3A_100 = arith.constant 48 : index
        %get3A_101 = tpu.vector_load %arg14[%get3A_99, %get3A_100] {strides = array<i32>} : memref<128x128xf32, #tpu.memory_space<vmem>>, vector<1x16xf32>,
        %get3A_102 = vector.shape_cast %get3A_101 : vector<1x16xf32> to vector<16xf32>
        %mul3A_103 = arith.mulf %get3A_102, %gather3A_65 : vector<16xf32>
        %swap3A_104 = arith.index_cast %add3A_69 : i32 to index
        %swap3A_105 = arith.constant 48 : index
        %swap3A_106 = tpu.vector_load %arg14[%swap3A_104, %swap3A_105] {strides = array<i32>} : memref<128x128xf32, #tpu.memory_space<vmem>>, vector<1x16xf32>,
        %swap3A_107 = vector.shape_cast %swap3A_106 : vector<1x16xf32> to vector<16xf32>
        %swap3A_108 = vector.shape_cast %mul3A_103 : vector<16xf32> to vector<1x16xf32>
        tpu.vector_store %arg14[%swap3A_104, %swap3A_105], %swap3A_108 {strides = array<i32>} : memref<128x128xf32, #tpu.memory_space<vmem>>, vector<1x16xf32>,
        %get3A_109 = arith.index_cast %add3A_69 : i32 to index
        %get3A_110 = arith.constant 64 : index
        %get3A_111 = tpu.vector_load %arg14[%get3A_109, %get3A_110] {strides = array<i32>} : memref<128x128xf32, #tpu.memory_space<vmem>>, vector<1x16xf32>,
        %get3A_112 = vector.shape_cast %get3A_111 : vector<1x16xf32> to vector<16xf32>
        %mul3A_113 = arith.mulf %get3A_112, %gather3A_65 : vector<16xf32>
        %swap3A_114 = arith.index_cast %add3A_69 : i32 to index
        %swap3A_115 = arith.constant 64 : index
        %swap3A_116 = tpu.vector_load %arg14[%swap3A_114, %swap3A_115] {strides = array<i32>} : memref<128x128xf32, #tpu.memory_space<vmem>>, vector<1x16xf32>,
        %swap3A_117 = vector.shape_cast %swap3A_116 : vector<1x16xf32> to vector<16xf32>
        %swap3A_118 = vector.shape_cast %mul3A_113 : vector<16xf32> to vector<1x16xf32>
        tpu.vector_store %arg14[%swap3A_114, %swap3A_115], %swap3A_118 {strides = array<i32>} : memref<128x128xf32, #tpu.memory_space<vmem>>, vector<1x16xf32>,
        %get3A_119 = arith.index_cast %add3A_69 : i32 to index
        %get3A_120 = arith.constant 80 : index
        %get3A_121 = tpu.vector_load %arg14[%get3A_119, %get3A_120] {strides = array<i32>} : memref<128x128xf32, #tpu.memory_space<vmem>>, vector<1x16xf32>,
        %get3A_122 = vector.shape_cast %get3A_121 : vector<1x16xf32> to vector<16xf32>
        %mul3A_123 = arith.mulf %get3A_122, %gather3A_65 : vector<16xf32>
        %swap3A_124 = arith.index_cast %add3A_69 : i32 to index
        %swap3A_125 = arith.constant 80 : index
        %swap3A_126 = tpu.vector_load %arg14[%swap3A_124, %swap3A_125] {strides = array<i32>} : memref<128x128xf32, #tpu.memory_space<vmem>>, vector<1x16xf32>,
        %swap3A_127 = vector.shape_cast %swap3A_126 : vector<1x16xf32> to vector<16xf32>
        %swap3A_128 = vector.shape_cast %mul3A_123 : vector<16xf32> to vector<1x16xf32>
        tpu.vector_store %arg14[%swap3A_124, %swap3A_125], %swap3A_128 {strides = array<i32>} : memref<128x128xf32, #tpu.memory_space<vmem>>, vector<1x16xf32>,
        %get3A_129 = arith.index_cast %add3A_69 : i32 to index
        %get3A_130 = arith.constant 96 : index
        %get3A_131 = tpu.vector_load %arg14[%get3A_129, %get3A_130] {strides = array<i32>} : memref<128x128xf32, #tpu.memory_space<vmem>>, vector<1x16xf32>,
        %get3A_132 = vector.shape_cast %get3A_131 : vector<1x16xf32> to vector<16xf32>
        %mul3A_133 = arith.mulf %get3A_132, %gather3A_65 : vector<16xf32>
        %swap3A_134 = arith.index_cast %add3A_69 : i32 to index
        %swap3A_135 = arith.constant 96 : index
        %swap3A_136 = tpu.vector_load %arg14[%swap3A_134, %swap3A_135] {strides = array<i32>} : memref<128x128xf32, #tpu.memory_space<vmem>>, vector<1x16xf32>,
        %swap3A_137 = vector.shape_cast %swap3A_136 : vector<1x16xf32> to vector<16xf32>
        %swap3A_138 = vector.shape_cast %mul3A_133 : vector<16xf32> to vector<1x16xf32>
        tpu.vector_store %arg14[%swap3A_134, %swap3A_135], %swap3A_138 {strides = array<i32>} : memref<128x128xf32, #tpu.memory_space<vmem>>, vector<1x16xf32>,
        %get3A_139 = arith.index_cast %add3A_69 : i32 to index
        %get3A_140 = arith.constant 112 : index
        %get3A_141 = tpu.vector_load %arg14[%get3A_139, %get3A_140] {strides = array<i32>} : memref<128x128xf32, #tpu.memory_space<vmem>>, vector<1x16xf32>,
        %get3A_142 = vector.shape_cast %get3A_141 : vector<1x16xf32> to vector<16xf32>
        %mul3A_143 = arith.mulf %get3A_142, %gather3A_65 : vector<16xf32>
        %swap3A_144 = arith.index_cast %add3A_69 : i32 to index
        %swap3A_145 = arith.constant 112 : index
        %swap3A_146 = tpu.vector_load %arg14[%swap3A_144, %swap3A_145] {strides = array<i32>} : memref<128x128xf32, #tpu.memory_space<vmem>>, vector<1x16xf32>,
        %swap3A_147 = vector.shape_cast %swap3A_146 : vector<1x16xf32> to vector<16xf32>
        %swap3A_148 = vector.shape_cast %mul3A_143 : vector<16xf32> to vector<1x16xf32>
        tpu.vector_store %arg14[%swap3A_144, %swap3A_145], %swap3A_148 {strides = array<i32>} : memref<128x128xf32, #tpu.memory_space<vmem>>, vector<1x16xf32>,
        %broadcast_in_dim3A_149 = arith.constant 1 : i32
        %broadcast_in_dim3A_150 = vector.broadcast %broadcast_in_dim3A_149 : i32 to vector<16x1xi32>
        %gather3A_151 = vector.shape_cast %broadcast_in_dim3A_150 : vector<16x1xi32> to vector<16xi32>
        %gather3A_152 = tpu.dynamic_gather %get3A_63[%gather3A_151] in [0] : vector<16xf32>, vector<16xi32> -> vector<16xf32>
        %mul3A_153 = arith.constant 16 : i32
        %mul3A_154 = arith.muli %scan3A_58, %mul3A_153 : i32
        %add3A_155 = arith.constant 1 : i32
        %add3A_156 = arith.addi %mul3A_154, %add3A_155 : i32
        %get3A_157 = arith.index_cast %add3A_156 : i32 to index
        %get3A_158 = arith.constant 0 : index
        %get3A_159 = tpu.vector_load %arg14[%get3A_157, %get3A_158] {strides = array<i32>} : memref<128x128xf32, #tpu.memory_space<vmem>>, vector<1x16xf32>,
        %get3A_160 = vector.shape_cast %get3A_159 : vector<1x16xf32> to vector<16xf32>
        %mul3A_161 = arith.mulf %get3A_160, %gather3A_152 : vector<16xf32>
        %swap3A_162 = arith.index_cast %add3A_156 : i32 to index
        %swap3A_163 = arith.constant 0 : index
        %swap3A_164 = tpu.vector_load %arg14[%swap3A_162, %swap3A_163] {strides = array<i32>} : memref<128x128xf32, #tpu.memory_space<vmem>>, vector<1x16xf32>,
        %swap3A_165 = vector.shape_cast %swap3A_164 : vector<1x16xf32> to vector<16xf32>
        %swap3A_166 = vector.shape_cast %mul3A_161 : vector<16xf32> to vector<1x16xf32>
        tpu.vector_store %arg14[%swap3A_162, %swap3A_163], %swap3A_166 {strides = array<i32>} : memref<128x128xf32, #tpu.memory_space<vmem>>, vector<1x16xf32>,
        %get3A_167 = arith.index_cast %add3A_156 : i32 to index
        %get3A_168 = arith.constant 16 : index
        %get3A_169 = tpu.vector_load %arg14[%get3A_167, %get3A_168] {strides = array<i32>} : memref<128x128xf32, #tpu.memory_space<vmem>>, vector<1x16xf32>,
        %get3A_170 = vector.shape_cast %get3A_169 : vector<1x16xf32> to vector<16xf32>
        %mul3A_171 = arith.mulf %get3A_170, %gather3A_152 : vector<16xf32>
        %swap3A_172 = arith.index_cast %add3A_156 : i32 to index
        %swap3A_173 = arith.constant 16 : index
        %swap3A_174 = tpu.vector_load %arg14[%swap3A_172, %swap3A_173] {strides = array<i32>} : memref<128x128xf32, #tpu.memory_space<vmem>>, vector<1x16xf32>,
        %swap3A_175 = vector.shape_cast %swap3A_174 : vector<1x16xf32> to vector<16xf32>
        %swap3A_176 = vector.shape_cast %mul3A_171 : vector<16xf32> to vector<1x16xf32>
        tpu.vector_store %arg14[%swap3A_172, %swap3A_173], %swap3A_176 {strides = array<i32>} : memref<128x128xf32, #tpu.memory_space<vmem>>, vector<1x16xf32>,
        %get3A_177 = arith.index_cast %add3A_156 : i32 to index
        %get3A_178 = arith.constant 32 : index
        %get3A_179 = tpu.vector_load %arg14[%get3A_177, %get3A_178] {strides = array<i32>} : memref<128x128xf32, #tpu.memory_space<vmem>>, vector<1x16xf32>,
        %get3A_180 = vector.shape_cast %get3A_179 : vector<1x16xf32> to vector<16xf32>
        %mul3A_181 = arith.mulf %get3A_180, %gather3A_152 : vector<16xf32>
        %swap3A_182 = arith.index_cast %add3A_156 : i32 to index
        %swap3A_183 = arith.constant 32 : index
        %swap3A_184 = tpu.vector_load %arg14[%swap3A_182, %swap3A_183] {strides = array<i32>} : memref<128x128xf32, #tpu.memory_space<vmem>>, vector<1x16xf32>,
        %swap3A_185 = vector.shape_cast %swap3A_184 : vector<1x16xf32> to vector<16xf32>
        %swap3A_186 = vector.shape_cast %mul3A_181 : vector<16xf32> to vector<1x16xf32>
        tpu.vector_store %arg14[%swap3A_182, %swap3A_183], %swap3A_186 {strides = array<i32>} : memref<128x128xf32, #tpu.memory_space<vmem>>, vector<1x16xf32>,
        %get3A_187 = arith.index_cast %add3A_156 : i32 to index
        %get3A_188 = arith.constant 48 : index
        %get3A_189 = tpu.vector_load %arg14[%get3A_187, %get3A_188] {strides = array<i32>} : memref<128x128xf32, #tpu.memory_space<vmem>>, vector<1x16xf32>,
        %get3A_190 = vector.shape_cast %get3A_189 : vector<1x16xf32> to vector<16xf32>
        %mul3A_191 = arith.mulf %get3A_190, %gather3A_152 : vector<16xf32>
        %swap3A_192 = arith.index_cast %add3A_156 : i32 to index
        %swap3A_193 = arith.constant 48 : index
        %swap3A_194 = tpu.vector_load %arg14[%swap3A_192, %swap3A_193] {strides = array<i32>} : memref<128x128xf32, #tpu.memory_space<vmem>>, vector<1x16xf32>,
        %swap3A_195 = vector.shape_cast %swap3A_194 : vector<1x16xf32> to vector<16xf32>
        %swap3A_196 = vector.shape_cast %mul3A_191 : vector<16xf32> to vector<1x16xf32>
        tpu.vector_store %arg14[%swap3A_192, %swap3A_193], %swap3A_196 {strides = array<i32>} : memref<128x128xf32, #tpu.memory_space<vmem>>, vector<1x16xf32>,
        %get3A_197 = arith.index_cast %add3A_156 : i32 to index
        %get3A_198 = arith.constant 64 : index
        %get3A_199 = tpu.vector_load %arg14[%get3A_197, %get3A_198] {strides = array<i32>} : memref<128x128xf32, #tpu.memory_space<vmem>>, vector<1x16xf32>,
        %get3A_200 = vector.shape_cast %get3A_199 : vector<1x16xf32> to vector<16xf32>
        %mul3A_201 = arith.mulf %get3A_200, %gather3A_152 : vector<16xf32>
        %swap3A_202 = arith.index_cast %add3A_156 : i32 to index
        %swap3A_203 = arith.constant 64 : index
        %swap3A_204 = tpu.vector_load %arg14[%swap3A_202, %swap3A_203] {strides = array<i32>} : memref<128x128xf32, #tpu.memory_space<vmem>>, vector<1x16xf32>,
        %swap3A_205 = vector.shape_cast %swap3A_204 : vector<1x16xf32> to vector<16xf32>
        %swap3A_206 = vector.shape_cast %mul3A_201 : vector<16xf32> to vector<1x16xf32>
        tpu.vector_store %arg14[%swap3A_202, %swap3A_203], %swap3A_206 {strides = array<i32>} : memref<128x128xf32, #tpu.memory_space<vmem>>, vector<1x16xf32>,
        %get3A_207 = arith.index_cast %add3A_156 : i32 to index
        %get3A_208 = arith.constant 80 : index
        %get3A_209 = tpu.vector_load %arg14[%get3A_207, %get3A_208] {strides = array<i32>} : memref<128x128xf32, #tpu.memory_space<vmem>>, vector<1x16xf32>,
        %get3A_210 = vector.shape_cast %get3A_209 : vector<1x16xf32> to vector<16xf32>
        %mul3A_211 = arith.mulf %get3A_210, %gather3A_152 : vector<16xf32>
        %swap3A_212 = arith.index_cast %add3A_156 : i32 to index
        %swap3A_213 = arith.constant 80 : index
        %swap3A_214 = tpu.vector_load %arg14[%swap3A_212, %swap3A_213] {strides = array<i32>} : memref<128x128xf32, #tpu.memory_space<vmem>>, vector<1x16xf32>,
        %swap3A_215 = vector.shape_cast %swap3A_214 : vector<1x16xf32> to vector<16xf32>
        %swap3A_216 = vector.shape_cast %mul3A_211 : vector<16xf32> to vector<1x16xf32>
        tpu.vector_store %arg14[%swap3A_212, %swap3A_213], %swap3A_216 {strides = array<i32>} : memref<128x128xf32, #tpu.memory_space<vmem>>, vector<1x16xf32>,
        %get3A_217 = arith.index_cast %add3A_156 : i32 to index
        %get3A_218 = arith.constant 96 : index
        %get3A_219 = tpu.vector_load %arg14[%get3A_217, %get3A_218] {strides = array<i32>} : memref<128x128xf32, #tpu.memory_space<vmem>>, vector<1x16xf32>,
        %get3A_220 = vector.shape_cast %get3A_219 : vector<1x16xf32> to vector<16xf32>
        %mul3A_221 = arith.mulf %get3A_220, %gather3A_152 : vector<16xf32>
        %swap3A_222 = arith.index_cast %add3A_156 : i32 to index
        %swap3A_223 = arith.constant 96 : index
        %swap3A_224 = tpu.vector_load %arg14[%swap3A_222, %swap3A_223] {strides = array<i32>} : memref<128x128xf32, #tpu.memory_space<vmem>>, vector<1x16xf32>,
        %swap3A_225 = vector.shape_cast %swap3A_224 : vector<1x16xf32> to vector<16xf32>
        %swap3A_226 = vector.shape_cast %mul3A_221 : vector<16xf32> to vector<1x16xf32>
        tpu.vector_store %arg14[%swap3A_222, %swap3A_223], %swap3A_226 {strides = array<i32>} : memref<128x128xf32, #tpu.memory_space<vmem>>, vector<1x16xf32>,
        %get3A_227 = arith.index_cast %add3A_156 : i32 to index
        %get3A_228 = arith.constant 112 : index
        %get3A_229 = tpu.vector_load %arg14[%get3A_227, %get3A_228] {strides = array<i32>} : memref<128x128xf32, #tpu.memory_space<vmem>>, vector<1x16xf32>,
        %get3A_230 = vector.shape_cast %get3A_229 : vector<1x16xf32> to vector<16xf32>
        %mul3A_231 = arith.mulf %get3A_230, %gather3A_152 : vector<16xf32>
        %swap3A_232 = arith.index_cast %add3A_156 : i32 to index
        %swap3A_233 = arith.constant 112 : index
        %swap3A_234 = tpu.vector_load %arg14[%swap3A_232, %swap3A_233] {strides = array<i32>} : memref<128x128xf32, #tpu.memory_space<vmem>>, vector<1x16xf32>,
        %swap3A_235 = vector.shape_cast %swap3A_234 : vector<1x16xf32> to vector<16xf32>
        %swap3A_236 = vector.shape_cast %mul3A_231 : vector<16xf32> to vector<1x16xf32>
        tpu.vector_store %arg14[%swap3A_232, %swap3A_233], %swap3A_236 {strides = array<i32>} : memref<128x128xf32, #tpu.memory_space<vmem>>, vector<1x16xf32>,
        %broadcast_in_dim3A_237 = arith.constant 2 : i32
        %broadcast_in_dim3A_238 = vector.broadcast %broadcast_in_dim3A_237 : i32 to vector<16x1xi32>
        %gather3A_239 = vector.shape_cast %broadcast_in_dim3A_238 : vector<16x1xi32> to vector<16xi32>
        %gather3A_240 = tpu.dynamic_gather %get3A_63[%gather3A_239] in [0] : vector<16xf32>, vector<16xi32> -> vector<16xf32>
        %mul3A_241 = arith.constant 16 : i32
        %mul3A_242 = arith.muli %scan3A_58, %mul3A_241 : i32
        %add3A_243 = arith.constant 2 : i32
        %add3A_244 = arith.addi %mul3A_242, %add3A_243 : i32
        %get3A_245 = arith.index_cast %add3A_244 : i32 to index
        %get3A_246 = arith.constant 0 : index
        %get3A_247 = tpu.vector_load %arg14[%get3A_245, %get3A_246] {strides = array<i32>} : memref<128x128xf32, #tpu.memory_space<vmem>>, vector<1x16xf32>,
        %get3A_248 = vector.shape_cast %get3A_247 : vector<1x16xf32> to vector<16xf32>
        %mul3A_249 = arith.mulf %get3A_248, %gather3A_240 : vector<16xf32>
        %swap3A_250 = arith.index_cast %add3A_244 : i32 to index
        %swap3A_251 = arith.constant 0 : index
        %swap3A_252 = tpu.vector_load %arg14[%swap3A_250, %swap3A_251] {strides = array<i32>} : memref<128x128xf32, #tpu.memory_space<vmem>>, vector<1x16xf32>,
        %swap3A_253 = vector.shape_cast %swap3A_252 : vector<1x16xf32> to vector<16xf32>
        %swap3A_254 = vector.shape_cast %mul3A_249 : vector<16xf32> to vector<1x16xf32>
        tpu.vector_store %arg14[%swap3A_250, %swap3A_251], %swap3A_254 {strides = array<i32>} : memref<128x128xf32, #tpu.memory_space<vmem>>, vector<1x16xf32>,
        %get3A_255 = arith.index_cast %add3A_244 : i32 to index
        %get3A_256 = arith.constant 16 : index
        %get3A_257 = tpu.vector_load %arg14[%get3A_255, %get3A_256] {strides = array<i32>} : memref<128x128xf32, #tpu.memory_space<vmem>>, vector<1x16xf32>,
        %get3A_258 = vector.shape_cast %get3A_257 : vector<1x16xf32> to vector<16xf32>
        %mul3A_259 = arith.mulf %get3A_258, %gather3A_240 : vector<16xf32>
        %swap3A_260 = arith.index_cast %add3A_244 : i32 to index
        %swap3A_261 = arith.constant 16 : index
        %swap3A_262 = tpu.vector_load %arg14[%swap3A_260, %swap3A_261] {strides = array<i32>} : memref<128x128xf32, #tpu.memory_space<vmem>>, vector<1x16xf32>,
        %swap3A_263 = vector.shape_cast %swap3A_262 : vector<1x16xf32> to vector<16xf32>
        %swap3A_264 = vector.shape_cast %mul3A_259 : vector<16xf32> to vector<1x16xf32>
        tpu.vector_store %arg14[%swap3A_260, %swap3A_261], %swap3A_264 {strides = array<i32>} : memref<128x128xf32, #tpu.memory_space<vmem>>, vector<1x16xf32>,
        %get3A_265 = arith.index_cast %add3A_244 : i32 to index
        %get3A_266 = arith.constant 32 : index
        %get3A_267 = tpu.vector_load %arg14[%get3A_265, %get3A_266] {strides = array<i32>} : memref<128x128xf32, #tpu.memory_space<vmem>>, vector<1x16xf32>,
        %get3A_268 = vector.shape_cast %get3A_267 : vector<1x16xf32> to vector<16xf32>
        %mul3A_269 = arith.mulf %get3A_268, %gather3A_240 : vector<16xf32>
        %swap3A_270 = arith.index_cast %add3A_244 : i32 to index
        %swap3A_271 = arith.constant 32 : index
        %swap3A_272 = tpu.vector_load %arg14[%swap3A_270, %swap3A_271] {strides = array<i32>} : memref<128x128xf32, #tpu.memory_space<vmem>>, vector<1x16xf32>,
        %swap3A_273 = vector.shape_cast %swap3A_272 : vector<1x16xf32> to vector<16xf32>
        %swap3A_274 = vector.shape_cast %mul3A_269 : vector<16xf32> to vector<1x16xf32>
        tpu.vector_store %arg14[%swap3A_270, %swap3A_271], %swap3A_274 {strides = array<i32>} : memref<128x128xf32, #tpu.memory_space<vmem>>, vector<1x16xf32>,
        %get3A_275 = arith.index_cast %add3A_244 : i32 to index
        %get3A_276 = arith.constant 48 : index
        %get3A_277 = tpu.vector_load %arg14[%get3A_275, %get3A_276] {strides = array<i32>} : memref<128x128xf32, #tpu.memory_space<vmem>>, vector<1x16xf32>,
        %get3A_278 = vector.shape_cast %get3A_277 : vector<1x16xf32> to vector<16xf32>
        %mul3A_279 = arith.mulf %get3A_278, %gather3A_240 : vector<16xf32>
        %swap3A_280 = arith.index_cast %add3A_244 : i32 to index
        %swap3A_281 = arith.constant 48 : index
        %swap3A_282 = tpu.vector_load %arg14[%swap3A_280, %swap3A_281] {strides = array<i32>} : memref<128x128xf32, #tpu.memory_space<vmem>>, vector<1x16xf32>,
        %swap3A_283 = vector.shape_cast %swap3A_282 : vector<1x16xf32> to vector<16xf32>
        %swap3A_284 = vector.shape_cast %mul3A_279 : vector<16xf32> to vector<1x16xf32>
        tpu.vector_store %arg14[%swap3A_280, %swap3A_281], %swap3A_284 {strides = array<i32>} : memref<128x128xf32, #tpu.memory_space<vmem>>, vector<1x16xf32>,
        %get3A_285 = arith.index_cast %add3A_244 : i32 to index
        %get3A_286 = arith.constant 64 : index
        %get3A_287 = tpu.vector_load %arg14[%get3A_285, %get3A_286] {strides = array<i32>} : memref<128x128xf32, #tpu.memory_space<vmem>>, vector<1x16xf32>,
        %get3A_288 = vector.shape_cast %get3A_287 : vector<1x16xf32> to vector<16xf32>
        %mul3A_289 = arith.mulf %get3A_288, %gather3A_240 : vector<16xf32>
        %swap3A_290 = arith.index_cast %add3A_244 : i32 to index
        %swap3A_291 = arith.constant 64 : index
        %swap3A_292 = tpu.vector_load %arg14[%swap3A_290, %swap3A_291] {strides = array<i32>} : memref<128x128xf32, #tpu.memory_space<vmem>>, vector<1x16xf32>,
        %swap3A_293 = vector.shape_cast %swap3A_292 : vector<1x16xf32> to vector<16xf32>
        %swap3A_294 = vector.shape_cast %mul3A_289 : vector<16xf32> to vector<1x16xf32>
        tpu.vector_store %arg14[%swap3A_290, %swap3A_291], %swap3A_294 {strides = array<i32>} : memref<128x128xf32, #tpu.memory_space<vmem>>, vector<1x16xf32>,
        %get3A_295 = arith.index_cast %add3A_244 : i32 to index
        %get3A_296 = arith.constant 80 : index
        %get3A_297 = tpu.vector_load %arg14[%get3A_295, %get3A_296] {strides = array<i32>} : memref<128x128xf32, #tpu.memory_space<vmem>>, vector<1x16xf32>,
        %get3A_298 = vector.shape_cast %get3A_297 : vector<1x16xf32> to vector<16xf32>
        %mul3A_299 = arith.mulf %get3A_298, %gather3A_240 : vector<16xf32>
        %swap3A_300 = arith.index_cast %add3A_244 : i32 to index
        %swap3A_301 = arith.constant 80 : index
        %swap3A_302 = tpu.vector_load %arg14[%swap3A_300, %swap3A_301] {strides = array<i32>} : memref<128x128xf32, #tpu.memory_space<vmem>>, vector<1x16xf32>,
        %swap3A_303 = vector.shape_cast %swap3A_302 : vector<1x16xf32> to vector<16xf32>
        %swap3A_304 = vector.shape_cast %mul3A_299 : vector<16xf32> to vector<1x16xf32>
        tpu.vector_store %arg14[%swap3A_300, %swap3A_301], %swap3A_304 {strides = array<i32>} : memref<128x128xf32, #tpu.memory_space<vmem>>, vector<1x16xf32>,
        %get3A_305 = arith.index_cast %add3A_244 : i32 to index
        %get3A_306 = arith.constant 96 : index
        %get3A_307 = tpu.vector_load %arg14[%get3A_305, %get3A_306] {strides = array<i32>} : memref<128x128xf32, #tpu.memory_space<vmem>>, vector<1x16xf32>,
        %get3A_308 = vector.shape_cast %get3A_307 : vector<1x16xf32> to vector<16xf32>
        %mul3A_309 = arith.mulf %get3A_308, %gather3A_240 : vector<16xf32>
        %swap3A_310 = arith.index_cast %add3A_244 : i32 to index
        %swap3A_311 = arith.constant 96 : index
        %swap3A_312 = tpu.vector_load %arg14[%swap3A_310, %swap3A_311] {strides = array<i32>} : memref<128x128xf32, #tpu.memory_space<vmem>>, vector<1x16xf32>,
        %swap3A_313 = vector.shape_cast %swap3A_312 : vector<1x16xf32> to vector<16xf32>
        %swap3A_314 = vector.shape_cast %mul3A_309 : vector<16xf32> to vector<1x16xf32>
        tpu.vector_store %arg14[%swap3A_310, %swap3A_311], %swap3A_314 {strides = array<i32>} : memref<128x128xf32, #tpu.memory_space<vmem>>, vector<1x16xf32>,
        %get3A_315 = arith.index_cast %add3A_244 : i32 to index
        %get3A_316 = arith.constant 112 : index
        %get3A_317 = tpu.vector_load %arg14[%get3A_315, %get3A_316] {strides = array<i32>} : memref<128x128xf32, #tpu.memory_space<vmem>>, vector<1x16xf32>,
        %get3A_318 = vector.shape_cast %get3A_317 : vector<1x16xf32> to vector<16xf32>
        %mul3A_319 = arith.mulf %get3A_318, %gather3A_240 : vector<16xf32>
        %swap3A_320 = arith.index_cast %add3A_244 : i32 to index
        %swap3A_321 = arith.constant 112 : index
        %swap3A_322 = tpu.vector_load %arg14[%swap3A_320, %swap3A_321] {strides = array<i32>} : memref<128x128xf32, #tpu.memory_space<vmem>>, vector<1x16xf32>,
        %swap3A_323 = vector.shape_cast %swap3A_322 : vector<1x16xf32> to vector<16xf32>
        %swap3A_324 = vector.shape_cast %mul3A_319 : vector<16xf32> to vector<1x16xf32>
        tpu.vector_store %arg14[%swap3A_320, %swap3A_321], %swap3A_324 {strides = array<i32>} : memref<128x128xf32, #tpu.memory_space<vmem>>, vector<1x16xf32>,
        %broadcast_in_dim3A_325 = arith.constant 3 : i32
        %broadcast_in_dim3A_326 = vector.broadcast %broadcast_in_dim3A_325 : i32 to vector<16x1xi32>
        %gather3A_327 = vector.shape_cast %broadcast_in_dim3A_326 : vector<16x1xi32> to vector<16xi32>
        %gather3A_328 = tpu.dynamic_gather %get3A_63[%gather3A_327] in [0] : vector<16xf32>, vector<16xi32> -> vector<16xf32>
        %mul3A_329 = arith.constant 16 : i32
        %mul3A_330 = arith.muli %scan3A_58, %mul3A_329 : i32
        %add3A_331 = arith.constant 3 : i32
        %add3A_332 = arith.addi %mul3A_330, %add3A_331 : i32
        %get3A_333 = arith.index_cast %add3A_332 : i32 to index
        %get3A_334 = arith.constant 0 : index
        %get3A_335 = tpu.vector_load %arg14[%get3A_333, %get3A_334] {strides = array<i32>} : memref<128x128xf32, #tpu.memory_space<vmem>>, vector<1x16xf32>,
        %get3A_336 = vector.shape_cast %get3A_335 : vector<1x16xf32> to vector<16xf32>
        %mul3A_337 = arith.mulf %get3A_336, %gather3A_328 : vector<16xf32>
        %swap3A_338 = arith.index_cast %add3A_332 : i32 to index
        %swap3A_339 = arith.constant 0 : index
        %swap3A_340 = tpu.vector_load %arg14[%swap3A_338, %swap3A_339] {strides = array<i32>} : memref<128x128xf32, #tpu.memory_space<vmem>>, vector<1x16xf32>,
        %swap3A_341 = vector.shape_cast %swap3A_340 : vector<1x16xf32> to vector<16xf32>
        %swap3A_342 = vector.shape_cast %mul3A_337 : vector<16xf32> to vector<1x16xf32>
        tpu.vector_store %arg14[%swap3A_338, %swap3A_339], %swap3A_342 {strides = array<i32>} : memref<128x128xf32, #tpu.memory_space<vmem>>, vector<1x16xf32>,
        %get3A_343 = arith.index_cast %add3A_332 : i32 to index
        %get3A_344 = arith.constant 16 : index
        %get3A_345 = tpu.vector_load %arg14[%get3A_343, %get3A_344] {strides = array<i32>} : memref<128x128xf32, #tpu.memory_space<vmem>>, vector<1x16xf32>,
        %get3A_346 = vector.shape_cast %get3A_345 : vector<1x16xf32> to vector<16xf32>
        %mul3A_347 = arith.mulf %get3A_346, %gather3A_328 : vector<16xf32>
        %swap3A_348 = arith.index_cast %add3A_332 : i32 to index
        %swap3A_349 = arith.constant 16 : index
        %swap3A_350 = tpu.vector_load %arg14[%swap3A_348, %swap3A_349] {strides = array<i32>} : memref<128x128xf32, #tpu.memory_space<vmem>>, vector<1x16xf32>,
        %swap3A_351 = vector.shape_cast %swap3A_350 : vector<1x16xf32> to vector<16xf32>
        %swap3A_352 = vector.shape_cast %mul3A_347 : vector<16xf32> to vector<1x16xf32>
        tpu.vector_store %arg14[%swap3A_348, %swap3A_349], %swap3A_352 {strides = array<i32>} : memref<128x128xf32, #tpu.memory_space<vmem>>, vector<1x16xf32>,
        %get3A_353 = arith.index_cast %add3A_332 : i32 to index
        %get3A_354 = arith.constant 32 : index
        %get3A_355 = tpu.vector_load %arg14[%get3A_353, %get3A_354] {strides = array<i32>} : memref<128x128xf32, #tpu.memory_space<vmem>>, vector<1x16xf32>,
        %get3A_356 = vector.shape_cast %get3A_355 : vector<1x16xf32> to vector<16xf32>
        %mul3A_357 = arith.mulf %get3A_356, %gather3A_328 : vector<16xf32>
        %swap3A_358 = arith.index_cast %add3A_332 : i32 to index
        %swap3A_359 = arith.constant 32 : index
        %swap3A_360 = tpu.vector_load %arg14[%swap3A_358, %swap3A_359] {strides = array<i32>} : memref<128x128xf32, #tpu.memory_space<vmem>>, vector<1x16xf32>,
        %swap3A_361 = vector.shape_cast %swap3A_360 : vector<1x16xf32> to vector<16xf32>
        %swap3A_362 = vector.shape_cast %mul3A_357 : vector<16xf32> to vector<1x16xf32>
        tpu.vector_store %arg14[%swap3A_358, %swap3A_359], %swap3A_362 {strides = array<i32>} : memref<128x128xf32, #tpu.memory_space<vmem>>, vector<1x16xf32>,
        %get3A_363 = arith.index_cast %add3A_332 : i32 to index
        %get3A_364 = arith.constant 48 : index
        %get3A_365 = tpu.vector_load %arg14[%get3A_363, %get3A_364] {strides = array<i32>} : memref<128x128xf32, #tpu.memory_space<vmem>>, vector<1x16xf32>,
        %get3A_366 = vector.shape_cast %get3A_365 : vector<1x16xf32> to vector<16xf32>
        %mul3A_367 = arith.mulf %get3A_366, %gather3A_328 : vector<16xf32>
        %swap3A_368 = arith.index_cast %add3A_332 : i32 to index
        %swap3A_369 = arith.constant 48 : index
        %swap3A_370 = tpu.vector_load %arg14[%swap3A_368, %swap3A_369] {strides = array<i32>} : memref<128x128xf32, #tpu.memory_space<vmem>>, vector<1x16xf32>,
        %swap3A_371 = vector.shape_cast %swap3A_370 : vector<1x16xf32> to vector<16xf32>
        %swap3A_372 = vector.shape_cast %mul3A_367 : vector<16xf32> to vector<1x16xf32>
        tpu.vector_store %arg14[%swap3A_368, %swap3A_369], %swap3A_372 {strides = array<i32>} : memref<128x128xf32, #tpu.memory_space<vmem>>, vector<1x16xf32>,
        %get3A_373 = arith.index_cast %add3A_332 : i32 to index
        %get3A_374 = arith.constant 64 : index
        %get3A_375 = tpu.vector_load %arg14[%get3A_373, %get3A_374] {strides = array<i32>} : memref<128x128xf32, #tpu.memory_space<vmem>>, vector<1x16xf32>,
        %get3A_376 = vector.shape_cast %get3A_375 : vector<1x16xf32> to vector<16xf32>
        %mul3A_377 = arith.mulf %get3A_376, %gather3A_328 : vector<16xf32>
        %swap3A_378 = arith.index_cast %add3A_332 : i32 to index
        %swap3A_379 = arith.constant 64 : index
        %swap3A_380 = tpu.vector_load %arg14[%swap3A_378, %swap3A_379] {strides = array<i32>} : memref<128x128xf32, #tpu.memory_space<vmem>>, vector<1x16xf32>,
        %swap3A_381 = vector.shape_cast %swap3A_380 : vector<1x16xf32> to vector<16xf32>
        %swap3A_382 = vector.shape_cast %mul3A_377 : vector<16xf32> to vector<1x16xf32>
        tpu.vector_store %arg14[%swap3A_378, %swap3A_379], %swap3A_382 {strides = array<i32>} : memref<128x128xf32, #tpu.memory_space<vmem>>, vector<1x16xf32>,
        %get3A_383 = arith.index_cast %add3A_332 : i32 to index
        %get3A_384 = arith.constant 80 : index
        %get3A_385 = tpu.vector_load %arg14[%get3A_383, %get3A_384] {strides = array<i32>} : memref<128x128xf32, #tpu.memory_space<vmem>>, vector<1x16xf32>,
        %get3A_386 = vector.shape_cast %get3A_385 : vector<1x16xf32> to vector<16xf32>
        %mul3A_387 = arith.mulf %get3A_386, %gather3A_328 : vector<16xf32>
        %swap3A_388 = arith.index_cast %add3A_332 : i32 to index
        %swap3A_389 = arith.constant 80 : index
        %swap3A_390 = tpu.vector_load %arg14[%swap3A_388, %swap3A_389] {strides = array<i32>} : memref<128x128xf32, #tpu.memory_space<vmem>>, vector<1x16xf32>,
        %swap3A_391 = vector.shape_cast %swap3A_390 : vector<1x16xf32> to vector<16xf32>
        %swap3A_392 = vector.shape_cast %mul3A_387 : vector<16xf32> to vector<1x16xf32>
        tpu.vector_store %arg14[%swap3A_388, %swap3A_389], %swap3A_392 {strides = array<i32>} : memref<128x128xf32, #tpu.memory_space<vmem>>, vector<1x16xf32>,
        %get3A_393 = arith.index_cast %add3A_332 : i32 to index
        %get3A_394 = arith.constant 96 : index
        %get3A_395 = tpu.vector_load %arg14[%get3A_393, %get3A_394] {strides = array<i32>} : memref<128x128xf32, #tpu.memory_space<vmem>>, vector<1x16xf32>,
        %get3A_396 = vector.shape_cast %get3A_395 : vector<1x16xf32> to vector<16xf32>
        %mul3A_397 = arith.mulf %get3A_396, %gather3A_328 : vector<16xf32>
        %swap3A_398 = arith.index_cast %add3A_332 : i32 to index
        %swap3A_399 = arith.constant 96 : index
        %swap3A_400 = tpu.vector_load %arg14[%swap3A_398, %swap3A_399] {strides = array<i32>} : memref<128x128xf32, #tpu.memory_space<vmem>>, vector<1x16xf32>,
        %swap3A_401 = vector.shape_cast %swap3A_400 : vector<1x16xf32> to vector<16xf32>
        %swap3A_402 = vector.shape_cast %mul3A_397 : vector<16xf32> to vector<1x16xf32>
        tpu.vector_store %arg14[%swap3A_398, %swap3A_399], %swap3A_402 {strides = array<i32>} : memref<128x128xf32, #tpu.memory_space<vmem>>, vector<1x16xf32>,
        %get3A_403 = arith.index_cast %add3A_332 : i32 to index
        %get3A_404 = arith.constant 112 : index
        %get3A_405 = tpu.vector_load %arg14[%get3A_403, %get3A_404] {strides = array<i32>} : memref<128x128xf32, #tpu.memory_space<vmem>>, vector<1x16xf32>,
        %get3A_406 = vector.shape_cast %get3A_405 : vector<1x16xf32> to vector<16xf32>
        %mul3A_407 = arith.mulf %get3A_406, %gather3A_328 : vector<16xf32>
        %swap3A_408 = arith.index_cast %add3A_332 : i32 to index
        %swap3A_409 = arith.constant 112 : index
        %swap3A_410 = tpu.vector_load %arg14[%swap3A_408, %swap3A_409] {strides = array<i32>} : memref<128x128xf32, #tpu.memory_space<vmem>>, vector<1x16xf32>,
        %swap3A_411 = vector.shape_cast %swap3A_410 : vector<1x16xf32> to vector<16xf32>
        %swap3A_412 = vector.shape_cast %mul3A_407 : vector<16xf32> to vector<1x16xf32>
        tpu.vector_store %arg14[%swap3A_408, %swap3A_409], %swap3A_412 {strides = array<i32>} : memref<128x128xf32, #tpu.memory_space<vmem>>, vector<1x16xf32>,
        %broadcast_in_dim3A_413 = arith.constant 4 : i32
        %broadcast_in_dim3A_414 = vector.broadcast %broadcast_in_dim3A_413 : i32 to vector<16x1xi32>
        %gather3A_415 = vector.shape_cast %broadcast_in_dim3A_414 : vector<16x1xi32> to vector<16xi32>
        %gather3A_416 = tpu.dynamic_gather %get3A_63[%gather3A_415] in [0] : vector<16xf32>, vector<16xi32> -> vector<16xf32>
        %mul3A_417 = arith.constant 16 : i32
        %mul3A_418 = arith.muli %scan3A_58, %mul3A_417 : i32
        %add3A_419 = arith.constant 4 : i32
        %add3A_420 = arith.addi %mul3A_418, %add3A_419 : i32
        %get3A_421 = arith.index_cast %add3A_420 : i32 to index
        %get3A_422 = arith.constant 0 : index
        %get3A_423 = tpu.vector_load %arg14[%get3A_421, %get3A_422] {strides = array<i32>} : memref<128x128xf32, #tpu.memory_space<vmem>>, vector<1x16xf32>,
        %get3A_424 = vector.shape_cast %get3A_423 : vector<1x16xf32> to vector<16xf32>
        %mul3A_425 = arith.mulf %get3A_424, %gather3A_416 : vector<16xf32>
        %swap3A_426 = arith.index_cast %add3A_420 : i32 to index
        %swap3A_427 = arith.constant 0 : index
        %swap3A_428 = tpu.vector_load %arg14[%swap3A_426, %swap3A_427] {strides = array<i32>} : memref<128x128xf32, #tpu.memory_space<vmem>>, vector<1x16xf32>,
        %swap3A_429 = vector.shape_cast %swap3A_428 : vector<1x16xf32> to vector<16xf32>
        %swap3A_430 = vector.shape_cast %mul3A_425 : vector<16xf32> to vector<1x16xf32>
        tpu.vector_store %arg14[%swap3A_426, %swap3A_427], %swap3A_430 {strides = array<i32>} : memref<128x128xf32, #tpu.memory_space<vmem>>, vector<1x16xf32>,
        %get3A_431 = arith.index_cast %add3A_420 : i32 to index
        %get3A_432 = arith.constant 16 : index
        %get3A_433 = tpu.vector_load %arg14[%get3A_431, %get3A_432] {strides = array<i32>} : memref<128x128xf32, #tpu.memory_space<vmem>>, vector<1x16xf32>,
        %get3A_434 = vector.shape_cast %get3A_433 : vector<1x16xf32> to vector<16xf32>
        %mul3A_435 = arith.mulf %get3A_434, %gather3A_416 : vector<16xf32>
        %swap3A_436 = arith.index_cast %add3A_420 : i32 to index
        %swap3A_437 = arith.constant 16 : index
        %swap3A_438 = tpu.vector_load %arg14[%swap3A_436, %swap3A_437] {strides = array<i32>} : memref<128x128xf32, #tpu.memory_space<vmem>>, vector<1x16xf32>,
        %swap3A_439 = vector.shape_cast %swap3A_438 : vector<1x16xf32> to vector<16xf32>
        %swap3A_440 = vector.shape_cast %mul3A_435 : vector<16xf32> to vector<1x16xf32>
        tpu.vector_store %arg14[%swap3A_436, %swap3A_437], %swap3A_440 {strides = array<i32>} : memref<128x128xf32, #tpu.memory_space<vmem>>, vector<1x16xf32>,
        %get3A_441 = arith.index_cast %add3A_420 : i32 to index
        %get3A_442 = arith.constant 32 : index
        %get3A_443 = tpu.vector_load %arg14[%get3A_441, %get3A_442] {strides = array<i32>} : memref<128x128xf32, #tpu.memory_space<vmem>>, vector<1x16xf32>,
        %get3A_444 = vector.shape_cast %get3A_443 : vector<1x16xf32> to vector<16xf32>
        %mul3A_445 = arith.mulf %get3A_444, %gather3A_416 : vector<16xf32>
        %swap3A_446 = arith.index_cast %add3A_420 : i32 to index
        %swap3A_447 = arith.constant 32 : index
        %swap3A_448 = tpu.vector_load %arg14[%swap3A_446, %swap3A_447] {strides = array<i32>} : memref<128x128xf32, #tpu.memory_space<vmem>>, vector<1x16xf32>,
        %swap3A_449 = vector.shape_cast %swap3A_448 : vector<1x16xf32> to vector<16xf32>
        %swap3A_450 = vector.shape_cast %mul3A_445 : vector<16xf32> to vector<1x16xf32>
        tpu.vector_store %arg14[%swap3A_446, %swap3A_447], %swap3A_450 {strides = array<i32>} : memref<128x128xf32, #tpu.memory_space<vmem>>, vector<1x16xf32>,
        %get3A_451 = arith.index_cast %add3A_420 : i32 to index
        %get3A_452 = arith.constant 48 : index
        %get3A_453 = tpu.vector_load %arg14[%get3A_451, %get3A_452] {strides = array<i32>} : memref<128x128xf32, #tpu.memory_space<vmem>>, vector<1x16xf32>,
        %get3A_454 = vector.shape_cast %get3A_453 : vector<1x16xf32> to vector<16xf32>
        %mul3A_455 = arith.mulf %get3A_454, %gather3A_416 : vector<16xf32>
        %swap3A_456 = arith.index_cast %add3A_420 : i32 to index
        %swap3A_457 = arith.constant 48 : index
        %swap3A_458 = tpu.vector_load %arg14[%swap3A_456, %swap3A_457] {strides = array<i32>} : memref<128x128xf32, #tpu.memory_space<vmem>>, vector<1x16xf32>,
        %swap3A_459 = vector.shape_cast %swap3A_458 : vector<1x16xf32> to vector<16xf32>
        %swap3A_460 = vector.shape_cast %mul3A_455 : vector<16xf32> to vector<1x16xf32>
        tpu.vector_store %arg14[%swap3A_456, %swap3A_457], %swap3A_460 {strides = array<i32>} : memref<128x128xf32, #tpu.memory_space<vmem>>, vector<1x16xf32>,
        %get3A_461 = arith.index_cast %add3A_420 : i32 to index
        %get3A_462 = arith.constant 64 : index
        %get3A_463 = tpu.vector_load %arg14[%get3A_461, %get3A_462] {strides = array<i32>} : memref<128x128xf32, #tpu.memory_space<vmem>>, vector<1x16xf32>,
        %get3A_464 = vector.shape_cast %get3A_463 : vector<1x16xf32> to vector<16xf32>
        %mul3A_465 = arith.mulf %get3A_464, %gather3A_416 : vector<16xf32>
        %swap3A_466 = arith.index_cast %add3A_420 : i32 to index
        %swap3A_467 = arith.constant 64 : index
        %swap3A_468 = tpu.vector_load %arg14[%swap3A_466, %swap3A_467] {strides = array<i32>} : memref<128x128xf32, #tpu.memory_space<vmem>>, vector<1x16xf32>,
        %swap3A_469 = vector.shape_cast %swap3A_468 : vector<1x16xf32> to vector<16xf32>
        %swap3A_470 = vector.shape_cast %mul3A_465 : vector<16xf32> to vector<1x16xf32>
        tpu.vector_store %arg14[%swap3A_466, %swap3A_467], %swap3A_470 {strides = array<i32>} : memref<128x128xf32, #tpu.memory_space<vmem>>, vector<1x16xf32>,
        %get3A_471 = arith.index_cast %add3A_420 : i32 to index
        %get3A_472 = arith.constant 80 : index
        %get3A_473 = tpu.vector_load %arg14[%get3A_471, %get3A_472] {strides = array<i32>} : memref<128x128xf32, #tpu.memory_space<vmem>>, vector<1x16xf32>,
        %get3A_474 = vector.shape_cast %get3A_473 : vector<1x16xf32> to vector<16xf32>
        %mul3A_475 = arith.mulf %get3A_474, %gather3A_416 : vector<16xf32>
        %swap3A_476 = arith.index_cast %add3A_420 : i32 to index
        %swap3A_477 = arith.constant 80 : index
        %swap3A_478 = tpu.vector_load %arg14[%swap3A_476, %swap3A_477] {strides = array<i32>} : memref<128x128xf32, #tpu.memory_space<vmem>>, vector<1x16xf32>,
        %swap3A_479 = vector.shape_cast %swap3A_478 : vector<1x16xf32> to vector<16xf32>
        %swap3A_480 = vector.shape_cast %mul3A_475 : vector<16xf32> to vector<1x16xf32>
        tpu.vector_store %arg14[%swap3A_476, %swap3A_477], %swap3A_480 {strides = array<i32>} : memref<128x128xf32, #tpu.memory_space<vmem>>, vector<1x16xf32>,
        %get3A_481 = arith.index_cast %add3A_420 : i32 to index
        %get3A_482 = arith.constant 96 : index
        %get3A_483 = tpu.vector_load %arg14[%get3A_481, %get3A_482] {strides = array<i32>} : memref<128x128xf32, #tpu.memory_space<vmem>>, vector<1x16xf32>,
        %get3A_484 = vector.shape_cast %get3A_483 : vector<1x16xf32> to vector<16xf32>
        %mul3A_485 = arith.mulf %get3A_484, %gather3A_416 : vector<16xf32>
        %swap3A_486 = arith.index_cast %add3A_420 : i32 to index
        %swap3A_487 = arith.constant 96 : index
        %swap3A_488 = tpu.vector_load %arg14[%swap3A_486, %swap3A_487] {strides = array<i32>} : memref<128x128xf32, #tpu.memory_space<vmem>>, vector<1x16xf32>,
        %swap3A_489 = vector.shape_cast %swap3A_488 : vector<1x16xf32> to vector<16xf32>
        %swap3A_490 = vector.shape_cast %mul3A_485 : vector<16xf32> to vector<1x16xf32>
        tpu.vector_store %arg14[%swap3A_486, %swap3A_487], %swap3A_490 {strides = array<i32>} : memref<128x128xf32, #tpu.memory_space<vmem>>, vector<1x16xf32>,
        %get3A_491 = arith.index_cast %add3A_420 : i32 to index
        %get3A_492 = arith.constant 112 : index
        %get3A_493 = tpu.vector_load %arg14[%get3A_491, %get3A_492] {strides = array<i32>} : memref<128x128xf32, #tpu.memory_space<vmem>>, vector<1x16xf32>,
        %get3A_494 = vector.shape_cast %get3A_493 : vector<1x16xf32> to vector<16xf32>
        %mul3A_495 = arith.mulf %get3A_494, %gather3A_416 : vector<16xf32>
        %swap3A_496 = arith.index_cast %add3A_420 : i32 to index
        %swap3A_497 = arith.constant 112 : index
        %swap3A_498 = tpu.vector_load %arg14[%swap3A_496, %swap3A_497] {strides = array<i32>} : memref<128x128xf32, #tpu.memory_space<vmem>>, vector<1x16xf32>,
        %swap3A_499 = vector.shape_cast %swap3A_498 : vector<1x16xf32> to vector<16xf32>
        %swap3A_500 = vector.shape_cast %mul3A_495 : vector<16xf32> to vector<1x16xf32>
        tpu.vector_store %arg14[%swap3A_496, %swap3A_497], %swap3A_500 {strides = array<i32>} : memref<128x128xf32, #tpu.memory_space<vmem>>, vector<1x16xf32>,
        %broadcast_in_dim3A_501 = arith.constant 5 : i32
        %broadcast_in_dim3A_502 = vector.broadcast %broadcast_in_dim3A_501 : i32 to vector<16x1xi32>
        %gather3A_503 = vector.shape_cast %broadcast_in_dim3A_502 : vector<16x1xi32> to vector<16xi32>
        %gather3A_504 = tpu.dynamic_gather %get3A_63[%gather3A_503] in [0] : vector<16xf32>, vector<16xi32> -> vector<16xf32>
        %mul3A_505 = arith.constant 16 : i32
        %mul3A_506 = arith.muli %scan3A_58, %mul3A_505 : i32
        %add3A_507 = arith.constant 5 : i32
        %add3A_508 = arith.addi %mul3A_506, %add3A_507 : i32
        %get3A_509 = arith.index_cast %add3A_508 : i32 to index
        %get3A_510 = arith.constant 0 : index
        %get3A_511 = tpu.vector_load %arg14[%get3A_509, %get3A_510] {strides = array<i32>} : memref<128x128xf32, #tpu.memory_space<vmem>>, vector<1x16xf32>,
        %get3A_512 = vector.shape_cast %get3A_511 : vector<1x16xf32> to vector<16xf32>
        %mul3A_513 = arith.mulf %get3A_512, %gather3A_504 : vector<16xf32>
        %swap3A_514 = arith.index_cast %add3A_508 : i32 to index
        %swap3A_515 = arith.constant 0 : index
        %swap3A_516 = tpu.vector_load %arg14[%swap3A_514, %swap3A_515] {strides = array<i32>} : memref<128x128xf32, #tpu.memory_space<vmem>>, vector<1x16xf32>,
        %swap3A_517 = vector.shape_cast %swap3A_516 : vector<1x16xf32> to vector<16xf32>
        %swap3A_518 = vector.shape_cast %mul3A_513 : vector<16xf32> to vector<1x16xf32>
        tpu.vector_store %arg14[%swap3A_514, %swap3A_515], %swap3A_518 {strides = array<i32>} : memref<128x128xf32, #tpu.memory_space<vmem>>, vector<1x16xf32>,
        %get3A_519 = arith.index_cast %add3A_508 : i32 to index
        %get3A_520 = arith.constant 16 : index
        %get3A_521 = tpu.vector_load %arg14[%get3A_519, %get3A_520] {strides = array<i32>} : memref<128x128xf32, #tpu.memory_space<vmem>>, vector<1x16xf32>,
        %get3A_522 = vector.shape_cast %get3A_521 : vector<1x16xf32> to vector<16xf32>
        %mul3A_523 = arith.mulf %get3A_522, %gather3A_504 : vector<16xf32>
        %swap3A_524 = arith.index_cast %add3A_508 : i32 to index
        %swap3A_525 = arith.constant 16 : index
        %swap3A_526 = tpu.vector_load %arg14[%swap3A_524, %swap3A_525] {strides = array<i32>} : memref<128x128xf32, #tpu.memory_space<vmem>>, vector<1x16xf32>,
        %swap3A_527 = vector.shape_cast %swap3A_526 : vector<1x16xf32> to vector<16xf32>
        %swap3A_528 = vector.shape_cast %mul3A_523 : vector<16xf32> to vector<1x16xf32>
        tpu.vector_store %arg14[%swap3A_524, %swap3A_525], %swap3A_528 {strides = array<i32>} : memref<128x128xf32, #tpu.memory_space<vmem>>, vector<1x16xf32>,
        %get3A_529 = arith.index_cast %add3A_508 : i32 to index
        %get3A_530 = arith.constant 32 : index
        %get3A_531 = tpu.vector_load %arg14[%get3A_529, %get3A_530] {strides = array<i32>} : memref<128x128xf32, #tpu.memory_space<vmem>>, vector<1x16xf32>,
        %get3A_532 = vector.shape_cast %get3A_531 : vector<1x16xf32> to vector<16xf32>
        %mul3A_533 = arith.mulf %get3A_532, %gather3A_504 : vector<16xf32>
        %swap3A_534 = arith.index_cast %add3A_508 : i32 to index
        %swap3A_535 = arith.constant 32 : index
        %swap3A_536 = tpu.vector_load %arg14[%swap3A_534, %swap3A_535] {strides = array<i32>} : memref<128x128xf32, #tpu.memory_space<vmem>>, vector<1x16xf32>,
        %swap3A_537 = vector.shape_cast %swap3A_536 : vector<1x16xf32> to vector<16xf32>
        %swap3A_538 = vector.shape_cast %mul3A_533 : vector<16xf32> to vector<1x16xf32>
        tpu.vector_store %arg14[%swap3A_534, %swap3A_535], %swap3A_538 {strides = array<i32>} : memref<128x128xf32, #tpu.memory_space<vmem>>, vector<1x16xf32>,
        %get3A_539 = arith.index_cast %add3A_508 : i32 to index
        %get3A_540 = arith.constant 48 : index
        %get3A_541 = tpu.vector_load %arg14[%get3A_539, %get3A_540] {strides = array<i32>} : memref<128x128xf32, #tpu.memory_space<vmem>>, vector<1x16xf32>,
        %get3A_542 = vector.shape_cast %get3A_541 : vector<1x16xf32> to vector<16xf32>
        %mul3A_543 = arith.mulf %get3A_542, %gather3A_504 : vector<16xf32>
        %swap3A_544 = arith.index_cast %add3A_508 : i32 to index
        %swap3A_545 = arith.constant 48 : index
        %swap3A_546 = tpu.vector_load %arg14[%swap3A_544, %swap3A_545] {strides = array<i32>} : memref<128x128xf32, #tpu.memory_space<vmem>>, vector<1x16xf32>,
        %swap3A_547 = vector.shape_cast %swap3A_546 : vector<1x16xf32> to vector<16xf32>
        %swap3A_548 = vector.shape_cast %mul3A_543 : vector<16xf32> to vector<1x16xf32>
        tpu.vector_store %arg14[%swap3A_544, %swap3A_545], %swap3A_548 {strides = array<i32>} : memref<128x128xf32, #tpu.memory_space<vmem>>, vector<1x16xf32>,
        %get3A_549 = arith.index_cast %add3A_508 : i32 to index
        %get3A_550 = arith.constant 64 : index
        %get3A_551 = tpu.vector_load %arg14[%get3A_549, %get3A_550] {strides = array<i32>} : memref<128x128xf32, #tpu.memory_space<vmem>>, vector<1x16xf32>,
        %get3A_552 = vector.shape_cast %get3A_551 : vector<1x16xf32> to vector<16xf32>
        %mul3A_553 = arith.mulf %get3A_552, %gather3A_504 : vector<16xf32>
        %swap3A_554 = arith.index_cast %add3A_508 : i32 to index
        %swap3A_555 = arith.constant 64 : index
        %swap3A_556 = tpu.vector_load %arg14[%swap3A_554, %swap3A_555] {strides = array<i32>} : memref<128x128xf32, #tpu.memory_space<vmem>>, vector<1x16xf32>,
        %swap3A_557 = vector.shape_cast %swap3A_556 : vector<1x16xf32> to vector<16xf32>
        %swap3A_558 = vector.shape_cast %mul3A_553 : vector<16xf32> to vector<1x16xf32>
        tpu.vector_store %arg14[%swap3A_554, %swap3A_555], %swap3A_558 {strides = array<i32>} : memref<128x128xf32, #tpu.memory_space<vmem>>, vector<1x16xf32>,
        %get3A_559 = arith.index_cast %add3A_508 : i32 to index
        %get3A_560 = arith.constant 80 : index
        %get3A_561 = tpu.vector_load %arg14[%get3A_559, %get3A_560] {strides = array<i32>} : memref<128x128xf32, #tpu.memory_space<vmem>>, vector<1x16xf32>,
        %get3A_562 = vector.shape_cast %get3A_561 : vector<1x16xf32> to vector<16xf32>
        %mul3A_563 = arith.mulf %get3A_562, %gather3A_504 : vector<16xf32>
        %swap3A_564 = arith.index_cast %add3A_508 : i32 to index
        %swap3A_565 = arith.constant 80 : index
        %swap3A_566 = tpu.vector_load %arg14[%swap3A_564, %swap3A_565] {strides = array<i32>} : memref<128x128xf32, #tpu.memory_space<vmem>>, vector<1x16xf32>,
        %swap3A_567 = vector.shape_cast %swap3A_566 : vector<1x16xf32> to vector<16xf32>
        %swap3A_568 = vector.shape_cast %mul3A_563 : vector<16xf32> to vector<1x16xf32>
        tpu.vector_store %arg14[%swap3A_564, %swap3A_565], %swap3A_568 {strides = array<i32>} : memref<128x128xf32, #tpu.memory_space<vmem>>, vector<1x16xf32>,
        %get3A_569 = arith.index_cast %add3A_508 : i32 to index
        %get3A_570 = arith.constant 96 : index
        %get3A_571 = tpu.vector_load %arg14[%get3A_569, %get3A_570] {strides = array<i32>} : memref<128x128xf32, #tpu.memory_space<vmem>>, vector<1x16xf32>,
        %get3A_572 = vector.shape_cast %get3A_571 : vector<1x16xf32> to vector<16xf32>
        %mul3A_573 = arith.mulf %get3A_572, %gather3A_504 : vector<16xf32>
        %swap3A_574 = arith.index_cast %add3A_508 : i32 to index
        %swap3A_575 = arith.constant 96 : index
        %swap3A_576 = tpu.vector_load %arg14[%swap3A_574, %swap3A_575] {strides = array<i32>} : memref<128x128xf32, #tpu.memory_space<vmem>>, vector<1x16xf32>,
        %swap3A_577 = vector.shape_cast %swap3A_576 : vector<1x16xf32> to vector<16xf32>
        %swap3A_578 = vector.shape_cast %mul3A_573 : vector<16xf32> to vector<1x16xf32>
        tpu.vector_store %arg14[%swap3A_574, %swap3A_575], %swap3A_578 {strides = array<i32>} : memref<128x128xf32, #tpu.memory_space<vmem>>, vector<1x16xf32>,
        %get3A_579 = arith.index_cast %add3A_508 : i32 to index
        %get3A_580 = arith.constant 112 : index
        %get3A_581 = tpu.vector_load %arg14[%get3A_579, %get3A_580] {strides = array<i32>} : memref<128x128xf32, #tpu.memory_space<vmem>>, vector<1x16xf32>,
        %get3A_582 = vector.shape_cast %get3A_581 : vector<1x16xf32> to vector<16xf32>
        %mul3A_583 = arith.mulf %get3A_582, %gather3A_504 : vector<16xf32>
        %swap3A_584 = arith.index_cast %add3A_508 : i32 to index
        %swap3A_585 = arith.constant 112 : index
        %swap3A_586 = tpu.vector_load %arg14[%swap3A_584, %swap3A_585] {strides = array<i32>} : memref<128x128xf32, #tpu.memory_space<vmem>>, vector<1x16xf32>,
        %swap3A_587 = vector.shape_cast %swap3A_586 : vector<1x16xf32> to vector<16xf32>
        %swap3A_588 = vector.shape_cast %mul3A_583 : vector<16xf32> to vector<1x16xf32>
        tpu.vector_store %arg14[%swap3A_584, %swap3A_585], %swap3A_588 {strides = array<i32>} : memref<128x128xf32, #tpu.memory_space<vmem>>, vector<1x16xf32>,
        %broadcast_in_dim3A_589 = arith.constant 6 : i32
        %broadcast_in_dim3A_590 = vector.broadcast %broadcast_in_dim3A_589 : i32 to vector<16x1xi32>
        %gather3A_591 = vector.shape_cast %broadcast_in_dim3A_590 : vector<16x1xi32> to vector<16xi32>
        %gather3A_592 = tpu.dynamic_gather %get3A_63[%gather3A_591] in [0] : vector<16xf32>, vector<16xi32> -> vector<16xf32>
        %mul3A_593 = arith.constant 16 : i32
        %mul3A_594 = arith.muli %scan3A_58, %mul3A_593 : i32
        %add3A_595 = arith.constant 6 : i32
        %add3A_596 = arith.addi %mul3A_594, %add3A_595 : i32
        %get3A_597 = arith.index_cast %add3A_596 : i32 to index
        %get3A_598 = arith.constant 0 : index
        %get3A_599 = tpu.vector_load %arg14[%get3A_597, %get3A_598] {strides = array<i32>} : memref<128x128xf32, #tpu.memory_space<vmem>>, vector<1x16xf32>,
        %get3A_600 = vector.shape_cast %get3A_599 : vector<1x16xf32> to vector<16xf32>
        %mul3A_601 = arith.mulf %get3A_600, %gather3A_592 : vector<16xf32>
        %swap3A_602 = arith.index_cast %add3A_596 : i32 to index
        %swap3A_603 = arith.constant 0 : index
        %swap3A_604 = tpu.vector_load %arg14[%swap3A_602, %swap3A_603] {strides = array<i32>} : memref<128x128xf32, #tpu.memory_space<vmem>>, vector<1x16xf32>,
        %swap3A_605 = vector.shape_cast %swap3A_604 : vector<1x16xf32> to vector<16xf32>
        %swap3A_606 = vector.shape_cast %mul3A_601 : vector<16xf32> to vector<1x16xf32>
        tpu.vector_store %arg14[%swap3A_602, %swap3A_603], %swap3A_606 {strides = array<i32>} : memref<128x128xf32, #tpu.memory_space<vmem>>, vector<1x16xf32>,
        %get3A_607 = arith.index_cast %add3A_596 : i32 to index
        %get3A_608 = arith.constant 16 : index
        %get3A_609 = tpu.vector_load %arg14[%get3A_607, %get3A_608] {strides = array<i32>} : memref<128x128xf32, #tpu.memory_space<vmem>>, vector<1x16xf32>,
        %get3A_610 = vector.shape_cast %get3A_609 : vector<1x16xf32> to vector<16xf32>
        %mul3A_611 = arith.mulf %get3A_610, %gather3A_592 : vector<16xf32>
        %swap3A_612 = arith.index_cast %add3A_596 : i32 to index
        %swap3A_613 = arith.constant 16 : index
        %swap3A_614 = tpu.vector_load %arg14[%swap3A_612, %swap3A_613] {strides = array<i32>} : memref<128x128xf32, #tpu.memory_space<vmem>>, vector<1x16xf32>,
        %swap3A_615 = vector.shape_cast %swap3A_614 : vector<1x16xf32> to vector<16xf32>
        %swap3A_616 = vector.shape_cast %mul3A_611 : vector<16xf32> to vector<1x16xf32>
        tpu.vector_store %arg14[%swap3A_612, %swap3A_613], %swap3A_616 {strides = array<i32>} : memref<128x128xf32, #tpu.memory_space<vmem>>, vector<1x16xf32>,
        %get3A_617 = arith.index_cast %add3A_596 : i32 to index
        %get3A_618 = arith.constant 32 : index
        %get3A_619 = tpu.vector_load %arg14[%get3A_617, %get3A_618] {strides = array<i32>} : memref<128x128xf32, #tpu.memory_space<vmem>>, vector<1x16xf32>,
        %get3A_620 = vector.shape_cast %get3A_619 : vector<1x16xf32> to vector<16xf32>
        %mul3A_621 = arith.mulf %get3A_620, %gather3A_592 : vector<16xf32>
        %swap3A_622 = arith.index_cast %add3A_596 : i32 to index
        %swap3A_623 = arith.constant 32 : index
        %swap3A_624 = tpu.vector_load %arg14[%swap3A_622, %swap3A_623] {strides = array<i32>} : memref<128x128xf32, #tpu.memory_space<vmem>>, vector<1x16xf32>,
        %swap3A_625 = vector.shape_cast %swap3A_624 : vector<1x16xf32> to vector<16xf32>
        %swap3A_626 = vector.shape_cast %mul3A_621 : vector<16xf32> to vector<1x16xf32>
        tpu.vector_store %arg14[%swap3A_622, %swap3A_623], %swap3A_626 {strides = array<i32>} : memref<128x128xf32, #tpu.memory_space<vmem>>, vector<1x16xf32>,
        %get3A_627 = arith.index_cast %add3A_596 : i32 to index
        %get3A_628 = arith.constant 48 : index
        %get3A_629 = tpu.vector_load %arg14[%get3A_627, %get3A_628] {strides = array<i32>} : memref<128x128xf32, #tpu.memory_space<vmem>>, vector<1x16xf32>,
        %get3A_630 = vector.shape_cast %get3A_629 : vector<1x16xf32> to vector<16xf32>
        %mul3A_631 = arith.mulf %get3A_630, %gather3A_592 : vector<16xf32>
        %swap3A_632 = arith.index_cast %add3A_596 : i32 to index
        %swap3A_633 = arith.constant 48 : index
        %swap3A_634 = tpu.vector_load %arg14[%swap3A_632, %swap3A_633] {strides = array<i32>} : memref<128x128xf32, #tpu.memory_space<vmem>>, vector<1x16xf32>,
        %swap3A_635 = vector.shape_cast %swap3A_634 : vector<1x16xf32> to vector<16xf32>
        %swap3A_636 = vector.shape_cast %mul3A_631 : vector<16xf32> to vector<1x16xf32>
        tpu.vector_store %arg14[%swap3A_632, %swap3A_633], %swap3A_636 {strides = array<i32>} : memref<128x128xf32, #tpu.memory_space<vmem>>, vector<1x16xf32>,
        %get3A_637 = arith.index_cast %add3A_596 : i32 to index
        %get3A_638 = arith.constant 64 : index
        %get3A_639 = tpu.vector_load %arg14[%get3A_637, %get3A_638] {strides = array<i32>} : memref<128x128xf32, #tpu.memory_space<vmem>>, vector<1x16xf32>,
        %get3A_640 = vector.shape_cast %get3A_639 : vector<1x16xf32> to vector<16xf32>
        %mul3A_641 = arith.mulf %get3A_640, %gather3A_592 : vector<16xf32>
        %swap3A_642 = arith.index_cast %add3A_596 : i32 to index
        %swap3A_643 = arith.constant 64 : index
        %swap3A_644 = tpu.vector_load %arg14[%swap3A_642, %swap3A_643] {strides = array<i32>} : memref<128x128xf32, #tpu.memory_space<vmem>>, vector<1x16xf32>,
        %swap3A_645 = vector.shape_cast %swap3A_644 : vector<1x16xf32> to vector<16xf32>
        %swap3A_646 = vector.shape_cast %mul3A_641 : vector<16xf32> to vector<1x16xf32>
        tpu.vector_store %arg14[%swap3A_642, %swap3A_643], %swap3A_646 {strides = array<i32>} : memref<128x128xf32, #tpu.memory_space<vmem>>, vector<1x16xf32>,
        %get3A_647 = arith.index_cast %add3A_596 : i32 to index
        %get3A_648 = arith.constant 80 : index
        %get3A_649 = tpu.vector_load %arg14[%get3A_647, %get3A_648] {strides = array<i32>} : memref<128x128xf32, #tpu.memory_space<vmem>>, vector<1x16xf32>,
        %get3A_650 = vector.shape_cast %get3A_649 : vector<1x16xf32> to vector<16xf32>
        %mul3A_651 = arith.mulf %get3A_650, %gather3A_592 : vector<16xf32>
        %swap3A_652 = arith.index_cast %add3A_596 : i32 to index
        %swap3A_653 = arith.constant 80 : index
        %swap3A_654 = tpu.vector_load %arg14[%swap3A_652, %swap3A_653] {strides = array<i32>} : memref<128x128xf32, #tpu.memory_space<vmem>>, vector<1x16xf32>,
        %swap3A_655 = vector.shape_cast %swap3A_654 : vector<1x16xf32> to vector<16xf32>
        %swap3A_656 = vector.shape_cast %mul3A_651 : vector<16xf32> to vector<1x16xf32>
        tpu.vector_store %arg14[%swap3A_652, %swap3A_653], %swap3A_656 {strides = array<i32>} : memref<128x128xf32, #tpu.memory_space<vmem>>, vector<1x16xf32>,
        %get3A_657 = arith.index_cast %add3A_596 : i32 to index
        %get3A_658 = arith.constant 96 : index
        %get3A_659 = tpu.vector_load %arg14[%get3A_657, %get3A_658] {strides = array<i32>} : memref<128x128xf32, #tpu.memory_space<vmem>>, vector<1x16xf32>,
        %get3A_660 = vector.shape_cast %get3A_659 : vector<1x16xf32> to vector<16xf32>
        %mul3A_661 = arith.mulf %get3A_660, %gather3A_592 : vector<16xf32>
        %swap3A_662 = arith.index_cast %add3A_596 : i32 to index
        %swap3A_663 = arith.constant 96 : index
        %swap3A_664 = tpu.vector_load %arg14[%swap3A_662, %swap3A_663] {strides = array<i32>} : memref<128x128xf32, #tpu.memory_space<vmem>>, vector<1x16xf32>,
        %swap3A_665 = vector.shape_cast %swap3A_664 : vector<1x16xf32> to vector<16xf32>
        %swap3A_666 = vector.shape_cast %mul3A_661 : vector<16xf32> to vector<1x16xf32>
        tpu.vector_store %arg14[%swap3A_662, %swap3A_663], %swap3A_666 {strides = array<i32>} : memref<128x128xf32, #tpu.memory_space<vmem>>, vector<1x16xf32>,
        %get3A_667 = arith.index_cast %add3A_596 : i32 to index
        %get3A_668 = arith.constant 112 : index
        %get3A_669 = tpu.vector_load %arg14[%get3A_667, %get3A_668] {strides = array<i32>} : memref<128x128xf32, #tpu.memory_space<vmem>>, vector<1x16xf32>,
        %get3A_670 = vector.shape_cast %get3A_669 : vector<1x16xf32> to vector<16xf32>
        %mul3A_671 = arith.mulf %get3A_670, %gather3A_592 : vector<16xf32>
        %swap3A_672 = arith.index_cast %add3A_596 : i32 to index
        %swap3A_673 = arith.constant 112 : index
        %swap3A_674 = tpu.vector_load %arg14[%swap3A_672, %swap3A_673] {strides = array<i32>} : memref<128x128xf32, #tpu.memory_space<vmem>>, vector<1x16xf32>,
        %swap3A_675 = vector.shape_cast %swap3A_674 : vector<1x16xf32> to vector<16xf32>
        %swap3A_676 = vector.shape_cast %mul3A_671 : vector<16xf32> to vector<1x16xf32>
        tpu.vector_store %arg14[%swap3A_672, %swap3A_673], %swap3A_676 {strides = array<i32>} : memref<128x128xf32, #tpu.memory_space<vmem>>, vector<1x16xf32>,
        %broadcast_in_dim3A_677 = arith.constant 7 : i32
        %broadcast_in_dim3A_678 = vector.broadcast %broadcast_in_dim3A_677 : i32 to vector<16x1xi32>
        %gather3A_679 = vector.shape_cast %broadcast_in_dim3A_678 : vector<16x1xi32> to vector<16xi32>
        %gather3A_680 = tpu.dynamic_gather %get3A_63[%gather3A_679] in [0] : vector<16xf32>, vector<16xi32> -> vector<16xf32>
        %mul3A_681 = arith.constant 16 : i32
        %mul3A_682 = arith.muli %scan3A_58, %mul3A_681 : i32
        %add3A_683 = arith.constant 7 : i32
        %add3A_684 = arith.addi %mul3A_682, %add3A_683 : i32
        %get3A_685 = arith.index_cast %add3A_684 : i32 to index
        %get3A_686 = arith.constant 0 : index
        %get3A_687 = tpu.vector_load %arg14[%get3A_685, %get3A_686] {strides = array<i32>} : memref<128x128xf32, #tpu.memory_space<vmem>>, vector<1x16xf32>,
        %get3A_688 = vector.shape_cast %get3A_687 : vector<1x16xf32> to vector<16xf32>
        %mul3A_689 = arith.mulf %get3A_688, %gather3A_680 : vector<16xf32>
        %swap3A_690 = arith.index_cast %add3A_684 : i32 to index
        %swap3A_691 = arith.constant 0 : index
        %swap3A_692 = tpu.vector_load %arg14[%swap3A_690, %swap3A_691] {strides = array<i32>} : memref<128x128xf32, #tpu.memory_space<vmem>>, vector<1x16xf32>,
        %swap3A_693 = vector.shape_cast %swap3A_692 : vector<1x16xf32> to vector<16xf32>
        %swap3A_694 = vector.shape_cast %mul3A_689 : vector<16xf32> to vector<1x16xf32>
        tpu.vector_store %arg14[%swap3A_690, %swap3A_691], %swap3A_694 {strides = array<i32>} : memref<128x128xf32, #tpu.memory_space<vmem>>, vector<1x16xf32>,
        %get3A_695 = arith.index_cast %add3A_684 : i32 to index
        %get3A_696 = arith.constant 16 : index
        %get3A_697 = tpu.vector_load %arg14[%get3A_695, %get3A_696] {strides = array<i32>} : memref<128x128xf32, #tpu.memory_space<vmem>>, vector<1x16xf32>,
        %get3A_698 = vector.shape_cast %get3A_697 : vector<1x16xf32> to vector<16xf32>
        %mul3A_699 = arith.mulf %get3A_698, %gather3A_680 : vector<16xf32>
        %swap3A_700 = arith.index_cast %add3A_684 : i32 to index
        %swap3A_701 = arith.constant 16 : index
        %swap3A_702 = tpu.vector_load %arg14[%swap3A_700, %swap3A_701] {strides = array<i32>} : memref<128x128xf32, #tpu.memory_space<vmem>>, vector<1x16xf32>,
        %swap3A_703 = vector.shape_cast %swap3A_702 : vector<1x16xf32> to vector<16xf32>
        %swap3A_704 = vector.shape_cast %mul3A_699 : vector<16xf32> to vector<1x16xf32>
        tpu.vector_store %arg14[%swap3A_700, %swap3A_701], %swap3A_704 {strides = array<i32>} : memref<128x128xf32, #tpu.memory_space<vmem>>, vector<1x16xf32>,
        %get3A_705 = arith.index_cast %add3A_684 : i32 to index
        %get3A_706 = arith.constant 32 : index
        %get3A_707 = tpu.vector_load %arg14[%get3A_705, %get3A_706] {strides = array<i32>} : memref<128x128xf32, #tpu.memory_space<vmem>>, vector<1x16xf32>,
        %get3A_708 = vector.shape_cast %get3A_707 : vector<1x16xf32> to vector<16xf32>
        %mul3A_709 = arith.mulf %get3A_708, %gather3A_680 : vector<16xf32>
        %swap3A_710 = arith.index_cast %add3A_684 : i32 to index
        %swap3A_711 = arith.constant 32 : index
        %swap3A_712 = tpu.vector_load %arg14[%swap3A_710, %swap3A_711] {strides = array<i32>} : memref<128x128xf32, #tpu.memory_space<vmem>>, vector<1x16xf32>,
        %swap3A_713 = vector.shape_cast %swap3A_712 : vector<1x16xf32> to vector<16xf32>
        %swap3A_714 = vector.shape_cast %mul3A_709 : vector<16xf32> to vector<1x16xf32>
        tpu.vector_store %arg14[%swap3A_710, %swap3A_711], %swap3A_714 {strides = array<i32>} : memref<128x128xf32, #tpu.memory_space<vmem>>, vector<1x16xf32>,
        %get3A_715 = arith.index_cast %add3A_684 : i32 to index
        %get3A_716 = arith.constant 48 : index
        %get3A_717 = tpu.vector_load %arg14[%get3A_715, %get3A_716] {strides = array<i32>} : memref<128x128xf32, #tpu.memory_space<vmem>>, vector<1x16xf32>,
        %get3A_718 = vector.shape_cast %get3A_717 : vector<1x16xf32> to vector<16xf32>
        %mul3A_719 = arith.mulf %get3A_718, %gather3A_680 : vector<16xf32>
        %swap3A_720 = arith.index_cast %add3A_684 : i32 to index
        %swap3A_721 = arith.constant 48 : index
        %swap3A_722 = tpu.vector_load %arg14[%swap3A_720, %swap3A_721] {strides = array<i32>} : memref<128x128xf32, #tpu.memory_space<vmem>>, vector<1x16xf32>,
        %swap3A_723 = vector.shape_cast %swap3A_722 : vector<1x16xf32> to vector<16xf32>
        %swap3A_724 = vector.shape_cast %mul3A_719 : vector<16xf32> to vector<1x16xf32>
        tpu.vector_store %arg14[%swap3A_720, %swap3A_721], %swap3A_724 {strides = array<i32>} : memref<128x128xf32, #tpu.memory_space<vmem>>, vector<1x16xf32>,
        %get3A_725 = arith.index_cast %add3A_684 : i32 to index
        %get3A_726 = arith.constant 64 : index
        %get3A_727 = tpu.vector_load %arg14[%get3A_725, %get3A_726] {strides = array<i32>} : memref<128x128xf32, #tpu.memory_space<vmem>>, vector<1x16xf32>,
        %get3A_728 = vector.shape_cast %get3A_727 : vector<1x16xf32> to vector<16xf32>
        %mul3A_729 = arith.mulf %get3A_728, %gather3A_680 : vector<16xf32>
        %swap3A_730 = arith.index_cast %add3A_684 : i32 to index
        %swap3A_731 = arith.constant 64 : index
        %swap3A_732 = tpu.vector_load %arg14[%swap3A_730, %swap3A_731] {strides = array<i32>} : memref<128x128xf32, #tpu.memory_space<vmem>>, vector<1x16xf32>,
        %swap3A_733 = vector.shape_cast %swap3A_732 : vector<1x16xf32> to vector<16xf32>
        %swap3A_734 = vector.shape_cast %mul3A_729 : vector<16xf32> to vector<1x16xf32>
        tpu.vector_store %arg14[%swap3A_730, %swap3A_731], %swap3A_734 {strides = array<i32>} : memref<128x128xf32, #tpu.memory_space<vmem>>, vector<1x16xf32>,
        %get3A_735 = arith.index_cast %add3A_684 : i32 to index
        %get3A_736 = arith.constant 80 : index
        %get3A_737 = tpu.vector_load %arg14[%get3A_735, %get3A_736] {strides = array<i32>} : memref<128x128xf32, #tpu.memory_space<vmem>>, vector<1x16xf32>,
        %get3A_738 = vector.shape_cast %get3A_737 : vector<1x16xf32> to vector<16xf32>
        %mul3A_739 = arith.mulf %get3A_738, %gather3A_680 : vector<16xf32>
        %swap3A_740 = arith.index_cast %add3A_684 : i32 to index
        %swap3A_741 = arith.constant 80 : index
        %swap3A_742 = tpu.vector_load %arg14[%swap3A_740, %swap3A_741] {strides = array<i32>} : memref<128x128xf32, #tpu.memory_space<vmem>>, vector<1x16xf32>,
        %swap3A_743 = vector.shape_cast %swap3A_742 : vector<1x16xf32> to vector<16xf32>
        %swap3A_744 = vector.shape_cast %mul3A_739 : vector<16xf32> to vector<1x16xf32>
        tpu.vector_store %arg14[%swap3A_740, %swap3A_741], %swap3A_744 {strides = array<i32>} : memref<128x128xf32, #tpu.memory_space<vmem>>, vector<1x16xf32>,
        %get3A_745 = arith.index_cast %add3A_684 : i32 to index
        %get3A_746 = arith.constant 96 : index
        %get3A_747 = tpu.vector_load %arg14[%get3A_745, %get3A_746] {strides = array<i32>} : memref<128x128xf32, #tpu.memory_space<vmem>>, vector<1x16xf32>,
        %get3A_748 = vector.shape_cast %get3A_747 : vector<1x16xf32> to vector<16xf32>
        %mul3A_749 = arith.mulf %get3A_748, %gather3A_680 : vector<16xf32>
        %swap3A_750 = arith.index_cast %add3A_684 : i32 to index
        %swap3A_751 = arith.constant 96 : index
        %swap3A_752 = tpu.vector_load %arg14[%swap3A_750, %swap3A_751] {strides = array<i32>} : memref<128x128xf32, #tpu.memory_space<vmem>>, vector<1x16xf32>,
        %swap3A_753 = vector.shape_cast %swap3A_752 : vector<1x16xf32> to vector<16xf32>
        %swap3A_754 = vector.shape_cast %mul3A_749 : vector<16xf32> to vector<1x16xf32>
        tpu.vector_store %arg14[%swap3A_750, %swap3A_751], %swap3A_754 {strides = array<i32>} : memref<128x128xf32, #tpu.memory_space<vmem>>, vector<1x16xf32>,
        %get3A_755 = arith.index_cast %add3A_684 : i32 to index
        %get3A_756 = arith.constant 112 : index
        %get3A_757 = tpu.vector_load %arg14[%get3A_755, %get3A_756] {strides = array<i32>} : memref<128x128xf32, #tpu.memory_space<vmem>>, vector<1x16xf32>,
        %get3A_758 = vector.shape_cast %get3A_757 : vector<1x16xf32> to vector<16xf32>
        %mul3A_759 = arith.mulf %get3A_758, %gather3A_680 : vector<16xf32>
        %swap3A_760 = arith.index_cast %add3A_684 : i32 to index
        %swap3A_761 = arith.constant 112 : index
        %swap3A_762 = tpu.vector_load %arg14[%swap3A_760, %swap3A_761] {strides = array<i32>} : memref<128x128xf32, #tpu.memory_space<vmem>>, vector<1x16xf32>,
        %swap3A_763 = vector.shape_cast %swap3A_762 : vector<1x16xf32> to vector<16xf32>
        %swap3A_764 = vector.shape_cast %mul3A_759 : vector<16xf32> to vector<1x16xf32>
        tpu.vector_store %arg14[%swap3A_760, %swap3A_761], %swap3A_764 {strides = array<i32>} : memref<128x128xf32, #tpu.memory_space<vmem>>, vector<1x16xf32>,
        %broadcast_in_dim3A_765 = arith.constant 8 : i32
        %broadcast_in_dim3A_766 = vector.broadcast %broadcast_in_dim3A_765 : i32 to vector<16x1xi32>
        %gather3A_767 = vector.shape_cast %broadcast_in_dim3A_766 : vector<16x1xi32> to vector<16xi32>
        %gather3A_768 = tpu.dynamic_gather %get3A_63[%gather3A_767] in [0] : vector<16xf32>, vector<16xi32> -> vector<16xf32>
        %mul3A_769 = arith.constant 16 : i32
        %mul3A_770 = arith.muli %scan3A_58, %mul3A_769 : i32
        %add3A_771 = arith.constant 8 : i32
        %add3A_772 = arith.addi %mul3A_770, %add3A_771 : i32
        %get3A_773 = arith.index_cast %add3A_772 : i32 to index
        %get3A_774 = arith.constant 0 : index
        %get3A_775 = tpu.vector_load %arg14[%get3A_773, %get3A_774] {strides = array<i32>} : memref<128x128xf32, #tpu.memory_space<vmem>>, vector<1x16xf32>,
        %get3A_776 = vector.shape_cast %get3A_775 : vector<1x16xf32> to vector<16xf32>
        %mul3A_777 = arith.mulf %get3A_776, %gather3A_768 : vector<16xf32>
        %swap3A_778 = arith.index_cast %add3A_772 : i32 to index
        %swap3A_779 = arith.constant 0 : index
        %swap3A_780 = tpu.vector_load %arg14[%swap3A_778, %swap3A_779] {strides = array<i32>} : memref<128x128xf32, #tpu.memory_space<vmem>>, vector<1x16xf32>,
        %swap3A_781 = vector.shape_cast %swap3A_780 : vector<1x16xf32> to vector<16xf32>
        %swap3A_782 = vector.shape_cast %mul3A_777 : vector<16xf32> to vector<1x16xf32>
        tpu.vector_store %arg14[%swap3A_778, %swap3A_779], %swap3A_782 {strides = array<i32>} : memref<128x128xf32, #tpu.memory_space<vmem>>, vector<1x16xf32>,
        %get3A_783 = arith.index_cast %add3A_772 : i32 to index
        %get3A_784 = arith.constant 16 : index
        %get3A_785 = tpu.vector_load %arg14[%get3A_783, %get3A_784] {strides = array<i32>} : memref<128x128xf32, #tpu.memory_space<vmem>>, vector<1x16xf32>,
        %get3A_786 = vector.shape_cast %get3A_785 : vector<1x16xf32> to vector<16xf32>
        %mul3A_787 = arith.mulf %get3A_786, %gather3A_768 : vector<16xf32>
        %swap3A_788 = arith.index_cast %add3A_772 : i32 to index
        %swap3A_789 = arith.constant 16 : index
        %swap3A_790 = tpu.vector_load %arg14[%swap3A_788, %swap3A_789] {strides = array<i32>} : memref<128x128xf32, #tpu.memory_space<vmem>>, vector<1x16xf32>,
        %swap3A_791 = vector.shape_cast %swap3A_790 : vector<1x16xf32> to vector<16xf32>
        %swap3A_792 = vector.shape_cast %mul3A_787 : vector<16xf32> to vector<1x16xf32>
        tpu.vector_store %arg14[%swap3A_788, %swap3A_789], %swap3A_792 {strides = array<i32>} : memref<128x128xf32, #tpu.memory_space<vmem>>, vector<1x16xf32>,
        %get3A_793 = arith.index_cast %add3A_772 : i32 to index
        %get3A_794 = arith.constant 32 : index
        %get3A_795 = tpu.vector_load %arg14[%get3A_793, %get3A_794] {strides = array<i32>} : memref<128x128xf32, #tpu.memory_space<vmem>>, vector<1x16xf32>,
        %get3A_796 = vector.shape_cast %get3A_795 : vector<1x16xf32> to vector<16xf32>
        %mul3A_797 = arith.mulf %get3A_796, %gather3A_768 : vector<16xf32>
        %swap3A_798 = arith.index_cast %add3A_772 : i32 to index
        %swap3A_799 = arith.constant 32 : index
        %swap3A_800 = tpu.vector_load %arg14[%swap3A_798, %swap3A_799] {strides = array<i32>} : memref<128x128xf32, #tpu.memory_space<vmem>>, vector<1x16xf32>,
        %swap3A_801 = vector.shape_cast %swap3A_800 : vector<1x16xf32> to vector<16xf32>
        %swap3A_802 = vector.shape_cast %mul3A_797 : vector<16xf32> to vector<1x16xf32>
        tpu.vector_store %arg14[%swap3A_798, %swap3A_799], %swap3A_802 {strides = array<i32>} : memref<128x128xf32, #tpu.memory_space<vmem>>, vector<1x16xf32>,
        %get3A_803 = arith.index_cast %add3A_772 : i32 to index
        %get3A_804 = arith.constant 48 : index
        %get3A_805 = tpu.vector_load %arg14[%get3A_803, %get3A_804] {strides = array<i32>} : memref<128x128xf32, #tpu.memory_space<vmem>>, vector<1x16xf32>,
        %get3A_806 = vector.shape_cast %get3A_805 : vector<1x16xf32> to vector<16xf32>
        %mul3A_807 = arith.mulf %get3A_806, %gather3A_768 : vector<16xf32>
        %swap3A_808 = arith.index_cast %add3A_772 : i32 to index
        %swap3A_809 = arith.constant 48 : index
        %swap3A_810 = tpu.vector_load %arg14[%swap3A_808, %swap3A_809] {strides = array<i32>} : memref<128x128xf32, #tpu.memory_space<vmem>>, vector<1x16xf32>,
        %swap3A_811 = vector.shape_cast %swap3A_810 : vector<1x16xf32> to vector<16xf32>
        %swap3A_812 = vector.shape_cast %mul3A_807 : vector<16xf32> to vector<1x16xf32>
        tpu.vector_store %arg14[%swap3A_808, %swap3A_809], %swap3A_812 {strides = array<i32>} : memref<128x128xf32, #tpu.memory_space<vmem>>, vector<1x16xf32>,
        %get3A_813 = arith.index_cast %add3A_772 : i32 to index
        %get3A_814 = arith.constant 64 : index
        %get3A_815 = tpu.vector_load %arg14[%get3A_813, %get3A_814] {strides = array<i32>} : memref<128x128xf32, #tpu.memory_space<vmem>>, vector<1x16xf32>,
        %get3A_816 = vector.shape_cast %get3A_815 : vector<1x16xf32> to vector<16xf32>
        %mul3A_817 = arith.mulf %get3A_816, %gather3A_768 : vector<16xf32>
        %swap3A_818 = arith.index_cast %add3A_772 : i32 to index
        %swap3A_819 = arith.constant 64 : index
        %swap3A_820 = tpu.vector_load %arg14[%swap3A_818, %swap3A_819] {strides = array<i32>} : memref<128x128xf32, #tpu.memory_space<vmem>>, vector<1x16xf32>,
        %swap3A_821 = vector.shape_cast %swap3A_820 : vector<1x16xf32> to vector<16xf32>
        %swap3A_822 = vector.shape_cast %mul3A_817 : vector<16xf32> to vector<1x16xf32>
        tpu.vector_store %arg14[%swap3A_818, %swap3A_819], %swap3A_822 {strides = array<i32>} : memref<128x128xf32, #tpu.memory_space<vmem>>, vector<1x16xf32>,
        %get3A_823 = arith.index_cast %add3A_772 : i32 to index
        %get3A_824 = arith.constant 80 : index
        %get3A_825 = tpu.vector_load %arg14[%get3A_823, %get3A_824] {strides = array<i32>} : memref<128x128xf32, #tpu.memory_space<vmem>>, vector<1x16xf32>,
        %get3A_826 = vector.shape_cast %get3A_825 : vector<1x16xf32> to vector<16xf32>
        %mul3A_827 = arith.mulf %get3A_826, %gather3A_768 : vector<16xf32>
        %swap3A_828 = arith.index_cast %add3A_772 : i32 to index
        %swap3A_829 = arith.constant 80 : index
        %swap3A_830 = tpu.vector_load %arg14[%swap3A_828, %swap3A_829] {strides = array<i32>} : memref<128x128xf32, #tpu.memory_space<vmem>>, vector<1x16xf32>,
        %swap3A_831 = vector.shape_cast %swap3A_830 : vector<1x16xf32> to vector<16xf32>
        %swap3A_832 = vector.shape_cast %mul3A_827 : vector<16xf32> to vector<1x16xf32>
        tpu.vector_store %arg14[%swap3A_828, %swap3A_829], %swap3A_832 {strides = array<i32>} : memref<128x128xf32, #tpu.memory_space<vmem>>, vector<1x16xf32>,
        %get3A_833 = arith.index_cast %add3A_772 : i32 to index
        %get3A_834 = arith.constant 96 : index
        %get3A_835 = tpu.vector_load %arg14[%get3A_833, %get3A_834] {strides = array<i32>} : memref<128x128xf32, #tpu.memory_space<vmem>>, vector<1x16xf32>,
        %get3A_836 = vector.shape_cast %get3A_835 : vector<1x16xf32> to vector<16xf32>
        %mul3A_837 = arith.mulf %get3A_836, %gather3A_768 : vector<16xf32>
        %swap3A_838 = arith.index_cast %add3A_772 : i32 to index
        %swap3A_839 = arith.constant 96 : index
        %swap3A_840 = tpu.vector_load %arg14[%swap3A_838, %swap3A_839] {strides = array<i32>} : memref<128x128xf32, #tpu.memory_space<vmem>>, vector<1x16xf32>,
        %swap3A_841 = vector.shape_cast %swap3A_840 : vector<1x16xf32> to vector<16xf32>
        %swap3A_842 = vector.shape_cast %mul3A_837 : vector<16xf32> to vector<1x16xf32>
        tpu.vector_store %arg14[%swap3A_838, %swap3A_839], %swap3A_842 {strides = array<i32>} : memref<128x128xf32, #tpu.memory_space<vmem>>, vector<1x16xf32>,
        %get3A_843 = arith.index_cast %add3A_772 : i32 to index
        %get3A_844 = arith.constant 112 : index
        %get3A_845 = tpu.vector_load %arg14[%get3A_843, %get3A_844] {strides = array<i32>} : memref<128x128xf32, #tpu.memory_space<vmem>>, vector<1x16xf32>,
        %get3A_846 = vector.shape_cast %get3A_845 : vector<1x16xf32> to vector<16xf32>
        %mul3A_847 = arith.mulf %get3A_846, %gather3A_768 : vector<16xf32>
        %swap3A_848 = arith.index_cast %add3A_772 : i32 to index
        %swap3A_849 = arith.constant 112 : index
        %swap3A_850 = tpu.vector_load %arg14[%swap3A_848, %swap3A_849] {strides = array<i32>} : memref<128x128xf32, #tpu.memory_space<vmem>>, vector<1x16xf32>,
        %swap3A_851 = vector.shape_cast %swap3A_850 : vector<1x16xf32> to vector<16xf32>
        %swap3A_852 = vector.shape_cast %mul3A_847 : vector<16xf32> to vector<1x16xf32>
        tpu.vector_store %arg14[%swap3A_848, %swap3A_849], %swap3A_852 {strides = array<i32>} : memref<128x128xf32, #tpu.memory_space<vmem>>, vector<1x16xf32>,
        %broadcast_in_dim3A_853 = arith.constant 9 : i32
        %broadcast_in_dim3A_854 = vector.broadcast %broadcast_in_dim3A_853 : i32 to vector<16x1xi32>
        %gather3A_855 = vector.shape_cast %broadcast_in_dim3A_854 : vector<16x1xi32> to vector<16xi32>
        %gather3A_856 = tpu.dynamic_gather %get3A_63[%gather3A_855] in [0] : vector<16xf32>, vector<16xi32> -> vector<16xf32>
        %mul3A_857 = arith.constant 16 : i32
        %mul3A_858 = arith.muli %scan3A_58, %mul3A_857 : i32
        %add3A_859 = arith.constant 9 : i32
        %add3A_860 = arith.addi %mul3A_858, %add3A_859 : i32
        %get3A_861 = arith.index_cast %add3A_860 : i32 to index
        %get3A_862 = arith.constant 0 : index
        %get3A_863 = tpu.vector_load %arg14[%get3A_861, %get3A_862] {strides = array<i32>} : memref<128x128xf32, #tpu.memory_space<vmem>>, vector<1x16xf32>,
        %get3A_864 = vector.shape_cast %get3A_863 : vector<1x16xf32> to vector<16xf32>
        %mul3A_865 = arith.mulf %get3A_864, %gather3A_856 : vector<16xf32>
        %swap3A_866 = arith.index_cast %add3A_860 : i32 to index
        %swap3A_867 = arith.constant 0 : index
        %swap3A_868 = tpu.vector_load %arg14[%swap3A_866, %swap3A_867] {strides = array<i32>} : memref<128x128xf32, #tpu.memory_space<vmem>>, vector<1x16xf32>,
        %swap3A_869 = vector.shape_cast %swap3A_868 : vector<1x16xf32> to vector<16xf32>
        %swap3A_870 = vector.shape_cast %mul3A_865 : vector<16xf32> to vector<1x16xf32>
        tpu.vector_store %arg14[%swap3A_866, %swap3A_867], %swap3A_870 {strides = array<i32>} : memref<128x128xf32, #tpu.memory_space<vmem>>, vector<1x16xf32>,
        %get3A_871 = arith.index_cast %add3A_860 : i32 to index
        %get3A_872 = arith.constant 16 : index
        %get3A_873 = tpu.vector_load %arg14[%get3A_871, %get3A_872] {strides = array<i32>} : memref<128x128xf32, #tpu.memory_space<vmem>>, vector<1x16xf32>,
        %get3A_874 = vector.shape_cast %get3A_873 : vector<1x16xf32> to vector<16xf32>
        %mul3A_875 = arith.mulf %get3A_874, %gather3A_856 : vector<16xf32>
        %swap3A_876 = arith.index_cast %add3A_860 : i32 to index
        %swap3A_877 = arith.constant 16 : index
        %swap3A_878 = tpu.vector_load %arg14[%swap3A_876, %swap3A_877] {strides = array<i32>} : memref<128x128xf32, #tpu.memory_space<vmem>>, vector<1x16xf32>,
        %swap3A_879 = vector.shape_cast %swap3A_878 : vector<1x16xf32> to vector<16xf32>
        %swap3A_880 = vector.shape_cast %mul3A_875 : vector<16xf32> to vector<1x16xf32>
        tpu.vector_store %arg14[%swap3A_876, %swap3A_877], %swap3A_880 {strides = array<i32>} : memref<128x128xf32, #tpu.memory_space<vmem>>, vector<1x16xf32>,
        %get3A_881 = arith.index_cast %add3A_860 : i32 to index
        %get3A_882 = arith.constant 32 : index
        %get3A_883 = tpu.vector_load %arg14[%get3A_881, %get3A_882] {strides = array<i32>} : memref<128x128xf32, #tpu.memory_space<vmem>>, vector<1x16xf32>,
        %get3A_884 = vector.shape_cast %get3A_883 : vector<1x16xf32> to vector<16xf32>
        %mul3A_885 = arith.mulf %get3A_884, %gather3A_856 : vector<16xf32>
        %swap3A_886 = arith.index_cast %add3A_860 : i32 to index
        %swap3A_887 = arith.constant 32 : index
        %swap3A_888 = tpu.vector_load %arg14[%swap3A_886, %swap3A_887] {strides = array<i32>} : memref<128x128xf32, #tpu.memory_space<vmem>>, vector<1x16xf32>,
        %swap3A_889 = vector.shape_cast %swap3A_888 : vector<1x16xf32> to vector<16xf32>
        %swap3A_890 = vector.shape_cast %mul3A_885 : vector<16xf32> to vector<1x16xf32>
        tpu.vector_store %arg14[%swap3A_886, %swap3A_887], %swap3A_890 {strides = array<i32>} : memref<128x128xf32, #tpu.memory_space<vmem>>, vector<1x16xf32>,
        %get3A_891 = arith.index_cast %add3A_860 : i32 to index
        %get3A_892 = arith.constant 48 : index
        %get3A_893 = tpu.vector_load %arg14[%get3A_891, %get3A_892] {strides = array<i32>} : memref<128x128xf32, #tpu.memory_space<vmem>>, vector<1x16xf32>,
        %get3A_894 = vector.shape_cast %get3A_893 : vector<1x16xf32> to vector<16xf32>
        %mul3A_895 = arith.mulf %get3A_894, %gather3A_856 : vector<16xf32>
        %swap3A_896 = arith.index_cast %add3A_860 : i32 to index
        %swap3A_897 = arith.constant 48 : index
        %swap3A_898 = tpu.vector_load %arg14[%swap3A_896, %swap3A_897] {strides = array<i32>} : memref<128x128xf32, #tpu.memory_space<vmem>>, vector<1x16xf32>,
        %swap3A_899 = vector.shape_cast %swap3A_898 : vector<1x16xf32> to vector<16xf32>
        %swap3A_900 = vector.shape_cast %mul3A_895 : vector<16xf32> to vector<1x16xf32>
        tpu.vector_store %arg14[%swap3A_896, %swap3A_897], %swap3A_900 {strides = array<i32>} : memref<128x128xf32, #tpu.memory_space<vmem>>, vector<1x16xf32>,
        %get3A_901 = arith.index_cast %add3A_860 : i32 to index
        %get3A_902 = arith.constant 64 : index
        %get3A_903 = tpu.vector_load %arg14[%get3A_901, %get3A_902] {strides = array<i32>} : memref<128x128xf32, #tpu.memory_space<vmem>>, vector<1x16xf32>,
        %get3A_904 = vector.shape_cast %get3A_903 : vector<1x16xf32> to vector<16xf32>
        %mul3A_905 = arith.mulf %get3A_904, %gather3A_856 : vector<16xf32>
        %swap3A_906 = arith.index_cast %add3A_860 : i32 to index
        %swap3A_907 = arith.constant 64 : index
        %swap3A_908 = tpu.vector_load %arg14[%swap3A_906, %swap3A_907] {strides = array<i32>} : memref<128x128xf32, #tpu.memory_space<vmem>>, vector<1x16xf32>,
        %swap3A_909 = vector.shape_cast %swap3A_908 : vector<1x16xf32> to vector<16xf32>
        %swap3A_910 = vector.shape_cast %mul3A_905 : vector<16xf32> to vector<1x16xf32>
        tpu.vector_store %arg14[%swap3A_906, %swap3A_907], %swap3A_910 {strides = array<i32>} : memref<128x128xf32, #tpu.memory_space<vmem>>, vector<1x16xf32>,
        %get3A_911 = arith.index_cast %add3A_860 : i32 to index
        %get3A_912 = arith.constant 80 : index
        %get3A_913 = tpu.vector_load %arg14[%get3A_911, %get3A_912] {strides = array<i32>} : memref<128x128xf32, #tpu.memory_space<vmem>>, vector<1x16xf32>,
        %get3A_914 = vector.shape_cast %get3A_913 : vector<1x16xf32> to vector<16xf32>
        %mul3A_915 = arith.mulf %get3A_914, %gather3A_856 : vector<16xf32>
        %swap3A_916 = arith.index_cast %add3A_860 : i32 to index
        %swap3A_917 = arith.constant 80 : index
        %swap3A_918 = tpu.vector_load %arg14[%swap3A_916, %swap3A_917] {strides = array<i32>} : memref<128x128xf32, #tpu.memory_space<vmem>>, vector<1x16xf32>,
        %swap3A_919 = vector.shape_cast %swap3A_918 : vector<1x16xf32> to vector<16xf32>
        %swap3A_920 = vector.shape_cast %mul3A_915 : vector<16xf32> to vector<1x16xf32>
        tpu.vector_store %arg14[%swap3A_916, %swap3A_917], %swap3A_920 {strides = array<i32>} : memref<128x128xf32, #tpu.memory_space<vmem>>, vector<1x16xf32>,
        %get3A_921 = arith.index_cast %add3A_860 : i32 to index
        %get3A_922 = arith.constant 96 : index
        %get3A_923 = tpu.vector_load %arg14[%get3A_921, %get3A_922] {strides = array<i32>} : memref<128x128xf32, #tpu.memory_space<vmem>>, vector<1x16xf32>,
        %get3A_924 = vector.shape_cast %get3A_923 : vector<1x16xf32> to vector<16xf32>
        %mul3A_925 = arith.mulf %get3A_924, %gather3A_856 : vector<16xf32>
        %swap3A_926 = arith.index_cast %add3A_860 : i32 to index
        %swap3A_927 = arith.constant 96 : index
        %swap3A_928 = tpu.vector_load %arg14[%swap3A_926, %swap3A_927] {strides = array<i32>} : memref<128x128xf32, #tpu.memory_space<vmem>>, vector<1x16xf32>,
        %swap3A_929 = vector.shape_cast %swap3A_928 : vector<1x16xf32> to vector<16xf32>
        %swap3A_930 = vector.shape_cast %mul3A_925 : vector<16xf32> to vector<1x16xf32>
        tpu.vector_store %arg14[%swap3A_926, %swap3A_927], %swap3A_930 {strides = array<i32>} : memref<128x128xf32, #tpu.memory_space<vmem>>, vector<1x16xf32>,
        %get3A_931 = arith.index_cast %add3A_860 : i32 to index
        %get3A_932 = arith.constant 112 : index
        %get3A_933 = tpu.vector_load %arg14[%get3A_931, %get3A_932] {strides = array<i32>} : memref<128x128xf32, #tpu.memory_space<vmem>>, vector<1x16xf32>,
        %get3A_934 = vector.shape_cast %get3A_933 : vector<1x16xf32> to vector<16xf32>
        %mul3A_935 = arith.mulf %get3A_934, %gather3A_856 : vector<16xf32>
        %swap3A_936 = arith.index_cast %add3A_860 : i32 to index
        %swap3A_937 = arith.constant 112 : index
        %swap3A_938 = tpu.vector_load %arg14[%swap3A_936, %swap3A_937] {strides = array<i32>} : memref<128x128xf32, #tpu.memory_space<vmem>>, vector<1x16xf32>,
        %swap3A_939 = vector.shape_cast %swap3A_938 : vector<1x16xf32> to vector<16xf32>
        %swap3A_940 = vector.shape_cast %mul3A_935 : vector<16xf32> to vector<1x16xf32>
        tpu.vector_store %arg14[%swap3A_936, %swap3A_937], %swap3A_940 {strides = array<i32>} : memref<128x128xf32, #tpu.memory_space<vmem>>, vector<1x16xf32>,
        %broadcast_in_dim3A_941 = arith.constant 10 : i32
        %broadcast_in_dim3A_942 = vector.broadcast %broadcast_in_dim3A_941 : i32 to vector<16x1xi32>
        %gather3A_943 = vector.shape_cast %broadcast_in_dim3A_942 : vector<16x1xi32> to vector<16xi32>
        %gather3A_944 = tpu.dynamic_gather %get3A_63[%gather3A_943] in [0] : vector<16xf32>, vector<16xi32> -> vector<16xf32>
        %mul3A_945 = arith.constant 16 : i32
        %mul3A_946 = arith.muli %scan3A_58, %mul3A_945 : i32
        %add3A_947 = arith.constant 10 : i32
        %add3A_948 = arith.addi %mul3A_946, %add3A_947 : i32
        %get3A_949 = arith.index_cast %add3A_948 : i32 to index
        %get3A_950 = arith.constant 0 : index
        %get3A_951 = tpu.vector_load %arg14[%get3A_949, %get3A_950] {strides = array<i32>} : memref<128x128xf32, #tpu.memory_space<vmem>>, vector<1x16xf32>,
        %get3A_952 = vector.shape_cast %get3A_951 : vector<1x16xf32> to vector<16xf32>
        %mul3A_953 = arith.mulf %get3A_952, %gather3A_944 : vector<16xf32>
        %swap3A_954 = arith.index_cast %add3A_948 : i32 to index
        %swap3A_955 = arith.constant 0 : index
        %swap3A_956 = tpu.vector_load %arg14[%swap3A_954, %swap3A_955] {strides = array<i32>} : memref<128x128xf32, #tpu.memory_space<vmem>>, vector<1x16xf32>,
        %swap3A_957 = vector.shape_cast %swap3A_956 : vector<1x16xf32> to vector<16xf32>
        %swap3A_958 = vector.shape_cast %mul3A_953 : vector<16xf32> to vector<1x16xf32>
        tpu.vector_store %arg14[%swap3A_954, %swap3A_955], %swap3A_958 {strides = array<i32>} : memref<128x128xf32, #tpu.memory_space<vmem>>, vector<1x16xf32>,
        %get3A_959 = arith.index_cast %add3A_948 : i32 to index
        %get3A_960 = arith.constant 16 : index
        %get3A_961 = tpu.vector_load %arg14[%get3A_959, %get3A_960] {strides = array<i32>} : memref<128x128xf32, #tpu.memory_space<vmem>>, vector<1x16xf32>,
        %get3A_962 = vector.shape_cast %get3A_961 : vector<1x16xf32> to vector<16xf32>
        %mul3A_963 = arith.mulf %get3A_962, %gather3A_944 : vector<16xf32>
        %swap3A_964 = arith.index_cast %add3A_948 : i32 to index
        %swap3A_965 = arith.constant 16 : index
        %swap3A_966 = tpu.vector_load %arg14[%swap3A_964, %swap3A_965] {strides = array<i32>} : memref<128x128xf32, #tpu.memory_space<vmem>>, vector<1x16xf32>,
        %swap3A_967 = vector.shape_cast %swap3A_966 : vector<1x16xf32> to vector<16xf32>
        %swap3A_968 = vector.shape_cast %mul3A_963 : vector<16xf32> to vector<1x16xf32>
        tpu.vector_store %arg14[%swap3A_964, %swap3A_965], %swap3A_968 {strides = array<i32>} : memref<128x128xf32, #tpu.memory_space<vmem>>, vector<1x16xf32>,
        %get3A_969 = arith.index_cast %add3A_948 : i32 to index
        %get3A_970 = arith.constant 32 : index
        %get3A_971 = tpu.vector_load %arg14[%get3A_969, %get3A_970] {strides = array<i32>} : memref<128x128xf32, #tpu.memory_space<vmem>>, vector<1x16xf32>,
        %get3A_972 = vector.shape_cast %get3A_971 : vector<1x16xf32> to vector<16xf32>
        %mul3A_973 = arith.mulf %get3A_972, %gather3A_944 : vector<16xf32>
        %swap3A_974 = arith.index_cast %add3A_948 : i32 to index
        %swap3A_975 = arith.constant 32 : index
        %swap3A_976 = tpu.vector_load %arg14[%swap3A_974, %swap3A_975] {strides = array<i32>} : memref<128x128xf32, #tpu.memory_space<vmem>>, vector<1x16xf32>,
        %swap3A_977 = vector.shape_cast %swap3A_976 : vector<1x16xf32> to vector<16xf32>
        %swap3A_978 = vector.shape_cast %mul3A_973 : vector<16xf32> to vector<1x16xf32>
        tpu.vector_store %arg14[%swap3A_974, %swap3A_975], %swap3A_978 {strides = array<i32>} : memref<128x128xf32, #tpu.memory_space<vmem>>, vector<1x16xf32>,
        %get3A_979 = arith.index_cast %add3A_948 : i32 to index
        %get3A_980 = arith.constant 48 : index
        %get3A_981 = tpu.vector_load %arg14[%get3A_979, %get3A_980] {strides = array<i32>} : memref<128x128xf32, #tpu.memory_space<vmem>>, vector<1x16xf32>,
        %get3A_982 = vector.shape_cast %get3A_981 : vector<1x16xf32> to vector<16xf32>
        %mul3A_983 = arith.mulf %get3A_982, %gather3A_944 : vector<16xf32>
        %swap3A_984 = arith.index_cast %add3A_948 : i32 to index
        %swap3A_985 = arith.constant 48 : index
        %swap3A_986 = tpu.vector_load %arg14[%swap3A_984, %swap3A_985] {strides = array<i32>} : memref<128x128xf32, #tpu.memory_space<vmem>>, vector<1x16xf32>,
        %swap3A_987 = vector.shape_cast %swap3A_986 : vector<1x16xf32> to vector<16xf32>
        %swap3A_988 = vector.shape_cast %mul3A_983 : vector<16xf32> to vector<1x16xf32>
        tpu.vector_store %arg14[%swap3A_984, %swap3A_985], %swap3A_988 {strides = array<i32>} : memref<128x128xf32, #tpu.memory_space<vmem>>, vector<1x16xf32>,
        %get3A_989 = arith.index_cast %add3A_948 : i32 to index
        %get3A_990 = arith.constant 64 : index
        %get3A_991 = tpu.vector_load %arg14[%get3A_989, %get3A_990] {strides = array<i32>} : memref<128x128xf32, #tpu.memory_space<vmem>>, vector<1x16xf32>,
        %get3A_992 = vector.shape_cast %get3A_991 : vector<1x16xf32> to vector<16xf32>
        %mul3A_993 = arith.mulf %get3A_992, %gather3A_944 : vector<16xf32>
        %swap3A_994 = arith.index_cast %add3A_948 : i32 to index
        %swap3A_995 = arith.constant 64 : index
        %swap3A_996 = tpu.vector_load %arg14[%swap3A_994, %swap3A_995] {strides = array<i32>} : memref<128x128xf32, #tpu.memory_space<vmem>>, vector<1x16xf32>,
        %swap3A_997 = vector.shape_cast %swap3A_996 : vector<1x16xf32> to vector<16xf32>
        %swap3A_998 = vector.shape_cast %mul3A_993 : vector<16xf32> to vector<1x16xf32>
        tpu.vector_store %arg14[%swap3A_994, %swap3A_995], %swap3A_998 {strides = array<i32>} : memref<128x128xf32, #tpu.memory_space<vmem>>, vector<1x16xf32>,
        %get3A_999 = arith.index_cast %add3A_948 : i32 to index
        %get3A_1000 = arith.constant 80 : index
        %get3A_1001 = tpu.vector_load %arg14[%get3A_999, %get3A_1000] {strides = array<i32>} : memref<128x128xf32, #tpu.memory_space<vmem>>, vector<1x16xf32>,
        %get3A_1002 = vector.shape_cast %get3A_1001 : vector<1x16xf32> to vector<16xf32>
        %mul3A_1003 = arith.mulf %get3A_1002, %gather3A_944 : vector<16xf32>
        %swap3A_1004 = arith.index_cast %add3A_948 : i32 to index
        %swap3A_1005 = arith.constant 80 : index
        %swap3A_1006 = tpu.vector_load %arg14[%swap3A_1004, %swap3A_1005] {strides = array<i32>} : memref<128x128xf32, #tpu.memory_space<vmem>>, vector<1x16xf32>,
        %swap3A_1007 = vector.shape_cast %swap3A_1006 : vector<1x16xf32> to vector<16xf32>
        %swap3A_1008 = vector.shape_cast %mul3A_1003 : vector<16xf32> to vector<1x16xf32>
        tpu.vector_store %arg14[%swap3A_1004, %swap3A_1005], %swap3A_1008 {strides = array<i32>} : memref<128x128xf32, #tpu.memory_space<vmem>>, vector<1x16xf32>,
        %get3A_1009 = arith.index_cast %add3A_948 : i32 to index
        %get3A_1010 = arith.constant 96 : index
        %get3A_1011 = tpu.vector_load %arg14[%get3A_1009, %get3A_1010] {strides = array<i32>} : memref<128x128xf32, #tpu.memory_space<vmem>>, vector<1x16xf32>,
        %get3A_1012 = vector.shape_cast %get3A_1011 : vector<1x16xf32> to vector<16xf32>
        %mul3A_1013 = arith.mulf %get3A_1012, %gather3A_944 : vector<16xf32>
        %swap3A_1014 = arith.index_cast %add3A_948 : i32 to index
        %swap3A_1015 = arith.constant 96 : index
        %swap3A_1016 = tpu.vector_load %arg14[%swap3A_1014, %swap3A_1015] {strides = array<i32>} : memref<128x128xf32, #tpu.memory_space<vmem>>, vector<1x16xf32>,
        %swap3A_1017 = vector.shape_cast %swap3A_1016 : vector<1x16xf32> to vector<16xf32>
        %swap3A_1018 = vector.shape_cast %mul3A_1013 : vector<16xf32> to vector<1x16xf32>
        tpu.vector_store %arg14[%swap3A_1014, %swap3A_1015], %swap3A_1018 {strides = array<i32>} : memref<128x128xf32, #tpu.memory_space<vmem>>, vector<1x16xf32>,
        %get3A_1019 = arith.index_cast %add3A_948 : i32 to index
        %get3A_1020 = arith.constant 112 : index
        %get3A_1021 = tpu.vector_load %arg14[%get3A_1019, %get3A_1020] {strides = array<i32>} : memref<128x128xf32, #tpu.memory_space<vmem>>, vector<1x16xf32>,
        %get3A_1022 = vector.shape_cast %get3A_1021 : vector<1x16xf32> to vector<16xf32>
        %mul3A_1023 = arith.mulf %get3A_1022, %gather3A_944 : vector<16xf32>
        %swap3A_1024 = arith.index_cast %add3A_948 : i32 to index
        %swap3A_1025 = arith.constant 112 : index
        %swap3A_1026 = tpu.vector_load %arg14[%swap3A_1024, %swap3A_1025] {strides = array<i32>} : memref<128x128xf32, #tpu.memory_space<vmem>>, vector<1x16xf32>,
        %swap3A_1027 = vector.shape_cast %swap3A_1026 : vector<1x16xf32> to vector<16xf32>
        %swap3A_1028 = vector.shape_cast %mul3A_1023 : vector<16xf32> to vector<1x16xf32>
        tpu.vector_store %arg14[%swap3A_1024, %swap3A_1025], %swap3A_1028 {strides = array<i32>} : memref<128x128xf32, #tpu.memory_space<vmem>>, vector<1x16xf32>,
        %broadcast_in_dim3A_1029 = arith.constant 11 : i32
        %broadcast_in_dim3A_1030 = vector.broadcast %broadcast_in_dim3A_1029 : i32 to vector<16x1xi32>
        %gather3A_1031 = vector.shape_cast %broadcast_in_dim3A_1030 : vector<16x1xi32> to vector<16xi32>
        %gather3A_1032 = tpu.dynamic_gather %get3A_63[%gather3A_1031] in [0] : vector<16xf32>, vector<16xi32> -> vector<16xf32>
        %mul3A_1033 = arith.constant 16 : i32
        %mul3A_1034 = arith.muli %scan3A_58, %mul3A_1033 : i32
        %add3A_1035 = arith.constant 11 : i32
        %add3A_1036 = arith.addi %mul3A_1034, %add3A_1035 : i32
        %get3A_1037 = arith.index_cast %add3A_1036 : i32 to index
        %get3A_1038 = arith.constant 0 : index
        %get3A_1039 = tpu.vector_load %arg14[%get3A_1037, %get3A_1038] {strides = array<i32>} : memref<128x128xf32, #tpu.memory_space<vmem>>, vector<1x16xf32>,
        %get3A_1040 = vector.shape_cast %get3A_1039 : vector<1x16xf32> to vector<16xf32>
        %mul3A_1041 = arith.mulf %get3A_1040, %gather3A_1032 : vector<16xf32>
        %swap3A_1042 = arith.index_cast %add3A_1036 : i32 to index
        %swap3A_1043 = arith.constant 0 : index
        %swap3A_1044 = tpu.vector_load %arg14[%swap3A_1042, %swap3A_1043] {strides = array<i32>} : memref<128x128xf32, #tpu.memory_space<vmem>>, vector<1x16xf32>,
        %swap3A_1045 = vector.shape_cast %swap3A_1044 : vector<1x16xf32> to vector<16xf32>
        %swap3A_1046 = vector.shape_cast %mul3A_1041 : vector<16xf32> to vector<1x16xf32>
        tpu.vector_store %arg14[%swap3A_1042, %swap3A_1043], %swap3A_1046 {strides = array<i32>} : memref<128x128xf32, #tpu.memory_space<vmem>>, vector<1x16xf32>,
        %get3A_1047 = arith.index_cast %add3A_1036 : i32 to index
        %get3A_1048 = arith.constant 16 : index
        %get3A_1049 = tpu.vector_load %arg14[%get3A_1047, %get3A_1048] {strides = array<i32>} : memref<128x128xf32, #tpu.memory_space<vmem>>, vector<1x16xf32>,
        %get3A_1050 = vector.shape_cast %get3A_1049 : vector<1x16xf32> to vector<16xf32>
        %mul3A_1051 = arith.mulf %get3A_1050, %gather3A_1032 : vector<16xf32>
        %swap3A_1052 = arith.index_cast %add3A_1036 : i32 to index
        %swap3A_1053 = arith.constant 16 : index
        %swap3A_1054 = tpu.vector_load %arg14[%swap3A_1052, %swap3A_1053] {strides = array<i32>} : memref<128x128xf32, #tpu.memory_space<vmem>>, vector<1x16xf32>,
        %swap3A_1055 = vector.shape_cast %swap3A_1054 : vector<1x16xf32> to vector<16xf32>
        %swap3A_1056 = vector.shape_cast %mul3A_1051 : vector<16xf32> to vector<1x16xf32>
        tpu.vector_store %arg14[%swap3A_1052, %swap3A_1053], %swap3A_1056 {strides = array<i32>} : memref<128x128xf32, #tpu.memory_space<vmem>>, vector<1x16xf32>,
        %get3A_1057 = arith.index_cast %add3A_1036 : i32 to index
        %get3A_1058 = arith.constant 32 : index
        %get3A_1059 = tpu.vector_load %arg14[%get3A_1057, %get3A_1058] {strides = array<i32>} : memref<128x128xf32, #tpu.memory_space<vmem>>, vector<1x16xf32>,
        %get3A_1060 = vector.shape_cast %get3A_1059 : vector<1x16xf32> to vector<16xf32>
        %mul3A_1061 = arith.mulf %get3A_1060, %gather3A_1032 : vector<16xf32>
        %swap3A_1062 = arith.index_cast %add3A_1036 : i32 to index
        %swap3A_1063 = arith.constant 32 : index
        %swap3A_1064 = tpu.vector_load %arg14[%swap3A_1062, %swap3A_1063] {strides = array<i32>} : memref<128x128xf32, #tpu.memory_space<vmem>>, vector<1x16xf32>,
        %swap3A_1065 = vector.shape_cast %swap3A_1064 : vector<1x16xf32> to vector<16xf32>
        %swap3A_1066 = vector.shape_cast %mul3A_1061 : vector<16xf32> to vector<1x16xf32>
        tpu.vector_store %arg14[%swap3A_1062, %swap3A_1063], %swap3A_1066 {strides = array<i32>} : memref<128x128xf32, #tpu.memory_space<vmem>>, vector<1x16xf32>,
        %get3A_1067 = arith.index_cast %add3A_1036 : i32 to index
        %get3A_1068 = arith.constant 48 : index
        %get3A_1069 = tpu.vector_load %arg14[%get3A_1067, %get3A_1068] {strides = array<i32>} : memref<128x128xf32, #tpu.memory_space<vmem>>, vector<1x16xf32>,
        %get3A_1070 = vector.shape_cast %get3A_1069 : vector<1x16xf32> to vector<16xf32>
        %mul3A_1071 = arith.mulf %get3A_1070, %gather3A_1032 : vector<16xf32>
        %swap3A_1072 = arith.index_cast %add3A_1036 : i32 to index
        %swap3A_1073 = arith.constant 48 : index
        %swap3A_1074 = tpu.vector_load %arg14[%swap3A_1072, %swap3A_1073] {strides = array<i32>} : memref<128x128xf32, #tpu.memory_space<vmem>>, vector<1x16xf32>,
        %swap3A_1075 = vector.shape_cast %swap3A_1074 : vector<1x16xf32> to vector<16xf32>
        %swap3A_1076 = vector.shape_cast %mul3A_1071 : vector<16xf32> to vector<1x16xf32>
        tpu.vector_store %arg14[%swap3A_1072, %swap3A_1073], %swap3A_1076 {strides = array<i32>} : memref<128x128xf32, #tpu.memory_space<vmem>>, vector<1x16xf32>,
        %get3A_1077 = arith.index_cast %add3A_1036 : i32 to index
        %get3A_1078 = arith.constant 64 : index
        %get3A_1079 = tpu.vector_load %arg14[%get3A_1077, %get3A_1078] {strides = array<i32>} : memref<128x128xf32, #tpu.memory_space<vmem>>, vector<1x16xf32>,
        %get3A_1080 = vector.shape_cast %get3A_1079 : vector<1x16xf32> to vector<16xf32>
        %mul3A_1081 = arith.mulf %get3A_1080, %gather3A_1032 : vector<16xf32>
        %swap3A_1082 = arith.index_cast %add3A_1036 : i32 to index
        %swap3A_1083 = arith.constant 64 : index
        %swap3A_1084 = tpu.vector_load %arg14[%swap3A_1082, %swap3A_1083] {strides = array<i32>} : memref<128x128xf32, #tpu.memory_space<vmem>>, vector<1x16xf32>,
        %swap3A_1085 = vector.shape_cast %swap3A_1084 : vector<1x16xf32> to vector<16xf32>
        %swap3A_1086 = vector.shape_cast %mul3A_1081 : vector<16xf32> to vector<1x16xf32>
        tpu.vector_store %arg14[%swap3A_1082, %swap3A_1083], %swap3A_1086 {strides = array<i32>} : memref<128x128xf32, #tpu.memory_space<vmem>>, vector<1x16xf32>,
        %get3A_1087 = arith.index_cast %add3A_1036 : i32 to index
        %get3A_1088 = arith.constant 80 : index
        %get3A_1089 = tpu.vector_load %arg14[%get3A_1087, %get3A_1088] {strides = array<i32>} : memref<128x128xf32, #tpu.memory_space<vmem>>, vector<1x16xf32>,
        %get3A_1090 = vector.shape_cast %get3A_1089 : vector<1x16xf32> to vector<16xf32>
        %mul3A_1091 = arith.mulf %get3A_1090, %gather3A_1032 : vector<16xf32>
        %swap3A_1092 = arith.index_cast %add3A_1036 : i32 to index
        %swap3A_1093 = arith.constant 80 : index
        %swap3A_1094 = tpu.vector_load %arg14[%swap3A_1092, %swap3A_1093] {strides = array<i32>} : memref<128x128xf32, #tpu.memory_space<vmem>>, vector<1x16xf32>,
        %swap3A_1095 = vector.shape_cast %swap3A_1094 : vector<1x16xf32> to vector<16xf32>
        %swap3A_1096 = vector.shape_cast %mul3A_1091 : vector<16xf32> to vector<1x16xf32>
        tpu.vector_store %arg14[%swap3A_1092, %swap3A_1093], %swap3A_1096 {strides = array<i32>} : memref<128x128xf32, #tpu.memory_space<vmem>>, vector<1x16xf32>,
        %get3A_1097 = arith.index_cast %add3A_1036 : i32 to index
        %get3A_1098 = arith.constant 96 : index
        %get3A_1099 = tpu.vector_load %arg14[%get3A_1097, %get3A_1098] {strides = array<i32>} : memref<128x128xf32, #tpu.memory_space<vmem>>, vector<1x16xf32>,
        %get3A_1100 = vector.shape_cast %get3A_1099 : vector<1x16xf32> to vector<16xf32>
        %mul3A_1101 = arith.mulf %get3A_1100, %gather3A_1032 : vector<16xf32>
        %swap3A_1102 = arith.index_cast %add3A_1036 : i32 to index
        %swap3A_1103 = arith.constant 96 : index
        %swap3A_1104 = tpu.vector_load %arg14[%swap3A_1102, %swap3A_1103] {strides = array<i32>} : memref<128x128xf32, #tpu.memory_space<vmem>>, vector<1x16xf32>,
        %swap3A_1105 = vector.shape_cast %swap3A_1104 : vector<1x16xf32> to vector<16xf32>
        %swap3A_1106 = vector.shape_cast %mul3A_1101 : vector<16xf32> to vector<1x16xf32>
        tpu.vector_store %arg14[%swap3A_1102, %swap3A_1103], %swap3A_1106 {strides = array<i32>} : memref<128x128xf32, #tpu.memory_space<vmem>>, vector<1x16xf32>,
        %get3A_1107 = arith.index_cast %add3A_1036 : i32 to index
        %get3A_1108 = arith.constant 112 : index
        %get3A_1109 = tpu.vector_load %arg14[%get3A_1107, %get3A_1108] {strides = array<i32>} : memref<128x128xf32, #tpu.memory_space<vmem>>, vector<1x16xf32>,
        %get3A_1110 = vector.shape_cast %get3A_1109 : vector<1x16xf32> to vector<16xf32>
        %mul3A_1111 = arith.mulf %get3A_1110, %gather3A_1032 : vector<16xf32>
        %swap3A_1112 = arith.index_cast %add3A_1036 : i32 to index
        %swap3A_1113 = arith.constant 112 : index
        %swap3A_1114 = tpu.vector_load %arg14[%swap3A_1112, %swap3A_1113] {strides = array<i32>} : memref<128x128xf32, #tpu.memory_space<vmem>>, vector<1x16xf32>,
        %swap3A_1115 = vector.shape_cast %swap3A_1114 : vector<1x16xf32> to vector<16xf32>
        %swap3A_1116 = vector.shape_cast %mul3A_1111 : vector<16xf32> to vector<1x16xf32>
        tpu.vector_store %arg14[%swap3A_1112, %swap3A_1113], %swap3A_1116 {strides = array<i32>} : memref<128x128xf32, #tpu.memory_space<vmem>>, vector<1x16xf32>,
        %broadcast_in_dim3A_1117 = arith.constant 12 : i32
        %broadcast_in_dim3A_1118 = vector.broadcast %broadcast_in_dim3A_1117 : i32 to vector<16x1xi32>
        %gather3A_1119 = vector.shape_cast %broadcast_in_dim3A_1118 : vector<16x1xi32> to vector<16xi32>
        %gather3A_1120 = tpu.dynamic_gather %get3A_63[%gather3A_1119] in [0] : vector<16xf32>, vector<16xi32> -> vector<16xf32>
        %mul3A_1121 = arith.constant 16 : i32
        %mul3A_1122 = arith.muli %scan3A_58, %mul3A_1121 : i32
        %add3A_1123 = arith.constant 12 : i32
        %add3A_1124 = arith.addi %mul3A_1122, %add3A_1123 : i32
        %get3A_1125 = arith.index_cast %add3A_1124 : i32 to index
        %get3A_1126 = arith.constant 0 : index
        %get3A_1127 = tpu.vector_load %arg14[%get3A_1125, %get3A_1126] {strides = array<i32>} : memref<128x128xf32, #tpu.memory_space<vmem>>, vector<1x16xf32>,
        %get3A_1128 = vector.shape_cast %get3A_1127 : vector<1x16xf32> to vector<16xf32>
        %mul3A_1129 = arith.mulf %get3A_1128, %gather3A_1120 : vector<16xf32>
        %swap3A_1130 = arith.index_cast %add3A_1124 : i32 to index
        %swap3A_1131 = arith.constant 0 : index
        %swap3A_1132 = tpu.vector_load %arg14[%swap3A_1130, %swap3A_1131] {strides = array<i32>} : memref<128x128xf32, #tpu.memory_space<vmem>>, vector<1x16xf32>,
        %swap3A_1133 = vector.shape_cast %swap3A_1132 : vector<1x16xf32> to vector<16xf32>
        %swap3A_1134 = vector.shape_cast %mul3A_1129 : vector<16xf32> to vector<1x16xf32>
        tpu.vector_store %arg14[%swap3A_1130, %swap3A_1131], %swap3A_1134 {strides = array<i32>} : memref<128x128xf32, #tpu.memory_space<vmem>>, vector<1x16xf32>,
        %get3A_1135 = arith.index_cast %add3A_1124 : i32 to index
        %get3A_1136 = arith.constant 16 : index
        %get3A_1137 = tpu.vector_load %arg14[%get3A_1135, %get3A_1136] {strides = array<i32>} : memref<128x128xf32, #tpu.memory_space<vmem>>, vector<1x16xf32>,
        %get3A_1138 = vector.shape_cast %get3A_1137 : vector<1x16xf32> to vector<16xf32>
        %mul3A_1139 = arith.mulf %get3A_1138, %gather3A_1120 : vector<16xf32>
        %swap3A_1140 = arith.index_cast %add3A_1124 : i32 to index
        %swap3A_1141 = arith.constant 16 : index
        %swap3A_1142 = tpu.vector_load %arg14[%swap3A_1140, %swap3A_1141] {strides = array<i32>} : memref<128x128xf32, #tpu.memory_space<vmem>>, vector<1x16xf32>,
        %swap3A_1143 = vector.shape_cast %swap3A_1142 : vector<1x16xf32> to vector<16xf32>
        %swap3A_1144 = vector.shape_cast %mul3A_1139 : vector<16xf32> to vector<1x16xf32>
        tpu.vector_store %arg14[%swap3A_1140, %swap3A_1141], %swap3A_1144 {strides = array<i32>} : memref<128x128xf32, #tpu.memory_space<vmem>>, vector<1x16xf32>,
        %get3A_1145 = arith.index_cast %add3A_1124 : i32 to index
        %get3A_1146 = arith.constant 32 : index
        %get3A_1147 = tpu.vector_load %arg14[%get3A_1145, %get3A_1146] {strides = array<i32>} : memref<128x128xf32, #tpu.memory_space<vmem>>, vector<1x16xf32>,
        %get3A_1148 = vector.shape_cast %get3A_1147 : vector<1x16xf32> to vector<16xf32>
        %mul3A_1149 = arith.mulf %get3A_1148, %gather3A_1120 : vector<16xf32>
        %swap3A_1150 = arith.index_cast %add3A_1124 : i32 to index
        %swap3A_1151 = arith.constant 32 : index
        %swap3A_1152 = tpu.vector_load %arg14[%swap3A_1150, %swap3A_1151] {strides = array<i32>} : memref<128x128xf32, #tpu.memory_space<vmem>>, vector<1x16xf32>,
        %swap3A_1153 = vector.shape_cast %swap3A_1152 : vector<1x16xf32> to vector<16xf32>
        %swap3A_1154 = vector.shape_cast %mul3A_1149 : vector<16xf32> to vector<1x16xf32>
        tpu.vector_store %arg14[%swap3A_1150, %swap3A_1151], %swap3A_1154 {strides = array<i32>} : memref<128x128xf32, #tpu.memory_space<vmem>>, vector<1x16xf32>,
        %get3A_1155 = arith.index_cast %add3A_1124 : i32 to index
        %get3A_1156 = arith.constant 48 : index
        %get3A_1157 = tpu.vector_load %arg14[%get3A_1155, %get3A_1156] {strides = array<i32>} : memref<128x128xf32, #tpu.memory_space<vmem>>, vector<1x16xf32>,
        %get3A_1158 = vector.shape_cast %get3A_1157 : vector<1x16xf32> to vector<16xf32>
        %mul3A_1159 = arith.mulf %get3A_1158, %gather3A_1120 : vector<16xf32>
        %swap3A_1160 = arith.index_cast %add3A_1124 : i32 to index
        %swap3A_1161 = arith.constant 48 : index
        %swap3A_1162 = tpu.vector_load %arg14[%swap3A_1160, %swap3A_1161] {strides = array<i32>} : memref<128x128xf32, #tpu.memory_space<vmem>>, vector<1x16xf32>,
        %swap3A_1163 = vector.shape_cast %swap3A_1162 : vector<1x16xf32> to vector<16xf32>
        %swap3A_1164 = vector.shape_cast %mul3A_1159 : vector<16xf32> to vector<1x16xf32>
        tpu.vector_store %arg14[%swap3A_1160, %swap3A_1161], %swap3A_1164 {strides = array<i32>} : memref<128x128xf32, #tpu.memory_space<vmem>>, vector<1x16xf32>,
        %get3A_1165 = arith.index_cast %add3A_1124 : i32 to index
        %get3A_1166 = arith.constant 64 : index
        %get3A_1167 = tpu.vector_load %arg14[%get3A_1165, %get3A_1166] {strides = array<i32>} : memref<128x128xf32, #tpu.memory_space<vmem>>, vector<1x16xf32>,
        %get3A_1168 = vector.shape_cast %get3A_1167 : vector<1x16xf32> to vector<16xf32>
        %mul3A_1169 = arith.mulf %get3A_1168, %gather3A_1120 : vector<16xf32>
        %swap3A_1170 = arith.index_cast %add3A_1124 : i32 to index
        %swap3A_1171 = arith.constant 64 : index
        %swap3A_1172 = tpu.vector_load %arg14[%swap3A_1170, %swap3A_1171] {strides = array<i32>} : memref<128x128xf32, #tpu.memory_space<vmem>>, vector<1x16xf32>,
        %swap3A_1173 = vector.shape_cast %swap3A_1172 : vector<1x16xf32> to vector<16xf32>
        %swap3A_1174 = vector.shape_cast %mul3A_1169 : vector<16xf32> to vector<1x16xf32>
        tpu.vector_store %arg14[%swap3A_1170, %swap3A_1171], %swap3A_1174 {strides = array<i32>} : memref<128x128xf32, #tpu.memory_space<vmem>>, vector<1x16xf32>,
        %get3A_1175 = arith.index_cast %add3A_1124 : i32 to index
        %get3A_1176 = arith.constant 80 : index
        %get3A_1177 = tpu.vector_load %arg14[%get3A_1175, %get3A_1176] {strides = array<i32>} : memref<128x128xf32, #tpu.memory_space<vmem>>, vector<1x16xf32>,
        %get3A_1178 = vector.shape_cast %get3A_1177 : vector<1x16xf32> to vector<16xf32>
        %mul3A_1179 = arith.mulf %get3A_1178, %gather3A_1120 : vector<16xf32>
        %swap3A_1180 = arith.index_cast %add3A_1124 : i32 to index
        %swap3A_1181 = arith.constant 80 : index
        %swap3A_1182 = tpu.vector_load %arg14[%swap3A_1180, %swap3A_1181] {strides = array<i32>} : memref<128x128xf32, #tpu.memory_space<vmem>>, vector<1x16xf32>,
        %swap3A_1183 = vector.shape_cast %swap3A_1182 : vector<1x16xf32> to vector<16xf32>
        %swap3A_1184 = vector.shape_cast %mul3A_1179 : vector<16xf32> to vector<1x16xf32>
        tpu.vector_store %arg14[%swap3A_1180, %swap3A_1181], %swap3A_1184 {strides = array<i32>} : memref<128x128xf32, #tpu.memory_space<vmem>>, vector<1x16xf32>,
        %get3A_1185 = arith.index_cast %add3A_1124 : i32 to index
        %get3A_1186 = arith.constant 96 : index
        %get3A_1187 = tpu.vector_load %arg14[%get3A_1185, %get3A_1186] {strides = array<i32>} : memref<128x128xf32, #tpu.memory_space<vmem>>, vector<1x16xf32>,
        %get3A_1188 = vector.shape_cast %get3A_1187 : vector<1x16xf32> to vector<16xf32>
        %mul3A_1189 = arith.mulf %get3A_1188, %gather3A_1120 : vector<16xf32>
        %swap3A_1190 = arith.index_cast %add3A_1124 : i32 to index
        %swap3A_1191 = arith.constant 96 : index
        %swap3A_1192 = tpu.vector_load %arg14[%swap3A_1190, %swap3A_1191] {strides = array<i32>} : memref<128x128xf32, #tpu.memory_space<vmem>>, vector<1x16xf32>,
        %swap3A_1193 = vector.shape_cast %swap3A_1192 : vector<1x16xf32> to vector<16xf32>
        %swap3A_1194 = vector.shape_cast %mul3A_1189 : vector<16xf32> to vector<1x16xf32>
        tpu.vector_store %arg14[%swap3A_1190, %swap3A_1191], %swap3A_1194 {strides = array<i32>} : memref<128x128xf32, #tpu.memory_space<vmem>>, vector<1x16xf32>,
        %get3A_1195 = arith.index_cast %add3A_1124 : i32 to index
        %get3A_1196 = arith.constant 112 : index
        %get3A_1197 = tpu.vector_load %arg14[%get3A_1195, %get3A_1196] {strides = array<i32>} : memref<128x128xf32, #tpu.memory_space<vmem>>, vector<1x16xf32>,
        %get3A_1198 = vector.shape_cast %get3A_1197 : vector<1x16xf32> to vector<16xf32>
        %mul3A_1199 = arith.mulf %get3A_1198, %gather3A_1120 : vector<16xf32>
        %swap3A_1200 = arith.index_cast %add3A_1124 : i32 to index
        %swap3A_1201 = arith.constant 112 : index
        %swap3A_1202 = tpu.vector_load %arg14[%swap3A_1200, %swap3A_1201] {strides = array<i32>} : memref<128x128xf32, #tpu.memory_space<vmem>>, vector<1x16xf32>,
        %swap3A_1203 = vector.shape_cast %swap3A_1202 : vector<1x16xf32> to vector<16xf32>
        %swap3A_1204 = vector.shape_cast %mul3A_1199 : vector<16xf32> to vector<1x16xf32>
        tpu.vector_store %arg14[%swap3A_1200, %swap3A_1201], %swap3A_1204 {strides = array<i32>} : memref<128x128xf32, #tpu.memory_space<vmem>>, vector<1x16xf32>,
        %broadcast_in_dim3A_1205 = arith.constant 13 : i32
        %broadcast_in_dim3A_1206 = vector.broadcast %broadcast_in_dim3A_1205 : i32 to vector<16x1xi32>
        %gather3A_1207 = vector.shape_cast %broadcast_in_dim3A_1206 : vector<16x1xi32> to vector<16xi32>
        %gather3A_1208 = tpu.dynamic_gather %get3A_63[%gather3A_1207] in [0] : vector<16xf32>, vector<16xi32> -> vector<16xf32>
        %mul3A_1209 = arith.constant 16 : i32
        %mul3A_1210 = arith.muli %scan3A_58, %mul3A_1209 : i32
        %add3A_1211 = arith.constant 13 : i32
        %add3A_1212 = arith.addi %mul3A_1210, %add3A_1211 : i32
        %get3A_1213 = arith.index_cast %add3A_1212 : i32 to index
        %get3A_1214 = arith.constant 0 : index
        %get3A_1215 = tpu.vector_load %arg14[%get3A_1213, %get3A_1214] {strides = array<i32>} : memref<128x128xf32, #tpu.memory_space<vmem>>, vector<1x16xf32>,
        %get3A_1216 = vector.shape_cast %get3A_1215 : vector<1x16xf32> to vector<16xf32>
        %mul3A_1217 = arith.mulf %get3A_1216, %gather3A_1208 : vector<16xf32>
        %swap3A_1218 = arith.index_cast %add3A_1212 : i32 to index
        %swap3A_1219 = arith.constant 0 : index
        %swap3A_1220 = tpu.vector_load %arg14[%swap3A_1218, %swap3A_1219] {strides = array<i32>} : memref<128x128xf32, #tpu.memory_space<vmem>>, vector<1x16xf32>,
        %swap3A_1221 = vector.shape_cast %swap3A_1220 : vector<1x16xf32> to vector<16xf32>
        %swap3A_1222 = vector.shape_cast %mul3A_1217 : vector<16xf32> to vector<1x16xf32>
        tpu.vector_store %arg14[%swap3A_1218, %swap3A_1219], %swap3A_1222 {strides = array<i32>} : memref<128x128xf32, #tpu.memory_space<vmem>>, vector<1x16xf32>,
        %get3A_1223 = arith.index_cast %add3A_1212 : i32 to index
        %get3A_1224 = arith.constant 16 : index
        %get3A_1225 = tpu.vector_load %arg14[%get3A_1223, %get3A_1224] {strides = array<i32>} : memref<128x128xf32, #tpu.memory_space<vmem>>, vector<1x16xf32>,
        %get3A_1226 = vector.shape_cast %get3A_1225 : vector<1x16xf32> to vector<16xf32>
        %mul3A_1227 = arith.mulf %get3A_1226, %gather3A_1208 : vector<16xf32>
        %swap3A_1228 = arith.index_cast %add3A_1212 : i32 to index
        %swap3A_1229 = arith.constant 16 : index
        %swap3A_1230 = tpu.vector_load %arg14[%swap3A_1228, %swap3A_1229] {strides = array<i32>} : memref<128x128xf32, #tpu.memory_space<vmem>>, vector<1x16xf32>,
        %swap3A_1231 = vector.shape_cast %swap3A_1230 : vector<1x16xf32> to vector<16xf32>
        %swap3A_1232 = vector.shape_cast %mul3A_1227 : vector<16xf32> to vector<1x16xf32>
        tpu.vector_store %arg14[%swap3A_1228, %swap3A_1229], %swap3A_1232 {strides = array<i32>} : memref<128x128xf32, #tpu.memory_space<vmem>>, vector<1x16xf32>,
        %get3A_1233 = arith.index_cast %add3A_1212 : i32 to index
        %get3A_1234 = arith.constant 32 : index
        %get3A_1235 = tpu.vector_load %arg14[%get3A_1233, %get3A_1234] {strides = array<i32>} : memref<128x128xf32, #tpu.memory_space<vmem>>, vector<1x16xf32>,
        %get3A_1236 = vector.shape_cast %get3A_1235 : vector<1x16xf32> to vector<16xf32>
        %mul3A_1237 = arith.mulf %get3A_1236, %gather3A_1208 : vector<16xf32>
        %swap3A_1238 = arith.index_cast %add3A_1212 : i32 to index
        %swap3A_1239 = arith.constant 32 : index
        %swap3A_1240 = tpu.vector_load %arg14[%swap3A_1238, %swap3A_1239] {strides = array<i32>} : memref<128x128xf32, #tpu.memory_space<vmem>>, vector<1x16xf32>,
        %swap3A_1241 = vector.shape_cast %swap3A_1240 : vector<1x16xf32> to vector<16xf32>
        %swap3A_1242 = vector.shape_cast %mul3A_1237 : vector<16xf32> to vector<1x16xf32>
        tpu.vector_store %arg14[%swap3A_1238, %swap3A_1239], %swap3A_1242 {strides = array<i32>} : memref<128x128xf32, #tpu.memory_space<vmem>>, vector<1x16xf32>,
        %get3A_1243 = arith.index_cast %add3A_1212 : i32 to index
        %get3A_1244 = arith.constant 48 : index
        %get3A_1245 = tpu.vector_load %arg14[%get3A_1243, %get3A_1244] {strides = array<i32>} : memref<128x128xf32, #tpu.memory_space<vmem>>, vector<1x16xf32>,
        %get3A_1246 = vector.shape_cast %get3A_1245 : vector<1x16xf32> to vector<16xf32>
        %mul3A_1247 = arith.mulf %get3A_1246, %gather3A_1208 : vector<16xf32>
        %swap3A_1248 = arith.index_cast %add3A_1212 : i32 to index
        %swap3A_1249 = arith.constant 48 : index
        %swap3A_1250 = tpu.vector_load %arg14[%swap3A_1248, %swap3A_1249] {strides = array<i32>} : memref<128x128xf32, #tpu.memory_space<vmem>>, vector<1x16xf32>,
        %swap3A_1251 = vector.shape_cast %swap3A_1250 : vector<1x16xf32> to vector<16xf32>
        %swap3A_1252 = vector.shape_cast %mul3A_1247 : vector<16xf32> to vector<1x16xf32>
        tpu.vector_store %arg14[%swap3A_1248, %swap3A_1249], %swap3A_1252 {strides = array<i32>} : memref<128x128xf32, #tpu.memory_space<vmem>>, vector<1x16xf32>,
        %get3A_1253 = arith.index_cast %add3A_1212 : i32 to index
        %get3A_1254 = arith.constant 64 : index
        %get3A_1255 = tpu.vector_load %arg14[%get3A_1253, %get3A_1254] {strides = array<i32>} : memref<128x128xf32, #tpu.memory_space<vmem>>, vector<1x16xf32>,
        %get3A_1256 = vector.shape_cast %get3A_1255 : vector<1x16xf32> to vector<16xf32>
        %mul3A_1257 = arith.mulf %get3A_1256, %gather3A_1208 : vector<16xf32>
        %swap3A_1258 = arith.index_cast %add3A_1212 : i32 to index
        %swap3A_1259 = arith.constant 64 : index
        %swap3A_1260 = tpu.vector_load %arg14[%swap3A_1258, %swap3A_1259] {strides = array<i32>} : memref<128x128xf32, #tpu.memory_space<vmem>>, vector<1x16xf32>,
        %swap3A_1261 = vector.shape_cast %swap3A_1260 : vector<1x16xf32> to vector<16xf32>
        %swap3A_1262 = vector.shape_cast %mul3A_1257 : vector<16xf32> to vector<1x16xf32>
        tpu.vector_store %arg14[%swap3A_1258, %swap3A_1259], %swap3A_1262 {strides = array<i32>} : memref<128x128xf32, #tpu.memory_space<vmem>>, vector<1x16xf32>,
        %get3A_1263 = arith.index_cast %add3A_1212 : i32 to index
        %get3A_1264 = arith.constant 80 : index
        %get3A_1265 = tpu.vector_load %arg14[%get3A_1263, %get3A_1264] {strides = array<i32>} : memref<128x128xf32, #tpu.memory_space<vmem>>, vector<1x16xf32>,
        %get3A_1266 = vector.shape_cast %get3A_1265 : vector<1x16xf32> to vector<16xf32>
        %mul3A_1267 = arith.mulf %get3A_1266, %gather3A_1208 : vector<16xf32>
        %swap3A_1268 = arith.index_cast %add3A_1212 : i32 to index
        %swap3A_1269 = arith.constant 80 : index
        %swap3A_1270 = tpu.vector_load %arg14[%swap3A_1268, %swap3A_1269] {strides = array<i32>} : memref<128x128xf32, #tpu.memory_space<vmem>>, vector<1x16xf32>,
        %swap3A_1271 = vector.shape_cast %swap3A_1270 : vector<1x16xf32> to vector<16xf32>
        %swap3A_1272 = vector.shape_cast %mul3A_1267 : vector<16xf32> to vector<1x16xf32>
        tpu.vector_store %arg14[%swap3A_1268, %swap3A_1269], %swap3A_1272 {strides = array<i32>} : memref<128x128xf32, #tpu.memory_space<vmem>>, vector<1x16xf32>,
        %get3A_1273 = arith.index_cast %add3A_1212 : i32 to index
        %get3A_1274 = arith.constant 96 : index
        %get3A_1275 = tpu.vector_load %arg14[%get3A_1273, %get3A_1274] {strides = array<i32>} : memref<128x128xf32, #tpu.memory_space<vmem>>, vector<1x16xf32>,
        %get3A_1276 = vector.shape_cast %get3A_1275 : vector<1x16xf32> to vector<16xf32>
        %mul3A_1277 = arith.mulf %get3A_1276, %gather3A_1208 : vector<16xf32>
        %swap3A_1278 = arith.index_cast %add3A_1212 : i32 to index
        %swap3A_1279 = arith.constant 96 : index
        %swap3A_1280 = tpu.vector_load %arg14[%swap3A_1278, %swap3A_1279] {strides = array<i32>} : memref<128x128xf32, #tpu.memory_space<vmem>>, vector<1x16xf32>,
        %swap3A_1281 = vector.shape_cast %swap3A_1280 : vector<1x16xf32> to vector<16xf32>
        %swap3A_1282 = vector.shape_cast %mul3A_1277 : vector<16xf32> to vector<1x16xf32>
        tpu.vector_store %arg14[%swap3A_1278, %swap3A_1279], %swap3A_1282 {strides = array<i32>} : memref<128x128xf32, #tpu.memory_space<vmem>>, vector<1x16xf32>,
        %get3A_1283 = arith.index_cast %add3A_1212 : i32 to index
        %get3A_1284 = arith.constant 112 : index
        %get3A_1285 = tpu.vector_load %arg14[%get3A_1283, %get3A_1284] {strides = array<i32>} : memref<128x128xf32, #tpu.memory_space<vmem>>, vector<1x16xf32>,
        %get3A_1286 = vector.shape_cast %get3A_1285 : vector<1x16xf32> to vector<16xf32>
        %mul3A_1287 = arith.mulf %get3A_1286, %gather3A_1208 : vector<16xf32>
        %swap3A_1288 = arith.index_cast %add3A_1212 : i32 to index
        %swap3A_1289 = arith.constant 112 : index
        %swap3A_1290 = tpu.vector_load %arg14[%swap3A_1288, %swap3A_1289] {strides = array<i32>} : memref<128x128xf32, #tpu.memory_space<vmem>>, vector<1x16xf32>,
        %swap3A_1291 = vector.shape_cast %swap3A_1290 : vector<1x16xf32> to vector<16xf32>
        %swap3A_1292 = vector.shape_cast %mul3A_1287 : vector<16xf32> to vector<1x16xf32>
        tpu.vector_store %arg14[%swap3A_1288, %swap3A_1289], %swap3A_1292 {strides = array<i32>} : memref<128x128xf32, #tpu.memory_space<vmem>>, vector<1x16xf32>,
        %broadcast_in_dim3A_1293 = arith.constant 14 : i32
        %broadcast_in_dim3A_1294 = vector.broadcast %broadcast_in_dim3A_1293 : i32 to vector<16x1xi32>
        %gather3A_1295 = vector.shape_cast %broadcast_in_dim3A_1294 : vector<16x1xi32> to vector<16xi32>
        %gather3A_1296 = tpu.dynamic_gather %get3A_63[%gather3A_1295] in [0] : vector<16xf32>, vector<16xi32> -> vector<16xf32>
        %mul3A_1297 = arith.constant 16 : i32
        %mul3A_1298 = arith.muli %scan3A_58, %mul3A_1297 : i32
        %add3A_1299 = arith.constant 14 : i32
        %add3A_1300 = arith.addi %mul3A_1298, %add3A_1299 : i32
        %get3A_1301 = arith.index_cast %add3A_1300 : i32 to index
        %get3A_1302 = arith.constant 0 : index
        %get3A_1303 = tpu.vector_load %arg14[%get3A_1301, %get3A_1302] {strides = array<i32>} : memref<128x128xf32, #tpu.memory_space<vmem>>, vector<1x16xf32>,
        %get3A_1304 = vector.shape_cast %get3A_1303 : vector<1x16xf32> to vector<16xf32>
        %mul3A_1305 = arith.mulf %get3A_1304, %gather3A_1296 : vector<16xf32>
        %swap3A_1306 = arith.index_cast %add3A_1300 : i32 to index
        %swap3A_1307 = arith.constant 0 : index
        %swap3A_1308 = tpu.vector_load %arg14[%swap3A_1306, %swap3A_1307] {strides = array<i32>} : memref<128x128xf32, #tpu.memory_space<vmem>>, vector<1x16xf32>,
        %swap3A_1309 = vector.shape_cast %swap3A_1308 : vector<1x16xf32> to vector<16xf32>
        %swap3A_1310 = vector.shape_cast %mul3A_1305 : vector<16xf32> to vector<1x16xf32>
        tpu.vector_store %arg14[%swap3A_1306, %swap3A_1307], %swap3A_1310 {strides = array<i32>} : memref<128x128xf32, #tpu.memory_space<vmem>>, vector<1x16xf32>,
        %get3A_1311 = arith.index_cast %add3A_1300 : i32 to index
        %get3A_1312 = arith.constant 16 : index
        %get3A_1313 = tpu.vector_load %arg14[%get3A_1311, %get3A_1312] {strides = array<i32>} : memref<128x128xf32, #tpu.memory_space<vmem>>, vector<1x16xf32>,
        %get3A_1314 = vector.shape_cast %get3A_1313 : vector<1x16xf32> to vector<16xf32>
        %mul3A_1315 = arith.mulf %get3A_1314, %gather3A_1296 : vector<16xf32>
        %swap3A_1316 = arith.index_cast %add3A_1300 : i32 to index
        %swap3A_1317 = arith.constant 16 : index
        %swap3A_1318 = tpu.vector_load %arg14[%swap3A_1316, %swap3A_1317] {strides = array<i32>} : memref<128x128xf32, #tpu.memory_space<vmem>>, vector<1x16xf32>,
        %swap3A_1319 = vector.shape_cast %swap3A_1318 : vector<1x16xf32> to vector<16xf32>
        %swap3A_1320 = vector.shape_cast %mul3A_1315 : vector<16xf32> to vector<1x16xf32>
        tpu.vector_store %arg14[%swap3A_1316, %swap3A_1317], %swap3A_1320 {strides = array<i32>} : memref<128x128xf32, #tpu.memory_space<vmem>>, vector<1x16xf32>,
        %get3A_1321 = arith.index_cast %add3A_1300 : i32 to index
        %get3A_1322 = arith.constant 32 : index
        %get3A_1323 = tpu.vector_load %arg14[%get3A_1321, %get3A_1322] {strides = array<i32>} : memref<128x128xf32, #tpu.memory_space<vmem>>, vector<1x16xf32>,
        %get3A_1324 = vector.shape_cast %get3A_1323 : vector<1x16xf32> to vector<16xf32>
        %mul3A_1325 = arith.mulf %get3A_1324, %gather3A_1296 : vector<16xf32>
        %swap3A_1326 = arith.index_cast %add3A_1300 : i32 to index
        %swap3A_1327 = arith.constant 32 : index
        %swap3A_1328 = tpu.vector_load %arg14[%swap3A_1326, %swap3A_1327] {strides = array<i32>} : memref<128x128xf32, #tpu.memory_space<vmem>>, vector<1x16xf32>,
        %swap3A_1329 = vector.shape_cast %swap3A_1328 : vector<1x16xf32> to vector<16xf32>
        %swap3A_1330 = vector.shape_cast %mul3A_1325 : vector<16xf32> to vector<1x16xf32>
        tpu.vector_store %arg14[%swap3A_1326, %swap3A_1327], %swap3A_1330 {strides = array<i32>} : memref<128x128xf32, #tpu.memory_space<vmem>>, vector<1x16xf32>,
        %get3A_1331 = arith.index_cast %add3A_1300 : i32 to index
        %get3A_1332 = arith.constant 48 : index
        %get3A_1333 = tpu.vector_load %arg14[%get3A_1331, %get3A_1332] {strides = array<i32>} : memref<128x128xf32, #tpu.memory_space<vmem>>, vector<1x16xf32>,
        %get3A_1334 = vector.shape_cast %get3A_1333 : vector<1x16xf32> to vector<16xf32>
        %mul3A_1335 = arith.mulf %get3A_1334, %gather3A_1296 : vector<16xf32>
        %swap3A_1336 = arith.index_cast %add3A_1300 : i32 to index
        %swap3A_1337 = arith.constant 48 : index
        %swap3A_1338 = tpu.vector_load %arg14[%swap3A_1336, %swap3A_1337] {strides = array<i32>} : memref<128x128xf32, #tpu.memory_space<vmem>>, vector<1x16xf32>,
        %swap3A_1339 = vector.shape_cast %swap3A_1338 : vector<1x16xf32> to vector<16xf32>
        %swap3A_1340 = vector.shape_cast %mul3A_1335 : vector<16xf32> to vector<1x16xf32>
        tpu.vector_store %arg14[%swap3A_1336, %swap3A_1337], %swap3A_1340 {strides = array<i32>} : memref<128x128xf32, #tpu.memory_space<vmem>>, vector<1x16xf32>,
        %get3A_1341 = arith.index_cast %add3A_1300 : i32 to index
        %get3A_1342 = arith.constant 64 : index
        %get3A_1343 = tpu.vector_load %arg14[%get3A_1341, %get3A_1342] {strides = array<i32>} : memref<128x128xf32, #tpu.memory_space<vmem>>, vector<1x16xf32>,
        %get3A_1344 = vector.shape_cast %get3A_1343 : vector<1x16xf32> to vector<16xf32>
        %mul3A_1345 = arith.mulf %get3A_1344, %gather3A_1296 : vector<16xf32>
        %swap3A_1346 = arith.index_cast %add3A_1300 : i32 to index
        %swap3A_1347 = arith.constant 64 : index
        %swap3A_1348 = tpu.vector_load %arg14[%swap3A_1346, %swap3A_1347] {strides = array<i32>} : memref<128x128xf32, #tpu.memory_space<vmem>>, vector<1x16xf32>,
        %swap3A_1349 = vector.shape_cast %swap3A_1348 : vector<1x16xf32> to vector<16xf32>
        %swap3A_1350 = vector.shape_cast %mul3A_1345 : vector<16xf32> to vector<1x16xf32>
        tpu.vector_store %arg14[%swap3A_1346, %swap3A_1347], %swap3A_1350 {strides = array<i32>} : memref<128x128xf32, #tpu.memory_space<vmem>>, vector<1x16xf32>,
        %get3A_1351 = arith.index_cast %add3A_1300 : i32 to index
        %get3A_1352 = arith.constant 80 : index
        %get3A_1353 = tpu.vector_load %arg14[%get3A_1351, %get3A_1352] {strides = array<i32>} : memref<128x128xf32, #tpu.memory_space<vmem>>, vector<1x16xf32>,
        %get3A_1354 = vector.shape_cast %get3A_1353 : vector<1x16xf32> to vector<16xf32>
        %mul3A_1355 = arith.mulf %get3A_1354, %gather3A_1296 : vector<16xf32>
        %swap3A_1356 = arith.index_cast %add3A_1300 : i32 to index
        %swap3A_1357 = arith.constant 80 : index
        %swap3A_1358 = tpu.vector_load %arg14[%swap3A_1356, %swap3A_1357] {strides = array<i32>} : memref<128x128xf32, #tpu.memory_space<vmem>>, vector<1x16xf32>,
        %swap3A_1359 = vector.shape_cast %swap3A_1358 : vector<1x16xf32> to vector<16xf32>
        %swap3A_1360 = vector.shape_cast %mul3A_1355 : vector<16xf32> to vector<1x16xf32>
        tpu.vector_store %arg14[%swap3A_1356, %swap3A_1357], %swap3A_1360 {strides = array<i32>} : memref<128x128xf32, #tpu.memory_space<vmem>>, vector<1x16xf32>,
        %get3A_1361 = arith.index_cast %add3A_1300 : i32 to index
        %get3A_1362 = arith.constant 96 : index
        %get3A_1363 = tpu.vector_load %arg14[%get3A_1361, %get3A_1362] {strides = array<i32>} : memref<128x128xf32, #tpu.memory_space<vmem>>, vector<1x16xf32>,
        %get3A_1364 = vector.shape_cast %get3A_1363 : vector<1x16xf32> to vector<16xf32>
        %mul3A_1365 = arith.mulf %get3A_1364, %gather3A_1296 : vector<16xf32>
        %swap3A_1366 = arith.index_cast %add3A_1300 : i32 to index
        %swap3A_1367 = arith.constant 96 : index
        %swap3A_1368 = tpu.vector_load %arg14[%swap3A_1366, %swap3A_1367] {strides = array<i32>} : memref<128x128xf32, #tpu.memory_space<vmem>>, vector<1x16xf32>,
        %swap3A_1369 = vector.shape_cast %swap3A_1368 : vector<1x16xf32> to vector<16xf32>
        %swap3A_1370 = vector.shape_cast %mul3A_1365 : vector<16xf32> to vector<1x16xf32>
        tpu.vector_store %arg14[%swap3A_1366, %swap3A_1367], %swap3A_1370 {strides = array<i32>} : memref<128x128xf32, #tpu.memory_space<vmem>>, vector<1x16xf32>,
        %get3A_1371 = arith.index_cast %add3A_1300 : i32 to index
        %get3A_1372 = arith.constant 112 : index
        %get3A_1373 = tpu.vector_load %arg14[%get3A_1371, %get3A_1372] {strides = array<i32>} : memref<128x128xf32, #tpu.memory_space<vmem>>, vector<1x16xf32>,
        %get3A_1374 = vector.shape_cast %get3A_1373 : vector<1x16xf32> to vector<16xf32>
        %mul3A_1375 = arith.mulf %get3A_1374, %gather3A_1296 : vector<16xf32>
        %swap3A_1376 = arith.index_cast %add3A_1300 : i32 to index
        %swap3A_1377 = arith.constant 112 : index
        %swap3A_1378 = tpu.vector_load %arg14[%swap3A_1376, %swap3A_1377] {strides = array<i32>} : memref<128x128xf32, #tpu.memory_space<vmem>>, vector<1x16xf32>,
        %swap3A_1379 = vector.shape_cast %swap3A_1378 : vector<1x16xf32> to vector<16xf32>
        %swap3A_1380 = vector.shape_cast %mul3A_1375 : vector<16xf32> to vector<1x16xf32>
        tpu.vector_store %arg14[%swap3A_1376, %swap3A_1377], %swap3A_1380 {strides = array<i32>} : memref<128x128xf32, #tpu.memory_space<vmem>>, vector<1x16xf32>,
        %broadcast_in_dim3A_1381 = arith.constant 15 : i32
        %broadcast_in_dim3A_1382 = vector.broadcast %broadcast_in_dim3A_1381 : i32 to vector<16x1xi32>
        %gather3A_1383 = vector.shape_cast %broadcast_in_dim3A_1382 : vector<16x1xi32> to vector<16xi32>
        %gather3A_1384 = tpu.dynamic_gather %get3A_63[%gather3A_1383] in [0] : vector<16xf32>, vector<16xi32> -> vector<16xf32>
        %mul3A_1385 = arith.constant 16 : i32
        %mul3A_1386 = arith.muli %scan3A_58, %mul3A_1385 : i32
        %add3A_1387 = arith.constant 15 : i32
        %add3A_1388 = arith.addi %mul3A_1386, %add3A_1387 : i32
        %get3A_1389 = arith.index_cast %add3A_1388 : i32 to index
        %get3A_1390 = arith.constant 0 : index
        %get3A_1391 = tpu.vector_load %arg14[%get3A_1389, %get3A_1390] {strides = array<i32>} : memref<128x128xf32, #tpu.memory_space<vmem>>, vector<1x16xf32>,
        %get3A_1392 = vector.shape_cast %get3A_1391 : vector<1x16xf32> to vector<16xf32>
        %mul3A_1393 = arith.mulf %get3A_1392, %gather3A_1384 : vector<16xf32>
        %swap3A_1394 = arith.index_cast %add3A_1388 : i32 to index
        %swap3A_1395 = arith.constant 0 : index
        %swap3A_1396 = tpu.vector_load %arg14[%swap3A_1394, %swap3A_1395] {strides = array<i32>} : memref<128x128xf32, #tpu.memory_space<vmem>>, vector<1x16xf32>,
        %swap3A_1397 = vector.shape_cast %swap3A_1396 : vector<1x16xf32> to vector<16xf32>
        %swap3A_1398 = vector.shape_cast %mul3A_1393 : vector<16xf32> to vector<1x16xf32>
        tpu.vector_store %arg14[%swap3A_1394, %swap3A_1395], %swap3A_1398 {strides = array<i32>} : memref<128x128xf32, #tpu.memory_space<vmem>>, vector<1x16xf32>,
        %get3A_1399 = arith.index_cast %add3A_1388 : i32 to index
        %get3A_1400 = arith.constant 16 : index
        %get3A_1401 = tpu.vector_load %arg14[%get3A_1399, %get3A_1400] {strides = array<i32>} : memref<128x128xf32, #tpu.memory_space<vmem>>, vector<1x16xf32>,
        %get3A_1402 = vector.shape_cast %get3A_1401 : vector<1x16xf32> to vector<16xf32>
        %mul3A_1403 = arith.mulf %get3A_1402, %gather3A_1384 : vector<16xf32>
        %swap3A_1404 = arith.index_cast %add3A_1388 : i32 to index
        %swap3A_1405 = arith.constant 16 : index
        %swap3A_1406 = tpu.vector_load %arg14[%swap3A_1404, %swap3A_1405] {strides = array<i32>} : memref<128x128xf32, #tpu.memory_space<vmem>>, vector<1x16xf32>,
        %swap3A_1407 = vector.shape_cast %swap3A_1406 : vector<1x16xf32> to vector<16xf32>
        %swap3A_1408 = vector.shape_cast %mul3A_1403 : vector<16xf32> to vector<1x16xf32>
        tpu.vector_store %arg14[%swap3A_1404, %swap3A_1405], %swap3A_1408 {strides = array<i32>} : memref<128x128xf32, #tpu.memory_space<vmem>>, vector<1x16xf32>,
        %get3A_1409 = arith.index_cast %add3A_1388 : i32 to index
        %get3A_1410 = arith.constant 32 : index
        %get3A_1411 = tpu.vector_load %arg14[%get3A_1409, %get3A_1410] {strides = array<i32>} : memref<128x128xf32, #tpu.memory_space<vmem>>, vector<1x16xf32>,
        %get3A_1412 = vector.shape_cast %get3A_1411 : vector<1x16xf32> to vector<16xf32>
        %mul3A_1413 = arith.mulf %get3A_1412, %gather3A_1384 : vector<16xf32>
        %swap3A_1414 = arith.index_cast %add3A_1388 : i32 to index
        %swap3A_1415 = arith.constant 32 : index
        %swap3A_1416 = tpu.vector_load %arg14[%swap3A_1414, %swap3A_1415] {strides = array<i32>} : memref<128x128xf32, #tpu.memory_space<vmem>>, vector<1x16xf32>,
        %swap3A_1417 = vector.shape_cast %swap3A_1416 : vector<1x16xf32> to vector<16xf32>
        %swap3A_1418 = vector.shape_cast %mul3A_1413 : vector<16xf32> to vector<1x16xf32>
        tpu.vector_store %arg14[%swap3A_1414, %swap3A_1415], %swap3A_1418 {strides = array<i32>} : memref<128x128xf32, #tpu.memory_space<vmem>>, vector<1x16xf32>,
        %get3A_1419 = arith.index_cast %add3A_1388 : i32 to index
        %get3A_1420 = arith.constant 48 : index
        %get3A_1421 = tpu.vector_load %arg14[%get3A_1419, %get3A_1420] {strides = array<i32>} : memref<128x128xf32, #tpu.memory_space<vmem>>, vector<1x16xf32>,
        %get3A_1422 = vector.shape_cast %get3A_1421 : vector<1x16xf32> to vector<16xf32>
        %mul3A_1423 = arith.mulf %get3A_1422, %gather3A_1384 : vector<16xf32>
        %swap3A_1424 = arith.index_cast %add3A_1388 : i32 to index
        %swap3A_1425 = arith.constant 48 : index
        %swap3A_1426 = tpu.vector_load %arg14[%swap3A_1424, %swap3A_1425] {strides = array<i32>} : memref<128x128xf32, #tpu.memory_space<vmem>>, vector<1x16xf32>,
        %swap3A_1427 = vector.shape_cast %swap3A_1426 : vector<1x16xf32> to vector<16xf32>
        %swap3A_1428 = vector.shape_cast %mul3A_1423 : vector<16xf32> to vector<1x16xf32>
        tpu.vector_store %arg14[%swap3A_1424, %swap3A_1425], %swap3A_1428 {strides = array<i32>} : memref<128x128xf32, #tpu.memory_space<vmem>>, vector<1x16xf32>,
        %get3A_1429 = arith.index_cast %add3A_1388 : i32 to index
        %get3A_1430 = arith.constant 64 : index
        %get3A_1431 = tpu.vector_load %arg14[%get3A_1429, %get3A_1430] {strides = array<i32>} : memref<128x128xf32, #tpu.memory_space<vmem>>, vector<1x16xf32>,
        %get3A_1432 = vector.shape_cast %get3A_1431 : vector<1x16xf32> to vector<16xf32>
        %mul3A_1433 = arith.mulf %get3A_1432, %gather3A_1384 : vector<16xf32>
        %swap3A_1434 = arith.index_cast %add3A_1388 : i32 to index
        %swap3A_1435 = arith.constant 64 : index
        %swap3A_1436 = tpu.vector_load %arg14[%swap3A_1434, %swap3A_1435] {strides = array<i32>} : memref<128x128xf32, #tpu.memory_space<vmem>>, vector<1x16xf32>,
        %swap3A_1437 = vector.shape_cast %swap3A_1436 : vector<1x16xf32> to vector<16xf32>
        %swap3A_1438 = vector.shape_cast %mul3A_1433 : vector<16xf32> to vector<1x16xf32>
        tpu.vector_store %arg14[%swap3A_1434, %swap3A_1435], %swap3A_1438 {strides = array<i32>} : memref<128x128xf32, #tpu.memory_space<vmem>>, vector<1x16xf32>,
        %get3A_1439 = arith.index_cast %add3A_1388 : i32 to index
        %get3A_1440 = arith.constant 80 : index
        %get3A_1441 = tpu.vector_load %arg14[%get3A_1439, %get3A_1440] {strides = array<i32>} : memref<128x128xf32, #tpu.memory_space<vmem>>, vector<1x16xf32>,
        %get3A_1442 = vector.shape_cast %get3A_1441 : vector<1x16xf32> to vector<16xf32>
        %mul3A_1443 = arith.mulf %get3A_1442, %gather3A_1384 : vector<16xf32>
        %swap3A_1444 = arith.index_cast %add3A_1388 : i32 to index
        %swap3A_1445 = arith.constant 80 : index
        %swap3A_1446 = tpu.vector_load %arg14[%swap3A_1444, %swap3A_1445] {strides = array<i32>} : memref<128x128xf32, #tpu.memory_space<vmem>>, vector<1x16xf32>,
        %swap3A_1447 = vector.shape_cast %swap3A_1446 : vector<1x16xf32> to vector<16xf32>
        %swap3A_1448 = vector.shape_cast %mul3A_1443 : vector<16xf32> to vector<1x16xf32>
        tpu.vector_store %arg14[%swap3A_1444, %swap3A_1445], %swap3A_1448 {strides = array<i32>} : memref<128x128xf32, #tpu.memory_space<vmem>>, vector<1x16xf32>,
        %get3A_1449 = arith.index_cast %add3A_1388 : i32 to index
        %get3A_1450 = arith.constant 96 : index
        %get3A_1451 = tpu.vector_load %arg14[%get3A_1449, %get3A_1450] {strides = array<i32>} : memref<128x128xf32, #tpu.memory_space<vmem>>, vector<1x16xf32>,
        %get3A_1452 = vector.shape_cast %get3A_1451 : vector<1x16xf32> to vector<16xf32>
        %mul3A_1453 = arith.mulf %get3A_1452, %gather3A_1384 : vector<16xf32>
        %swap3A_1454 = arith.index_cast %add3A_1388 : i32 to index
        %swap3A_1455 = arith.constant 96 : index
        %swap3A_1456 = tpu.vector_load %arg14[%swap3A_1454, %swap3A_1455] {strides = array<i32>} : memref<128x128xf32, #tpu.memory_space<vmem>>, vector<1x16xf32>,
        %swap3A_1457 = vector.shape_cast %swap3A_1456 : vector<1x16xf32> to vector<16xf32>
        %swap3A_1458 = vector.shape_cast %mul3A_1453 : vector<16xf32> to vector<1x16xf32>
        tpu.vector_store %arg14[%swap3A_1454, %swap3A_1455], %swap3A_1458 {strides = array<i32>} : memref<128x128xf32, #tpu.memory_space<vmem>>, vector<1x16xf32>,
        %get3A_1459 = arith.index_cast %add3A_1388 : i32 to index
        %get3A_1460 = arith.constant 112 : index
        %get3A_1461 = tpu.vector_load %arg14[%get3A_1459, %get3A_1460] {strides = array<i32>} : memref<128x128xf32, #tpu.memory_space<vmem>>, vector<1x16xf32>,
        %get3A_1462 = vector.shape_cast %get3A_1461 : vector<1x16xf32> to vector<16xf32>
        %mul3A_1463 = arith.mulf %get3A_1462, %gather3A_1384 : vector<16xf32>
        %swap3A_1464 = arith.index_cast %add3A_1388 : i32 to index
        %swap3A_1465 = arith.constant 112 : index
        %swap3A_1466 = tpu.vector_load %arg14[%swap3A_1464, %swap3A_1465] {strides = array<i32>} : memref<128x128xf32, #tpu.memory_space<vmem>>, vector<1x16xf32>,
        %swap3A_1467 = vector.shape_cast %swap3A_1466 : vector<1x16xf32> to vector<16xf32>
        %swap3A_1468 = vector.shape_cast %mul3A_1463 : vector<16xf32> to vector<1x16xf32>
        tpu.vector_store %arg14[%swap3A_1464, %swap3A_1465], %swap3A_1468 {strides = array<i32>} : memref<128x128xf32, #tpu.memory_space<vmem>>, vector<1x16xf32>,
        %scan3A_1469 = arith.constant 0 : i32
        scf.yield %scan3A_1469 : i32
      }
      %scan3A_50 = arith.constant 8 : i32
      %dma_start3A_51 = arith.constant 0 : i32
      %dma_start3A_52 = arith.constant 0 : i32
      %dma_start3A_53 = tpu.memref_slice %arg16[%dma_start3A_51, %dma_start3A_52] : memref<10000x128xf32, #tpu.memory_space<vmem_shared>> -> memref<10000x128xf32, #tpu.memory_space<vmem_shared>>
      tpu.enqueue_indirect_dma source(%arg14 : memref<128x128xf32, #tpu.memory_space<vmem>>) target(%dma_start3A_53 : memref<10000x128xf32, #tpu.memory_space<vmem_shared>>) offsets(%arg12 : memref<128xi32, #tpu.memory_space<vmem>>) semaphore(%arg18 : memref<!tpu.dma_semaphore, #tpu.memory_space<semaphore_mem>>) {add = true}
      %dma_wait3A_54 = arith.constant 0 : i32
      %dma_wait3A_55 = arith.constant 0 : i32
      %dma_wait3A_56 = tpu.memref_slice %arg16[%dma_wait3A_54, %dma_wait3A_55] : memref<10000x128xf32, #tpu.memory_space<vmem_shared>> -> memref<10000x128xf32, #tpu.memory_space<vmem_shared>>
      tpu.wait_indirect_dma semaphore(%arg18 : memref<!tpu.dma_semaphore, #tpu.memory_space<semaphore_mem>>) src(%arg14 : memref<128x128xf32, #tpu.memory_space<vmem>>) dst(%dma_wait3A_56 : memref<10000x128xf32, #tpu.memory_space<vmem_shared>>)
      %scan3A_57 = arith.constant 0 : i32
      scf.yield %scan3A_57 : i32
    }
    %scan3A_10 = arith.constant 79 : i32
    %barrier3A_11 = arith.constant 0 : index
    tpu.barrier barrier_id(%barrier3A_11)
    %lt3A_12 = arith.constant 10 : i32
    %lt3A_13 = arith.cmpi slt, %arg1, %lt3A_12 : i32
    %convert_element_type3A_14 = arith.extui %lt3A_13 : i1 to i32
    %cond3A_15 = arith.constant 0 : i32
    %cond3A_16 = arith.cmpi ne, %convert_element_type3A_14, %cond3A_15 : i32
    scf.if %cond3A_16 {
      %mul3A_17 = arith.constant 1000 : i32
      %mul3A_18 = arith.muli %arg1, %mul3A_17 : i32
      %mul3A_19 = arith.constant 1000 : i32
      %mul3A_20 = arith.muli %arg1, %mul3A_19 : i32
      "tpu.region"() ({
        %run_scoped3A = tpu.sem_alloc : memref<!tpu.dma_semaphore, #tpu.memory_space<semaphore_mem>>
        %dma_start3A = arith.constant 0 : i32
        %dma_start3A_21 = tpu.memref_slice %arg7[%arg0, %mul3A_20, %dma_start3A] : memref<2x10000x128xf32, #tpu.memory_space<hbm>> -> memref<1x1000x128xf32, #tpu.memory_space<hbm>>
        %dma_start3A_22 = tpu.memref_squeeze %dma_start3A_21 : memref<1x1000x128xf32, #tpu.memory_space<hbm>> -> memref<1000x128xf32, #tpu.memory_space<hbm>>
        %dma_start3A_23 = arith.constant 0 : i32
        %dma_start3A_24 = tpu.memref_slice %arg16[%mul3A_18, %dma_start3A_23] : memref<10000x128xf32, #tpu.memory_space<vmem_shared>> -> memref<1000x128xf32, #tpu.memory_space<vmem_shared>>
        tpu.enqueue_dma source(%dma_start3A_24 : memref<1000x128xf32, #tpu.memory_space<vmem_shared>>) target(%dma_start3A_22 : memref<1000x128xf32, #tpu.memory_space<hbm>>) target_semaphore(%run_scoped3A : memref<!tpu.dma_semaphore, #tpu.memory_space<semaphore_mem>>)
        %dma_wait3A = arith.constant 0 : i32
        %dma_wait3A_25 = tpu.memref_slice %arg7[%arg0, %mul3A_20, %dma_wait3A] : memref<2x10000x128xf32, #tpu.memory_space<hbm>> -> memref<1x1000x128xf32, #tpu.memory_space<hbm>>
        %dma_wait3A_26 = tpu.memref_squeeze %dma_wait3A_25 : memref<1x1000x128xf32, #tpu.memory_space<hbm>> -> memref<1000x128xf32, #tpu.memory_space<hbm>>
        %dma_wait3A_27 = arith.constant 0 : i32
        %dma_wait3A_28 = tpu.memref_slice %arg16[%mul3A_18, %dma_wait3A_27] : memref<10000x128xf32, #tpu.memory_space<vmem_shared>> -> memref<1000x128xf32, #tpu.memory_space<vmem_shared>>
        tpu.wait_dma2 semaphore(%run_scoped3A : memref<!tpu.dma_semaphore, #tpu.memory_space<semaphore_mem>>) src(%dma_wait3A_28 : memref<1000x128xf32, #tpu.memory_space<vmem_shared>>) dst(%dma_wait3A_26 : memref<1000x128xf32, #tpu.memory_space<hbm>>)
        tpu.yield
      }) : () -> ()
    } else {
    }
    return
  }
}

module attributes {stable_mosaic.version = 14 : i64} {
  func.func @_tc_mm1_body(%arg0: i32, %arg1: memref<2x1000x1xf32, #tpu.memory_space<vmem>>, %arg2: memref<1000x128xf32, #tpu.memory_space<vmem>>, %arg3: memref<128x128xf32, #tpu.memory_space<vmem>>, %arg4: memref<1000x128xf32, #tpu.memory_space<vmem>>) attributes {dimension_semantics = [#tpu.dimension_semantics<arbitrary>], iteration_bounds = array<i64: 10>, scalar_prefetch = 0 : i64, scratch_operands = 0 : i64, tpu.core_type = #tpu.core_type<tc>, window_params = [{transform_indices = @transform_0, window_bounds = array<i64: 2, 1000, 1>}, {transform_indices = @transform_1, window_bounds = array<i64: 1000, 128>}, {pipeline_mode = #tpu.pipeline_mode<synchronous>, transform_indices = @transform_2, window_bounds = array<i64: 128, 128>}, {transform_indices = @transform_3, window_bounds = array<i64: 1000, 128>}]} {
    %get3A = arith.constant 0 : index
    %get3A_0 = arith.constant 0 : index
    %get3A_1 = arith.constant 0 : index
    %get3A_2 = vector.load %arg1[%get3A, %get3A_0, %get3A_1] : memref<2x1000x1xf32, #tpu.memory_space<vmem>>, vector<2x1000x1xf32>
    %slice3A = vector.extract_strided_slice %get3A_2 {offsets = [0, 0, 0], sizes = [1, 1000, 1], strides = [1, 1, 1]} : vector<2x1000x1xf32> to vector<1x1000x1xf32>
    %squeeze3A = vector.shape_cast %slice3A : vector<1x1000x1xf32> to vector<1000x1xf32>
    %add3A = arith.constant 1.000000e+00 : f32
    %add3A_3 = vector.broadcast %add3A : f32 to vector<1000x1xf32>
    %add3A_4 = arith.addf %add3A_3, %squeeze3A : vector<1000x1xf32>
    %slice3A_5 = vector.extract_strided_slice %get3A_2 {offsets = [1, 0, 0], sizes = [1, 1000, 1], strides = [1, 1, 1]} : vector<2x1000x1xf32> to vector<1x1000x1xf32>
    %squeeze3A_6 = vector.shape_cast %slice3A_5 : vector<1x1000x1xf32> to vector<1000x1xf32>
    %add3A_7 = arith.addf %add3A_4, %squeeze3A_6 : vector<1000x1xf32>
    %rsqrt3A = math.rsqrt %add3A_7 : vector<1000x1xf32>
    %get3A_8 = arith.constant 0 : index
    %get3A_9 = arith.constant 0 : index
    %get3A_10 = vector.load %arg2[%get3A_8, %get3A_9] : memref<1000x128xf32, #tpu.memory_space<vmem>>, vector<1000x128xf32>
    %get3A_11 = arith.constant 0 : index
    %get3A_12 = arith.constant 0 : index
    %get3A_13 = vector.load %arg3[%get3A_11, %get3A_12] : memref<128x128xf32, #tpu.memory_space<vmem>>, vector<128x128xf32>
    %dot_general3A = arith.constant dense<0.000000e+00> : vector<1000x128xf32>
    %dot_general3A_14 = tpu.matmul %get3A_10, %get3A_13, %dot_general3A {dimension_numbers = #tpu.dot_dimension_numbers<[1], [0], [0], [1], [0, 0, 1, 1], [], []>, transpose_lhs_hint = false} : vector<1000x128xf32>, vector<128x128xf32>, vector<1000x128xf32> -> vector<1000x128xf32>
    %mul3A = vector.broadcast %rsqrt3A : vector<1000x1xf32> to vector<1000x128xf32>
    %mul3A_15 = arith.mulf %mul3A, %dot_general3A_14 : vector<1000x128xf32>
    %swap3A = arith.constant 0 : index
    %swap3A_16 = arith.constant 0 : index
    %swap3A_17 = vector.load %arg4[%swap3A, %swap3A_16] : memref<1000x128xf32, #tpu.memory_space<vmem>>, vector<1000x128xf32>
    tpu.vector_store %arg4[%swap3A, %swap3A_16], %mul3A_15 {strides = array<i32>} : memref<1000x128xf32, #tpu.memory_space<vmem>>, vector<1000x128xf32>,
    return
  }
  func.func @transform_0(%arg0: i32) -> (i32, i32, i32) {
    %c0_i32 = arith.constant 0 : i32
    %c0_i32_0 = arith.constant 0 : i32
    %c0_i32_1 = arith.constant 0 : i32
    return %c0_i32, %arg0, %c0_i32_0 : i32, i32, i32
  }
  func.func @transform_1(%arg0: i32) -> (i32, i32) {
    %c0_i32 = arith.constant 0 : i32
    %c0_i32_0 = arith.constant 0 : i32
    return %arg0, %c0_i32 : i32, i32
  }
  func.func @transform_2(%arg0: i32) -> (i32, i32) {
    %c0_i32 = arith.constant 0 : i32
    %c0_i32_0 = arith.constant 0 : i32
    %c0_i32_1 = arith.constant 0 : i32
    return %c0_i32, %c0_i32_0 : i32, i32
  }
  func.func @transform_3(%arg0: i32) -> (i32, i32) {
    %c0_i32 = arith.constant 0 : i32
    %c0_i32_0 = arith.constant 0 : i32
    return %arg0, %c0_i32 : i32, i32
  }
}

module attributes {stable_mosaic.version = 14 : i64} {
  func.func @_tc_post_body(%arg0: i32, %arg1: memref<2x1000x1xf32, #tpu.memory_space<vmem>>, %arg2: memref<2x1000x128xf32, #tpu.memory_space<vmem>>, %arg3: memref<1000x128xf32, #tpu.memory_space<vmem>>, %arg4: memref<128xf32, #tpu.memory_space<vmem>>, %arg5: memref<1000x128xf32, #tpu.memory_space<vmem>>, %arg6: memref<8x128xf32, #tpu.memory_space<vmem>>) attributes {dimension_semantics = [#tpu.dimension_semantics<arbitrary>], iteration_bounds = array<i64: 10>, scalar_prefetch = 0 : i64, scratch_operands = 0 : i64, tpu.core_type = #tpu.core_type<tc>, window_params = [{transform_indices = @transform_0, window_bounds = array<i64: 2, 1000, 1>}, {transform_indices = @transform_1, window_bounds = array<i64: 2, 1000, 128>}, {transform_indices = @transform_2, window_bounds = array<i64: 1000, 128>}, {pipeline_mode = #tpu.pipeline_mode<synchronous>, transform_indices = @transform_3, window_bounds = array<i64: 128>}, {transform_indices = @transform_4, window_bounds = array<i64: 1000, 128>}, {pipeline_mode = #tpu.pipeline_mode<synchronous>, transform_indices = @transform_5, window_bounds = array<i64: 8, 128>}]} {
    %get3A = arith.constant 0 : index
    %get3A_0 = arith.constant 0 : index
    %get3A_1 = arith.constant 0 : index
    %get3A_2 = vector.load %arg1[%get3A, %get3A_0, %get3A_1] : memref<2x1000x1xf32, #tpu.memory_space<vmem>>, vector<2x1000x1xf32>
    %slice3A = vector.extract_strided_slice %get3A_2 {offsets = [0, 0, 0], sizes = [1, 1000, 1], strides = [1, 1, 1]} : vector<2x1000x1xf32> to vector<1x1000x1xf32>
    %squeeze3A = vector.shape_cast %slice3A : vector<1x1000x1xf32> to vector<1000x1xf32>
    %add3A = arith.constant 1.000000e+00 : f32
    %add3A_3 = vector.broadcast %add3A : f32 to vector<1000x1xf32>
    %add3A_4 = arith.addf %add3A_3, %squeeze3A : vector<1000x1xf32>
    %slice3A_5 = vector.extract_strided_slice %get3A_2 {offsets = [1, 0, 0], sizes = [1, 1000, 1], strides = [1, 1, 1]} : vector<2x1000x1xf32> to vector<1x1000x1xf32>
    %squeeze3A_6 = vector.shape_cast %slice3A_5 : vector<1x1000x1xf32> to vector<1000x1xf32>
    %add3A_7 = arith.addf %add3A_4, %squeeze3A_6 : vector<1000x1xf32>
    %rsqrt3A = math.rsqrt %add3A_7 : vector<1000x1xf32>
    %get3A_8 = arith.constant 0 : index
    %get3A_9 = arith.constant 0 : index
    %get3A_10 = arith.constant 0 : index
    %get3A_11 = vector.load %arg2[%get3A_8, %get3A_9, %get3A_10] : memref<2x1000x128xf32, #tpu.memory_space<vmem>>, vector<2x1000x128xf32>
    %slice3A_12 = vector.extract_strided_slice %get3A_11 {offsets = [0, 0, 0], sizes = [1, 1000, 128], strides = [1, 1, 1]} : vector<2x1000x128xf32> to vector<1x1000x128xf32>
    %squeeze3A_13 = vector.shape_cast %slice3A_12 : vector<1x1000x128xf32> to vector<1000x128xf32>
    %slice3A_14 = vector.extract_strided_slice %get3A_11 {offsets = [1, 0, 0], sizes = [1, 1000, 128], strides = [1, 1, 1]} : vector<2x1000x128xf32> to vector<1x1000x128xf32>
    %squeeze3A_15 = vector.shape_cast %slice3A_14 : vector<1x1000x128xf32> to vector<1000x128xf32>
    %add3A_16 = arith.addf %squeeze3A_13, %squeeze3A_15 : vector<1000x128xf32>
    %get3A_17 = arith.constant 0 : index
    %get3A_18 = arith.constant 0 : index
    %get3A_19 = vector.load %arg3[%get3A_17, %get3A_18] : memref<1000x128xf32, #tpu.memory_space<vmem>>, vector<1000x128xf32>
    %add3A_20 = arith.addf %add3A_16, %get3A_19 : vector<1000x128xf32>
    %mul3A = vector.broadcast %rsqrt3A : vector<1000x1xf32> to vector<1000x128xf32>
    %mul3A_21 = arith.mulf %mul3A, %add3A_20 : vector<1000x128xf32>
    %get3A_22 = arith.constant 0 : index
    %get3A_23 = vector.load %arg4[%get3A_22] : memref<128xf32, #tpu.memory_space<vmem>>, vector<128xf32>
    %broadcast_in_dim3A = vector.shape_cast %get3A_23 : vector<128xf32> to vector<1x128xf32>
    %add3A_24 = vector.broadcast %broadcast_in_dim3A : vector<1x128xf32> to vector<1000x128xf32>
    %add3A_25 = arith.addf %mul3A_21, %add3A_24 : vector<1000x128xf32>
    %swap3A = arith.constant 0 : index
    %swap3A_26 = arith.constant 0 : index
    %swap3A_27 = vector.load %arg5[%swap3A, %swap3A_26] : memref<1000x128xf32, #tpu.memory_space<vmem>>, vector<1000x128xf32>
    tpu.vector_store %arg5[%swap3A, %swap3A_26], %add3A_25 {strides = array<i32>} : memref<1000x128xf32, #tpu.memory_space<vmem>>, vector<1000x128xf32>,
    %eq3A = arith.constant 0 : i32
    %eq3A_28 = arith.cmpi eq, %arg0, %eq3A : i32
    %convert_element_type3A = arith.extui %eq3A_28 : i1 to i32
    %cond3A = arith.constant 0 : i32
    %cond3A_29 = arith.cmpi ne, %convert_element_type3A, %cond3A : i32
    scf.if %cond3A_29 {
      %broadcast_in_dim3A_50 = arith.constant 0.000000e+00 : f32
      %broadcast_in_dim3A_51 = vector.broadcast %broadcast_in_dim3A_50 : f32 to vector<8x128xf32>
      %swap3A_52 = arith.constant 0 : index
      %swap3A_53 = arith.constant 0 : index
      %swap3A_54 = vector.load %arg6[%swap3A_52, %swap3A_53] : memref<8x128xf32, #tpu.memory_space<vmem>>, vector<8x128xf32>
      tpu.vector_store %arg6[%swap3A_52, %swap3A_53], %broadcast_in_dim3A_51 {strides = array<i32>} : memref<8x128xf32, #tpu.memory_space<vmem>>, vector<8x128xf32>,
    } else {
    }
    %get3A_30 = arith.constant 0 : index
    %get3A_31 = arith.constant 0 : index
    %get3A_32 = vector.load %arg6[%get3A_30, %get3A_31] : memref<8x128xf32, #tpu.memory_space<vmem>>, vector<1x128xf32>
    %reduce_sum3A = arith.constant dense<0.000000e+00> : vector<128xf32>
    %reduce_sum3A_33 = vector.multi_reduction <add>, %add3A_25, %reduce_sum3A [0] : vector<1000x128xf32> to vector<128xf32>
    %broadcast_in_dim3A_34 = vector.shape_cast %reduce_sum3A_33 : vector<128xf32> to vector<1x128xf32>
    %add3A_35 = arith.addf %get3A_32, %broadcast_in_dim3A_34 : vector<1x128xf32>
    %swap3A_36 = arith.constant 0 : index
    %swap3A_37 = arith.constant 0 : index
    %swap3A_38 = vector.load %arg6[%swap3A_36, %swap3A_37] : memref<8x128xf32, #tpu.memory_space<vmem>>, vector<1x128xf32>
    tpu.vector_store %arg6[%swap3A_36, %swap3A_37], %add3A_35 {strides = array<i32>} : memref<8x128xf32, #tpu.memory_space<vmem>>, vector<1x128xf32>,
    %get3A_39 = arith.constant 1 : index
    %get3A_40 = arith.constant 0 : index
    %get3A_41 = vector.load %arg6[%get3A_39, %get3A_40] : memref<8x128xf32, #tpu.memory_space<vmem>>, vector<1x128xf32>
    %mul3A_42 = arith.mulf %add3A_25, %add3A_25 : vector<1000x128xf32>
    %reduce_sum3A_43 = arith.constant dense<0.000000e+00> : vector<128xf32>
    %reduce_sum3A_44 = vector.multi_reduction <add>, %mul3A_42, %reduce_sum3A_43 [0] : vector<1000x128xf32> to vector<128xf32>
    %broadcast_in_dim3A_45 = vector.shape_cast %reduce_sum3A_44 : vector<128xf32> to vector<1x128xf32>
    %add3A_46 = arith.addf %get3A_41, %broadcast_in_dim3A_45 : vector<1x128xf32>
    %swap3A_47 = arith.constant 1 : index
    %swap3A_48 = arith.constant 0 : index
    %swap3A_49 = vector.load %arg6[%swap3A_47, %swap3A_48] : memref<8x128xf32, #tpu.memory_space<vmem>>, vector<1x128xf32>
    tpu.vector_store %arg6[%swap3A_47, %swap3A_48], %add3A_46 {strides = array<i32>} : memref<8x128xf32, #tpu.memory_space<vmem>>, vector<1x128xf32>,
    return
  }
  func.func @transform_0(%arg0: i32) -> (i32, i32, i32) {
    %c0_i32 = arith.constant 0 : i32
    %c0_i32_0 = arith.constant 0 : i32
    %c0_i32_1 = arith.constant 0 : i32
    return %c0_i32, %arg0, %c0_i32_0 : i32, i32, i32
  }
  func.func @transform_1(%arg0: i32) -> (i32, i32, i32) {
    %c0_i32 = arith.constant 0 : i32
    %c0_i32_0 = arith.constant 0 : i32
    %c0_i32_1 = arith.constant 0 : i32
    return %c0_i32, %arg0, %c0_i32_0 : i32, i32, i32
  }
  func.func @transform_2(%arg0: i32) -> (i32, i32) {
    %c0_i32 = arith.constant 0 : i32
    %c0_i32_0 = arith.constant 0 : i32
    return %arg0, %c0_i32 : i32, i32
  }
  func.func @transform_3(%arg0: i32) -> i32 {
    %c0_i32 = arith.constant 0 : i32
    %c0_i32_0 = arith.constant 0 : i32
    return %c0_i32 : i32
  }
  func.func @transform_4(%arg0: i32) -> (i32, i32) {
    %c0_i32 = arith.constant 0 : i32
    %c0_i32_0 = arith.constant 0 : i32
    return %arg0, %c0_i32 : i32, i32
  }
  func.func @transform_5(%arg0: i32) -> (i32, i32) {
    %c0_i32 = arith.constant 0 : i32
    %c0_i32_0 = arith.constant 0 : i32
    %c0_i32_1 = arith.constant 0 : i32
    return %c0_i32, %c0_i32_0 : i32, i32
  }
}

module attributes {stable_mosaic.version = 14 : i64} {
  func.func @_tc_mm2_body(%arg0: i32, %arg1: memref<2x1000x1xf32, #tpu.memory_space<vmem>>, %arg2: memref<1000x128xf32, #tpu.memory_space<vmem>>, %arg3: memref<8x128xf32, #tpu.memory_space<vmem>>, %arg4: memref<128xf32, #tpu.memory_space<vmem>>, %arg5: memref<128xf32, #tpu.memory_space<vmem>>, %arg6: memref<128x128xf32, #tpu.memory_space<vmem>>, %arg7: memref<1000x128xf32, #tpu.memory_space<vmem>>) attributes {dimension_semantics = [#tpu.dimension_semantics<arbitrary>], iteration_bounds = array<i64: 10>, scalar_prefetch = 0 : i64, scratch_operands = 0 : i64, tpu.core_type = #tpu.core_type<tc>, window_params = [{transform_indices = @transform_0, window_bounds = array<i64: 2, 1000, 1>}, {transform_indices = @transform_1, window_bounds = array<i64: 1000, 128>}, {pipeline_mode = #tpu.pipeline_mode<synchronous>, transform_indices = @transform_2, window_bounds = array<i64: 8, 128>}, {pipeline_mode = #tpu.pipeline_mode<synchronous>, transform_indices = @transform_3, window_bounds = array<i64: 128>}, {pipeline_mode = #tpu.pipeline_mode<synchronous>, transform_indices = @transform_4, window_bounds = array<i64: 128>}, {pipeline_mode = #tpu.pipeline_mode<synchronous>, transform_indices = @transform_5, window_bounds = array<i64: 128, 128>}, {transform_indices = @transform_6, window_bounds = array<i64: 1000, 128>}]} {
    %get3A = arith.constant 0 : index
    %get3A_0 = arith.constant 0 : index
    %get3A_1 = vector.load %arg2[%get3A, %get3A_0] : memref<1000x128xf32, #tpu.memory_space<vmem>>, vector<1000x128xf32>
    %get3A_2 = arith.constant 0 : index
    %get3A_3 = arith.constant 0 : index
    %get3A_4 = vector.load %arg3[%get3A_2, %get3A_3] : memref<8x128xf32, #tpu.memory_space<vmem>>, vector<8x128xf32>
    %get3A_5 = arith.constant 0 : index
    %get3A_6 = vector.load %arg4[%get3A_5] : memref<128xf32, #tpu.memory_space<vmem>>, vector<128xf32>
    %get3A_7 = arith.constant 0 : index
    %get3A_8 = vector.load %arg5[%get3A_7] : memref<128xf32, #tpu.memory_space<vmem>>, vector<128xf32>
    %slice3A = vector.extract_strided_slice %get3A_4 {offsets = [0, 0], sizes = [1, 128], strides = [1, 1]} : vector<8x128xf32> to vector<1x128xf32>
    %mul3A = arith.constant 9.99999974E-5 : f32
    %mul3A_9 = vector.broadcast %mul3A : f32 to vector<1x128xf32>
    %mul3A_10 = arith.mulf %slice3A, %mul3A_9 : vector<1x128xf32>
    %slice3A_11 = vector.extract_strided_slice %get3A_4 {offsets = [1, 0], sizes = [1, 128], strides = [1, 1]} : vector<8x128xf32> to vector<1x128xf32>
    %mul3A_12 = arith.constant 9.99999974E-5 : f32
    %mul3A_13 = vector.broadcast %mul3A_12 : f32 to vector<1x128xf32>
    %mul3A_14 = arith.mulf %slice3A_11, %mul3A_13 : vector<1x128xf32>
    %mul3A_15 = arith.mulf %mul3A_10, %mul3A_10 : vector<1x128xf32>
    %sub3A = arith.subf %mul3A_14, %mul3A_15 : vector<1x128xf32>
    %broadcast_in_dim3A = vector.shape_cast %get3A_6 : vector<128xf32> to vector<1x128xf32>
    %sub3A_16 = vector.broadcast %mul3A_10 : vector<1x128xf32> to vector<1000x128xf32>
    %sub3A_17 = arith.subf %get3A_1, %sub3A_16 : vector<1000x128xf32>
    %add3A = arith.constant 9.99999974E-6 : f32
    %add3A_18 = vector.broadcast %add3A : f32 to vector<1x128xf32>
    %add3A_19 = arith.addf %sub3A, %add3A_18 : vector<1x128xf32>
    %rsqrt3A = math.rsqrt %add3A_19 : vector<1x128xf32>
    %mul3A_20 = vector.broadcast %rsqrt3A : vector<1x128xf32> to vector<1000x128xf32>
    %mul3A_21 = arith.mulf %sub3A_17, %mul3A_20 : vector<1000x128xf32>
    %mul3A_22 = vector.broadcast %broadcast_in_dim3A : vector<1x128xf32> to vector<1000x128xf32>
    %mul3A_23 = arith.mulf %mul3A_22, %mul3A_21 : vector<1000x128xf32>
    %broadcast_in_dim3A_24 = vector.shape_cast %get3A_8 : vector<128xf32> to vector<1x128xf32>
    %add3A_25 = vector.broadcast %broadcast_in_dim3A_24 : vector<1x128xf32> to vector<1000x128xf32>
    %add3A_26 = arith.addf %mul3A_23, %add3A_25 : vector<1000x128xf32>
    %ge3A = arith.constant 0.000000e+00 : f32
    %ge3A_27 = vector.broadcast %ge3A : f32 to vector<1000x128xf32>
    %ge3A_28 = arith.cmpf oge, %add3A_26, %ge3A_27 : vector<1000x128xf32>
    %mul3A_29 = arith.constant 0.00999999977 : f32
    %mul3A_30 = vector.broadcast %mul3A_29 : f32 to vector<1000x128xf32>
    %mul3A_31 = arith.mulf %mul3A_30, %add3A_26 : vector<1000x128xf32>
    %select_n3A = arith.select %ge3A_28, %add3A_26, %mul3A_31 : vector<1000x128xi1>, vector<1000x128xf32>
    %get3A_32 = arith.constant 0 : index
    %get3A_33 = arith.constant 0 : index
    %get3A_34 = arith.constant 0 : index
    %get3A_35 = vector.load %arg1[%get3A_32, %get3A_33, %get3A_34] : memref<2x1000x1xf32, #tpu.memory_space<vmem>>, vector<2x1000x1xf32>
    %slice3A_36 = vector.extract_strided_slice %get3A_35 {offsets = [0, 0, 0], sizes = [1, 1000, 1], strides = [1, 1, 1]} : vector<2x1000x1xf32> to vector<1x1000x1xf32>
    %squeeze3A = vector.shape_cast %slice3A_36 : vector<1x1000x1xf32> to vector<1000x1xf32>
    %add3A_37 = arith.constant 1.000000e+00 : f32
    %add3A_38 = vector.broadcast %add3A_37 : f32 to vector<1000x1xf32>
    %add3A_39 = arith.addf %add3A_38, %squeeze3A : vector<1000x1xf32>
    %slice3A_40 = vector.extract_strided_slice %get3A_35 {offsets = [1, 0, 0], sizes = [1, 1000, 1], strides = [1, 1, 1]} : vector<2x1000x1xf32> to vector<1x1000x1xf32>
    %squeeze3A_41 = vector.shape_cast %slice3A_40 : vector<1x1000x1xf32> to vector<1000x1xf32>
    %add3A_42 = arith.addf %add3A_39, %squeeze3A_41 : vector<1000x1xf32>
    %rsqrt3A_43 = math.rsqrt %add3A_42 : vector<1000x1xf32>
    %get3A_44 = arith.constant 0 : index
    %get3A_45 = arith.constant 0 : index
    %get3A_46 = vector.load %arg6[%get3A_44, %get3A_45] : memref<128x128xf32, #tpu.memory_space<vmem>>, vector<128x128xf32>
    %dot_general3A = arith.constant dense<0.000000e+00> : vector<1000x128xf32>
    %dot_general3A_47 = tpu.matmul %select_n3A, %get3A_46, %dot_general3A {dimension_numbers = #tpu.dot_dimension_numbers<[1], [0], [0], [1], [0, 0, 1, 1], [], []>, transpose_lhs_hint = false} : vector<1000x128xf32>, vector<128x128xf32>, vector<1000x128xf32> -> vector<1000x128xf32>
    %mul3A_48 = vector.broadcast %rsqrt3A_43 : vector<1000x1xf32> to vector<1000x128xf32>
    %mul3A_49 = arith.mulf %mul3A_48, %dot_general3A_47 : vector<1000x128xf32>
    %swap3A = arith.constant 0 : index
    %swap3A_50 = arith.constant 0 : index
    %swap3A_51 = vector.load %arg7[%swap3A, %swap3A_50] : memref<1000x128xf32, #tpu.memory_space<vmem>>, vector<1000x128xf32>
    tpu.vector_store %arg7[%swap3A, %swap3A_50], %mul3A_49 {strides = array<i32>} : memref<1000x128xf32, #tpu.memory_space<vmem>>, vector<1000x128xf32>,
    return
  }
  func.func @transform_0(%arg0: i32) -> (i32, i32, i32) {
    %c0_i32 = arith.constant 0 : i32
    %c0_i32_0 = arith.constant 0 : i32
    %c0_i32_1 = arith.constant 0 : i32
    return %c0_i32, %arg0, %c0_i32_0 : i32, i32, i32
  }
  func.func @transform_1(%arg0: i32) -> (i32, i32) {
    %c0_i32 = arith.constant 0 : i32
    %c0_i32_0 = arith.constant 0 : i32
    return %arg0, %c0_i32 : i32, i32
  }
  func.func @transform_2(%arg0: i32) -> (i32, i32) {
    %c0_i32 = arith.constant 0 : i32
    %c0_i32_0 = arith.constant 0 : i32
    %c0_i32_1 = arith.constant 0 : i32
    return %c0_i32, %c0_i32_0 : i32, i32
  }
  func.func @transform_3(%arg0: i32) -> i32 {
    %c0_i32 = arith.constant 0 : i32
    %c0_i32_0 = arith.constant 0 : i32
    return %c0_i32 : i32
  }
  func.func @transform_4(%arg0: i32) -> i32 {
    %c0_i32 = arith.constant 0 : i32
    %c0_i32_0 = arith.constant 0 : i32
    return %c0_i32 : i32
  }
  func.func @transform_5(%arg0: i32) -> (i32, i32) {
    %c0_i32 = arith.constant 0 : i32
    %c0_i32_0 = arith.constant 0 : i32
    %c0_i32_1 = arith.constant 0 : i32
    return %c0_i32, %c0_i32_0 : i32, i32
  }
  func.func @transform_6(%arg0: i32) -> (i32, i32) {
    %c0_i32 = arith.constant 0 : i32
    %c0_i32_0 = arith.constant 0 : i32
    return %arg0, %c0_i32 : i32, i32
  }
}

module attributes {stable_mosaic.version = 14 : i64} {
  func.func @_tc_final_body(%arg0: i32, %arg1: memref<1000x128xf32, #tpu.memory_space<vmem>>, %arg2: memref<8x128xf32, #tpu.memory_space<vmem>>, %arg3: memref<128xf32, #tpu.memory_space<vmem>>, %arg4: memref<128xf32, #tpu.memory_space<vmem>>, %arg5: memref<1000x128xf32, #tpu.memory_space<vmem>>) attributes {dimension_semantics = [#tpu.dimension_semantics<arbitrary>], iteration_bounds = array<i64: 10>, scalar_prefetch = 0 : i64, scratch_operands = 0 : i64, tpu.core_type = #tpu.core_type<tc>, window_params = [{transform_indices = @transform_0, window_bounds = array<i64: 1000, 128>}, {pipeline_mode = #tpu.pipeline_mode<synchronous>, transform_indices = @transform_1, window_bounds = array<i64: 8, 128>}, {pipeline_mode = #tpu.pipeline_mode<synchronous>, transform_indices = @transform_2, window_bounds = array<i64: 128>}, {pipeline_mode = #tpu.pipeline_mode<synchronous>, transform_indices = @transform_3, window_bounds = array<i64: 128>}, {transform_indices = @transform_4, window_bounds = array<i64: 1000, 128>}]} {
    %get3A = arith.constant 0 : index
    %get3A_0 = arith.constant 0 : index
    %get3A_1 = vector.load %arg1[%get3A, %get3A_0] : memref<1000x128xf32, #tpu.memory_space<vmem>>, vector<1000x128xf32>
    %get3A_2 = arith.constant 0 : index
    %get3A_3 = arith.constant 0 : index
    %get3A_4 = vector.load %arg2[%get3A_2, %get3A_3] : memref<8x128xf32, #tpu.memory_space<vmem>>, vector<8x128xf32>
    %get3A_5 = arith.constant 0 : index
    %get3A_6 = vector.load %arg3[%get3A_5] : memref<128xf32, #tpu.memory_space<vmem>>, vector<128xf32>
    %get3A_7 = arith.constant 0 : index
    %get3A_8 = vector.load %arg4[%get3A_7] : memref<128xf32, #tpu.memory_space<vmem>>, vector<128xf32>
    %slice3A = vector.extract_strided_slice %get3A_4 {offsets = [0, 0], sizes = [1, 128], strides = [1, 1]} : vector<8x128xf32> to vector<1x128xf32>
    %mul3A = arith.constant 9.99999974E-5 : f32
    %mul3A_9 = vector.broadcast %mul3A : f32 to vector<1x128xf32>
    %mul3A_10 = arith.mulf %slice3A, %mul3A_9 : vector<1x128xf32>
    %slice3A_11 = vector.extract_strided_slice %get3A_4 {offsets = [1, 0], sizes = [1, 128], strides = [1, 1]} : vector<8x128xf32> to vector<1x128xf32>
    %mul3A_12 = arith.constant 9.99999974E-5 : f32
    %mul3A_13 = vector.broadcast %mul3A_12 : f32 to vector<1x128xf32>
    %mul3A_14 = arith.mulf %slice3A_11, %mul3A_13 : vector<1x128xf32>
    %mul3A_15 = arith.mulf %mul3A_10, %mul3A_10 : vector<1x128xf32>
    %sub3A = arith.subf %mul3A_14, %mul3A_15 : vector<1x128xf32>
    %broadcast_in_dim3A = vector.shape_cast %get3A_6 : vector<128xf32> to vector<1x128xf32>
    %sub3A_16 = vector.broadcast %mul3A_10 : vector<1x128xf32> to vector<1000x128xf32>
    %sub3A_17 = arith.subf %get3A_1, %sub3A_16 : vector<1000x128xf32>
    %add3A = arith.constant 9.99999974E-6 : f32
    %add3A_18 = vector.broadcast %add3A : f32 to vector<1x128xf32>
    %add3A_19 = arith.addf %sub3A, %add3A_18 : vector<1x128xf32>
    %rsqrt3A = math.rsqrt %add3A_19 : vector<1x128xf32>
    %mul3A_20 = vector.broadcast %rsqrt3A : vector<1x128xf32> to vector<1000x128xf32>
    %mul3A_21 = arith.mulf %sub3A_17, %mul3A_20 : vector<1000x128xf32>
    %mul3A_22 = vector.broadcast %broadcast_in_dim3A : vector<1x128xf32> to vector<1000x128xf32>
    %mul3A_23 = arith.mulf %mul3A_22, %mul3A_21 : vector<1000x128xf32>
    %broadcast_in_dim3A_24 = vector.shape_cast %get3A_8 : vector<128xf32> to vector<1x128xf32>
    %add3A_25 = vector.broadcast %broadcast_in_dim3A_24 : vector<1x128xf32> to vector<1000x128xf32>
    %add3A_26 = arith.addf %mul3A_23, %add3A_25 : vector<1000x128xf32>
    %swap3A = arith.constant 0 : index
    %swap3A_27 = arith.constant 0 : index
    %swap3A_28 = vector.load %arg5[%swap3A, %swap3A_27] : memref<1000x128xf32, #tpu.memory_space<vmem>>, vector<1000x128xf32>
    tpu.vector_store %arg5[%swap3A, %swap3A_27], %add3A_26 {strides = array<i32>} : memref<1000x128xf32, #tpu.memory_space<vmem>>, vector<1000x128xf32>,
    return
  }
  func.func @transform_0(%arg0: i32) -> (i32, i32) {
    %c0_i32 = arith.constant 0 : i32
    %c0_i32_0 = arith.constant 0 : i32
    return %arg0, %c0_i32 : i32, i32
  }
  func.func @transform_1(%arg0: i32) -> (i32, i32) {
    %c0_i32 = arith.constant 0 : i32
    %c0_i32_0 = arith.constant 0 : i32
    %c0_i32_1 = arith.constant 0 : i32
    return %c0_i32, %c0_i32_0 : i32, i32
  }
  func.func @transform_2(%arg0: i32) -> i32 {
    %c0_i32 = arith.constant 0 : i32
    %c0_i32_0 = arith.constant 0 : i32
    return %c0_i32 : i32
  }
  func.func @transform_3(%arg0: i32) -> i32 {
    %c0_i32 = arith.constant 0 : i32
    %c0_i32_0 = arith.constant 0 : i32
    return %c0_i32 : i32
  }
  func.func @transform_4(%arg0: i32) -> (i32, i32) {
    %c0_i32 = arith.constant 0 : i32
    %c0_i32_0 = arith.constant 0 : i32
    return %arg0, %c0_i32 : i32, i32
  }
}

</mosaic_0001>

<sc_bundles>
// kernel: kernel.10.cloned.1.call-start
scs
__scs_entry_jumppad:
0x0: {  	(pc) =	sbr.rel $0x88, $3  }
0x1: {  	(tag) =	ssettag $0x0;
	lr =	simm.s32 $0x1  }
0x2: {  	[smem:$0x3F96] =	sst lr;
	_ =	strace $0xD0000000  }
0x3: {  	_ = 	snop  }
0x4: {  	_ = 	snop  }
0x5: {  	_ = 	snop  }
0x6: {  	_ = 	snop  }
0x7: {  	_ = 	snop  }
__scs_overlays_trampoline_lowered:
0x8: {  	[smem:$0x3FA5] =	sst s0  }
0x9: {  	[smem:$0x3FA6] =	sst s1  }
0xa: {  	[smem:$0x3FA7] =	sst s2  }
0xb: {  	[smem:$0x3FA8] =	sst s3  }
0xc: {  	[smem:$0x3FA9] =	sst s4  }
0xd: {  	[smem:$0x3FAA] =	sst s5  }
0xe: {  	[smem:$0x3FAB] =	sst s6  }
0xf: {  	[smem:$0x3FAC] =	sst s7  }
0x10: {  	[smem:$0x3FAD] =	sst s8  }
0x11: {  	[smem:$0x3FAE] =	sst s9;
	s0 =	simm.s32 @!p0 $0x0  }
0x12: {  	s1 =	sld [smem:$0x3F94];
	s0 =	simm.s32 @p0 $0x1  }
0x13: {  	[smem:$0x3FAF] =	sst s0;
	s0 =	simm.s32 @!p1 $0x0  }
0x14: {  	s2 =	sld [smem:$0x3F93];
	s0 =	simm.s32 @p1 $0x1  }
0x15: {  	[smem:$0x3FB0] =	sst s0;
	s0 =	simm.s32 @!p2 $0x0  }
0x16: {  	s3 =	sld [smem:$0x3FDB];
	s0 =	simm.s32 @p2 $0x1  }
0x17: {  	s4 =	simm.s32 $0x1BF5;
	[smem:$0x3FB2] =	sst s0  }
0x18: {  	s0 =	sld [smem:$0x3F95];
	_ =	swait.ge [sflag:s4], $0x0  }
0x19: {  	s7 =	sld [smem:$0x3F96]  }
0x1a: {  	s8 =	sadd.s32 $0xFFFFE003, lr  }
0x1b: {  	s9 =	sadd.s32 $0xFFFFFEF7, lr;
	s5 =	simm.s32 $0xFFFFFFFF;
	p2 =	slt.u32 s8, $0xFFFFF086  }
0x1c: {  	p1 =	slt.u32 s9, $0xF7A;
	s5 =	simm.s32 @!p2 $0x0  }
0x1d: {  	s5 =	simm.s32 @p1 $0x1;
	p0 =	seq.s32 s7, s2  }
0x1e: {  	s7 =	smul.u32 @!p0 $0xF7A, s2;
	p2 =	seq.s32 @!p0 s5, $0x0  }
0x1f: {  	s9 =	smul.u32 $0xF7A, s1;
	s8 =	simm.s32 @!p0 $0x1BF5;
	p2 =	por !p2, p0  }
0x20: {  	[sflag:s8] =	ssyncset.s32 @!p0 $0xFFFFF086;
	s6 =	sadd.s32 @!p0 s3, s7;
	s7 =	simm.s32 @!p0 $0x108  }
0x21: {  	s3 =	sadd.s32 s3, s9;
	s6 =	sadd.s32 @!p0 $0x88, s6;
	s7 =	simm.s32 @p2 $0x1082  }
0x22: {  	[simem:s7], [sflag:s8] =	dma.local @!p0 [hbm:s6], $0xF7A  }
0x23: {  	s9 =	sor.u32 $0xD0000000, s2;
	s6 =	simm.s32 $0x108;
	_ =	swait.ge @!p0 [sflag:s8], $0x0  }
0x24: {  	s3 =	sadd.s32 $0x88, s3;
	s6 =	simm.s32 @!p1 $0x1082;
	[sflag:s4] =	ssyncset.s32 $0xFFFFF086  }
0x25: {  	[simem:s6], [sflag:s4] =	dma.local [hbm:s3], $0xF7A  }
0x26: {  	[smem:$0x3F96] =	sst s1;
	(tag) =	ssettag s2;
	_ =	strace s9  }
0x27: {  	s1 =	sld [smem:$0x3FA6]  }
0x28: {  	s2 =	sld [smem:$0x3FA7]  }
0x29: {  	s4 =	sld [smem:$0x3FA9]  }
0x2a: {  	p0 =	seq.s32 s5, $0x0;
	s5 =	sld [smem:$0x3FAA]  }
0x2b: {  	s6 =	sld [smem:$0x3FAB]  }
0x2c: {  	s7 =	sld [smem:$0x3FAC]  }
0x2d: {  	s3 =	simm.s32 $0x108;
	s8 =	sld [smem:$0x3FAD]  }
0x2e: {  	s3 =	simm.s32 @!p0 $0x1082;
	s9 =	sld [smem:$0x3FAE]  }
0x2f: {  	lr =	sadd.s32 s0, s3;
	s0 =	sld [smem:$0x3FA5]  }
0x30: {  	s3 =	sld [smem:$0x3FA8]  }
0x31: {  	[smem:$0x3FB1] =	sst s10  }
0x32: {  	s10 =	sld [smem:$0x3FAF];
	_ =	sdelay $0x3  }
0x33: {  	p0 =	seq.s32 s10, $0x1;
	s10 =	sld [smem:$0x3FB1];
	_ =	sdelay $0x3  }
0x34: {  	[smem:$0x3FB1] =	sst s10  }
0x35: {  	s10 =	sld [smem:$0x3FB0];
	_ =	sdelay $0x3  }
0x36: {  	p1 =	seq.s32 s10, $0x1;
	s10 =	sld [smem:$0x3FB1];
	_ =	sdelay $0x3  }
0x37: {  	[smem:$0x3FB1] =	sst s10  }
0x38: {  	s10 =	sld [smem:$0x3FB2]  }
0x39: {  	_ = 	snop;
	(pc) =	sbr.ind lr, $3  }
0x3a: {  	_ = 	snop  }
0x3b: {  	_ = 	snop  }
0x3c: {  	p2 =	seq.s32 s10, $0x1;
	s10 =	sld [smem:$0x3FB1]  }
0x3d: {  	_ =	shalt  }
0x3e: {  	_ =	shalt  }
0x3f: {  	_ =	shalt  }
0x40: {  	_ =	shalt  }
0x41: {  	_ =	shalt  }
0x42: {  	_ =	shalt  }
0x43: {  	_ =	shalt  }
0x44: {  	_ =	shalt  }
0x45: {  	_ =	shalt  }
0x46: {  	_ =	shalt  }
0x47: {  	_ =	shalt  }
0x48: {  	_ =	shalt  }
0x49: {  	_ =	shalt  }
0x4a: {  	_ =	shalt  }
0x4b: {  	_ =	shalt  }
0x4c: {  	_ =	shalt  }
0x4d: {  	_ =	shalt  }
0x4e: {  	_ =	shalt  }
0x4f: {  	_ =	shalt  }
0x50: {  	_ =	shalt  }
0x51: {  	_ =	shalt  }
0x52: {  	_ =	shalt  }
0x53: {  	_ =	shalt  }
0x54: {  	_ =	shalt  }
0x55: {  	_ =	shalt  }
0x56: {  	_ =	shalt  }
0x57: {  	_ =	shalt  }
0x58: {  	_ =	shalt  }
0x59: {  	_ =	shalt  }
0x5a: {  	_ =	shalt  }
0x5b: {  	_ =	shalt  }
0x5c: {  	_ =	shalt  }
0x5d: {  	_ =	shalt  }
0x5e: {  	_ =	shalt  }
0x5f: {  	_ =	shalt  }
0x60: {  	_ =	shalt  }
0x61: {  	_ =	shalt  }
0x62: {  	_ =	shalt  }
0x63: {  	_ =	shalt  }
0x64: {  	_ =	shalt  }
0x65: {  	_ =	shalt  }
0x66: {  	_ =	shalt  }
0x67: {  	_ =	shalt  }
0x68: {  	_ =	shalt  }
0x69: {  	_ =	shalt  }
0x6a: {  	_ =	shalt  }
0x6b: {  	_ =	shalt  }
0x6c: {  	_ =	shalt  }
0x6d: {  	_ =	shalt  }
0x6e: {  	_ =	shalt  }
0x6f: {  	_ =	shalt  }
0x70: {  	_ =	shalt  }
0x71: {  	_ =	shalt  }
0x72: {  	_ =	shalt  }
0x73: {  	_ =	shalt  }
0x74: {  	_ =	shalt  }
0x75: {  	_ =	shalt  }
0x76: {  	_ =	shalt  }
0x77: {  	_ =	shalt  }
0x78: {  	_ =	shalt  }
0x79: {  	_ =	shalt  }
0x7a: {  	_ =	shalt  }
0x7b: {  	_ =	shalt  }
0x7c: {  	_ =	shalt  }
0x7d: {  	_ =	shalt  }
0x7e: {  	_ =	shalt  }
0x7f: {  	_ =	shalt  }
0x80: {  	_ =	shalt  }
0x81: {  	_ =	shalt  }
0x82: {  	_ =	shalt  }
0x83: {  	_ =	shalt  }
0x84: {  	_ =	shalt  }
0x85: {  	_ =	shalt  }
0x86: {  	_ =	shalt  }
0x87: {  	_ =	shalt  }
.Lfunc_end0:
.L_simem_size_0:
called_computation_lowered:
.L_overlay_start_0:
0x88: {  	s2 =	sld [smem:$0x3FD9]  }
0x89: {  	s3 =	sld [smem:$0x3FFE];
	_ =	sdelay $0x1  }
0x8a: {  	s1 =	srdreg.scid  }
0x8b: {  	s0 =	sand.u32 $0x1, s1  }
0x8c: {  	s17 =	sshll.u32 s0, $0xA;
	s2 =	sadd.s32 s3, s2  }
0x8d: {  	s2 =	sadd.s32 s2, s17  }
0x8e: {  	[smem:$0x3FBD] =	sst s2  }
0x8f: {  	_ = 	snop  }
0x90: {  	s2 =	sld [smem:$0x3FD0];
	(tm) =	ssettm $0x1  }
0x91: {  	s18 =	sld [smem:$0x3FFB];
	_ =	sdelay $0x3  }
0x92: {  	_ =	strace s18  }
0x93: {  	s3 =	sld [smem:$0x3FFC];
	_ =	sdelay $0x3  }
0x94: {  	_ =	strace s3  }
0x95: {  	s3 =	sld [smem:$0x3FFD];
	_ =	sdelay $0x3  }
0x96: {  	_ =	strace s3  }
0x97: {  	_ =	strace $0x8FFFFFFF  }
0x98: {  	s19 =	sld [smem:$0x3FDB];
	_ =	sdelay $0x1  }
0x99: {  	s4 =	simm.s32 $_scs_section_size  }
0x9a: {  	s5 =	simm.s32 $_size__tile_overlayer_lowered;
	s6 =	simm.s32 $_tile_overlayer_lowered  }
0x9b: {  	s22 =	simm.s32 $0x1BFF;
	s21 =	sshll.u32 s6, $0x1;
	s3 =	sadd.s32 s4, s19  }
0x9c: {  	s7 =	simm.s32 $0x0;
	s20 =	sshll.u32 s5, $0x1;
	s5 =	sadd.s32 s21, s3  }
0x9d: {  	[timem:s7], [sflag:s22] =	dma.local [hbm:s5], s20  }
0x9e: {  	_ =	swait.ge [sflag:s22], s20  }
0x9f: {  	s4 =	ssub.s32 $0x0, s20;
	[sflag:s22] =	ssyncset.done $0x0  }
0xa0: {  	[sflag:s22] =	ssyncadd.s32 s4;
	_ =	sdelay $0x1  }
0xa1: {  	s23 =	simm.s32 $0x1B8B  }
0xa2: {  	_ =	swait.ge [sflag:s23], $0x1  }
0xa3: {  	[sflag:s23] =	ssyncset.done $0x0  }
0xa4: {  	s25 =	simm.s32 $0x1B8E;
	s24 =	sld [smem:$0x3FFE];
	[sflag:s23] =	ssyncadd.s32 $0xFFFFFFFF  }
0xa5: {  	s26 =	simm.s32 $execute0_lowered;
	[smem:$0x3FD2] =	sst s25  }
0xa6: {  	s5 =	sshll.u32 s26, $0x1;
	_ =	strace $0x80000046;
	[dreg:$0x1] =	wrdreg $0xFFFFFFFF  }
0xa7: {  	s28 =	simm.s32 $_size_execute0_lowered;
	s3 =	sadd.s32 s3, s5;
	[dreg:$0x0] =	wrdreg $0x0  }
0xa8: {  	s5 =	sshll.u32 s28, $0x1;
	[dreg:$0x2] =	wrdreg s3  }
0xa9: {  	[dreg:$0x3] =	wrdreg s5  }
0xaa: {  	[dreg:$0x4] =	wrdreg $0xC0  }
0xab: {  	_ =	task [dreg:s7], $0x5FFFF  }
0xac: {  	[dreg:$0x1] =	wrdreg $0xFFFFFFFF  }
0xad: {  	[dreg:$0x0] =	wrdreg $0x60  }
0xae: {  	[dreg:$0x2] =	wrdreg s2  }
0xaf: {  	[dreg:$0x3] =	wrdreg s24  }
0xb0: {  	[dreg:$0x4] =	wrdreg $0x50000  }
0xb1: {  	[dreg:$0x5] =	wrdreg $0x9  }
0xb2: {  	_ =	task.clear_ibuf [dreg:s7], $0x6FFFF;
	_ =	strace $0x90000046  }
0xb3: {  	s29 =	simm.s32 $0x9;
	_ =	strace $0x80000048  }
0xb4: {  	_ =	swait.ge [sflag:s29], $0x1  }
0xb5: {  	[sflag:s29] =	ssyncadd.s32 $0xFFFFFFFF  }
0xb6: {  	_ =	strace $0x90000048  }
0xb7: {  	_ =	sfence  }
0xb8: {  	s30 =	sld [smem:$0x0];
	_ =	sdelay $0x2  }
0xb9: {  	s31 =	sshll.u32 s1, $0xD;
	s1 =	sshrl.u32 s1, $0x2  }
0xba: {  	s3 =	sand.u32 $0x4000, s31;
	s1 =	sadd.s32 s1, s30  }
0xbb: {  	s0 =	sor.u32 s3, s0;
	s1 =	sshll.u32 s1, $0x11  }
0xbc: {  	s0 =	sor.u32 s1, s0  }
0xbd: {  	s0 =	sadd.s32 $0x8F2B, s0  }
0xbe: {  	[sflag:s0] =	ssyncadd.remote.s32 $0x1  }
0xbf: {  	_ =	sfence.sel $0xFFFF  }
0xc0: {  	[dreg:$0x0] =	wrdreg $0xFFFFFFFF;
	(pc) =	sbr.abs _section_cstart, $3  }
0xc1: {  	[dreg:$0x1] =	wrdreg $0xFFFFFFFF  }
0xc2: {  	_ =	task.clear_ibuf [dreg:s7], $0x2FFFF;
	_ =	strace $0x9FFFFFFF  }
0xc3: {  	(tm) =	ssettm $0x7FFFFFFF  }
tec
execute0_lowered:
.L_overlay_start_1:
0x0: {  	(tag) =	ssettag $0x1  }
0x1: {  	s4 =	rddreg [dreg:$0x0]  }
0x2: {  	s0 =	srdreg.scid;
	s5 =	rddreg [dreg:$0x1]  }
0x3: {  	s8 =	stileid.u32;
	s1 =	rddreg [dreg:$0x2];
	s2 =	simm.s32 $0x0  }
0x4: {  	s11 =	simm.s32 $0x80;
	s3 =	sand.u32 $0x1, s0;
	s0 =	rddreg [dreg:$0x3]  }
0x5: {  	s12 =	simm.s32 $0x1;
	s13 =	simm.s32 $0x0;
	[smem:$0x7FF] =	sst s2  }
0x6: {  	p0 =	sne.s32 s8, $0x0;
	s6 =	sshll.u32 s3, $0x4;
	_ =	strace $0x80000047  }
0x7: {  	s10 =	ssub.s32 $0x2, s3;
	s3 =	sadd.s32 $0xCA00, s5;
	s7 =	sor.u32 s8, s6  }
0x8: {  	s6 =	sadd.s32 s6, s5;
	s31 =	sshrl.u32 s10, $0x1;
	s7 =	smul.u32 $0x500, s7  }
0x9: {  	s8 =	simm.s32 $0x2;
	s10 =	ssub.s32 s10, s31;
	s6 =	sadd.s32 $0xD000, s6  }
0xa: {  	s9 =	sadd.s32 s7, s5;
	s4 =	sadd.s32 s4, s7;
	s7 =	smax.u32 s10, $0x1  }
0xb: {  	s10 =	sshrl.u32 @!p0 s1, $0x3;
	s5 =	sadd.s32 $0x2A00, s9;
	s9 =	simm.s32 $0x2800  }
.LBB2_1:
0xc: {  	[tilespmem:s2], [sflag:$0x2] =	stream.linear.gather [hbm4b:s4+s2], $0x2780, $0x38;
	[tilespmem:$0x5278] =	vst v63  }
0xd: {  	_ =	swait.ge [sflag:s8], $0x2780  }
0xe: {  	[sflag:s8] =	ssyncset.done $0x0  }
0xf: {  	[sflag:s8] =	ssyncadd.s32 $0xFFFFD880  }
0x10: {  	[tilespmem:s9], [sflag:$0x2] =	stream.linear.gather [hbm4b:s5+s2], $0x2780, $0x38;
	[tilespmem:$0x5278] =	vst v63  }
0x11: {  	_ =	swait.ge [sflag:s8], $0x2780  }
0x12: {  	[sflag:s8] =	ssyncset.done $0x0  }
0x13: {  	s14 =	simm.s32 @!p0 $0x1C02;
	[sflag:s8] =	ssyncadd.s32 $0xFFFFD880  }
0x14: {  	[spmem:s10], [sflag:s14] =	dma.local @!p0 [hbm:s3], $0x4F0  }
0x15: {  	s14 =	simm.s32 @!p0 $0x2  }
0x16: {  	_ =	swait.ge @!p0 [sflag:s14], $0x4F0  }
0x17: {  	[sflag:s14] =	ssyncset.done @!p0 $0x0  }
0x18: {  	[sflag:s14] =	ssyncadd.s32 @!p0 $0xFFFFFB10  }
0x19: {  	s14 =	simm.s32 $0x0;
	[bflag:$0x0] =	sbarrier.arrive $0xFFFF  }
.LBB2_2:
0x1a: {  	p1 =	sne.s32 s14, $0x9C00  }
.Ltmp0:
0x1b: {  	_ = 	snop;
	(pc) =	sbr.rel @p1 .LBB2_2-.Ltmp0, $4  }
0x1c: {  	_ = 	snop  }
0x1d: {  	s15 =	sshra.s32 s14, $0x2  }
0x1e: {  	s14 =	sadd.s32 $0x200, s14;
	s16 =	sadd.s32 $0x2800, s15  }
0x1f: {  	[spmem:s1] =	stream.indirect.scatter.add.f32 [tilespmem:s16], [sflag:$0x1], $0x1, s15, s11, $0xb8;
	[tilespmem:$0x5278] =	vst v63  }
0x20: {  	_ =	swait.ge [sflag:s12], $0x80  }
0x21: {  	s14 =	simm.s32 $0x4E;
	[sflag:s12] =	ssyncset.done $0x0  }
.LBB2_4:
0x22: {  	p1 =	sne.s32 s14, $0x1;
	s14 =	sadd.s32 $0xFFFFFFFF, s14;
	[sflag:s12] =	ssyncadd.s32 $0xFFFFFF80  }
.Ltmp1:
0x23: {  	(pc) =	sbr.rel @p1 .LBB2_4-.Ltmp1, $3  }
0x24: {  	_ =	sdelay $0x1  }
0x25: {  	_ =	swait.ge [sflag:s12], $0x80  }
0x26: {  	[sflag:s12] =	ssyncset.done $0x0  }
0x27: {  	[sflag:s12] =	ssyncadd.s32 $0xFFFFFF80;
	s14 =	simm.s32 @!p0 $0x1  }
0x28: {  	s15 =	simm.s32 @!p0 $0x20;
	s16 =	simm.s32 @!p0 $0x10;
	s13 =	sadd.s32 $0x1, s13  }
0x29: {  	s17 =	simm.s32 @!p0 $0x1C02;
	[bflag:$0x0] =	sbarrier.arrive $0xFFFF;
	p1 =	sne.s32 s13, s7  }
0x2a: {  	[hbm:s6@s15], [sflag:s17] =	dma.strided @!p0 [spmem:s10@s16], $0x4F0, s14, $0x10   }
.Ltmp2:
0x2b: {  	_ = 	snop;
	(pc) =	sbr.rel @p1 .LBB2_1-.Ltmp2, $4  }
0x2c: {  	s14 =	simm.s32 @!p0 $0x2  }
0x2d: {  	_ =	swait.ge @!p0 [sflag:s14], $0x4F0  }
0x2e: {  	[sflag:s14] =	ssyncset.done @!p0 $0x0  }
0x2f: {  	[sflag:s14] =	ssyncadd.s32 @!p0 $0xFFFFFB10  }
0x30: {  	_ =	sfence.sel $0x180000  }
0x31: {  	[bflag:$0x0] =	sbarrier.arrive $0xFFFF  }
0x32: {  	_ =	strace $0x90000047  }
0x33: {  	s0 =	sadd.s32 @!p0 $0x100000, s0;
	[bflag:$0x2] =	sbarrier.arrive $0xFFFF  }
0x34: {  	[sflag:s0] =	ssyncadd.tile.s32 @!p0 $0x1;
	_ =	shalt  }
.Lfunc_end2:
_tile_overlayer_lowered:
.L_overlay_start_2:
0x35: {  	(tag) =	ssettag $0x2  }
0x36: {  	s0 =	rddreg [dreg:$0x0];
	s2 =	stileid.u32  }
0x37: {  	s1 =	rddreg [dreg:$0x1];
	p0 =	sne.s32 s2, $0x0  }
0x38: {  	s3 =	rddreg [dreg:$0x2];
	[bflag:$0x3] =	sbarrier.arrive $0xFFFF;
	s2 =	simm.s32 @!p0 $0x1C02  }
0x39: {  	[timem:s3], [sflag:s2] =	dma.local @!p0 [hbm:s0], s1  }
0x3a: {  	s0 =	simm.s32 @!p0 $0x2  }
0x3b: {  	_ =	swait.ge @!p0 [sflag:s0], s1  }
0x3c: {  	s1 =	ssub.s32 @!p0 $0x0, s1;
	[sflag:s0] =	ssyncset.done @!p0 $0x0  }
0x3d: {  	[sflag:s0] =	ssyncadd.s32 @!p0 s1  }
0x3e: {  	[bflag:$0x3] =	sbarrier.arrive $0xFFFF  }
0x3f: {  	_ =	shalt  }

// kernel: kernel.13.cloned.1.call-start
scs
__scs_entry_jumppad:
0x0: {  	(pc) =	sbr.rel $0x88, $3  }
0x1: {  	(tag) =	ssettag $0x0;
	lr =	simm.s32 $0x1  }
0x2: {  	[smem:$0x3F96] =	sst lr;
	_ =	strace $0xD0000000  }
0x3: {  	_ = 	snop  }
0x4: {  	_ = 	snop  }
0x5: {  	_ = 	snop  }
0x6: {  	_ = 	snop  }
0x7: {  	_ = 	snop  }
__scs_overlays_trampoline_lowered:
0x8: {  	[smem:$0x3FA5] =	sst s0  }
0x9: {  	[smem:$0x3FA6] =	sst s1  }
0xa: {  	[smem:$0x3FA7] =	sst s2  }
0xb: {  	[smem:$0x3FA8] =	sst s3  }
0xc: {  	[smem:$0x3FA9] =	sst s4  }
0xd: {  	[smem:$0x3FAA] =	sst s5  }
0xe: {  	[smem:$0x3FAB] =	sst s6  }
0xf: {  	[smem:$0x3FAC] =	sst s7  }
0x10: {  	[smem:$0x3FAD] =	sst s8  }
0x11: {  	[smem:$0x3FAE] =	sst s9;
	s0 =	simm.s32 @!p0 $0x0  }
0x12: {  	s1 =	sld [smem:$0x3F94];
	s0 =	simm.s32 @p0 $0x1  }
0x13: {  	[smem:$0x3FAF] =	sst s0;
	s0 =	simm.s32 @!p1 $0x0  }
0x14: {  	s2 =	sld [smem:$0x3F93];
	s0 =	simm.s32 @p1 $0x1  }
0x15: {  	[smem:$0x3FB0] =	sst s0;
	s0 =	simm.s32 @!p2 $0x0  }
0x16: {  	s3 =	sld [smem:$0x3FDB];
	s0 =	simm.s32 @p2 $0x1  }
0x17: {  	s4 =	simm.s32 $0x1BF5;
	[smem:$0x3FB2] =	sst s0  }
0x18: {  	s0 =	sld [smem:$0x3F95];
	_ =	swait.ge [sflag:s4], $0x0  }
0x19: {  	s7 =	sld [smem:$0x3F96]  }
0x1a: {  	s8 =	sadd.s32 $0xFFFFE003, lr  }
0x1b: {  	s9 =	sadd.s32 $0xFFFFFEF7, lr;
	s5 =	simm.s32 $0xFFFFFFFF;
	p2 =	slt.u32 s8, $0xFFFFF086  }
0x1c: {  	p1 =	slt.u32 s9, $0xF7A;
	s5 =	simm.s32 @!p2 $0x0  }
0x1d: {  	s5 =	simm.s32 @p1 $0x1;
	p0 =	seq.s32 s7, s2  }
0x1e: {  	s7 =	smul.u32 @!p0 $0xF7A, s2;
	p2 =	seq.s32 @!p0 s5, $0x0  }
0x1f: {  	s9 =	smul.u32 $0xF7A, s1;
	s8 =	simm.s32 @!p0 $0x1BF5;
	p2 =	por !p2, p0  }
0x20: {  	[sflag:s8] =	ssyncset.s32 @!p0 $0xFFFFF086;
	s6 =	sadd.s32 @!p0 s3, s7;
	s7 =	simm.s32 @!p0 $0x108  }
0x21: {  	s3 =	sadd.s32 s3, s9;
	s6 =	sadd.s32 @!p0 $0x88, s6;
	s7 =	simm.s32 @p2 $0x1082  }
0x22: {  	[simem:s7], [sflag:s8] =	dma.local @!p0 [hbm:s6], $0xF7A  }
0x23: {  	s9 =	sor.u32 $0xD0000000, s2;
	s6 =	simm.s32 $0x108;
	_ =	swait.ge @!p0 [sflag:s8], $0x0  }
0x24: {  	s3 =	sadd.s32 $0x88, s3;
	s6 =	simm.s32 @!p1 $0x1082;
	[sflag:s4] =	ssyncset.s32 $0xFFFFF086  }
0x25: {  	[simem:s6], [sflag:s4] =	dma.local [hbm:s3], $0xF7A  }
0x26: {  	[smem:$0x3F96] =	sst s1;
	(tag) =	ssettag s2;
	_ =	strace s9  }
0x27: {  	s1 =	sld [smem:$0x3FA6]  }
0x28: {  	s2 =	sld [smem:$0x3FA7]  }
0x29: {  	s4 =	sld [smem:$0x3FA9]  }
0x2a: {  	p0 =	seq.s32 s5, $0x0;
	s5 =	sld [smem:$0x3FAA]  }
0x2b: {  	s6 =	sld [smem:$0x3FAB]  }
0x2c: {  	s7 =	sld [smem:$0x3FAC]  }
0x2d: {  	s3 =	simm.s32 $0x108;
	s8 =	sld [smem:$0x3FAD]  }
0x2e: {  	s3 =	simm.s32 @!p0 $0x1082;
	s9 =	sld [smem:$0x3FAE]  }
0x2f: {  	lr =	sadd.s32 s0, s3;
	s0 =	sld [smem:$0x3FA5]  }
0x30: {  	s3 =	sld [smem:$0x3FA8]  }
0x31: {  	[smem:$0x3FB1] =	sst s10  }
0x32: {  	s10 =	sld [smem:$0x3FAF];
	_ =	sdelay $0x3  }
0x33: {  	p0 =	seq.s32 s10, $0x1;
	s10 =	sld [smem:$0x3FB1];
	_ =	sdelay $0x3  }
0x34: {  	[smem:$0x3FB1] =	sst s10  }
0x35: {  	s10 =	sld [smem:$0x3FB0];
	_ =	sdelay $0x3  }
0x36: {  	p1 =	seq.s32 s10, $0x1;
	s10 =	sld [smem:$0x3FB1];
	_ =	sdelay $0x3  }
0x37: {  	[smem:$0x3FB1] =	sst s10  }
0x38: {  	s10 =	sld [smem:$0x3FB2]  }
0x39: {  	_ = 	snop;
	(pc) =	sbr.ind lr, $3  }
0x3a: {  	_ = 	snop  }
0x3b: {  	_ = 	snop  }
0x3c: {  	p2 =	seq.s32 s10, $0x1;
	s10 =	sld [smem:$0x3FB1]  }
0x3d: {  	_ =	shalt  }
0x3e: {  	_ =	shalt  }
0x3f: {  	_ =	shalt  }
0x40: {  	_ =	shalt  }
0x41: {  	_ =	shalt  }
0x42: {  	_ =	shalt  }
0x43: {  	_ =	shalt  }
0x44: {  	_ =	shalt  }
0x45: {  	_ =	shalt  }
0x46: {  	_ =	shalt  }
0x47: {  	_ =	shalt  }
0x48: {  	_ =	shalt  }
0x49: {  	_ =	shalt  }
0x4a: {  	_ =	shalt  }
0x4b: {  	_ =	shalt  }
0x4c: {  	_ =	shalt  }
0x4d: {  	_ =	shalt  }
0x4e: {  	_ =	shalt  }
0x4f: {  	_ =	shalt  }
0x50: {  	_ =	shalt  }
0x51: {  	_ =	shalt  }
0x52: {  	_ =	shalt  }
0x53: {  	_ =	shalt  }
0x54: {  	_ =	shalt  }
0x55: {  	_ =	shalt  }
0x56: {  	_ =	shalt  }
0x57: {  	_ =	shalt  }
0x58: {  	_ =	shalt  }
0x59: {  	_ =	shalt  }
0x5a: {  	_ =	shalt  }
0x5b: {  	_ =	shalt  }
0x5c: {  	_ =	shalt  }
0x5d: {  	_ =	shalt  }
0x5e: {  	_ =	shalt  }
0x5f: {  	_ =	shalt  }
0x60: {  	_ =	shalt  }
0x61: {  	_ =	shalt  }
0x62: {  	_ =	shalt  }
0x63: {  	_ =	shalt  }
0x64: {  	_ =	shalt  }
0x65: {  	_ =	shalt  }
0x66: {  	_ =	shalt  }
0x67: {  	_ =	shalt  }
0x68: {  	_ =	shalt  }
0x69: {  	_ =	shalt  }
0x6a: {  	_ =	shalt  }
0x6b: {  	_ =	shalt  }
0x6c: {  	_ =	shalt  }
0x6d: {  	_ =	shalt  }
0x6e: {  	_ =	shalt  }
0x6f: {  	_ =	shalt  }
0x70: {  	_ =	shalt  }
0x71: {  	_ =	shalt  }
0x72: {  	_ =	shalt  }
0x73: {  	_ =	shalt  }
0x74: {  	_ =	shalt  }
0x75: {  	_ =	shalt  }
0x76: {  	_ =	shalt  }
0x77: {  	_ =	shalt  }
0x78: {  	_ =	shalt  }
0x79: {  	_ =	shalt  }
0x7a: {  	_ =	shalt  }
0x7b: {  	_ =	shalt  }
0x7c: {  	_ =	shalt  }
0x7d: {  	_ =	shalt  }
0x7e: {  	_ =	shalt  }
0x7f: {  	_ =	shalt  }
0x80: {  	_ =	shalt  }
0x81: {  	_ =	shalt  }
0x82: {  	_ =	shalt  }
0x83: {  	_ =	shalt  }
0x84: {  	_ =	shalt  }
0x85: {  	_ =	shalt  }
0x86: {  	_ =	shalt  }
0x87: {  	_ =	shalt  }
.Lfunc_end0:
.L_simem_size_0:
called_computation.1_lowered:
.L_overlay_start_0:
0x88: {  	s2 =	sld [smem:$0x3FD9]  }
0x89: {  	s3 =	sld [smem:$0x3FFE];
	_ =	sdelay $0x1  }
0x8a: {  	s1 =	srdreg.scid  }
0x8b: {  	s0 =	sand.u32 $0x1, s1  }
0x8c: {  	s17 =	sshll.u32 s0, $0xA;
	s2 =	sadd.s32 s3, s2  }
0x8d: {  	s2 =	sadd.s32 s2, s17  }
0x8e: {  	[smem:$0x3FBD] =	sst s2  }
0x8f: {  	_ = 	snop  }
0x90: {  	s2 =	sld [smem:$0x3FD0];
	(tm) =	ssettm $0x1  }
0x91: {  	s18 =	sld [smem:$0x3FFB];
	_ =	sdelay $0x3  }
0x92: {  	_ =	strace s18  }
0x93: {  	s3 =	sld [smem:$0x3FFC];
	_ =	sdelay $0x3  }
0x94: {  	_ =	strace s3  }
0x95: {  	s3 =	sld [smem:$0x3FFD];
	_ =	sdelay $0x3  }
0x96: {  	_ =	strace s3  }
0x97: {  	_ =	strace $0x8FFFFFFF  }
0x98: {  	s19 =	sld [smem:$0x3FDB];
	_ =	sdelay $0x1  }
0x99: {  	s4 =	simm.s32 $_scs_section_size  }
0x9a: {  	s5 =	simm.s32 $_size__tile_overlayer_lowered;
	s6 =	simm.s32 $_tile_overlayer_lowered  }
0x9b: {  	s22 =	simm.s32 $0x1BFF;
	s21 =	sshll.u32 s6, $0x1;
	s3 =	sadd.s32 s4, s19  }
0x9c: {  	s7 =	simm.s32 $0x0;
	s20 =	sshll.u32 s5, $0x1;
	s5 =	sadd.s32 s21, s3  }
0x9d: {  	[timem:s7], [sflag:s22] =	dma.local [hbm:s5], s20  }
0x9e: {  	_ =	swait.ge [sflag:s22], s20  }
0x9f: {  	s4 =	ssub.s32 $0x0, s20;
	[sflag:s22] =	ssyncset.done $0x0  }
0xa0: {  	[sflag:s22] =	ssyncadd.s32 s4;
	_ =	sdelay $0x1  }
0xa1: {  	s23 =	simm.s32 $0x1B8B  }
0xa2: {  	_ =	swait.ge [sflag:s23], $0x1  }
0xa3: {  	[sflag:s23] =	ssyncset.done $0x0  }
0xa4: {  	s25 =	simm.s32 $0x1B8E;
	s24 =	sld [smem:$0x3FFE];
	[sflag:s23] =	ssyncadd.s32 $0xFFFFFFFF  }
0xa5: {  	s26 =	simm.s32 $execute0_lowered;
	[smem:$0x3FD2] =	sst s25  }
0xa6: {  	s5 =	sshll.u32 s26, $0x1;
	_ =	strace $0x80000049;
	[dreg:$0x1] =	wrdreg $0xFFFFFFFF  }
0xa7: {  	s28 =	simm.s32 $_size_execute0_lowered;
	s3 =	sadd.s32 s3, s5;
	[dreg:$0x0] =	wrdreg $0x0  }
0xa8: {  	s5 =	sshll.u32 s28, $0x1;
	[dreg:$0x2] =	wrdreg s3  }
0xa9: {  	[dreg:$0x3] =	wrdreg s5  }
0xaa: {  	[dreg:$0x4] =	wrdreg $0xC0  }
0xab: {  	_ =	task [dreg:s7], $0x5FFFF  }
0xac: {  	[dreg:$0x1] =	wrdreg $0xFFFFFFFF  }
0xad: {  	[dreg:$0x0] =	wrdreg $0x60  }
0xae: {  	[dreg:$0x2] =	wrdreg s24  }
0xaf: {  	[dreg:$0x3] =	wrdreg s2  }
0xb0: {  	[dreg:$0x4] =	wrdreg $0x41800  }
0xb1: {  	[dreg:$0x5] =	wrdreg $0x9  }
0xb2: {  	_ =	task.clear_ibuf [dreg:s7], $0x6FFFF;
	_ =	strace $0x90000049  }
0xb3: {  	s29 =	simm.s32 $0x9;
	_ =	strace $0x8000004B  }
0xb4: {  	_ =	swait.ge [sflag:s29], $0x1  }
0xb5: {  	[sflag:s29] =	ssyncadd.s32 $0xFFFFFFFF  }
0xb6: {  	_ =	strace $0x9000004B  }
0xb7: {  	_ =	sfence  }
0xb8: {  	s30 =	sld [smem:$0x0];
	_ =	sdelay $0x2  }
0xb9: {  	s31 =	sshll.u32 s1, $0xD;
	s1 =	sshrl.u32 s1, $0x2  }
0xba: {  	s3 =	sand.u32 $0x4000, s31;
	s1 =	sadd.s32 s1, s30  }
0xbb: {  	s0 =	sor.u32 s3, s0;
	s1 =	sshll.u32 s1, $0x11  }
0xbc: {  	s0 =	sor.u32 s1, s0  }
0xbd: {  	s0 =	sadd.s32 $0x8F2B, s0  }
0xbe: {  	[sflag:s0] =	ssyncadd.remote.s32 $0x1  }
0xbf: {  	_ =	sfence.sel $0xFFFF  }
0xc0: {  	[dreg:$0x0] =	wrdreg $0xFFFFFFFF;
	(pc) =	sbr.abs _section_cstart, $3  }
0xc1: {  	[dreg:$0x1] =	wrdreg $0xFFFFFFFF  }
0xc2: {  	_ =	task.clear_ibuf [dreg:s7], $0x2FFFF;
	_ =	strace $0x9FFFFFFF  }
0xc3: {  	(tm) =	ssettm $0x7FFFFFFF  }
tec
execute0_lowered:
.L_overlay_start_1:
0x0: {  	(tag) =	ssettag $0x1  }
0x1: {  	s8 =	rddreg [dreg:$0x0]  }
0x2: {  	s2 =	rddreg [dreg:$0x1];
	s0 =	stileid.u32  }
0x3: {  	s1 =	srdreg.scid;
	s3 =	rddreg [dreg:$0x2];
	s4 =	simm.s32 $0x0  }
0x4: {  	s15 =	simm.s32 $0x100;
	s16 =	simm.s32 $0x3;
	s17 =	simm.s32 $0x180  }
0x5: {  	s18 =	simm.s32 $0x1;
	s10 =	sand.u32 $0x1, s1;
	s1 =	rddreg [dreg:$0x3]  }
0x6: {  	s19 =	simm.s32 $0x2;
	s9 =	smul.u32 $0x3E80, s0;
	[smem:$0x7FF] =	sst s4  }
0x7: {  	s12 =	smul.u32 $0x1F400, s0;
	s5 =	sadd.s32 $0x21600, s8;
	s6 =	sadd.s32 $0x17800, s8  }
0x8: {  	s7 =	sadd.s32 $0xDA00, s8;
	s13 =	smul.u32 $0x7D000, s0;
	p0 =	sgt.u32 s0, $0x9  }
0x9: {  	s11 =	smul.u32 $0x138800, s10;
	_ =	strace $0x8000004A;
	s29 =	ssub.s32 $0x2, s10  }
0xa: {  	v0 =	vimm.s32 $0x0;
	s10 =	sshll.u32 s10, $0x4;
	s14 =	sshll.u32 @!p0 s0, $0x6;
	s9 =	sadd.s32 s9, s8  }
0xb: {  	v1 =	vimm.s32 $0x1;
	v2 =	vimm.s32 $0x2;
	v3 =	vimm.s32 $0x3;
	s30 =	sshrl.u32 s29, $0x1;
	s31 =	sshrl.u32 s13, $0x2;
	s11 =	sadd.s32 s12, s11  }
0xc: {  	v4 =	vimm.s32 $0x4;
	v5 =	vimm.s32 $0x5;
	v6 =	vimm.s32 $0x6;
	s10 =	sor.u32 s0, s10;
	s13 =	sadd.s32 s31, s3;
	s11 =	sshrl.u32 s11, $0x3  }
0xd: {  	v7 =	vimm.s32 $0x7;
	v8 =	vimm.s32 $0x8;
	v9 =	vimm.s32 $0x9;
	s12 =	ssub.s32 s29, s30;
	s13 =	sshrl.u32 @!p0 s13, $0x3;
	s11 =	sadd.s32 s11, s8  }
0xe: {  	v10 =	vimm.s32 $0xA;
	v11 =	vimm.s32 $0xB;
	v12 =	vimm.s32 $0xC;
	s8 =	sadd.s32 $0x2B400, s9;
	s9 =	smul.u32 $0x4F, s10;
	s10 =	sadd.s32 $0x52600, s11  }
0xf: {  	v13 =	vimm.s32 $0xD;
	v14 =	vimm.s32 $0xE;
	v15 =	vimm.s32 $0xF;
	s11 =	smax.u32 s12, $0x1;
	s12 =	sor.u32 @!p0 $0x1C04, s14;
	s14 =	simm.s32 $0x80  }
.LBB2_1:
0x10: {  	[spmem:s13], [sflag:s12] =	dma.local @!p0 [hbm:s8], $0x3E80  }
0x11: {  	s20 =	simm.s32 @!p0 $0x4  }
0x12: {  	_ =	swait.ge @!p0 [sflag:s20], $0x3E80  }
0x13: {  	[sflag:s20] =	ssyncset.done @!p0 $0x0  }
0x14: {  	[sflag:s20] =	ssyncadd.s32 @!p0 $0xFFFFC180  }
0x15: {  	s20 =	simm.s32 $0x0;
	[bflag:$0x0] =	sbarrier.arrive $0xFFFF  }
.LBB2_2:
0x16: {  	s21 =	sadd.s32 s9, s20  }
0x17: {  	s22 =	sshll.u32 s21, $0x4  }
0x18: {  	s21 =	simm.s32 $0x0;
	s23 =	sadd.s32 s5, s22  }
0x19: {  	[tilespmem:s21], [sflag:$0x3] =	stream.linear.gather [hbm4b:s23+s21], $0x80, $0x38;
	[tilespmem:$0x17A00] =	vst v63  }
0x1a: {  	s31 =	sadd.s32 s7, s22  }
0x1b: {  	[tilespmem:s14], [sflag:$0x3] =	stream.linear.gather [hbm4b:s31+s21], $0x80, $0x38;
	[tilespmem:$0x17A00] =	vst v63  }
0x1c: {  	s22 =	sadd.s32 s6, s22  }
0x1d: {  	[tilespmem:s15], [sflag:$0x3] =	stream.linear.gather [hbm4b:s22+s21], $0x80, $0x38;
	[tilespmem:$0x17A00] =	vst v63  }
0x1e: {  	_ =	swait.ge [sflag:s16], $0x80  }
0x1f: {  	[sflag:s16] =	ssyncset.done $0x0  }
0x20: {  	[sflag:s16] =	ssyncadd.s32 $0xFFFFFF80  }
0x21: {  	_ =	swait.ge [sflag:s16], $0x80  }
0x22: {  	[sflag:s16] =	ssyncset.done $0x0  }
0x23: {  	[sflag:s16] =	ssyncadd.s32 $0xFFFFFF80  }
0x24: {  	_ =	swait.ge [sflag:s16], $0x80  }
0x25: {  	[sflag:s16] =	ssyncset.done $0x0  }
0x26: {  	[sflag:s16] =	ssyncadd.s32 $0xFFFFFF80  }
0x27: {  	[tilespmem:s17], [sflag:$0x1] =	stream.indirect.gather [hbm4b:s2+s14], $0x80, s21, s14, $0xb8;
	[tilespmem:$0x17A00] =	vst v63  }
0x28: {  	_ =	swait.ge [sflag:s18], $0x4000  }
0x29: {  	[sflag:s18] =	ssyncset.done $0x0  }
0x2a: {  	[sflag:s18] =	ssyncadd.s32 $0xFFFFC000  }
.LBB2_3:
0x2b: {  	s22 =	sshll.u32 s21, $0x4  }
0x2c: {  	s22 =	sand.u32 $0x3FFFFFF0, s22  }
0x2d: {  	s31 =	sshll.u32 s21, $0xB;
	v16 =	vld [tilespmem:s22+$0x80]  }
0x2e: {  	s22 =	sand.u32 $0x3FFFF800, s31  }
0x2f: {  	v17 =	vld [tilespmem:s22+$0x180]  }
0x30: {  	v18 =	vld [tilespmem:s22+$0x190]  }
0x31: {  	v19 =	vld [tilespmem:s22+$0x1A0]  }
0x32: {  	v21 =	vld [tilespmem:s22+$0x1B0];
	v20 =	vperm.xlane v16, v0  }
0x33: {  	v22 =	vld [tilespmem:s22+$0x1C0]  }
0x34: {  	v23 =	vld [tilespmem:s22+$0x1D0];
	v17 =	vmul.f32 v17, v20  }
0x35: {  	v24 =	vld [tilespmem:s22+$0x1E0];
	v18 =	vmul.f32 v18, v20  }
0x36: {  	v48 =	vld [tilespmem:s22+$0x1F0];
	[tilespmem:s22+$0x180] =	vst v17;
	v17 =	vmul.f32 v19, v20  }
0x37: {  	v50 =	vld [tilespmem:s22+$0x200];
	v49 =	vmul.f32 v21, v20;
	[tilespmem:s22+$0x190] =	vst v18  }
0x38: {  	v51 =	vld [tilespmem:s22+$0x210];
	[tilespmem:s22+$0x1A0] =	vst v17;
	v17 =	vmul.f32 v22, v20  }
0x39: {  	v53 =	vld [tilespmem:s22+$0x220];
	v52 =	vmul.f32 v23, v20;
	[tilespmem:s22+$0x1B0] =	vst v49  }
0x3a: {  	v25 =	vld [tilespmem:s22+$0x230];
	v54 =	vperm.xlane v16, v1;
	[tilespmem:s22+$0x1C0] =	vst v17;
	v17 =	vmul.f32 v24, v20  }
0x3b: {  	v56 =	vld [tilespmem:s22+$0x240];
	v55 =	vmul.f32 v48, v20;
	[tilespmem:s22+$0x1D0] =	vst v52  }
0x3c: {  	v57 =	vld [tilespmem:s22+$0x250];
	[tilespmem:s22+$0x1E0] =	vst v17;
	v17 =	vmul.f32 v50, v54  }
0x3d: {  	v59 =	vld [tilespmem:s22+$0x260];
	v58 =	vmul.f32 v51, v54;
	[tilespmem:s22+$0x1F0] =	vst v55  }
0x3e: {  	v60 =	vld [tilespmem:s22+$0x270];
	[tilespmem:s22+$0x200] =	vst v17;
	v17 =	vmul.f32 v53, v54  }
0x3f: {  	v62 =	vld [tilespmem:s22+$0x280];
	v61 =	vmul.f32 v25, v54;
	[tilespmem:s22+$0x210] =	vst v58  }
0x40: {  	v63 =	vld [tilespmem:s22+$0x290];
	[tilespmem:s22+$0x220] =	vst v17;
	v17 =	vmul.f32 v56, v54  }
0x41: {  	v29 =	vld [tilespmem:s22+$0x2A0];
	v28 =	vmul.f32 v57, v54;
	[tilespmem:s22+$0x230] =	vst v61  }
0x42: {  	v31 =	vld [tilespmem:s22+$0x2B0];
	v30 =	vperm.xlane v16, v2;
	[tilespmem:s22+$0x240] =	vst v17;
	v17 =	vmul.f32 v59, v54  }
0x43: {  	v33 =	vld [tilespmem:s22+$0x2C0];
	v32 =	vmul.f32 v60, v54;
	[tilespmem:s22+$0x250] =	vst v28  }
0x44: {  	v34 =	vld [tilespmem:s22+$0x2D0];
	[tilespmem:s22+$0x260] =	vst v17;
	v17 =	vmul.f32 v62, v30  }
0x45: {  	v36 =	vld [tilespmem:s22+$0x2E0];
	v35 =	vmul.f32 v63, v30;
	[tilespmem:s22+$0x270] =	vst v32  }
0x46: {  	v37 =	vld [tilespmem:s22+$0x2F0];
	[tilespmem:s22+$0x280] =	vst v17;
	v17 =	vmul.f32 v29, v30  }
0x47: {  	v39 =	vld [tilespmem:s22+$0x300];
	v38 =	vmul.f32 v31, v30;
	[tilespmem:s22+$0x290] =	vst v35  }
0x48: {  	v40 =	vld [tilespmem:s22+$0x310];
	[tilespmem:s22+$0x2A0] =	vst v17;
	v17 =	vmul.f32 v33, v30  }
0x49: {  	v42 =	vld [tilespmem:s22+$0x320];
	v41 =	vmul.f32 v34, v30;
	[tilespmem:s22+$0x2B0] =	vst v38  }
0x4a: {  	v44 =	vld [tilespmem:s22+$0x330];
	v43 =	vperm.xlane v16, v3;
	[tilespmem:s22+$0x2C0] =	vst v17;
	v17 =	vmul.f32 v36, v30  }
0x4b: {  	v46 =	vld [tilespmem:s22+$0x340];
	v45 =	vmul.f32 v37, v30;
	[tilespmem:s22+$0x2D0] =	vst v41  }
0x4c: {  	v50 =	vld [tilespmem:s22+$0x370];
	[tilespmem:s22+$0x2E0] =	vst v17;
	v17 =	vmul.f32 v39, v43  }
0x4d: {  	v48 =	vmul.f32 v40, v43;
	[tilespmem:s22+$0x2F0] =	vst v45;
	v49 =	vld [tilespmem:s22+$0x360]  }
0x4e: {  	v47 =	vld [tilespmem:s22+$0x350];
	[tilespmem:s22+$0x300] =	vst v17;
	v17 =	vmul.f32 v42, v43  }
0x4f: {  	v51 =	vmul.f32 v44, v43;
	[tilespmem:s22+$0x310] =	vst v48;
	v52 =	vld [tilespmem:s22+$0x380]  }
0x50: {  	v57 =	vld [tilespmem:s22+$0x3B0];
	[tilespmem:s22+$0x320] =	vst v17;
	v17 =	vmul.f32 v46, v43  }
0x51: {  	[tilespmem:s22+$0x330] =	vst v51;
	v55 =	vld [tilespmem:s22+$0x3A0];
	v58 =	vmul.f32 v50, v43  }
0x52: {  	v60 =	vld [tilespmem:s22+$0x3D0];
	v56 =	vperm.xlane v16, v4;
	[tilespmem:s22+$0x340] =	vst v17;
	v17 =	vmul.f32 v49, v43  }
0x53: {  	v54 =	vmul.f32 v47, v43;
	v59 =	vld [tilespmem:s22+$0x3C0];
	[tilespmem:s22+$0x370] =	vst v58  }
0x54: {  	v63 =	vld [tilespmem:s22+$0x3F0];
	[tilespmem:s22+$0x360] =	vst v17;
	v17 =	vmul.f32 v52, v56  }
0x55: {  	v28 =	vmul.f32 v57, v56;
	[tilespmem:s22+$0x350] =	vst v54;
	v62 =	vld [tilespmem:s22+$0x3E0]  }
0x56: {  	v53 =	vld [tilespmem:s22+$0x390];
	[tilespmem:s22+$0x380] =	vst v17;
	v17 =	vmul.f32 v55, v56  }
0x57: {  	v31 =	vmul.f32 v60, v56;
	[tilespmem:s22+$0x3B0] =	vst v28;
	v29 =	vld [tilespmem:s22+$0x400]  }
0x58: {  	v34 =	vld [tilespmem:s22+$0x430];
	[tilespmem:s22+$0x3A0] =	vst v17;
	v17 =	vmul.f32 v59, v56  }
0x59: {  	v32 =	vld [tilespmem:s22+$0x420];
	v35 =	vmul.f32 v63, v56;
	[tilespmem:s22+$0x3D0] =	vst v31  }
0x5a: {  	v37 =	vld [tilespmem:s22+$0x450];
	v33 =	vperm.xlane v16, v5;
	[tilespmem:s22+$0x3C0] =	vst v17;
	v17 =	vmul.f32 v62, v56  }
0x5b: {  	v61 =	vmul.f32 v53, v56;
	[tilespmem:s22+$0x3F0] =	vst v35;
	v36 =	vld [tilespmem:s22+$0x440]  }
0x5c: {  	v40 =	vld [tilespmem:s22+$0x470];
	[tilespmem:s22+$0x3E0] =	vst v17;
	v17 =	vmul.f32 v29, v33  }
0x5d: {  	[tilespmem:s22+$0x390] =	vst v61;
	v41 =	vmul.f32 v34, v33;
	v39 =	vld [tilespmem:s22+$0x460]  }
0x5e: {  	v30 =	vld [tilespmem:s22+$0x410];
	[tilespmem:s22+$0x400] =	vst v17;
	v17 =	vmul.f32 v32, v33  }
0x5f: {  	v44 =	vmul.f32 v37, v33;
	[tilespmem:s22+$0x430] =	vst v41;
	v42 =	vld [tilespmem:s22+$0x480]  }
0x60: {  	v47 =	vld [tilespmem:s22+$0x4B0];
	[tilespmem:s22+$0x420] =	vst v17;
	v17 =	vmul.f32 v36, v33  }
0x61: {  	v45 =	vld [tilespmem:s22+$0x4A0];
	v48 =	vmul.f32 v40, v33;
	[tilespmem:s22+$0x450] =	vst v44  }
0x62: {  	v50 =	vld [tilespmem:s22+$0x4D0];
	v46 =	vperm.xlane v16, v6;
	[tilespmem:s22+$0x440] =	vst v17;
	v17 =	vmul.f32 v39, v33  }
0x63: {  	[tilespmem:s22+$0x470] =	vst v48;
	v38 =	vmul.f32 v30, v33;
	v49 =	vld [tilespmem:s22+$0x4C0]  }
0x64: {  	v53 =	vld [tilespmem:s22+$0x4F0];
	[tilespmem:s22+$0x460] =	vst v17;
	v17 =	vmul.f32 v42, v46  }
0x65: {  	[tilespmem:s22+$0x410] =	vst v38;
	v54 =	vmul.f32 v47, v46;
	v52 =	vld [tilespmem:s22+$0x4E0]  }
0x66: {  	v43 =	vld [tilespmem:s22+$0x490];
	[tilespmem:s22+$0x480] =	vst v17;
	v17 =	vmul.f32 v45, v46  }
0x67: {  	v57 =	vmul.f32 v50, v46;
	[tilespmem:s22+$0x4B0] =	vst v54;
	v55 =	vld [tilespmem:s22+$0x500]  }
0x68: {  	v60 =	vld [tilespmem:s22+$0x530];
	[tilespmem:s22+$0x4A0] =	vst v17;
	v17 =	vmul.f32 v49, v46  }
0x69: {  	v58 =	vld [tilespmem:s22+$0x520];
	v61 =	vmul.f32 v53, v46;
	[tilespmem:s22+$0x4D0] =	vst v57  }
0x6a: {  	v63 =	vld [tilespmem:s22+$0x550];
	v59 =	vperm.xlane v16, v7;
	[tilespmem:s22+$0x4C0] =	vst v17;
	v17 =	vmul.f32 v52, v46  }
0x6b: {  	[tilespmem:s22+$0x4F0] =	vst v61;
	v51 =	vmul.f32 v43, v46;
	v62 =	vld [tilespmem:s22+$0x540]  }
0x6c: {  	v30 =	vld [tilespmem:s22+$0x570];
	[tilespmem:s22+$0x4E0] =	vst v17;
	v17 =	vmul.f32 v55, v59  }
0x6d: {  	[tilespmem:s22+$0x490] =	vst v51;
	v31 =	vmul.f32 v60, v59;
	v29 =	vld [tilespmem:s22+$0x560]  }
0x6e: {  	v56 =	vld [tilespmem:s22+$0x510];
	[tilespmem:s22+$0x500] =	vst v17;
	v17 =	vmul.f32 v58, v59  }
0x6f: {  	v34 =	vmul.f32 v63, v59;
	[tilespmem:s22+$0x530] =	vst v31;
	v32 =	vld [tilespmem:s22+$0x580]  }
0x70: {  	v37 =	vld [tilespmem:s22+$0x5B0];
	[tilespmem:s22+$0x520] =	vst v17;
	v17 =	vmul.f32 v62, v59  }
0x71: {  	v35 =	vld [tilespmem:s22+$0x5A0];
	v38 =	vmul.f32 v30, v59;
	[tilespmem:s22+$0x550] =	vst v34  }
0x72: {  	v40 =	vld [tilespmem:s22+$0x5D0];
	v36 =	vperm.xlane v16, v8;
	[tilespmem:s22+$0x540] =	vst v17;
	v17 =	vmul.f32 v29, v59  }
0x73: {  	[tilespmem:s22+$0x570] =	vst v38;
	v28 =	vmul.f32 v56, v59;
	v39 =	vld [tilespmem:s22+$0x5C0]  }
0x74: {  	v43 =	vld [tilespmem:s22+$0x5F0];
	[tilespmem:s22+$0x560] =	vst v17;
	v17 =	vmul.f32 v32, v36  }
0x75: {  	[tilespmem:s22+$0x510] =	vst v28;
	v44 =	vmul.f32 v37, v36;
	v42 =	vld [tilespmem:s22+$0x5E0]  }
0x76: {  	v33 =	vld [tilespmem:s22+$0x590];
	[tilespmem:s22+$0x580] =	vst v17;
	v17 =	vmul.f32 v35, v36  }
0x77: {  	v47 =	vmul.f32 v40, v36;
	[tilespmem:s22+$0x5B0] =	vst v44;
	v45 =	vld [tilespmem:s22+$0x600]  }
0x78: {  	v50 =	vld [tilespmem:s22+$0x630];
	[tilespmem:s22+$0x5A0] =	vst v17;
	v17 =	vmul.f32 v39, v36  }
0x79: {  	v48 =	vld [tilespmem:s22+$0x620];
	v51 =	vmul.f32 v43, v36;
	[tilespmem:s22+$0x5D0] =	vst v47  }
0x7a: {  	v53 =	vld [tilespmem:s22+$0x650];
	v49 =	vperm.xlane v16, v9;
	[tilespmem:s22+$0x5C0] =	vst v17;
	v17 =	vmul.f32 v42, v36  }
0x7b: {  	[tilespmem:s22+$0x5F0] =	vst v51;
	v41 =	vmul.f32 v33, v36;
	v52 =	vld [tilespmem:s22+$0x640]  }
0x7c: {  	v56 =	vld [tilespmem:s22+$0x670];
	[tilespmem:s22+$0x5E0] =	vst v17;
	v17 =	vmul.f32 v45, v49  }
0x7d: {  	[tilespmem:s22+$0x590] =	vst v41;
	v57 =	vmul.f32 v50, v49;
	v55 =	vld [tilespmem:s22+$0x660]  }
0x7e: {  	v46 =	vld [tilespmem:s22+$0x610];
	[tilespmem:s22+$0x600] =	vst v17;
	v17 =	vmul.f32 v48, v49  }
0x7f: {  	v60 =	vmul.f32 v53, v49;
	[tilespmem:s22+$0x630] =	vst v57;
	v58 =	vld [tilespmem:s22+$0x680]  }
0x80: {  	v63 =	vld [tilespmem:s22+$0x6B0];
	[tilespmem:s22+$0x620] =	vst v17;
	v17 =	vmul.f32 v52, v49  }
0x81: {  	v61 =	vld [tilespmem:s22+$0x6A0];
	v28 =	vmul.f32 v56, v49;
	[tilespmem:s22+$0x650] =	vst v60  }
0x82: {  	v30 =	vld [tilespmem:s22+$0x6D0];
	v62 =	vperm.xlane v16, v10;
	[tilespmem:s22+$0x640] =	vst v17;
	v17 =	vmul.f32 v55, v49  }
0x83: {  	[tilespmem:s22+$0x670] =	vst v28;
	v54 =	vmul.f32 v46, v49;
	v29 =	vld [tilespmem:s22+$0x6C0]  }
0x84: {  	v33 =	vld [tilespmem:s22+$0x6F0];
	[tilespmem:s22+$0x660] =	vst v17;
	v17 =	vmul.f32 v58, v62  }
0x85: {  	[tilespmem:s22+$0x610] =	vst v54;
	v34 =	vmul.f32 v63, v62;
	v32 =	vld [tilespmem:s22+$0x6E0]  }
0x86: {  	v59 =	vld [tilespmem:s22+$0x690];
	[tilespmem:s22+$0x680] =	vst v17;
	v17 =	vmul.f32 v61, v62  }
0x87: {  	v37 =	vmul.f32 v30, v62;
	[tilespmem:s22+$0x6B0] =	vst v34;
	v35 =	vld [tilespmem:s22+$0x700]  }
0x88: {  	v40 =	vld [tilespmem:s22+$0x730];
	[tilespmem:s22+$0x6A0] =	vst v17;
	v17 =	vmul.f32 v29, v62  }
0x89: {  	v38 =	vld [tilespmem:s22+$0x720];
	v41 =	vmul.f32 v33, v62;
	[tilespmem:s22+$0x6D0] =	vst v37  }
0x8a: {  	v43 =	vld [tilespmem:s22+$0x750];
	v39 =	vperm.xlane v16, v11;
	[tilespmem:s22+$0x6C0] =	vst v17;
	v17 =	vmul.f32 v32, v62  }
0x8b: {  	[tilespmem:s22+$0x6F0] =	vst v41;
	v31 =	vmul.f32 v59, v62;
	v42 =	vld [tilespmem:s22+$0x740]  }
0x8c: {  	v46 =	vld [tilespmem:s22+$0x770];
	[tilespmem:s22+$0x6E0] =	vst v17;
	v17 =	vmul.f32 v35, v39  }
0x8d: {  	[tilespmem:s22+$0x690] =	vst v31;
	v47 =	vmul.f32 v40, v39;
	v45 =	vld [tilespmem:s22+$0x760]  }
0x8e: {  	v36 =	vld [tilespmem:s22+$0x710];
	[tilespmem:s22+$0x700] =	vst v17;
	v17 =	vmul.f32 v38, v39  }
0x8f: {  	v50 =	vmul.f32 v43, v39;
	[tilespmem:s22+$0x730] =	vst v47;
	v48 =	vld [tilespmem:s22+$0x780]  }
0x90: {  	v53 =	vld [tilespmem:s22+$0x7B0];
	[tilespmem:s22+$0x720] =	vst v17;
	v17 =	vmul.f32 v42, v39  }
0x91: {  	v51 =	vld [tilespmem:s22+$0x7A0];
	v54 =	vmul.f32 v46, v39;
	[tilespmem:s22+$0x750] =	vst v50  }
0x92: {  	v56 =	vld [tilespmem:s22+$0x7D0];
	v52 =	vperm.xlane v16, v12;
	[tilespmem:s22+$0x740] =	vst v17;
	v17 =	vmul.f32 v45, v39  }
0x93: {  	[tilespmem:s22+$0x770] =	vst v54;
	v44 =	vmul.f32 v36, v39;
	v55 =	vld [tilespmem:s22+$0x7C0]  }
0x94: {  	v59 =	vld [tilespmem:s22+$0x7F0];
	[tilespmem:s22+$0x760] =	vst v17;
	v17 =	vmul.f32 v48, v52  }
0x95: {  	[tilespmem:s22+$0x710] =	vst v44;
	v60 =	vmul.f32 v53, v52;
	v58 =	vld [tilespmem:s22+$0x7E0]  }
0x96: {  	v49 =	vld [tilespmem:s22+$0x790];
	[tilespmem:s22+$0x780] =	vst v17;
	v17 =	vmul.f32 v51, v52  }
0x97: {  	v63 =	vmul.f32 v56, v52;
	[tilespmem:s22+$0x7B0] =	vst v60;
	v61 =	vld [tilespmem:s22+$0x800]  }
0x98: {  	v30 =	vld [tilespmem:s22+$0x830];
	[tilespmem:s22+$0x7A0] =	vst v17;
	v17 =	vmul.f32 v55, v52  }
0x99: {  	v28 =	vld [tilespmem:s22+$0x820];
	v31 =	vmul.f32 v59, v52;
	[tilespmem:s22+$0x7D0] =	vst v63  }
0x9a: {  	v33 =	vld [tilespmem:s22+$0x850];
	v29 =	vperm.xlane v16, v13;
	[tilespmem:s22+$0x7C0] =	vst v17;
	v17 =	vmul.f32 v58, v52  }
0x9b: {  	[tilespmem:s22+$0x7F0] =	vst v31;
	v57 =	vmul.f32 v49, v52;
	v32 =	vld [tilespmem:s22+$0x840]  }
0x9c: {  	v36 =	vld [tilespmem:s22+$0x870];
	[tilespmem:s22+$0x7E0] =	vst v17;
	v17 =	vmul.f32 v61, v29  }
0x9d: {  	[tilespmem:s22+$0x790] =	vst v57;
	v37 =	vmul.f32 v30, v29;
	v35 =	vld [tilespmem:s22+$0x860]  }
0x9e: {  	v62 =	vld [tilespmem:s22+$0x810];
	[tilespmem:s22+$0x800] =	vst v17;
	v17 =	vmul.f32 v28, v29  }
0x9f: {  	v40 =	vmul.f32 v33, v29;
	[tilespmem:s22+$0x830] =	vst v37;
	v38 =	vld [tilespmem:s22+$0x880]  }
0xa0: {  	v43 =	vld [tilespmem:s22+$0x8B0];
	[tilespmem:s22+$0x820] =	vst v17;
	v17 =	vmul.f32 v32, v29  }
0xa1: {  	v41 =	vld [tilespmem:s22+$0x8A0];
	v44 =	vmul.f32 v36, v29;
	[tilespmem:s22+$0x850] =	vst v40  }
0xa2: {  	v46 =	vld [tilespmem:s22+$0x8D0];
	v42 =	vperm.xlane v16, v14;
	[tilespmem:s22+$0x840] =	vst v17;
	v17 =	vmul.f32 v35, v29  }
0xa3: {  	[tilespmem:s22+$0x870] =	vst v44;
	v34 =	vmul.f32 v62, v29;
	v45 =	vld [tilespmem:s22+$0x8C0]  }
0xa4: {  	v49 =	vld [tilespmem:s22+$0x8F0];
	[tilespmem:s22+$0x860] =	vst v17;
	v17 =	vmul.f32 v38, v42  }
0xa5: {  	[tilespmem:s22+$0x810] =	vst v34;
	v50 =	vmul.f32 v43, v42;
	v48 =	vld [tilespmem:s22+$0x8E0]  }
0xa6: {  	v39 =	vld [tilespmem:s22+$0x890];
	[tilespmem:s22+$0x880] =	vst v17;
	v17 =	vmul.f32 v41, v42  }
0xa7: {  	v53 =	vmul.f32 v46, v42;
	[tilespmem:s22+$0x8B0] =	vst v50;
	v51 =	vld [tilespmem:s22+$0x900]  }
0xa8: {  	v55 =	vld [tilespmem:s22+$0x930];
	[tilespmem:s22+$0x8A0] =	vst v17;
	v17 =	vmul.f32 v45, v42  }
0xa9: {  	v54 =	vld [tilespmem:s22+$0x920];
	v56 =	vmul.f32 v49, v42;
	[tilespmem:s22+$0x8D0] =	vst v53  }
0xaa: {  	v16 =	vperm.xlane v16, v15;
	v52 =	vld [tilespmem:s22+$0x910];
	[tilespmem:s22+$0x8C0] =	vst v17;
	v17 =	vmul.f32 v48, v42  }
0xab: {  	v57 =	vld [tilespmem:s22+$0x940];
	[tilespmem:s22+$0x8F0] =	vst v56;
	v47 =	vmul.f32 v39, v42  }
0xac: {  	v58 =	vld [tilespmem:s22+$0x950];
	[tilespmem:s22+$0x8E0] =	vst v17;
	v17 =	vmul.f32 v51, v16  }
0xad: {  	v60 =	vld [tilespmem:s22+$0x960];
	[tilespmem:s22+$0x890] =	vst v47;
	v62 =	vmul.f32 v55, v16  }
0xae: {  	v61 =	vld [tilespmem:s22+$0x970];
	[tilespmem:s22+$0x900] =	vst v17;
	v17 =	vmul.f32 v54, v16  }
0xaf: {  	v59 =	vmul.f32 v52, v16;
	[tilespmem:s22+$0x930] =	vst v62  }
0xb0: {  	p1 =	sne.s32 s21, $0x7;
	[tilespmem:s22+$0x920] =	vst v17;
	v17 =	vmul.f32 v57, v16  }
.Ltmp0:
0xb1: {  	v63 =	vmul.f32 v58, v16;
	[tilespmem:s22+$0x910] =	vst v59;
	(pc) =	sbr.rel @p1 .LBB2_3-.Ltmp0, $4  }
0xb2: {  	[tilespmem:s22+$0x940] =	vst v17;
	v17 =	vmul.f32 v60, v16  }
0xb3: {  	[tilespmem:s22+$0x950] =	vst v63;
	v16 =	vmul.f32 v61, v16  }
0xb4: {  	[tilespmem:s22+$0x960] =	vst v17  }
0xb5: {  	s21 =	sadd.s32 $0x1, s21;
	[tilespmem:s22+$0x970] =	vst v16  }
0xb6: {  	s20 =	sadd.s32 $0x1, s20  }
0xb7: {  	p1 =	sne.s32 s20, $0x4F  }
.Ltmp1:
0xb8: {  	_ = 	snop;
	(pc) =	sbr.rel @p1 .LBB2_2-.Ltmp1, $4  }
0xb9: {  	[spmem:s3] =	stream.indirect.scatter.add.f32 [tilespmem:s17], [sflag:$0x2], $0x80, s15, s14, $0xb8;
	[tilespmem:$0x17A00] =	vst v63  }
0xba: {  	_ =	swait.ge [sflag:s19], $0x4000  }
0xbb: {  	[sflag:s19] =	ssyncset.done $0x0  }
0xbc: {  	[sflag:s19] =	ssyncadd.s32 $0xFFFFC000  }
0xbd: {  	s4 =	sadd.s32 $0x1, s4  }
0xbe: {  	p1 =	sne.s32 s4, s11  }
.Ltmp2:
0xbf: {  	[bflag:$0x0] =	sbarrier.arrive $0xFFFF;
	s20 =	simm.s32 @!p0 $0x4;
	(pc) =	sbr.rel @p1 .LBB2_1-.Ltmp2, $4  }
0xc0: {  	[hbm:s10], [sflag:s12] =	dma.local @!p0 [spmem:s13], $0x3E80  }
0xc1: {  	_ =	swait.ge @!p0 [sflag:s20], $0x3E80  }
0xc2: {  	[sflag:s20] =	ssyncset.done @!p0 $0x0  }
0xc3: {  	[sflag:s20] =	ssyncadd.s32 @!p0 $0xFFFFC180  }
0xc4: {  	_ =	sfence.sel $0x180000  }
0xc5: {  	[bflag:$0x0] =	sbarrier.arrive $0xFFFF  }
0xc6: {  	p0 =	sne.s32 s0, $0x0;
	_ =	strace $0x9000004A  }
0xc7: {  	s0 =	sadd.s32 @!p0 $0x100000, s1;
	[bflag:$0x2] =	sbarrier.arrive $0xFFFF  }
0xc8: {  	[sflag:s0] =	ssyncadd.tile.s32 @!p0 $0x1;
	_ =	shalt  }
.Lfunc_end2:
_tile_overlayer_lowered:
.L_overlay_start_2:
0xc9: {  	(tag) =	ssettag $0x2  }
0xca: {  	s0 =	rddreg [dreg:$0x0];
	s2 =	stileid.u32  }
0xcb: {  	s1 =	rddreg [dreg:$0x1];
	p0 =	sne.s32 s2, $0x0  }
0xcc: {  	s3 =	rddreg [dreg:$0x2];
	[bflag:$0x3] =	sbarrier.arrive $0xFFFF;
	s2 =	simm.s32 @!p0 $0x1C04  }
0xcd: {  	[timem:s3], [sflag:s2] =	dma.local @!p0 [hbm:s0], s1  }
0xce: {  	s0 =	simm.s32 @!p0 $0x4  }
0xcf: {  	_ =	swait.ge @!p0 [sflag:s0], s1  }
0xd0: {  	s1 =	ssub.s32 @!p0 $0x0, s1;
	[sflag:s0] =	ssyncset.done @!p0 $0x0  }
0xd1: {  	[sflag:s0] =	ssyncadd.s32 @!p0 s1  }
0xd2: {  	[bflag:$0x3] =	sbarrier.arrive $0xFFFF  }
0xd3: {  	_ =	shalt  }

// kernel: kernel.16.cloned.1.call-start
scs
__scs_entry_jumppad:
0x0: {  	(pc) =	sbr.rel $0x88, $3  }
0x1: {  	(tag) =	ssettag $0x0;
	lr =	simm.s32 $0x1  }
0x2: {  	[smem:$0x3F96] =	sst lr;
	_ =	strace $0xD0000000  }
0x3: {  	_ = 	snop  }
0x4: {  	_ = 	snop  }
0x5: {  	_ = 	snop  }
0x6: {  	_ = 	snop  }
0x7: {  	_ = 	snop  }
__scs_overlays_trampoline_lowered:
0x8: {  	[smem:$0x3FA5] =	sst s0  }
0x9: {  	[smem:$0x3FA6] =	sst s1  }
0xa: {  	[smem:$0x3FA7] =	sst s2  }
0xb: {  	[smem:$0x3FA8] =	sst s3  }
0xc: {  	[smem:$0x3FA9] =	sst s4  }
0xd: {  	[smem:$0x3FAA] =	sst s5  }
0xe: {  	[smem:$0x3FAB] =	sst s6  }
0xf: {  	[smem:$0x3FAC] =	sst s7  }
0x10: {  	[smem:$0x3FAD] =	sst s8  }
0x11: {  	[smem:$0x3FAE] =	sst s9;
	s0 =	simm.s32 @!p0 $0x0  }
0x12: {  	s1 =	sld [smem:$0x3F94];
	s0 =	simm.s32 @p0 $0x1  }
0x13: {  	[smem:$0x3FAF] =	sst s0;
	s0 =	simm.s32 @!p1 $0x0  }
0x14: {  	s2 =	sld [smem:$0x3F93];
	s0 =	simm.s32 @p1 $0x1  }
0x15: {  	[smem:$0x3FB0] =	sst s0;
	s0 =	simm.s32 @!p2 $0x0  }
0x16: {  	s3 =	sld [smem:$0x3FDB];
	s0 =	simm.s32 @p2 $0x1  }
0x17: {  	s4 =	simm.s32 $0x1BF5;
	[smem:$0x3FB2] =	sst s0  }
0x18: {  	s0 =	sld [smem:$0x3F95];
	_ =	swait.ge [sflag:s4], $0x0  }
0x19: {  	s7 =	sld [smem:$0x3F96]  }
0x1a: {  	s8 =	sadd.s32 $0xFFFFE003, lr  }
0x1b: {  	s9 =	sadd.s32 $0xFFFFFEF7, lr;
	s5 =	simm.s32 $0xFFFFFFFF;
	p2 =	slt.u32 s8, $0xFFFFF086  }
0x1c: {  	p1 =	slt.u32 s9, $0xF7A;
	s5 =	simm.s32 @!p2 $0x0  }
0x1d: {  	s5 =	simm.s32 @p1 $0x1;
	p0 =	seq.s32 s7, s2  }
0x1e: {  	s7 =	smul.u32 @!p0 $0xF7A, s2;
	p2 =	seq.s32 @!p0 s5, $0x0  }
0x1f: {  	s9 =	smul.u32 $0xF7A, s1;
	s8 =	simm.s32 @!p0 $0x1BF5;
	p2 =	por !p2, p0  }
0x20: {  	[sflag:s8] =	ssyncset.s32 @!p0 $0xFFFFF086;
	s6 =	sadd.s32 @!p0 s3, s7;
	s7 =	simm.s32 @!p0 $0x108  }
0x21: {  	s3 =	sadd.s32 s3, s9;
	s6 =	sadd.s32 @!p0 $0x88, s6;
	s7 =	simm.s32 @p2 $0x1082  }
0x22: {  	[simem:s7], [sflag:s8] =	dma.local @!p0 [hbm:s6], $0xF7A  }
0x23: {  	s9 =	sor.u32 $0xD0000000, s2;
	s6 =	simm.s32 $0x108;
	_ =	swait.ge @!p0 [sflag:s8], $0x0  }
0x24: {  	s3 =	sadd.s32 $0x88, s3;
	s6 =	simm.s32 @!p1 $0x1082;
	[sflag:s4] =	ssyncset.s32 $0xFFFFF086  }
0x25: {  	[simem:s6], [sflag:s4] =	dma.local [hbm:s3], $0xF7A  }
0x26: {  	[smem:$0x3F96] =	sst s1;
	(tag) =	ssettag s2;
	_ =	strace s9  }
0x27: {  	s1 =	sld [smem:$0x3FA6]  }
0x28: {  	s2 =	sld [smem:$0x3FA7]  }
0x29: {  	s4 =	sld [smem:$0x3FA9]  }
0x2a: {  	p0 =	seq.s32 s5, $0x0;
	s5 =	sld [smem:$0x3FAA]  }
0x2b: {  	s6 =	sld [smem:$0x3FAB]  }
0x2c: {  	s7 =	sld [smem:$0x3FAC]  }
0x2d: {  	s3 =	simm.s32 $0x108;
	s8 =	sld [smem:$0x3FAD]  }
0x2e: {  	s3 =	simm.s32 @!p0 $0x1082;
	s9 =	sld [smem:$0x3FAE]  }
0x2f: {  	lr =	sadd.s32 s0, s3;
	s0 =	sld [smem:$0x3FA5]  }
0x30: {  	s3 =	sld [smem:$0x3FA8]  }
0x31: {  	[smem:$0x3FB1] =	sst s10  }
0x32: {  	s10 =	sld [smem:$0x3FAF];
	_ =	sdelay $0x3  }
0x33: {  	p0 =	seq.s32 s10, $0x1;
	s10 =	sld [smem:$0x3FB1];
	_ =	sdelay $0x3  }
0x34: {  	[smem:$0x3FB1] =	sst s10  }
0x35: {  	s10 =	sld [smem:$0x3FB0];
	_ =	sdelay $0x3  }
0x36: {  	p1 =	seq.s32 s10, $0x1;
	s10 =	sld [smem:$0x3FB1];
	_ =	sdelay $0x3  }
0x37: {  	[smem:$0x3FB1] =	sst s10  }
0x38: {  	s10 =	sld [smem:$0x3FB2]  }
0x39: {  	_ = 	snop;
	(pc) =	sbr.ind lr, $3  }
0x3a: {  	_ = 	snop  }
0x3b: {  	_ = 	snop  }
0x3c: {  	p2 =	seq.s32 s10, $0x1;
	s10 =	sld [smem:$0x3FB1]  }
0x3d: {  	_ =	shalt  }
0x3e: {  	_ =	shalt  }
0x3f: {  	_ =	shalt  }
0x40: {  	_ =	shalt  }
0x41: {  	_ =	shalt  }
0x42: {  	_ =	shalt  }
0x43: {  	_ =	shalt  }
0x44: {  	_ =	shalt  }
0x45: {  	_ =	shalt  }
0x46: {  	_ =	shalt  }
0x47: {  	_ =	shalt  }
0x48: {  	_ =	shalt  }
0x49: {  	_ =	shalt  }
0x4a: {  	_ =	shalt  }
0x4b: {  	_ =	shalt  }
0x4c: {  	_ =	shalt  }
0x4d: {  	_ =	shalt  }
0x4e: {  	_ =	shalt  }
0x4f: {  	_ =	shalt  }
0x50: {  	_ =	shalt  }
0x51: {  	_ =	shalt  }
0x52: {  	_ =	shalt  }
0x53: {  	_ =	shalt  }
0x54: {  	_ =	shalt  }
0x55: {  	_ =	shalt  }
0x56: {  	_ =	shalt  }
0x57: {  	_ =	shalt  }
0x58: {  	_ =	shalt  }
0x59: {  	_ =	shalt  }
0x5a: {  	_ =	shalt  }
0x5b: {  	_ =	shalt  }
0x5c: {  	_ =	shalt  }
0x5d: {  	_ =	shalt  }
0x5e: {  	_ =	shalt  }
0x5f: {  	_ =	shalt  }
0x60: {  	_ =	shalt  }
0x61: {  	_ =	shalt  }
0x62: {  	_ =	shalt  }
0x63: {  	_ =	shalt  }
0x64: {  	_ =	shalt  }
0x65: {  	_ =	shalt  }
0x66: {  	_ =	shalt  }
0x67: {  	_ =	shalt  }
0x68: {  	_ =	shalt  }
0x69: {  	_ =	shalt  }
0x6a: {  	_ =	shalt  }
0x6b: {  	_ =	shalt  }
0x6c: {  	_ =	shalt  }
0x6d: {  	_ =	shalt  }
0x6e: {  	_ =	shalt  }
0x6f: {  	_ =	shalt  }
0x70: {  	_ =	shalt  }
0x71: {  	_ =	shalt  }
0x72: {  	_ =	shalt  }
0x73: {  	_ =	shalt  }
0x74: {  	_ =	shalt  }
0x75: {  	_ =	shalt  }
0x76: {  	_ =	shalt  }
0x77: {  	_ =	shalt  }
0x78: {  	_ =	shalt  }
0x79: {  	_ =	shalt  }
0x7a: {  	_ =	shalt  }
0x7b: {  	_ =	shalt  }
0x7c: {  	_ =	shalt  }
0x7d: {  	_ =	shalt  }
0x7e: {  	_ =	shalt  }
0x7f: {  	_ =	shalt  }
0x80: {  	_ =	shalt  }
0x81: {  	_ =	shalt  }
0x82: {  	_ =	shalt  }
0x83: {  	_ =	shalt  }
0x84: {  	_ =	shalt  }
0x85: {  	_ =	shalt  }
0x86: {  	_ =	shalt  }
0x87: {  	_ =	shalt  }
.Lfunc_end0:
.L_simem_size_0:
called_computation.2_lowered:
.L_overlay_start_0:
0x88: {  	s2 =	sld [smem:$0x3FD9]  }
0x89: {  	s3 =	sld [smem:$0x3FFE];
	_ =	sdelay $0x1  }
0x8a: {  	s1 =	srdreg.scid  }
0x8b: {  	s0 =	sand.u32 $0x1, s1  }
0x8c: {  	s17 =	sshll.u32 s0, $0xA;
	s2 =	sadd.s32 s3, s2  }
0x8d: {  	s2 =	sadd.s32 s2, s17  }
0x8e: {  	[smem:$0x3FBD] =	sst s2  }
0x8f: {  	_ = 	snop  }
0x90: {  	s2 =	sld [smem:$0x3FD0];
	(tm) =	ssettm $0x1  }
0x91: {  	s18 =	sld [smem:$0x3FFB];
	_ =	sdelay $0x3  }
0x92: {  	_ =	strace s18  }
0x93: {  	s3 =	sld [smem:$0x3FFC];
	_ =	sdelay $0x3  }
0x94: {  	_ =	strace s3  }
0x95: {  	s3 =	sld [smem:$0x3FFD];
	_ =	sdelay $0x3  }
0x96: {  	_ =	strace s3  }
0x97: {  	_ =	strace $0x8FFFFFFF  }
0x98: {  	s19 =	sld [smem:$0x3FDB];
	_ =	sdelay $0x1  }
0x99: {  	s4 =	simm.s32 $_scs_section_size  }
0x9a: {  	s5 =	simm.s32 $_size__tile_overlayer_lowered;
	s6 =	simm.s32 $_tile_overlayer_lowered  }
0x9b: {  	s22 =	simm.s32 $0x1BFF;
	s21 =	sshll.u32 s6, $0x1;
	s3 =	sadd.s32 s4, s19  }
0x9c: {  	s7 =	simm.s32 $0x0;
	s20 =	sshll.u32 s5, $0x1;
	s5 =	sadd.s32 s21, s3  }
0x9d: {  	[timem:s7], [sflag:s22] =	dma.local [hbm:s5], s20  }
0x9e: {  	_ =	swait.ge [sflag:s22], s20  }
0x9f: {  	s4 =	ssub.s32 $0x0, s20;
	[sflag:s22] =	ssyncset.done $0x0  }
0xa0: {  	[sflag:s22] =	ssyncadd.s32 s4;
	_ =	sdelay $0x1  }
0xa1: {  	s23 =	simm.s32 $0x1B8B  }
0xa2: {  	_ =	swait.ge [sflag:s23], $0x1  }
0xa3: {  	[sflag:s23] =	ssyncset.done $0x0  }
0xa4: {  	s25 =	simm.s32 $0x1B8E;
	s24 =	sld [smem:$0x3FFE];
	[sflag:s23] =	ssyncadd.s32 $0xFFFFFFFF  }
0xa5: {  	s26 =	simm.s32 $execute0_lowered;
	[smem:$0x3FD2] =	sst s25  }
0xa6: {  	s5 =	sshll.u32 s26, $0x1;
	_ =	strace $0x8000004C;
	[dreg:$0x1] =	wrdreg $0xFFFFFFFF  }
0xa7: {  	s28 =	simm.s32 $_size_execute0_lowered;
	s3 =	sadd.s32 s3, s5;
	[dreg:$0x0] =	wrdreg $0x0  }
0xa8: {  	s5 =	sshll.u32 s28, $0x1;
	[dreg:$0x2] =	wrdreg s3  }
0xa9: {  	[dreg:$0x3] =	wrdreg s5  }
0xaa: {  	[dreg:$0x4] =	wrdreg $0xC0  }
0xab: {  	_ =	task [dreg:s7], $0x5FFFF  }
0xac: {  	[dreg:$0x1] =	wrdreg $0xFFFFFFFF  }
0xad: {  	[dreg:$0x0] =	wrdreg $0x60  }
0xae: {  	[dreg:$0x2] =	wrdreg s24  }
0xaf: {  	[dreg:$0x3] =	wrdreg s2  }
0xb0: {  	[dreg:$0x4] =	wrdreg $0x41800  }
0xb1: {  	[dreg:$0x5] =	wrdreg $0x9  }
0xb2: {  	_ =	task.clear_ibuf [dreg:s7], $0x6FFFF;
	_ =	strace $0x9000004C  }
0xb3: {  	s29 =	simm.s32 $0x9;
	_ =	strace $0x8000004E  }
0xb4: {  	_ =	swait.ge [sflag:s29], $0x1  }
0xb5: {  	[sflag:s29] =	ssyncadd.s32 $0xFFFFFFFF  }
0xb6: {  	_ =	strace $0x9000004E  }
0xb7: {  	_ =	sfence  }
0xb8: {  	s30 =	sld [smem:$0x0];
	_ =	sdelay $0x2  }
0xb9: {  	s31 =	sshll.u32 s1, $0xD;
	s1 =	sshrl.u32 s1, $0x2  }
0xba: {  	s3 =	sand.u32 $0x4000, s31;
	s1 =	sadd.s32 s1, s30  }
0xbb: {  	s0 =	sor.u32 s3, s0;
	s1 =	sshll.u32 s1, $0x11  }
0xbc: {  	s0 =	sor.u32 s1, s0  }
0xbd: {  	s0 =	sadd.s32 $0x8F2B, s0  }
0xbe: {  	[sflag:s0] =	ssyncadd.remote.s32 $0x1  }
0xbf: {  	_ =	sfence.sel $0xFFFF  }
0xc0: {  	[dreg:$0x0] =	wrdreg $0xFFFFFFFF;
	(pc) =	sbr.abs _section_cstart, $3  }
0xc1: {  	[dreg:$0x1] =	wrdreg $0xFFFFFFFF  }
0xc2: {  	_ =	task.clear_ibuf [dreg:s7], $0x2FFFF;
	_ =	strace $0x9FFFFFFF  }
0xc3: {  	(tm) =	ssettm $0x7FFFFFFF  }
tec
execute0_lowered:
.L_overlay_start_1:
0x0: {  	(tag) =	ssettag $0x1  }
0x1: {  	s8 =	rddreg [dreg:$0x0]  }
0x2: {  	s2 =	rddreg [dreg:$0x1];
	s0 =	stileid.u32  }
0x3: {  	s1 =	srdreg.scid;
	s3 =	rddreg [dreg:$0x2];
	s4 =	simm.s32 $0x0  }
0x4: {  	s15 =	simm.s32 $0x100;
	s16 =	simm.s32 $0x3;
	s17 =	simm.s32 $0x180  }
0x5: {  	s18 =	simm.s32 $0x1;
	s10 =	sand.u32 $0x1, s1;
	s1 =	rddreg [dreg:$0x3]  }
0x6: {  	s19 =	simm.s32 $0x2;
	s9 =	smul.u32 $0x3E80, s0;
	[smem:$0x7FF] =	sst s4  }
0x7: {  	s12 =	smul.u32 $0x1F400, s0;
	s5 =	sadd.s32 $0x21600, s8;
	s6 =	sadd.s32 $0x17800, s8  }
0x8: {  	s7 =	sadd.s32 $0xDA00, s8;
	s13 =	smul.u32 $0x7D000, s0;
	p0 =	sgt.u32 s0, $0x9  }
0x9: {  	s11 =	smul.u32 $0x138800, s10;
	_ =	strace $0x8000004D;
	s29 =	ssub.s32 $0x2, s10  }
0xa: {  	v0 =	vimm.s32 $0x0;
	s10 =	sshll.u32 s10, $0x4;
	s14 =	sshll.u32 @!p0 s0, $0x6;
	s9 =	sadd.s32 s9, s8  }
0xb: {  	v1 =	vimm.s32 $0x1;
	v2 =	vimm.s32 $0x2;
	v3 =	vimm.s32 $0x3;
	s30 =	sshrl.u32 s29, $0x1;
	s31 =	sshrl.u32 s13, $0x2;
	s11 =	sadd.s32 s12, s11  }
0xc: {  	v4 =	vimm.s32 $0x4;
	v5 =	vimm.s32 $0x5;
	v6 =	vimm.s32 $0x6;
	s10 =	sor.u32 s0, s10;
	s13 =	sadd.s32 s31, s3;
	s11 =	sshrl.u32 s11, $0x3  }
0xd: {  	v7 =	vimm.s32 $0x7;
	v8 =	vimm.s32 $0x8;
	v9 =	vimm.s32 $0x9;
	s12 =	ssub.s32 s29, s30;
	s13 =	sshrl.u32 @!p0 s13, $0x3;
	s11 =	sadd.s32 s11, s8  }
0xe: {  	v10 =	vimm.s32 $0xA;
	v11 =	vimm.s32 $0xB;
	v12 =	vimm.s32 $0xC;
	s8 =	sadd.s32 $0x2B400, s9;
	s9 =	smul.u32 $0x4F, s10;
	s10 =	sadd.s32 $0x52600, s11  }
0xf: {  	v13 =	vimm.s32 $0xD;
	v14 =	vimm.s32 $0xE;
	v15 =	vimm.s32 $0xF;
	s11 =	smax.u32 s12, $0x1;
	s12 =	sor.u32 @!p0 $0x1C04, s14;
	s14 =	simm.s32 $0x80  }
.LBB2_1:
0x10: {  	[spmem:s13], [sflag:s12] =	dma.local @!p0 [hbm:s8], $0x3E80  }
0x11: {  	s20 =	simm.s32 @!p0 $0x4  }
0x12: {  	_ =	swait.ge @!p0 [sflag:s20], $0x3E80  }
0x13: {  	[sflag:s20] =	ssyncset.done @!p0 $0x0  }
0x14: {  	[sflag:s20] =	ssyncadd.s32 @!p0 $0xFFFFC180  }
0x15: {  	s20 =	simm.s32 $0x0;
	[bflag:$0x0] =	sbarrier.arrive $0xFFFF  }
.LBB2_2:
0x16: {  	s21 =	sadd.s32 s9, s20  }
0x17: {  	s22 =	sshll.u32 s21, $0x4  }
0x18: {  	s21 =	simm.s32 $0x0;
	s23 =	sadd.s32 s5, s22  }
0x19: {  	[tilespmem:s21], [sflag:$0x3] =	stream.linear.gather [hbm4b:s23+s21], $0x80, $0x38;
	[tilespmem:$0x17A00] =	vst v63  }
0x1a: {  	s31 =	sadd.s32 s7, s22  }
0x1b: {  	[tilespmem:s14], [sflag:$0x3] =	stream.linear.gather [hbm4b:s31+s21], $0x80, $0x38;
	[tilespmem:$0x17A00] =	vst v63  }
0x1c: {  	s22 =	sadd.s32 s6, s22  }
0x1d: {  	[tilespmem:s15], [sflag:$0x3] =	stream.linear.gather [hbm4b:s22+s21], $0x80, $0x38;
	[tilespmem:$0x17A00] =	vst v63  }
0x1e: {  	_ =	swait.ge [sflag:s16], $0x80  }
0x1f: {  	[sflag:s16] =	ssyncset.done $0x0  }
0x20: {  	[sflag:s16] =	ssyncadd.s32 $0xFFFFFF80  }
0x21: {  	_ =	swait.ge [sflag:s16], $0x80  }
0x22: {  	[sflag:s16] =	ssyncset.done $0x0  }
0x23: {  	[sflag:s16] =	ssyncadd.s32 $0xFFFFFF80  }
0x24: {  	_ =	swait.ge [sflag:s16], $0x80  }
0x25: {  	[sflag:s16] =	ssyncset.done $0x0  }
0x26: {  	[sflag:s16] =	ssyncadd.s32 $0xFFFFFF80  }
0x27: {  	[tilespmem:s17], [sflag:$0x1] =	stream.indirect.gather [hbm4b:s2+s14], $0x80, s21, s14, $0xb8;
	[tilespmem:$0x17A00] =	vst v63  }
0x28: {  	_ =	swait.ge [sflag:s18], $0x4000  }
0x29: {  	[sflag:s18] =	ssyncset.done $0x0  }
0x2a: {  	[sflag:s18] =	ssyncadd.s32 $0xFFFFC000  }
.LBB2_3:
0x2b: {  	s22 =	sshll.u32 s21, $0x4  }
0x2c: {  	s22 =	sand.u32 $0x3FFFFFF0, s22  }
0x2d: {  	s31 =	sshll.u32 s21, $0xB;
	v16 =	vld [tilespmem:s22+$0x80]  }
0x2e: {  	s22 =	sand.u32 $0x3FFFF800, s31  }
0x2f: {  	v17 =	vld [tilespmem:s22+$0x180]  }
0x30: {  	v18 =	vld [tilespmem:s22+$0x190]  }
0x31: {  	v19 =	vld [tilespmem:s22+$0x1A0]  }
0x32: {  	v21 =	vld [tilespmem:s22+$0x1B0];
	v20 =	vperm.xlane v16, v0  }
0x33: {  	v22 =	vld [tilespmem:s22+$0x1C0]  }
0x34: {  	v23 =	vld [tilespmem:s22+$0x1D0];
	v17 =	vmul.f32 v17, v20  }
0x35: {  	v24 =	vld [tilespmem:s22+$0x1E0];
	v18 =	vmul.f32 v18, v20  }
0x36: {  	v48 =	vld [tilespmem:s22+$0x1F0];
	[tilespmem:s22+$0x180] =	vst v17;
	v17 =	vmul.f32 v19, v20  }
0x37: {  	v50 =	vld [tilespmem:s22+$0x200];
	v49 =	vmul.f32 v21, v20;
	[tilespmem:s22+$0x190] =	vst v18  }
0x38: {  	v51 =	vld [tilespmem:s22+$0x210];
	[tilespmem:s22+$0x1A0] =	vst v17;
	v17 =	vmul.f32 v22, v20  }
0x39: {  	v53 =	vld [tilespmem:s22+$0x220];
	v52 =	vmul.f32 v23, v20;
	[tilespmem:s22+$0x1B0] =	vst v49  }
0x3a: {  	v25 =	vld [tilespmem:s22+$0x230];
	v54 =	vperm.xlane v16, v1;
	[tilespmem:s22+$0x1C0] =	vst v17;
	v17 =	vmul.f32 v24, v20  }
0x3b: {  	v56 =	vld [tilespmem:s22+$0x240];
	v55 =	vmul.f32 v48, v20;
	[tilespmem:s22+$0x1D0] =	vst v52  }
0x3c: {  	v57 =	vld [tilespmem:s22+$0x250];
	[tilespmem:s22+$0x1E0] =	vst v17;
	v17 =	vmul.f32 v50, v54  }
0x3d: {  	v59 =	vld [tilespmem:s22+$0x260];
	v58 =	vmul.f32 v51, v54;
	[tilespmem:s22+$0x1F0] =	vst v55  }
0x3e: {  	v60 =	vld [tilespmem:s22+$0x270];
	[tilespmem:s22+$0x200] =	vst v17;
	v17 =	vmul.f32 v53, v54  }
0x3f: {  	v62 =	vld [tilespmem:s22+$0x280];
	v61 =	vmul.f32 v25, v54;
	[tilespmem:s22+$0x210] =	vst v58  }
0x40: {  	v63 =	vld [tilespmem:s22+$0x290];
	[tilespmem:s22+$0x220] =	vst v17;
	v17 =	vmul.f32 v56, v54  }
0x41: {  	v29 =	vld [tilespmem:s22+$0x2A0];
	v28 =	vmul.f32 v57, v54;
	[tilespmem:s22+$0x230] =	vst v61  }
0x42: {  	v31 =	vld [tilespmem:s22+$0x2B0];
	v30 =	vperm.xlane v16, v2;
	[tilespmem:s22+$0x240] =	vst v17;
	v17 =	vmul.f32 v59, v54  }
0x43: {  	v33 =	vld [tilespmem:s22+$0x2C0];
	v32 =	vmul.f32 v60, v54;
	[tilespmem:s22+$0x250] =	vst v28  }
0x44: {  	v34 =	vld [tilespmem:s22+$0x2D0];
	[tilespmem:s22+$0x260] =	vst v17;
	v17 =	vmul.f32 v62, v30  }
0x45: {  	v36 =	vld [tilespmem:s22+$0x2E0];
	v35 =	vmul.f32 v63, v30;
	[tilespmem:s22+$0x270] =	vst v32  }
0x46: {  	v37 =	vld [tilespmem:s22+$0x2F0];
	[tilespmem:s22+$0x280] =	vst v17;
	v17 =	vmul.f32 v29, v30  }
0x47: {  	v39 =	vld [tilespmem:s22+$0x300];
	v38 =	vmul.f32 v31, v30;
	[tilespmem:s22+$0x290] =	vst v35  }
0x48: {  	v40 =	vld [tilespmem:s22+$0x310];
	[tilespmem:s22+$0x2A0] =	vst v17;
	v17 =	vmul.f32 v33, v30  }
0x49: {  	v42 =	vld [tilespmem:s22+$0x320];
	v41 =	vmul.f32 v34, v30;
	[tilespmem:s22+$0x2B0] =	vst v38  }
0x4a: {  	v44 =	vld [tilespmem:s22+$0x330];
	v43 =	vperm.xlane v16, v3;
	[tilespmem:s22+$0x2C0] =	vst v17;
	v17 =	vmul.f32 v36, v30  }
0x4b: {  	v46 =	vld [tilespmem:s22+$0x340];
	v45 =	vmul.f32 v37, v30;
	[tilespmem:s22+$0x2D0] =	vst v41  }
0x4c: {  	v50 =	vld [tilespmem:s22+$0x370];
	[tilespmem:s22+$0x2E0] =	vst v17;
	v17 =	vmul.f32 v39, v43  }
0x4d: {  	v48 =	vmul.f32 v40, v43;
	[tilespmem:s22+$0x2F0] =	vst v45;
	v49 =	vld [tilespmem:s22+$0x360]  }
0x4e: {  	v47 =	vld [tilespmem:s22+$0x350];
	[tilespmem:s22+$0x300] =	vst v17;
	v17 =	vmul.f32 v42, v43  }
0x4f: {  	v51 =	vmul.f32 v44, v43;
	[tilespmem:s22+$0x310] =	vst v48;
	v52 =	vld [tilespmem:s22+$0x380]  }
0x50: {  	v57 =	vld [tilespmem:s22+$0x3B0];
	[tilespmem:s22+$0x320] =	vst v17;
	v17 =	vmul.f32 v46, v43  }
0x51: {  	[tilespmem:s22+$0x330] =	vst v51;
	v55 =	vld [tilespmem:s22+$0x3A0];
	v58 =	vmul.f32 v50, v43  }
0x52: {  	v60 =	vld [tilespmem:s22+$0x3D0];
	v56 =	vperm.xlane v16, v4;
	[tilespmem:s22+$0x340] =	vst v17;
	v17 =	vmul.f32 v49, v43  }
0x53: {  	v54 =	vmul.f32 v47, v43;
	v59 =	vld [tilespmem:s22+$0x3C0];
	[tilespmem:s22+$0x370] =	vst v58  }
0x54: {  	v63 =	vld [tilespmem:s22+$0x3F0];
	[tilespmem:s22+$0x360] =	vst v17;
	v17 =	vmul.f32 v52, v56  }
0x55: {  	v28 =	vmul.f32 v57, v56;
	[tilespmem:s22+$0x350] =	vst v54;
	v62 =	vld [tilespmem:s22+$0x3E0]  }
0x56: {  	v53 =	vld [tilespmem:s22+$0x390];
	[tilespmem:s22+$0x380] =	vst v17;
	v17 =	vmul.f32 v55, v56  }
0x57: {  	v31 =	vmul.f32 v60, v56;
	[tilespmem:s22+$0x3B0] =	vst v28;
	v29 =	vld [tilespmem:s22+$0x400]  }
0x58: {  	v34 =	vld [tilespmem:s22+$0x430];
	[tilespmem:s22+$0x3A0] =	vst v17;
	v17 =	vmul.f32 v59, v56  }
0x59: {  	v32 =	vld [tilespmem:s22+$0x420];
	v35 =	vmul.f32 v63, v56;
	[tilespmem:s22+$0x3D0] =	vst v31  }
0x5a: {  	v37 =	vld [tilespmem:s22+$0x450];
	v33 =	vperm.xlane v16, v5;
	[tilespmem:s22+$0x3C0] =	vst v17;
	v17 =	vmul.f32 v62, v56  }
0x5b: {  	v61 =	vmul.f32 v53, v56;
	[tilespmem:s22+$0x3F0] =	vst v35;
	v36 =	vld [tilespmem:s22+$0x440]  }
0x5c: {  	v40 =	vld [tilespmem:s22+$0x470];
	[tilespmem:s22+$0x3E0] =	vst v17;
	v17 =	vmul.f32 v29, v33  }
0x5d: {  	[tilespmem:s22+$0x390] =	vst v61;
	v41 =	vmul.f32 v34, v33;
	v39 =	vld [tilespmem:s22+$0x460]  }
0x5e: {  	v30 =	vld [tilespmem:s22+$0x410];
	[tilespmem:s22+$0x400] =	vst v17;
	v17 =	vmul.f32 v32, v33  }
0x5f: {  	v44 =	vmul.f32 v37, v33;
	[tilespmem:s22+$0x430] =	vst v41;
	v42 =	vld [tilespmem:s22+$0x480]  }
0x60: {  	v47 =	vld [tilespmem:s22+$0x4B0];
	[tilespmem:s22+$0x420] =	vst v17;
	v17 =	vmul.f32 v36, v33  }
0x61: {  	v45 =	vld [tilespmem:s22+$0x4A0];
	v48 =	vmul.f32 v40, v33;
	[tilespmem:s22+$0x450] =	vst v44  }
0x62: {  	v50 =	vld [tilespmem:s22+$0x4D0];
	v46 =	vperm.xlane v16, v6;
	[tilespmem:s22+$0x440] =	vst v17;
	v17 =	vmul.f32 v39, v33  }
0x63: {  	[tilespmem:s22+$0x470] =	vst v48;
	v38 =	vmul.f32 v30, v33;
	v49 =	vld [tilespmem:s22+$0x4C0]  }
0x64: {  	v53 =	vld [tilespmem:s22+$0x4F0];
	[tilespmem:s22+$0x460] =	vst v17;
	v17 =	vmul.f32 v42, v46  }
0x65: {  	[tilespmem:s22+$0x410] =	vst v38;
	v54 =	vmul.f32 v47, v46;
	v52 =	vld [tilespmem:s22+$0x4E0]  }
0x66: {  	v43 =	vld [tilespmem:s22+$0x490];
	[tilespmem:s22+$0x480] =	vst v17;
	v17 =	vmul.f32 v45, v46  }
0x67: {  	v57 =	vmul.f32 v50, v46;
	[tilespmem:s22+$0x4B0] =	vst v54;
	v55 =	vld [tilespmem:s22+$0x500]  }
0x68: {  	v60 =	vld [tilespmem:s22+$0x530];
	[tilespmem:s22+$0x4A0] =	vst v17;
	v17 =	vmul.f32 v49, v46  }
0x69: {  	v58 =	vld [tilespmem:s22+$0x520];
	v61 =	vmul.f32 v53, v46;
	[tilespmem:s22+$0x4D0] =	vst v57  }
0x6a: {  	v63 =	vld [tilespmem:s22+$0x550];
	v59 =	vperm.xlane v16, v7;
	[tilespmem:s22+$0x4C0] =	vst v17;
	v17 =	vmul.f32 v52, v46  }
0x6b: {  	[tilespmem:s22+$0x4F0] =	vst v61;
	v51 =	vmul.f32 v43, v46;
	v62 =	vld [tilespmem:s22+$0x540]  }
0x6c: {  	v30 =	vld [tilespmem:s22+$0x570];
	[tilespmem:s22+$0x4E0] =	vst v17;
	v17 =	vmul.f32 v55, v59  }
0x6d: {  	[tilespmem:s22+$0x490] =	vst v51;
	v31 =	vmul.f32 v60, v59;
	v29 =	vld [tilespmem:s22+$0x560]  }
0x6e: {  	v56 =	vld [tilespmem:s22+$0x510];
	[tilespmem:s22+$0x500] =	vst v17;
	v17 =	vmul.f32 v58, v59  }
0x6f: {  	v34 =	vmul.f32 v63, v59;
	[tilespmem:s22+$0x530] =	vst v31;
	v32 =	vld [tilespmem:s22+$0x580]  }
0x70: {  	v37 =	vld [tilespmem:s22+$0x5B0];
	[tilespmem:s22+$0x520] =	vst v17;
	v17 =	vmul.f32 v62, v59  }
0x71: {  	v35 =	vld [tilespmem:s22+$0x5A0];
	v38 =	vmul.f32 v30, v59;
	[tilespmem:s22+$0x550] =	vst v34  }
0x72: {  	v40 =	vld [tilespmem:s22+$0x5D0];
	v36 =	vperm.xlane v16, v8;
	[tilespmem:s22+$0x540] =	vst v17;
	v17 =	vmul.f32 v29, v59  }
0x73: {  	[tilespmem:s22+$0x570] =	vst v38;
	v28 =	vmul.f32 v56, v59;
	v39 =	vld [tilespmem:s22+$0x5C0]  }
0x74: {  	v43 =	vld [tilespmem:s22+$0x5F0];
	[tilespmem:s22+$0x560] =	vst v17;
	v17 =	vmul.f32 v32, v36  }
0x75: {  	[tilespmem:s22+$0x510] =	vst v28;
	v44 =	vmul.f32 v37, v36;
	v42 =	vld [tilespmem:s22+$0x5E0]  }
0x76: {  	v33 =	vld [tilespmem:s22+$0x590];
	[tilespmem:s22+$0x580] =	vst v17;
	v17 =	vmul.f32 v35, v36  }
0x77: {  	v47 =	vmul.f32 v40, v36;
	[tilespmem:s22+$0x5B0] =	vst v44;
	v45 =	vld [tilespmem:s22+$0x600]  }
0x78: {  	v50 =	vld [tilespmem:s22+$0x630];
	[tilespmem:s22+$0x5A0] =	vst v17;
	v17 =	vmul.f32 v39, v36  }
0x79: {  	v48 =	vld [tilespmem:s22+$0x620];
	v51 =	vmul.f32 v43, v36;
	[tilespmem:s22+$0x5D0] =	vst v47  }
0x7a: {  	v53 =	vld [tilespmem:s22+$0x650];
	v49 =	vperm.xlane v16, v9;
	[tilespmem:s22+$0x5C0] =	vst v17;
	v17 =	vmul.f32 v42, v36  }
0x7b: {  	[tilespmem:s22+$0x5F0] =	vst v51;
	v41 =	vmul.f32 v33, v36;
	v52 =	vld [tilespmem:s22+$0x640]  }
0x7c: {  	v56 =	vld [tilespmem:s22+$0x670];
	[tilespmem:s22+$0x5E0] =	vst v17;
	v17 =	vmul.f32 v45, v49  }
0x7d: {  	[tilespmem:s22+$0x590] =	vst v41;
	v57 =	vmul.f32 v50, v49;
	v55 =	vld [tilespmem:s22+$0x660]  }
0x7e: {  	v46 =	vld [tilespmem:s22+$0x610];
	[tilespmem:s22+$0x600] =	vst v17;
	v17 =	vmul.f32 v48, v49  }
0x7f: {  	v60 =	vmul.f32 v53, v49;
	[tilespmem:s22+$0x630] =	vst v57;
	v58 =	vld [tilespmem:s22+$0x680]  }
0x80: {  	v63 =	vld [tilespmem:s22+$0x6B0];
	[tilespmem:s22+$0x620] =	vst v17;
	v17 =	vmul.f32 v52, v49  }
0x81: {  	v61 =	vld [tilespmem:s22+$0x6A0];
	v28 =	vmul.f32 v56, v49;
	[tilespmem:s22+$0x650] =	vst v60  }
0x82: {  	v30 =	vld [tilespmem:s22+$0x6D0];
	v62 =	vperm.xlane v16, v10;
	[tilespmem:s22+$0x640] =	vst v17;
	v17 =	vmul.f32 v55, v49  }
0x83: {  	[tilespmem:s22+$0x670] =	vst v28;
	v54 =	vmul.f32 v46, v49;
	v29 =	vld [tilespmem:s22+$0x6C0]  }
0x84: {  	v33 =	vld [tilespmem:s22+$0x6F0];
	[tilespmem:s22+$0x660] =	vst v17;
	v17 =	vmul.f32 v58, v62  }
0x85: {  	[tilespmem:s22+$0x610] =	vst v54;
	v34 =	vmul.f32 v63, v62;
	v32 =	vld [tilespmem:s22+$0x6E0]  }
0x86: {  	v59 =	vld [tilespmem:s22+$0x690];
	[tilespmem:s22+$0x680] =	vst v17;
	v17 =	vmul.f32 v61, v62  }
0x87: {  	v37 =	vmul.f32 v30, v62;
	[tilespmem:s22+$0x6B0] =	vst v34;
	v35 =	vld [tilespmem:s22+$0x700]  }
0x88: {  	v40 =	vld [tilespmem:s22+$0x730];
	[tilespmem:s22+$0x6A0] =	vst v17;
	v17 =	vmul.f32 v29, v62  }
0x89: {  	v38 =	vld [tilespmem:s22+$0x720];
	v41 =	vmul.f32 v33, v62;
	[tilespmem:s22+$0x6D0] =	vst v37  }
0x8a: {  	v43 =	vld [tilespmem:s22+$0x750];
	v39 =	vperm.xlane v16, v11;
	[tilespmem:s22+$0x6C0] =	vst v17;
	v17 =	vmul.f32 v32, v62  }
0x8b: {  	[tilespmem:s22+$0x6F0] =	vst v41;
	v31 =	vmul.f32 v59, v62;
	v42 =	vld [tilespmem:s22+$0x740]  }
0x8c: {  	v46 =	vld [tilespmem:s22+$0x770];
	[tilespmem:s22+$0x6E0] =	vst v17;
	v17 =	vmul.f32 v35, v39  }
0x8d: {  	[tilespmem:s22+$0x690] =	vst v31;
	v47 =	vmul.f32 v40, v39;
	v45 =	vld [tilespmem:s22+$0x760]  }
0x8e: {  	v36 =	vld [tilespmem:s22+$0x710];
	[tilespmem:s22+$0x700] =	vst v17;
	v17 =	vmul.f32 v38, v39  }
0x8f: {  	v50 =	vmul.f32 v43, v39;
	[tilespmem:s22+$0x730] =	vst v47;
	v48 =	vld [tilespmem:s22+$0x780]  }
0x90: {  	v53 =	vld [tilespmem:s22+$0x7B0];
	[tilespmem:s22+$0x720] =	vst v17;
	v17 =	vmul.f32 v42, v39  }
0x91: {  	v51 =	vld [tilespmem:s22+$0x7A0];
	v54 =	vmul.f32 v46, v39;
	[tilespmem:s22+$0x750] =	vst v50  }
0x92: {  	v56 =	vld [tilespmem:s22+$0x7D0];
	v52 =	vperm.xlane v16, v12;
	[tilespmem:s22+$0x740] =	vst v17;
	v17 =	vmul.f32 v45, v39  }
0x93: {  	[tilespmem:s22+$0x770] =	vst v54;
	v44 =	vmul.f32 v36, v39;
	v55 =	vld [tilespmem:s22+$0x7C0]  }
0x94: {  	v59 =	vld [tilespmem:s22+$0x7F0];
	[tilespmem:s22+$0x760] =	vst v17;
	v17 =	vmul.f32 v48, v52  }
0x95: {  	[tilespmem:s22+$0x710] =	vst v44;
	v60 =	vmul.f32 v53, v52;
	v58 =	vld [tilespmem:s22+$0x7E0]  }
0x96: {  	v49 =	vld [tilespmem:s22+$0x790];
	[tilespmem:s22+$0x780] =	vst v17;
	v17 =	vmul.f32 v51, v52  }
0x97: {  	v63 =	vmul.f32 v56, v52;
	[tilespmem:s22+$0x7B0] =	vst v60;
	v61 =	vld [tilespmem:s22+$0x800]  }
0x98: {  	v30 =	vld [tilespmem:s22+$0x830];
	[tilespmem:s22+$0x7A0] =	vst v17;
	v17 =	vmul.f32 v55, v52  }
0x99: {  	v28 =	vld [tilespmem:s22+$0x820];
	v31 =	vmul.f32 v59, v52;
	[tilespmem:s22+$0x7D0] =	vst v63  }
0x9a: {  	v33 =	vld [tilespmem:s22+$0x850];
	v29 =	vperm.xlane v16, v13;
	[tilespmem:s22+$0x7C0] =	vst v17;
	v17 =	vmul.f32 v58, v52  }
0x9b: {  	[tilespmem:s22+$0x7F0] =	vst v31;
	v57 =	vmul.f32 v49, v52;
	v32 =	vld [tilespmem:s22+$0x840]  }
0x9c: {  	v36 =	vld [tilespmem:s22+$0x870];
	[tilespmem:s22+$0x7E0] =	vst v17;
	v17 =	vmul.f32 v61, v29  }
0x9d: {  	[tilespmem:s22+$0x790] =	vst v57;
	v37 =	vmul.f32 v30, v29;
	v35 =	vld [tilespmem:s22+$0x860]  }
0x9e: {  	v62 =	vld [tilespmem:s22+$0x810];
	[tilespmem:s22+$0x800] =	vst v17;
	v17 =	vmul.f32 v28, v29  }
0x9f: {  	v40 =	vmul.f32 v33, v29;
	[tilespmem:s22+$0x830] =	vst v37;
	v38 =	vld [tilespmem:s22+$0x880]  }
0xa0: {  	v43 =	vld [tilespmem:s22+$0x8B0];
	[tilespmem:s22+$0x820] =	vst v17;
	v17 =	vmul.f32 v32, v29  }
0xa1: {  	v41 =	vld [tilespmem:s22+$0x8A0];
	v44 =	vmul.f32 v36, v29;
	[tilespmem:s22+$0x850] =	vst v40  }
0xa2: {  	v46 =	vld [tilespmem:s22+$0x8D0];
	v42 =	vperm.xlane v16, v14;
	[tilespmem:s22+$0x840] =	vst v17;
	v17 =	vmul.f32 v35, v29  }
0xa3: {  	[tilespmem:s22+$0x870] =	vst v44;
	v34 =	vmul.f32 v62, v29;
	v45 =	vld [tilespmem:s22+$0x8C0]  }
0xa4: {  	v49 =	vld [tilespmem:s22+$0x8F0];
	[tilespmem:s22+$0x860] =	vst v17;
	v17 =	vmul.f32 v38, v42  }
0xa5: {  	[tilespmem:s22+$0x810] =	vst v34;
	v50 =	vmul.f32 v43, v42;
	v48 =	vld [tilespmem:s22+$0x8E0]  }
0xa6: {  	v39 =	vld [tilespmem:s22+$0x890];
	[tilespmem:s22+$0x880] =	vst v17;
	v17 =	vmul.f32 v41, v42  }
0xa7: {  	v53 =	vmul.f32 v46, v42;
	[tilespmem:s22+$0x8B0] =	vst v50;
	v51 =	vld [tilespmem:s22+$0x900]  }
0xa8: {  	v55 =	vld [tilespmem:s22+$0x930];
	[tilespmem:s22+$0x8A0] =	vst v17;
	v17 =	vmul.f32 v45, v42  }
0xa9: {  	v54 =	vld [tilespmem:s22+$0x920];
	v56 =	vmul.f32 v49, v42;
	[tilespmem:s22+$0x8D0] =	vst v53  }
0xaa: {  	v16 =	vperm.xlane v16, v15;
	v52 =	vld [tilespmem:s22+$0x910];
	[tilespmem:s22+$0x8C0] =	vst v17;
	v17 =	vmul.f32 v48, v42  }
0xab: {  	v57 =	vld [tilespmem:s22+$0x940];
	[tilespmem:s22+$0x8F0] =	vst v56;
	v47 =	vmul.f32 v39, v42  }
0xac: {  	v58 =	vld [tilespmem:s22+$0x950];
	[tilespmem:s22+$0x8E0] =	vst v17;
	v17 =	vmul.f32 v51, v16  }
0xad: {  	v60 =	vld [tilespmem:s22+$0x960];
	[tilespmem:s22+$0x890] =	vst v47;
	v62 =	vmul.f32 v55, v16  }
0xae: {  	v61 =	vld [tilespmem:s22+$0x970];
	[tilespmem:s22+$0x900] =	vst v17;
	v17 =	vmul.f32 v54, v16  }
0xaf: {  	v59 =	vmul.f32 v52, v16;
	[tilespmem:s22+$0x930] =	vst v62  }
0xb0: {  	p1 =	sne.s32 s21, $0x7;
	[tilespmem:s22+$0x920] =	vst v17;
	v17 =	vmul.f32 v57, v16  }
.Ltmp0:
0xb1: {  	v63 =	vmul.f32 v58, v16;
	[tilespmem:s22+$0x910] =	vst v59;
	(pc) =	sbr.rel @p1 .LBB2_3-.Ltmp0, $4  }
0xb2: {  	[tilespmem:s22+$0x940] =	vst v17;
	v17 =	vmul.f32 v60, v16  }
0xb3: {  	[tilespmem:s22+$0x950] =	vst v63;
	v16 =	vmul.f32 v61, v16  }
0xb4: {  	[tilespmem:s22+$0x960] =	vst v17  }
0xb5: {  	s21 =	sadd.s32 $0x1, s21;
	[tilespmem:s22+$0x970] =	vst v16  }
0xb6: {  	s20 =	sadd.s32 $0x1, s20  }
0xb7: {  	p1 =	sne.s32 s20, $0x4F  }
.Ltmp1:
0xb8: {  	_ = 	snop;
	(pc) =	sbr.rel @p1 .LBB2_2-.Ltmp1, $4  }
0xb9: {  	[spmem:s3] =	stream.indirect.scatter.add.f32 [tilespmem:s17], [sflag:$0x2], $0x80, s15, s14, $0xb8;
	[tilespmem:$0x17A00] =	vst v63  }
0xba: {  	_ =	swait.ge [sflag:s19], $0x4000  }
0xbb: {  	[sflag:s19] =	ssyncset.done $0x0  }
0xbc: {  	[sflag:s19] =	ssyncadd.s32 $0xFFFFC000  }
0xbd: {  	s4 =	sadd.s32 $0x1, s4  }
0xbe: {  	p1 =	sne.s32 s4, s11  }
.Ltmp2:
0xbf: {  	[bflag:$0x0] =	sbarrier.arrive $0xFFFF;
	s20 =	simm.s32 @!p0 $0x4;
	(pc) =	sbr.rel @p1 .LBB2_1-.Ltmp2, $4  }
0xc0: {  	[hbm:s10], [sflag:s12] =	dma.local @!p0 [spmem:s13], $0x3E80  }
0xc1: {  	_ =	swait.ge @!p0 [sflag:s20], $0x3E80  }
0xc2: {  	[sflag:s20] =	ssyncset.done @!p0 $0x0  }
0xc3: {  	[sflag:s20] =	ssyncadd.s32 @!p0 $0xFFFFC180  }
0xc4: {  	_ =	sfence.sel $0x180000  }
0xc5: {  	[bflag:$0x0] =	sbarrier.arrive $0xFFFF  }
0xc6: {  	p0 =	sne.s32 s0, $0x0;
	_ =	strace $0x9000004D  }
0xc7: {  	s0 =	sadd.s32 @!p0 $0x100000, s1;
	[bflag:$0x2] =	sbarrier.arrive $0xFFFF  }
0xc8: {  	[sflag:s0] =	ssyncadd.tile.s32 @!p0 $0x1;
	_ =	shalt  }
.Lfunc_end2:
_tile_overlayer_lowered:
.L_overlay_start_2:
0xc9: {  	(tag) =	ssettag $0x2  }
0xca: {  	s0 =	rddreg [dreg:$0x0];
	s2 =	stileid.u32  }
0xcb: {  	s1 =	rddreg [dreg:$0x1];
	p0 =	sne.s32 s2, $0x0  }
0xcc: {  	s3 =	rddreg [dreg:$0x2];
	[bflag:$0x3] =	sbarrier.arrive $0xFFFF;
	s2 =	simm.s32 @!p0 $0x1C04  }
0xcd: {  	[timem:s3], [sflag:s2] =	dma.local @!p0 [hbm:s0], s1  }
0xce: {  	s0 =	simm.s32 @!p0 $0x4  }
0xcf: {  	_ =	swait.ge @!p0 [sflag:s0], s1  }
0xd0: {  	s1 =	ssub.s32 @!p0 $0x0, s1;
	[sflag:s0] =	ssyncset.done @!p0 $0x0  }
0xd1: {  	[sflag:s0] =	ssyncadd.s32 @!p0 s1  }
0xd2: {  	[bflag:$0x3] =	sbarrier.arrive $0xFFFF  }
0xd3: {  	_ =	shalt  }

</sc_bundles>
